<compile_context>
chip_gen: v7x
topology: tpu7x:2x2x1
jax: 0.10.2.dev20260603
libtpu: 0.0.44.dev20260713+nightly
codegen_flags: <defaults>
</compile_context>

<pallas_src>
import functools

import jax
import jax.numpy as jnp
from jax import lax
from jax.experimental import pallas as pl
from jax.experimental.pallas import tpu as pltpu
from jax.experimental.pallas import tpu_sc as plsc

N = 10000
E = 320000
T = 4
B = 8
F_IN = 128
H1 = 16
HID = 128
RATIO = 0.8

NPAD = 10240
NBLK = NPAD // 128
BS = 512
NRB = NPAD // BS
NC = 2
NS = 16
NW = NC * NS
CB = 128
CH = 80
EPT = CH * CB
EPAD = NW * EPT
RPT = NPAD // NS
NBUF = 8
TH = T * H1

_HI = jax.lax.Precision.HIGHEST
_SC_PARAMS = pltpu.CompilerParams(needs_layout_passes=False,
                                  use_tc_tiling_on_sc=False)


def _build_deg(mesh):
    @functools.partial(
        pl.kernel,
        out_type=jax.ShapeDtypeStruct((NW, NPAD), jnp.float32),
        mesh=mesh,
        scratch_types=[
            pltpu.VMEM((NPAD,), jnp.float32),
            pltpu.VMEM((EPT,), jnp.int32),
        ],
        compiler_params=_SC_PARAMS,
    )
    def deg(dst_hbm, zeros_hbm, out_hbm, acc_v, didx_v):
        cid = lax.axis_index("c")
        sid = lax.axis_index("s")
        wid = sid * NC + cid
        pltpu.sync_copy(zeros_hbm, acc_v)
        pltpu.sync_copy(dst_hbm.at[pl.ds(wid * EPT, EPT)], didx_v)
        ones16 = jnp.ones((16,), jnp.float32)

        def body(i, carry):
            d16 = didx_v[pl.ds(i * 16, 16)]
            plsc.addupdate_scatter(acc_v, [d16], ones16)
            return carry

        lax.fori_loop(0, EPT // 16, body, 0)
        pltpu.sync_copy(acc_v, out_hbm.at[wid])

    return deg


def _build_seg1(mesh):
    @functools.partial(
        pl.kernel,
        out_type=jax.ShapeDtypeStruct((NW, T, NPAD), jnp.float32),
        mesh=mesh,
        scratch_types=[
            pltpu.VMEM((T, NPAD), jnp.float32),
            pltpu.VMEM((T, NPAD), jnp.float32),
            pltpu.VMEM((EPT,), jnp.int32),
            pltpu.VMEM((EPT,), jnp.int32),
        ],
        compiler_params=_SC_PARAMS,
    )
    def seg1(tables_hbm, src_hbm, dst_hbm, zeros_hbm, out_hbm,
             tables_v, acc_v, sidx_v, didx_v):
        cid = lax.axis_index("c")
        sid = lax.axis_index("s")
        wid = sid * NC + cid
        pltpu.sync_copy(tables_hbm, tables_v)
        pltpu.sync_copy(zeros_hbm, acc_v)
        pltpu.sync_copy(src_hbm.at[pl.ds(wid * EPT, EPT)], sidx_v)
        pltpu.sync_copy(dst_hbm.at[pl.ds(wid * EPT, EPT)], didx_v)

        def body(i, carry):
            s16 = sidx_v[pl.ds(i * 16, 16)]
            d16 = didx_v[pl.ds(i * 16, 16)]
            for tt in range(T):
                t16 = jnp.full((16,), tt, jnp.int32)
                vals = plsc.load_gather(tables_v, [t16, s16])
                plsc.addupdate_scatter(acc_v, [t16, d16], vals)
            return carry

        lax.fori_loop(0, EPT // 16, body, 0)
        pltpu.sync_copy(acc_v, out_hbm.at[wid])

    return seg1


def _build_seg16(mesh):
    @functools.partial(
        pl.kernel,
        out_type=jax.ShapeDtypeStruct((NC, NPAD, TH), jnp.float32),
        mesh=mesh,
        scratch_types=[
            pltpu.VMEM((CH, CB), jnp.int32),
            pltpu.VMEM((CH, CB), jnp.int32),
        ] + [pltpu.VMEM((CB, TH), jnp.float32) for _ in range(NBUF)]
          + [pltpu.VMEM_SHARED((NPAD, TH), jnp.float32)]
          + [pltpu.SemaphoreType.DMA for _ in range(2 * NBUF)],
        compiler_params=_SC_PARAMS,
    )
    def seg16(table_hbm, src_hbm, dst_hbm, zeros_hbm, out_hbm,
              sidx_v, didx_v, *rest):
        rows = rest[:NBUF]
        acc_sh = rest[NBUF]
        gsems = rest[NBUF + 1:NBUF + 1 + NBUF]
        ssems = rest[NBUF + 1 + NBUF:]
        cid = lax.axis_index("c")
        sid = lax.axis_index("s")
        wid = sid * NC + cid
        rslice = pl.ds(sid * RPT, RPT)
        pltpu.sync_copy(zeros_hbm.at[rslice], acc_sh.at[rslice])
        pltpu.sync_copy(src_hbm.at[wid], sidx_v)
        pltpu.sync_copy(dst_hbm.at[wid], didx_v)
        plsc.subcore_barrier()

        def body(i, carry):
            base = i * NBUF
            gd = [pltpu.async_copy(table_hbm.at[sidx_v.at[base + b]],
                                   rows[b], gsems[b])
                  for b in range(NBUF)]
            sd = []
            for b in range(NBUF):
                gd[b].wait()
                sd.append(pltpu.async_copy(
                    rows[b], acc_sh.at[didx_v.at[base + b]], ssems[b],
                    add=True))
            for b in range(NBUF):
                sd[b].wait()
            return carry

        lax.fori_loop(0, CH // NBUF, body, 0)
        plsc.subcore_barrier()
        pltpu.sync_copy(acc_sh.at[rslice], out_hbm.at[cid].at[rslice])

    return seg16


def _sum_parts_col(parts):
    ones = jnp.ones((parts.shape[0], 1), jnp.float32)
    return lax.dot_general(parts, ones, (((0,), (0,)), ((), ())),
                           precision=_HI, preferred_element_type=jnp.float32)


def _place16(x, tt):
    ri = lax.broadcasted_iota(jnp.int32, (H1, TH), 0)
    ci = lax.broadcasted_iota(jnp.int32, (H1, TH), 1)
    e = (ci == ri + tt * H1).astype(jnp.float32)
    return lax.dot_general(x, e, (((1,), (0,)), ((), ())),
                           precision=_HI, preferred_element_type=jnp.float32)


def _col_of(x4, tt):
    e = (lax.broadcasted_iota(jnp.int32, (T, 1), 0) == tt)
    return lax.dot_general(x4, e.astype(jnp.float32),
                           (((1,), (0,)), ((), ())),
                           precision=_HI, preferred_element_type=jnp.float32)


def _place1(x, tt):
    e = (lax.broadcasted_iota(jnp.int32, (1, T), 1) == tt).astype(jnp.float32)
    return lax.dot_general(x, e, (((1,), (0,)), ((), ())),
                           precision=_HI, preferred_element_type=jnp.float32)


def _expand4(x4, width):
    ri = lax.broadcasted_iota(jnp.int32, (T, T * width), 0)
    ci = lax.broadcasted_iota(jnp.int32, (T, T * width), 1)
    e = (ci // width == ri).astype(jnp.float32)
    return lax.dot_general(x4, e, (((1,), (0,)), ((), ())),
                           precision=_HI, preferred_element_type=jnp.float32)


def _eyem():
    ri = lax.broadcasted_iota(jnp.int32, (CB, CB), 0)
    ci = lax.broadcasted_iota(jnp.int32, (CB, CB), 1)
    return (ri == ci).astype(jnp.float32)


def _colify(v_row):
    d = _eyem() * v_row
    return lax.dot_general(d, jnp.ones((CB, 1), jnp.float32),
                           (((1,), (0,)), ((), ())),
                           precision=_HI, preferred_element_type=jnp.float32)


def _rowify(v_col):
    d = v_col * _eyem()
    r = lax.dot_general(jnp.ones((1, CB), jnp.float32), d,
                        (((1,), (0,)), ((), ())),
                        precision=_HI, preferred_element_type=jnp.float32)
    return r.reshape(CB)


def _tc_prep_body(degp_ref, dinv_ref, dinvr_ref):
    def body(rb, carry):
        blk = pl.ds(rb * BS, BS)
        deg = 1.0 + _sum_parts_col(degp_ref[:, blk])
        dinv_ref[blk, :] = jnp.where(deg > 0, deg ** -0.5, 0.0)
        return carry

    lax.fori_loop(0, NRB, body, 0)

    def rbody(rb, carry):
        blk = pl.ds(rb * CB, CB)
        degr = 1.0 + jnp.sum(degp_ref[:, blk], axis=0)
        dinvr_ref[blk] = jnp.where(degr > 0, degr ** -0.5, 0.0)
        return carry

    lax.fori_loop(0, NBLK, rbody, 0)


def _tc1_body(x_ref, w1_ref, dinv_ref, y14_ref):
    def body(rb, carry):
        blk = pl.ds(rb * BS, BS)
        dinv = dinv_ref[blk, :]
        acc = jnp.zeros((BS, TH), jnp.float32)
        for tt in range(T):
            xw = jnp.dot(x_ref[tt, blk, :], w1_ref[...],
                         preferred_element_type=jnp.float32)
            acc = acc + _place16(xw * dinv, tt)
        y14_ref[blk, :] = acc
        return carry

    lax.fori_loop(0, NRB, body, 0)


def _tc2_body(a1_ref, y14_ref, dinv_ref, b14_ref, wp4_ref, h4_ref, y24_ref):
    def body(rb, carry):
        blk = pl.ds(rb * CB, CB)
        dinv = dinv_ref[blk, :]
        agg = a1_ref[0, blk, :] + a1_ref[1, blk, :]
        h4 = jnp.maximum(dinv * agg + y14_ref[blk, :] * dinv + b14_ref[...],
                         0.0)
        h4_ref[blk, :] = h4
        y24 = jnp.dot(h4, wp4_ref[...],
                      preferred_element_type=jnp.float32) * dinv
        for tt in range(T):
            y24_ref[tt, blk] = _rowify(_col_of(y24, tt))
        return carry

    lax.fori_loop(0, NBLK, body, 0)


def _tc3_body(sp_ref, y24_ref, dinvr_ref, h4_ref, brow_ref, bp_ref,
              clo_ref, chi_ref, keep4_ref, hp4_ref,
              score_scr, kperf_scr):
    f32 = jnp.float32

    def sbody(rb, cnt9):
        blk = pl.ds(rb * CB, CB)
        dinv = dinvr_ref[blk]
        brow = brow_ref[blk]
        for tt in range(T):
            aggs = jnp.sum(sp_ref[:, tt, blk], axis=0)
            score_scr[tt, blk] = (dinv * aggs + y24_ref[tt, blk] * dinv
                                  + bp_ref[0, 0])
        add = jnp.zeros((1, B + 1), f32)
        for b in range(B + 1):
            sz = jnp.sum(jnp.where(brow == f32(b), f32(1), f32(0)))
            oh = (lax.broadcasted_iota(jnp.int32, (1, B + 1), 1)
                  == b).astype(f32)
            add = add + sz * oh
        return cnt9 + add

    cnt9 = lax.fori_loop(0, NBLK, sbody, jnp.zeros((1, B + 1), f32))
    kper9 = jnp.ceil(f32(RATIO) * cnt9)

    def kbody(rb, carry):
        blk = pl.ds(rb * CB, CB)
        brow = brow_ref[blk]
        kv = jnp.zeros((CB,), f32)
        for b in range(B + 1):
            kv = kv + jnp.where(brow == f32(b), kper9[0, b], f32(0))
        kperf_scr[blk] = kv
        return carry

    lax.fori_loop(0, NBLK, kbody, 0)

    icol0 = lax.broadcasted_iota(jnp.int32, (CB,), 0).astype(f32)
    irow0 = lax.broadcasted_iota(jnp.int32, (CB, 1), 0).astype(f32)

    def rbody(r, carry):
        rblk = pl.ds(r * CB, CB)
        b_rc = _colify(brow_ref[rblk])
        k_rc = _colify(kperf_scr[rblk])
        s_rc = [_colify(score_scr[tt, rblk]) for tt in range(T)]
        irow = irow0 + f32(CB) * lax.convert_element_type(r, f32)

        def cbody(c, ranks):
            cblk = pl.ds(c * CB, CB)
            b_c = brow_ref[cblk]
            icol = icol0 + f32(CB) * lax.convert_element_type(c, f32)
            same = b_c == b_rc
            tie_lt = icol < irow
            out = []
            for tt in range(T):
                s_c = score_scr[tt, cblk]
                beats = (s_c > s_rc[tt]) | ((s_c == s_rc[tt]) & tie_lt)
                cnt = jnp.where(same & beats, f32(1), f32(0))
                out.append(ranks[tt] + jnp.sum(cnt, axis=1, keepdims=True))
            return tuple(out)

        ranks = lax.fori_loop(clo_ref[r], chi_ref[r], cbody,
                              tuple(jnp.zeros((CB, 1), f32)
                                    for _ in range(T)))
        for tt in range(T):
            keep4_ref[tt, rblk] = _rowify(
                jnp.where(ranks[tt] < k_rc, f32(1), f32(0)))
        return carry

    lax.fori_loop(0, NBLK, rbody, 0)

    def hbody(rb, carry):
        blk = pl.ds(rb * CB, CB)
        acc = jnp.zeros((CB, TH), jnp.float32)
        for tt in range(T):
            tk = jnp.tanh(score_scr[tt, blk]) * keep4_ref[tt, blk]
            h_t = lax.dot_general(
                h4_ref[blk, :], _tsel(tt), (((1,), (0,)), ((), ())),
                precision=_HI, preferred_element_type=jnp.float32)
            acc = acc + _place16(h_t * _colify(tk), tt)
        hp4_ref[blk, :] = acc
        return carry

    lax.fori_loop(0, NBLK, hbody, 0)


def _tsel(tt):
    ri = lax.broadcasted_iota(jnp.int32, (TH, H1), 0)
    ci = lax.broadcasted_iota(jnp.int32, (TH, H1), 1)
    return (ri == ci + tt * H1).astype(jnp.float32)


def _tc4_body(dp_ref, keep4_ref, hp4_ref, dinv24_ref, z4_ref):
    def body(rb, carry):
        blk = pl.ds(rb * CB, CB)
        z4 = jnp.zeros((CB, TH), jnp.float32)
        for tt in range(T):
            indeg2 = jnp.sum(dp_ref[:, tt, blk], axis=0)
            deg2 = keep4_ref[tt, blk] * (1.0 + indeg2)
            dinv2 = jnp.where(deg2 > 0, deg2 ** -0.5, 0.0)
            dinv24_ref[tt, blk] = dinv2
            h_t = lax.dot_general(
                hp4_ref[blk, :], _tsel(tt), (((1,), (0,)), ((), ())),
                precision=_HI, preferred_element_type=jnp.float32)
            z4 = z4 + _place16(h_t * _colify(dinv2), tt)
        z4_ref[blk, :] = z4
        return carry

    lax.fori_loop(0, NBLK, body, 0)


def _tc5_body(a2_ref, z4_ref, dinv24_ref, keep4_ref, w2b_ref, b2_ref,
              bcol_ref, wih_t_ref, whh_t_ref, bias_ref, wc_t_ref, bc_ref,
              out_ref):
    f32 = jnp.float32
    bv8 = lax.broadcasted_iota(jnp.int32, (1, B), 1).astype(f32)
    dn = (((0,), (0,)), ((), ()))

    def body(rb, carry):
        sums, cnts = carry
        blk = pl.ds(rb * CB, CB)
        agg2 = a2_ref[0, blk, :] + a2_ref[1, blk, :]
        keep_cols = [_colify(keep4_ref[tt, blk]) for tt in range(T)]
        dinv24 = sum(_place1(_colify(dinv24_ref[tt, blk]), tt)
                     for tt in range(T))
        dexp = _expand4(dinv24, H1)
        a4 = agg2 * dexp + z4_ref[blk, :] * dexp
        h2all = jnp.dot(a4, w2b_ref[...],
                        preferred_element_type=f32)
        mask = (bcol_ref[blk, :] == bv8).astype(f32)
        new_sums = []
        for tt in range(T):
            h2 = jnp.maximum(
                keep_cols[tt]
                * (h2all[:, tt * HID:(tt + 1) * HID] + b2_ref[...]), 0.0)
            new_sums.append(sums[tt] + lax.dot_general(
                mask, h2, dn, precision=_HI, preferred_element_type=f32))
        keep4 = sum(_place1(keep_cols[tt], tt) for tt in range(T))
        cnts = cnts + lax.dot_general(mask, keep4, dn, precision=_HI,
                                      preferred_element_type=f32)
        return tuple(new_sums), cnts

    init = (tuple(jnp.zeros((B, HID), f32) for _ in range(T)),
            jnp.zeros((B, T), f32))
    sums, cnts = lax.fori_loop(0, NBLK, body, init)

    sigmoid = jax.nn.sigmoid

    hh = jnp.zeros((B, HID), f32)
    cc = jnp.zeros((B, HID), f32)
    for tt in range(T):
        cnt_t = _col_of(cnts, tt)
        seq_t = sums[tt] / jnp.maximum(cnt_t, 1.0)
        g = (jnp.dot(seq_t, wih_t_ref[...], preferred_element_type=f32)
             + jnp.dot(hh, whh_t_ref[...], preferred_element_type=f32)
             + bias_ref[...])
        i = sigmoid(g[:, 0 * HID:1 * HID])
        f = sigmoid(g[:, 1 * HID:2 * HID])
        gg = jnp.tanh(g[:, 2 * HID:3 * HID])
        o = sigmoid(g[:, 3 * HID:4 * HID])
        cc = f * cc + i * gg
        hh = o * jnp.tanh(cc)
    out_ref[...] = jnp.dot(hh, wc_t_ref[...],
                           preferred_element_type=f32) + bc_ref[...]


def _tc_call(body, out_shapes, *args, smem_args=0, scratch_shapes=()):
    n_in = len(args)
    in_specs = [pl.BlockSpec(memory_space=pltpu.VMEM)
                for _ in range(n_in - smem_args)]
    in_specs += [pl.BlockSpec(memory_space=pltpu.SMEM)
                 for _ in range(smem_args)]
    return pl.pallas_call(
        body,
        out_shape=out_shapes,
        in_specs=in_specs,
        out_specs=jax.tree.map(
            lambda _: pl.BlockSpec(memory_space=pltpu.VMEM), out_shapes),
        scratch_shapes=list(scratch_shapes),
    )(*args)


def kernel(x_seq, edge_index, batch, W1, b1, Wp, bp, W2, b2,
           Wih, Whh, bih, bhh, Wc, bc):
    f32 = jnp.float32
    mesh = plsc.VectorSubcoreMesh(core_axis_name="c", subcore_axis_name="s")
    deg_k = _build_deg(mesh)
    seg1 = _build_seg1(mesh)
    seg16 = _build_seg16(mesh)

    src = edge_index[0].astype(jnp.int32)
    dst = edge_index[1].astype(jnp.int32)
    epad = jnp.full((EPAD - E,), NPAD - 1, jnp.int32)
    src_f = jnp.concatenate([src, epad])
    dst_f = jnp.concatenate([dst, epad])
    src3 = src_f.reshape(NW, CH, CB)
    dst3 = dst_f.reshape(NW, CH, CB)

    batch_p = jnp.concatenate(
        [batch.astype(jnp.int32), jnp.full((NPAD - N,), B, jnp.int32)])
    brow = batch_p.astype(f32)
    bcol = brow[:, None]
    bfirst = batch_p[0::CB]
    blast = batch_p[CB - 1::CB]
    c_lo = jnp.searchsorted(blast, bfirst, side="left").astype(jnp.int32)
    c_hi = jnp.searchsorted(bfirst, blast, side="right").astype(jnp.int32)

    zeros1 = jnp.zeros((NPAD,), f32)
    zeros4 = jnp.zeros((T, NPAD), f32)
    zeros64 = jnp.zeros((NPAD, TH), f32)
    xp = jnp.pad(x_seq, ((0, 0), (0, NPAD - N), (0, 0)))

    b14 = jnp.tile(b1, T).reshape(1, TH)
    wp4 = jnp.zeros((TH, T), f32)
    for tt in range(T):
        wp4 = wp4.at[tt * H1:(tt + 1) * H1, tt].set(Wp[:, 0])
    w2b = jnp.zeros((TH, T * HID), f32)
    for tt in range(T):
        w2b = w2b.at[tt * H1:(tt + 1) * H1, tt * HID:(tt + 1) * HID].set(W2)

    degp = deg_k(dst_f, zeros1)
    dinv, dinvr = _tc_call(
        _tc_prep_body,
        (jax.ShapeDtypeStruct((NPAD, 1), f32),
         jax.ShapeDtypeStruct((NPAD,), f32)),
        degp)

    y14 = _tc_call(_tc1_body, jax.ShapeDtypeStruct((NPAD, TH), f32),
                   xp, W1, dinv)
    a1 = seg16(y14, src3, dst3, zeros64)
    h4, y24 = _tc_call(
        _tc2_body,
        (jax.ShapeDtypeStruct((NPAD, TH), f32),
         jax.ShapeDtypeStruct((T, NPAD), f32)),
        a1, y14, dinv, b14, wp4)
    sp = seg1(y24, src_f, dst_f, zeros4)
    keep4, hp4 = _tc_call(
        _tc3_body,
        (jax.ShapeDtypeStruct((T, NPAD), f32),
         jax.ShapeDtypeStruct((NPAD, TH), f32)),
        sp, y24, dinvr, h4, brow, bp.reshape(1, 1), c_lo, c_hi,
        smem_args=2,
        scratch_shapes=(pltpu.VMEM((T, NPAD), f32),
                        pltpu.VMEM((NPAD,), f32)))
    dp = seg1(keep4, src_f, dst_f, zeros4)
    dinv24, z4 = _tc_call(
        _tc4_body,
        (jax.ShapeDtypeStruct((T, NPAD), f32),
         jax.ShapeDtypeStruct((NPAD, TH), f32)),
        dp, keep4, hp4)
    a2 = seg16(z4, src3, dst3, zeros64)
    out = _tc_call(
        _tc5_body, jax.ShapeDtypeStruct((B, 1), f32),
        a2, z4, dinv24, keep4, w2b, b2.reshape(1, HID), bcol,
        Wih.T, Whh.T, (bih + bhh).reshape(1, 4 * HID),
        Wc.T, bc.reshape(1, 1))
    return out

# --- scband reference (transcript-rebuilt; emitter-appended) ---
"""Pipeline reference for scband-graph-based-lstmclassifier-70626442215574 (READ-ONLY COPY).

The authoritative reference and input builder live on the scoring server;
editing this copy changes nothing except your own understanding.
"""

import jax, jax.numpy as jnp
import numpy as np

N = 10000
E = 320000
T = 4
B = 8
F_IN = 128
H1 = 16
HID = 128
RATIO = 0.8


def setup_inputs(seed: int = 0) -> dict:
    key = jax.random.key(seed)
    ks = jax.random.split(key, 12)
    x_seq = jax.random.normal(ks[0], (T, N, F_IN), dtype=jnp.float32)
    edge_index = jax.random.randint(ks[1], (2, E), 0, N)
    batch = jnp.sort(jax.random.randint(ks[2], (N,), 0, B))
    def s(k, shape, fan):
        return jax.random.normal(k, shape, dtype=jnp.float32) * (1.0 / np.sqrt(fan))
    W1 = s(ks[3], (F_IN, H1), F_IN)
    b1 = jnp.zeros((H1,), jnp.float32)
    Wp = s(ks[4], (H1, 1), H1)
    bp = jnp.zeros((1,), jnp.float32)
    W2 = s(ks[5], (H1, HID), H1)
    b2 = jnp.zeros((HID,), jnp.float32)
    Wih = s(ks[6], (4 * HID, HID), HID)
    Whh = s(ks[7], (4 * HID, HID), HID)
    bih = jnp.zeros((4 * HID,), jnp.float32)
    bhh = jnp.zeros((4 * HID,), jnp.float32)
    Wc = s(ks[8], (1, HID), HID)
    bc = jnp.zeros((1,), jnp.float32)
    return {"x_seq": x_seq, "edge_index": edge_index, "batch": batch,
            "W1": W1, "b1": b1, "Wp": Wp, "bp": bp, "W2": W2, "b2": b2,
            "Wih": Wih, "Whh": Whh, "bih": bih, "bhh": bhh, "Wc": Wc, "bc": bc}


def gcn_conv(x, src, dst, edge_mask, node_mask, W, b):
    # GCNConv with self loops + symmetric normalization, restricted to masked
    # (kept) nodes/edges so that pooled-out nodes are fully removed.
    n = x.shape[0]
    xw = x @ W
    deg = node_mask + jax.ops.segment_sum(edge_mask, dst, num_segments=n)
    dinv = jnp.where(deg > 0, deg ** -0.5, 0.0)
    coef = dinv[src] * dinv[dst] * edge_mask
    agg = jnp.zeros_like(xw).at[dst].add(xw[src] * coef[:, None])
    out = agg + xw * (dinv * dinv * node_mask)[:, None] + b
    return out * node_mask[:, None]


def gnn_embed(x, src, dst, batch, W1, b1, Wp, bp, W2, b2):
    # GraphNetWithSAGPooling: GCN -> relu -> SAGPooling(ratio=0.8) -> GCN -> relu -> global_mean_pool
    n = x.shape[0]
    ones_n = jnp.ones((n,), jnp.float32)
    ones_e = jnp.ones((src.shape[0],), jnp.float32)
    h = jax.nn.relu(gcn_conv(x, src, dst, ones_e, ones_n, W1, b1))
    # SAGPooling: score via GCNConv(16, 1), per-graph top-ceil(ratio*size)
    score = gcn_conv(h, src, dst, ones_e, ones_n, Wp, bp)[:, 0]
    sizes = jnp.bincount(batch, length=B).astype(jnp.int32)
    kper = jnp.ceil(RATIO * sizes.astype(jnp.float32)).astype(jnp.int32)
    order = jnp.lexsort((-score, batch))
    pos = jnp.zeros((n,), jnp.int32).at[order].set(jnp.arange(n, dtype=jnp.int32))
    starts = jnp.cumsum(sizes) - sizes
    rank = pos - starts[batch]
    keep = (rank < kper[batch]).astype(jnp.float32)
    hp = h * jnp.tanh(score)[:, None] * keep[:, None]
    emask = keep[src] * keep[dst]
    h2 = jax.nn.relu(gcn_conv(hp, src, dst, emask, keep, W2, b2))
    sums = jax.ops.segment_sum(h2, batch, num_segments=B)
    cnts = jax.ops.segment_sum(keep, batch, num_segments=B)
    return sums / jnp.maximum(cnts, 1.0)[:, None]


def reference(x_seq, edge_index, batch, W1, b1, Wp, bp, W2, b2, Wih, Whh, bih, bhh, Wc, bc):
    src = edge_index[0]
    dst = edge_index[1]
    embs = [gnn_embed(x_seq[t], src, dst, batch, W1, b1, Wp, bp, W2, b2) for t in range(T)]
    seq = jnp.stack(embs, axis=1)  # [B, T, HID]
    hh = jnp.zeros((B, HID), jnp.float32)
    cc = jnp.zeros((B, HID), jnp.float32)
    for t in range(T):
        g = seq[:, t] @ Wih.T + hh @ Whh.T + bih + bhh
        i, f, gg, o = jnp.split(g, 4, axis=-1)
        i = jax.nn.sigmoid(i)
        f = jax.nn.sigmoid(f)
        gg = jnp.tanh(gg)
        o = jax.nn.sigmoid(o)
        cc = f * cc + i * gg
        hh = o * jnp.tanh(cc)
    return hh @ Wc.T + bc

if __name__ == "__main__":
    import jax
    _d = setup_inputs()
    print(jax.jit(kernel)(*tuple(_d.values())))

</pallas_src>

<mosaic_0001>
#map = affine_map<(d0, d1) -> (0)>
#map1 = affine_map<(d0, d1) -> (0, 0)>
module attributes {stable_mosaic.version = 14 : i64} {
  func.func @deg(%arg0: i32, %arg1: i32, %arg2: memref<327680xi32, #tpu.memory_space<hbm>>, %arg3: memref<10240xf32, #tpu.memory_space<hbm>>, %arg4: memref<32x10240xf32, #tpu.memory_space<hbm>>, %arg5: memref<10240xf32, #tpu.memory_space<vmem>>, %arg6: memref<10240xi32, #tpu.memory_space<vmem>>) attributes {dimension_semantics = [#tpu.dimension_semantics<core_parallel>, #tpu.dimension_semantics<subcore_parallel>], iteration_bounds = array<i64: 2, 16>, scalar_prefetch = 0 : i64, scratch_operands = 2 : i64, tpu.core_type = #tpu.core_type<sc_vector_subcore>, window_params = [{transform_indices = #map}, {transform_indices = #map}, {transform_indices = #map1}]} {
    %mul3A = arith.constant 2 : i32
    %mul3A_0 = arith.muli %arg1, %mul3A : i32
    %add3A = arith.addi %mul3A_0, %arg0 : i32
    "tpu.region"() ({
      %run_scoped3A = tpu.sem_alloc : memref<!tpu.dma_semaphore, #tpu.memory_space<semaphore_mem>>
      tpu.enqueue_dma source(%arg3 : memref<10240xf32, #tpu.memory_space<hbm>>) target(%arg5 : memref<10240xf32, #tpu.memory_space<vmem>>) target_semaphore(%run_scoped3A : memref<!tpu.dma_semaphore, #tpu.memory_space<semaphore_mem>>)
      tpu.wait_dma2 semaphore(%run_scoped3A : memref<!tpu.dma_semaphore, #tpu.memory_space<semaphore_mem>>) src(%arg3 : memref<10240xf32, #tpu.memory_space<hbm>>) dst(%arg5 : memref<10240xf32, #tpu.memory_space<vmem>>)
      tpu.yield
    }) : () -> ()
    %mul3A_1 = arith.constant 10240 : i32
    %mul3A_2 = arith.muli %add3A, %mul3A_1 : i32
    "tpu.region"() ({
      %run_scoped3A = tpu.sem_alloc : memref<!tpu.dma_semaphore, #tpu.memory_space<semaphore_mem>>
      %dma_start3A = tpu.memref_slice %arg2[%mul3A_2] : memref<327680xi32, #tpu.memory_space<hbm>> -> memref<10240xi32, #tpu.memory_space<hbm>>
      %dma_start3A_9 = tpu.memref_slice %arg2[%mul3A_2] : memref<327680xi32, #tpu.memory_space<hbm>> -> memref<10240xi32, #tpu.memory_space<hbm>>
      tpu.enqueue_dma source(%dma_start3A_9 : memref<10240xi32, #tpu.memory_space<hbm>>) target(%arg6 : memref<10240xi32, #tpu.memory_space<vmem>>) target_semaphore(%run_scoped3A : memref<!tpu.dma_semaphore, #tpu.memory_space<semaphore_mem>>)
      %dma_wait3A = tpu.memref_slice %arg2[%mul3A_2] : memref<327680xi32, #tpu.memory_space<hbm>> -> memref<10240xi32, #tpu.memory_space<hbm>>
      %dma_wait3A_10 = tpu.memref_slice %arg2[%mul3A_2] : memref<327680xi32, #tpu.memory_space<hbm>> -> memref<10240xi32, #tpu.memory_space<hbm>>
      tpu.wait_dma2 semaphore(%run_scoped3A : memref<!tpu.dma_semaphore, #tpu.memory_space<semaphore_mem>>) src(%dma_wait3A_10 : memref<10240xi32, #tpu.memory_space<hbm>>) dst(%arg6 : memref<10240xi32, #tpu.memory_space<vmem>>)
      tpu.yield
    }) : () -> ()
    %broadcast_in_dim3A = arith.constant 1.000000e+00 : f32
    %broadcast_in_dim3A_3 = vector.broadcast %broadcast_in_dim3A : f32 to vector<16xf32>
    %scan3A = arith.constant 0 : i32
    %scan3A_4 = arith.constant 0 : i32
    %scan3A_5 = arith.constant 640 : i32
    %scan3A_6 = arith.addi %scan3A_4, %scan3A_5 : i32
    %scan3A_7 = arith.constant 1 : i32
    scf.for %scan3A_9 = %scan3A_4 to %scan3A_6 step %scan3A_7  : i32 {
      %mul3A_10 = arith.constant 16 : i32
      %mul3A_11 = arith.muli %scan3A_9, %mul3A_10 : i32
      %get3A = arith.index_cast %mul3A_11 : i32 to index
      %get3A_12 = tpu.vector_load %arg6[%get3A] {strides = array<i32>} : memref<10240xi32, #tpu.memory_space<vmem>>, vector<16xi32>,
      tpu.vector_store_idx %arg5[%get3A_12], %broadcast_in_dim3A_3 {add = true} : memref<10240xf32, #tpu.memory_space<vmem>>[vector<16xi32>], vector<16xf32>,
    }
    %scan3A_8 = arith.constant 640 : i32
    "tpu.region"() ({
      %run_scoped3A = tpu.sem_alloc : memref<!tpu.dma_semaphore, #tpu.memory_space<semaphore_mem>>
      %dma_start3A = arith.constant 0 : i32
      %dma_start3A_9 = tpu.memref_slice %arg4[%add3A, %dma_start3A] : memref<32x10240xf32, #tpu.memory_space<hbm>> -> memref<1x10240xf32, #tpu.memory_space<hbm>>
      %dma_start3A_10 = tpu.memref_squeeze %dma_start3A_9 : memref<1x10240xf32, #tpu.memory_space<hbm>> -> memref<10240xf32, #tpu.memory_space<hbm>>
      %dma_start3A_11 = arith.constant 0 : i32
      %dma_start3A_12 = tpu.memref_slice %arg4[%add3A, %dma_start3A_11] : memref<32x10240xf32, #tpu.memory_space<hbm>> -> memref<1x10240xf32, #tpu.memory_space<hbm>>
      %dma_start3A_13 = tpu.memref_squeeze %dma_start3A_12 : memref<1x10240xf32, #tpu.memory_space<hbm>> -> memref<10240xf32, #tpu.memory_space<hbm>>
      tpu.enqueue_dma source(%arg5 : memref<10240xf32, #tpu.memory_space<vmem>>) target(%dma_start3A_13 : memref<10240xf32, #tpu.memory_space<hbm>>) target_semaphore(%run_scoped3A : memref<!tpu.dma_semaphore, #tpu.memory_space<semaphore_mem>>)
      %dma_wait3A = arith.constant 0 : i32
      %dma_wait3A_14 = tpu.memref_slice %arg4[%add3A, %dma_wait3A] : memref<32x10240xf32, #tpu.memory_space<hbm>> -> memref<1x10240xf32, #tpu.memory_space<hbm>>
      %dma_wait3A_15 = tpu.memref_squeeze %dma_wait3A_14 : memref<1x10240xf32, #tpu.memory_space<hbm>> -> memref<10240xf32, #tpu.memory_space<hbm>>
      %dma_wait3A_16 = arith.constant 0 : i32
      %dma_wait3A_17 = tpu.memref_slice %arg4[%add3A, %dma_wait3A_16] : memref<32x10240xf32, #tpu.memory_space<hbm>> -> memref<1x10240xf32, #tpu.memory_space<hbm>>
      %dma_wait3A_18 = tpu.memref_squeeze %dma_wait3A_17 : memref<1x10240xf32, #tpu.memory_space<hbm>> -> memref<10240xf32, #tpu.memory_space<hbm>>
      tpu.wait_dma2 semaphore(%run_scoped3A : memref<!tpu.dma_semaphore, #tpu.memory_space<semaphore_mem>>) src(%arg5 : memref<10240xf32, #tpu.memory_space<vmem>>) dst(%dma_wait3A_18 : memref<10240xf32, #tpu.memory_space<hbm>>)
      tpu.yield
    }) : () -> ()
    return
  }
}

#map = affine_map<(d0, d1) -> (0, 0)>
#map1 = affine_map<(d0, d1) -> (0)>
#map2 = affine_map<(d0, d1) -> (0, 0, 0)>
module attributes {stable_mosaic.version = 14 : i64} {
  func.func @seg1(%arg0: i32, %arg1: i32, %arg2: memref<4x10240xf32, #tpu.memory_space<hbm>>, %arg3: memref<327680xi32, #tpu.memory_space<hbm>>, %arg4: memref<327680xi32, #tpu.memory_space<hbm>>, %arg5: memref<4x10240xf32, #tpu.memory_space<hbm>>, %arg6: memref<32x4x10240xf32, #tpu.memory_space<hbm>>, %arg7: memref<4x10240xf32, #tpu.memory_space<vmem>>, %arg8: memref<4x10240xf32, #tpu.memory_space<vmem>>, %arg9: memref<10240xi32, #tpu.memory_space<vmem>>, %arg10: memref<10240xi32, #tpu.memory_space<vmem>>) attributes {dimension_semantics = [#tpu.dimension_semantics<core_parallel>, #tpu.dimension_semantics<subcore_parallel>], iteration_bounds = array<i64: 2, 16>, scalar_prefetch = 0 : i64, scratch_operands = 4 : i64, tpu.core_type = #tpu.core_type<sc_vector_subcore>, window_params = [{transform_indices = #map}, {transform_indices = #map1}, {transform_indices = #map1}, {transform_indices = #map}, {transform_indices = #map2}]} {
    %mul3A = arith.constant 2 : i32
    %mul3A_0 = arith.muli %arg1, %mul3A : i32
    %add3A = arith.addi %mul3A_0, %arg0 : i32
    "tpu.region"() ({
      %run_scoped3A = tpu.sem_alloc : memref<!tpu.dma_semaphore, #tpu.memory_space<semaphore_mem>>
      tpu.enqueue_dma source(%arg2 : memref<4x10240xf32, #tpu.memory_space<hbm>>) target(%arg7 : memref<4x10240xf32, #tpu.memory_space<vmem>>) target_semaphore(%run_scoped3A : memref<!tpu.dma_semaphore, #tpu.memory_space<semaphore_mem>>)
      tpu.wait_dma2 semaphore(%run_scoped3A : memref<!tpu.dma_semaphore, #tpu.memory_space<semaphore_mem>>) src(%arg2 : memref<4x10240xf32, #tpu.memory_space<hbm>>) dst(%arg7 : memref<4x10240xf32, #tpu.memory_space<vmem>>)
      tpu.yield
    }) : () -> ()
    "tpu.region"() ({
      %run_scoped3A = tpu.sem_alloc : memref<!tpu.dma_semaphore, #tpu.memory_space<semaphore_mem>>
      tpu.enqueue_dma source(%arg5 : memref<4x10240xf32, #tpu.memory_space<hbm>>) target(%arg8 : memref<4x10240xf32, #tpu.memory_space<vmem>>) target_semaphore(%run_scoped3A : memref<!tpu.dma_semaphore, #tpu.memory_space<semaphore_mem>>)
      tpu.wait_dma2 semaphore(%run_scoped3A : memref<!tpu.dma_semaphore, #tpu.memory_space<semaphore_mem>>) src(%arg5 : memref<4x10240xf32, #tpu.memory_space<hbm>>) dst(%arg8 : memref<4x10240xf32, #tpu.memory_space<vmem>>)
      tpu.yield
    }) : () -> ()
    %mul3A_1 = arith.constant 10240 : i32
    %mul3A_2 = arith.muli %add3A, %mul3A_1 : i32
    "tpu.region"() ({
      %run_scoped3A = tpu.sem_alloc : memref<!tpu.dma_semaphore, #tpu.memory_space<semaphore_mem>>
      %dma_start3A = tpu.memref_slice %arg3[%mul3A_2] : memref<327680xi32, #tpu.memory_space<hbm>> -> memref<10240xi32, #tpu.memory_space<hbm>>
      %dma_start3A_10 = tpu.memref_slice %arg3[%mul3A_2] : memref<327680xi32, #tpu.memory_space<hbm>> -> memref<10240xi32, #tpu.memory_space<hbm>>
      tpu.enqueue_dma source(%dma_start3A_10 : memref<10240xi32, #tpu.memory_space<hbm>>) target(%arg9 : memref<10240xi32, #tpu.memory_space<vmem>>) target_semaphore(%run_scoped3A : memref<!tpu.dma_semaphore, #tpu.memory_space<semaphore_mem>>)
      %dma_wait3A = tpu.memref_slice %arg3[%mul3A_2] : memref<327680xi32, #tpu.memory_space<hbm>> -> memref<10240xi32, #tpu.memory_space<hbm>>
      %dma_wait3A_11 = tpu.memref_slice %arg3[%mul3A_2] : memref<327680xi32, #tpu.memory_space<hbm>> -> memref<10240xi32, #tpu.memory_space<hbm>>
      tpu.wait_dma2 semaphore(%run_scoped3A : memref<!tpu.dma_semaphore, #tpu.memory_space<semaphore_mem>>) src(%dma_wait3A_11 : memref<10240xi32, #tpu.memory_space<hbm>>) dst(%arg9 : memref<10240xi32, #tpu.memory_space<vmem>>)
      tpu.yield
    }) : () -> ()
    %mul3A_3 = arith.constant 10240 : i32
    %mul3A_4 = arith.muli %add3A, %mul3A_3 : i32
    "tpu.region"() ({
      %run_scoped3A = tpu.sem_alloc : memref<!tpu.dma_semaphore, #tpu.memory_space<semaphore_mem>>
      %dma_start3A = tpu.memref_slice %arg4[%mul3A_4] : memref<327680xi32, #tpu.memory_space<hbm>> -> memref<10240xi32, #tpu.memory_space<hbm>>
      %dma_start3A_10 = tpu.memref_slice %arg4[%mul3A_4] : memref<327680xi32, #tpu.memory_space<hbm>> -> memref<10240xi32, #tpu.memory_space<hbm>>
      tpu.enqueue_dma source(%dma_start3A_10 : memref<10240xi32, #tpu.memory_space<hbm>>) target(%arg10 : memref<10240xi32, #tpu.memory_space<vmem>>) target_semaphore(%run_scoped3A : memref<!tpu.dma_semaphore, #tpu.memory_space<semaphore_mem>>)
      %dma_wait3A = tpu.memref_slice %arg4[%mul3A_4] : memref<327680xi32, #tpu.memory_space<hbm>> -> memref<10240xi32, #tpu.memory_space<hbm>>
      %dma_wait3A_11 = tpu.memref_slice %arg4[%mul3A_4] : memref<327680xi32, #tpu.memory_space<hbm>> -> memref<10240xi32, #tpu.memory_space<hbm>>
      tpu.wait_dma2 semaphore(%run_scoped3A : memref<!tpu.dma_semaphore, #tpu.memory_space<semaphore_mem>>) src(%dma_wait3A_11 : memref<10240xi32, #tpu.memory_space<hbm>>) dst(%arg10 : memref<10240xi32, #tpu.memory_space<vmem>>)
      tpu.yield
    }) : () -> ()
    %scan3A = arith.constant 0 : i32
    %scan3A_5 = arith.constant 0 : i32
    %scan3A_6 = arith.constant 640 : i32
    %scan3A_7 = arith.addi %scan3A_5, %scan3A_6 : i32
    %scan3A_8 = arith.constant 1 : i32
    scf.for %scan3A_10 = %scan3A_5 to %scan3A_7 step %scan3A_8  : i32 {
      %mul3A_11 = arith.constant 16 : i32
      %mul3A_12 = arith.muli %scan3A_10, %mul3A_11 : i32
      %get3A = arith.index_cast %mul3A_12 : i32 to index
      %get3A_13 = tpu.vector_load %arg9[%get3A] {strides = array<i32>} : memref<10240xi32, #tpu.memory_space<vmem>>, vector<16xi32>,
      %mul3A_14 = arith.constant 16 : i32
      %mul3A_15 = arith.muli %scan3A_10, %mul3A_14 : i32
      %get3A_16 = arith.index_cast %mul3A_15 : i32 to index
      %get3A_17 = tpu.vector_load %arg10[%get3A_16] {strides = array<i32>} : memref<10240xi32, #tpu.memory_space<vmem>>, vector<16xi32>,
      %broadcast_in_dim3A = arith.constant 0 : i32
      %broadcast_in_dim3A_18 = vector.broadcast %broadcast_in_dim3A : i32 to vector<16xi32>
      %gather3A = tpu.vector_load_idx %arg7[%broadcast_in_dim3A_18, %get3A_13] : memref<4x10240xf32, #tpu.memory_space<vmem>>[vector<16xi32>, vector<16xi32>], vector<16xf32>,
      tpu.vector_store_idx %arg8[%broadcast_in_dim3A_18, %get3A_17], %gather3A {add = true} : memref<4x10240xf32, #tpu.memory_space<vmem>>[vector<16xi32>, vector<16xi32>], vector<16xf32>,
      %broadcast_in_dim3A_19 = arith.constant 1 : i32
      %broadcast_in_dim3A_20 = vector.broadcast %broadcast_in_dim3A_19 : i32 to vector<16xi32>
      %gather3A_21 = tpu.vector_load_idx %arg7[%broadcast_in_dim3A_20, %get3A_13] : memref<4x10240xf32, #tpu.memory_space<vmem>>[vector<16xi32>, vector<16xi32>], vector<16xf32>,
      tpu.vector_store_idx %arg8[%broadcast_in_dim3A_20, %get3A_17], %gather3A_21 {add = true} : memref<4x10240xf32, #tpu.memory_space<vmem>>[vector<16xi32>, vector<16xi32>], vector<16xf32>,
      %broadcast_in_dim3A_22 = arith.constant 2 : i32
      %broadcast_in_dim3A_23 = vector.broadcast %broadcast_in_dim3A_22 : i32 to vector<16xi32>
      %gather3A_24 = tpu.vector_load_idx %arg7[%broadcast_in_dim3A_23, %get3A_13] : memref<4x10240xf32, #tpu.memory_space<vmem>>[vector<16xi32>, vector<16xi32>], vector<16xf32>,
      tpu.vector_store_idx %arg8[%broadcast_in_dim3A_23, %get3A_17], %gather3A_24 {add = true} : memref<4x10240xf32, #tpu.memory_space<vmem>>[vector<16xi32>, vector<16xi32>], vector<16xf32>,
      %broadcast_in_dim3A_25 = arith.constant 3 : i32
      %broadcast_in_dim3A_26 = vector.broadcast %broadcast_in_dim3A_25 : i32 to vector<16xi32>
      %gather3A_27 = tpu.vector_load_idx %arg7[%broadcast_in_dim3A_26, %get3A_13] : memref<4x10240xf32, #tpu.memory_space<vmem>>[vector<16xi32>, vector<16xi32>], vector<16xf32>,
      tpu.vector_store_idx %arg8[%broadcast_in_dim3A_26, %get3A_17], %gather3A_27 {add = true} : memref<4x10240xf32, #tpu.memory_space<vmem>>[vector<16xi32>, vector<16xi32>], vector<16xf32>,
    }
    %scan3A_9 = arith.constant 640 : i32
    "tpu.region"() ({
      %run_scoped3A = tpu.sem_alloc : memref<!tpu.dma_semaphore, #tpu.memory_space<semaphore_mem>>
      %dma_start3A = arith.constant 0 : i32
      %dma_start3A_10 = arith.constant 0 : i32
      %dma_start3A_11 = tpu.memref_slice %arg6[%add3A, %dma_start3A, %dma_start3A_10] : memref<32x4x10240xf32, #tpu.memory_space<hbm>> -> memref<1x4x10240xf32, #tpu.memory_space<hbm>>
      %dma_start3A_12 = tpu.memref_squeeze %dma_start3A_11 : memref<1x4x10240xf32, #tpu.memory_space<hbm>> -> memref<4x10240xf32, #tpu.memory_space<hbm>>
      %dma_start3A_13 = arith.constant 0 : i32
      %dma_start3A_14 = arith.constant 0 : i32
      %dma_start3A_15 = tpu.memref_slice %arg6[%add3A, %dma_start3A_13, %dma_start3A_14] : memref<32x4x10240xf32, #tpu.memory_space<hbm>> -> memref<1x4x10240xf32, #tpu.memory_space<hbm>>
      %dma_start3A_16 = tpu.memref_squeeze %dma_start3A_15 : memref<1x4x10240xf32, #tpu.memory_space<hbm>> -> memref<4x10240xf32, #tpu.memory_space<hbm>>
      tpu.enqueue_dma source(%arg8 : memref<4x10240xf32, #tpu.memory_space<vmem>>) target(%dma_start3A_16 : memref<4x10240xf32, #tpu.memory_space<hbm>>) target_semaphore(%run_scoped3A : memref<!tpu.dma_semaphore, #tpu.memory_space<semaphore_mem>>)
      %dma_wait3A = arith.constant 0 : i32
      %dma_wait3A_17 = arith.constant 0 : i32
      %dma_wait3A_18 = tpu.memref_slice %arg6[%add3A, %dma_wait3A, %dma_wait3A_17] : memref<32x4x10240xf32, #tpu.memory_space<hbm>> -> memref<1x4x10240xf32, #tpu.memory_space<hbm>>
      %dma_wait3A_19 = tpu.memref_squeeze %dma_wait3A_18 : memref<1x4x10240xf32, #tpu.memory_space<hbm>> -> memref<4x10240xf32, #tpu.memory_space<hbm>>
      %dma_wait3A_20 = arith.constant 0 : i32
      %dma_wait3A_21 = arith.constant 0 : i32
      %dma_wait3A_22 = tpu.memref_slice %arg6[%add3A, %dma_wait3A_20, %dma_wait3A_21] : memref<32x4x10240xf32, #tpu.memory_space<hbm>> -> memref<1x4x10240xf32, #tpu.memory_space<hbm>>
      %dma_wait3A_23 = tpu.memref_squeeze %dma_wait3A_22 : memref<1x4x10240xf32, #tpu.memory_space<hbm>> -> memref<4x10240xf32, #tpu.memory_space<hbm>>
      tpu.wait_dma2 semaphore(%run_scoped3A : memref<!tpu.dma_semaphore, #tpu.memory_space<semaphore_mem>>) src(%arg8 : memref<4x10240xf32, #tpu.memory_space<vmem>>) dst(%dma_wait3A_23 : memref<4x10240xf32, #tpu.memory_space<hbm>>)
      tpu.yield
    }) : () -> ()
    return
  }
}

#map = affine_map<(d0, d1) -> (0, 0)>
#map1 = affine_map<(d0, d1) -> (0)>
#map2 = affine_map<(d0, d1) -> (0, 0, 0)>
module attributes {stable_mosaic.version = 14 : i64} {
  func.func @seg1(%arg0: i32, %arg1: i32, %arg2: memref<4x10240xf32, #tpu.memory_space<hbm>>, %arg3: memref<327680xi32, #tpu.memory_space<hbm>>, %arg4: memref<327680xi32, #tpu.memory_space<hbm>>, %arg5: memref<4x10240xf32, #tpu.memory_space<hbm>>, %arg6: memref<32x4x10240xf32, #tpu.memory_space<hbm>>, %arg7: memref<4x10240xf32, #tpu.memory_space<vmem>>, %arg8: memref<4x10240xf32, #tpu.memory_space<vmem>>, %arg9: memref<10240xi32, #tpu.memory_space<vmem>>, %arg10: memref<10240xi32, #tpu.memory_space<vmem>>) attributes {dimension_semantics = [#tpu.dimension_semantics<core_parallel>, #tpu.dimension_semantics<subcore_parallel>], iteration_bounds = array<i64: 2, 16>, scalar_prefetch = 0 : i64, scratch_operands = 4 : i64, tpu.core_type = #tpu.core_type<sc_vector_subcore>, window_params = [{transform_indices = #map}, {transform_indices = #map1}, {transform_indices = #map1}, {transform_indices = #map}, {transform_indices = #map2}]} {
    %mul3A = arith.constant 2 : i32
    %mul3A_0 = arith.muli %arg1, %mul3A : i32
    %add3A = arith.addi %mul3A_0, %arg0 : i32
    "tpu.region"() ({
      %run_scoped3A = tpu.sem_alloc : memref<!tpu.dma_semaphore, #tpu.memory_space<semaphore_mem>>
      tpu.enqueue_dma source(%arg2 : memref<4x10240xf32, #tpu.memory_space<hbm>>) target(%arg7 : memref<4x10240xf32, #tpu.memory_space<vmem>>) target_semaphore(%run_scoped3A : memref<!tpu.dma_semaphore, #tpu.memory_space<semaphore_mem>>)
      tpu.wait_dma2 semaphore(%run_scoped3A : memref<!tpu.dma_semaphore, #tpu.memory_space<semaphore_mem>>) src(%arg2 : memref<4x10240xf32, #tpu.memory_space<hbm>>) dst(%arg7 : memref<4x10240xf32, #tpu.memory_space<vmem>>)
      tpu.yield
    }) : () -> ()
    "tpu.region"() ({
      %run_scoped3A = tpu.sem_alloc : memref<!tpu.dma_semaphore, #tpu.memory_space<semaphore_mem>>
      tpu.enqueue_dma source(%arg5 : memref<4x10240xf32, #tpu.memory_space<hbm>>) target(%arg8 : memref<4x10240xf32, #tpu.memory_space<vmem>>) target_semaphore(%run_scoped3A : memref<!tpu.dma_semaphore, #tpu.memory_space<semaphore_mem>>)
      tpu.wait_dma2 semaphore(%run_scoped3A : memref<!tpu.dma_semaphore, #tpu.memory_space<semaphore_mem>>) src(%arg5 : memref<4x10240xf32, #tpu.memory_space<hbm>>) dst(%arg8 : memref<4x10240xf32, #tpu.memory_space<vmem>>)
      tpu.yield
    }) : () -> ()
    %mul3A_1 = arith.constant 10240 : i32
    %mul3A_2 = arith.muli %add3A, %mul3A_1 : i32
    "tpu.region"() ({
      %run_scoped3A = tpu.sem_alloc : memref<!tpu.dma_semaphore, #tpu.memory_space<semaphore_mem>>
      %dma_start3A = tpu.memref_slice %arg3[%mul3A_2] : memref<327680xi32, #tpu.memory_space<hbm>> -> memref<10240xi32, #tpu.memory_space<hbm>>
      %dma_start3A_10 = tpu.memref_slice %arg3[%mul3A_2] : memref<327680xi32, #tpu.memory_space<hbm>> -> memref<10240xi32, #tpu.memory_space<hbm>>
      tpu.enqueue_dma source(%dma_start3A_10 : memref<10240xi32, #tpu.memory_space<hbm>>) target(%arg9 : memref<10240xi32, #tpu.memory_space<vmem>>) target_semaphore(%run_scoped3A : memref<!tpu.dma_semaphore, #tpu.memory_space<semaphore_mem>>)
      %dma_wait3A = tpu.memref_slice %arg3[%mul3A_2] : memref<327680xi32, #tpu.memory_space<hbm>> -> memref<10240xi32, #tpu.memory_space<hbm>>
      %dma_wait3A_11 = tpu.memref_slice %arg3[%mul3A_2] : memref<327680xi32, #tpu.memory_space<hbm>> -> memref<10240xi32, #tpu.memory_space<hbm>>
      tpu.wait_dma2 semaphore(%run_scoped3A : memref<!tpu.dma_semaphore, #tpu.memory_space<semaphore_mem>>) src(%dma_wait3A_11 : memref<10240xi32, #tpu.memory_space<hbm>>) dst(%arg9 : memref<10240xi32, #tpu.memory_space<vmem>>)
      tpu.yield
    }) : () -> ()
    %mul3A_3 = arith.constant 10240 : i32
    %mul3A_4 = arith.muli %add3A, %mul3A_3 : i32
    "tpu.region"() ({
      %run_scoped3A = tpu.sem_alloc : memref<!tpu.dma_semaphore, #tpu.memory_space<semaphore_mem>>
      %dma_start3A = tpu.memref_slice %arg4[%mul3A_4] : memref<327680xi32, #tpu.memory_space<hbm>> -> memref<10240xi32, #tpu.memory_space<hbm>>
      %dma_start3A_10 = tpu.memref_slice %arg4[%mul3A_4] : memref<327680xi32, #tpu.memory_space<hbm>> -> memref<10240xi32, #tpu.memory_space<hbm>>
      tpu.enqueue_dma source(%dma_start3A_10 : memref<10240xi32, #tpu.memory_space<hbm>>) target(%arg10 : memref<10240xi32, #tpu.memory_space<vmem>>) target_semaphore(%run_scoped3A : memref<!tpu.dma_semaphore, #tpu.memory_space<semaphore_mem>>)
      %dma_wait3A = tpu.memref_slice %arg4[%mul3A_4] : memref<327680xi32, #tpu.memory_space<hbm>> -> memref<10240xi32, #tpu.memory_space<hbm>>
      %dma_wait3A_11 = tpu.memref_slice %arg4[%mul3A_4] : memref<327680xi32, #tpu.memory_space<hbm>> -> memref<10240xi32, #tpu.memory_space<hbm>>
      tpu.wait_dma2 semaphore(%run_scoped3A : memref<!tpu.dma_semaphore, #tpu.memory_space<semaphore_mem>>) src(%dma_wait3A_11 : memref<10240xi32, #tpu.memory_space<hbm>>) dst(%arg10 : memref<10240xi32, #tpu.memory_space<vmem>>)
      tpu.yield
    }) : () -> ()
    %scan3A = arith.constant 0 : i32
    %scan3A_5 = arith.constant 0 : i32
    %scan3A_6 = arith.constant 640 : i32
    %scan3A_7 = arith.addi %scan3A_5, %scan3A_6 : i32
    %scan3A_8 = arith.constant 1 : i32
    scf.for %scan3A_10 = %scan3A_5 to %scan3A_7 step %scan3A_8  : i32 {
      %mul3A_11 = arith.constant 16 : i32
      %mul3A_12 = arith.muli %scan3A_10, %mul3A_11 : i32
      %get3A = arith.index_cast %mul3A_12 : i32 to index
      %get3A_13 = tpu.vector_load %arg9[%get3A] {strides = array<i32>} : memref<10240xi32, #tpu.memory_space<vmem>>, vector<16xi32>,
      %mul3A_14 = arith.constant 16 : i32
      %mul3A_15 = arith.muli %scan3A_10, %mul3A_14 : i32
      %get3A_16 = arith.index_cast %mul3A_15 : i32 to index
      %get3A_17 = tpu.vector_load %arg10[%get3A_16] {strides = array<i32>} : memref<10240xi32, #tpu.memory_space<vmem>>, vector<16xi32>,
      %broadcast_in_dim3A = arith.constant 0 : i32
      %broadcast_in_dim3A_18 = vector.broadcast %broadcast_in_dim3A : i32 to vector<16xi32>
      %gather3A = tpu.vector_load_idx %arg7[%broadcast_in_dim3A_18, %get3A_13] : memref<4x10240xf32, #tpu.memory_space<vmem>>[vector<16xi32>, vector<16xi32>], vector<16xf32>,
      tpu.vector_store_idx %arg8[%broadcast_in_dim3A_18, %get3A_17], %gather3A {add = true} : memref<4x10240xf32, #tpu.memory_space<vmem>>[vector<16xi32>, vector<16xi32>], vector<16xf32>,
      %broadcast_in_dim3A_19 = arith.constant 1 : i32
      %broadcast_in_dim3A_20 = vector.broadcast %broadcast_in_dim3A_19 : i32 to vector<16xi32>
      %gather3A_21 = tpu.vector_load_idx %arg7[%broadcast_in_dim3A_20, %get3A_13] : memref<4x10240xf32, #tpu.memory_space<vmem>>[vector<16xi32>, vector<16xi32>], vector<16xf32>,
      tpu.vector_store_idx %arg8[%broadcast_in_dim3A_20, %get3A_17], %gather3A_21 {add = true} : memref<4x10240xf32, #tpu.memory_space<vmem>>[vector<16xi32>, vector<16xi32>], vector<16xf32>,
      %broadcast_in_dim3A_22 = arith.constant 2 : i32
      %broadcast_in_dim3A_23 = vector.broadcast %broadcast_in_dim3A_22 : i32 to vector<16xi32>
      %gather3A_24 = tpu.vector_load_idx %arg7[%broadcast_in_dim3A_23, %get3A_13] : memref<4x10240xf32, #tpu.memory_space<vmem>>[vector<16xi32>, vector<16xi32>], vector<16xf32>,
      tpu.vector_store_idx %arg8[%broadcast_in_dim3A_23, %get3A_17], %gather3A_24 {add = true} : memref<4x10240xf32, #tpu.memory_space<vmem>>[vector<16xi32>, vector<16xi32>], vector<16xf32>,
      %broadcast_in_dim3A_25 = arith.constant 3 : i32
      %broadcast_in_dim3A_26 = vector.broadcast %broadcast_in_dim3A_25 : i32 to vector<16xi32>
      %gather3A_27 = tpu.vector_load_idx %arg7[%broadcast_in_dim3A_26, %get3A_13] : memref<4x10240xf32, #tpu.memory_space<vmem>>[vector<16xi32>, vector<16xi32>], vector<16xf32>,
      tpu.vector_store_idx %arg8[%broadcast_in_dim3A_26, %get3A_17], %gather3A_27 {add = true} : memref<4x10240xf32, #tpu.memory_space<vmem>>[vector<16xi32>, vector<16xi32>], vector<16xf32>,
    }
    %scan3A_9 = arith.constant 640 : i32
    "tpu.region"() ({
      %run_scoped3A = tpu.sem_alloc : memref<!tpu.dma_semaphore, #tpu.memory_space<semaphore_mem>>
      %dma_start3A = arith.constant 0 : i32
      %dma_start3A_10 = arith.constant 0 : i32
      %dma_start3A_11 = tpu.memref_slice %arg6[%add3A, %dma_start3A, %dma_start3A_10] : memref<32x4x10240xf32, #tpu.memory_space<hbm>> -> memref<1x4x10240xf32, #tpu.memory_space<hbm>>
      %dma_start3A_12 = tpu.memref_squeeze %dma_start3A_11 : memref<1x4x10240xf32, #tpu.memory_space<hbm>> -> memref<4x10240xf32, #tpu.memory_space<hbm>>
      %dma_start3A_13 = arith.constant 0 : i32
      %dma_start3A_14 = arith.constant 0 : i32
      %dma_start3A_15 = tpu.memref_slice %arg6[%add3A, %dma_start3A_13, %dma_start3A_14] : memref<32x4x10240xf32, #tpu.memory_space<hbm>> -> memref<1x4x10240xf32, #tpu.memory_space<hbm>>
      %dma_start3A_16 = tpu.memref_squeeze %dma_start3A_15 : memref<1x4x10240xf32, #tpu.memory_space<hbm>> -> memref<4x10240xf32, #tpu.memory_space<hbm>>
      tpu.enqueue_dma source(%arg8 : memref<4x10240xf32, #tpu.memory_space<vmem>>) target(%dma_start3A_16 : memref<4x10240xf32, #tpu.memory_space<hbm>>) target_semaphore(%run_scoped3A : memref<!tpu.dma_semaphore, #tpu.memory_space<semaphore_mem>>)
      %dma_wait3A = arith.constant 0 : i32
      %dma_wait3A_17 = arith.constant 0 : i32
      %dma_wait3A_18 = tpu.memref_slice %arg6[%add3A, %dma_wait3A, %dma_wait3A_17] : memref<32x4x10240xf32, #tpu.memory_space<hbm>> -> memref<1x4x10240xf32, #tpu.memory_space<hbm>>
      %dma_wait3A_19 = tpu.memref_squeeze %dma_wait3A_18 : memref<1x4x10240xf32, #tpu.memory_space<hbm>> -> memref<4x10240xf32, #tpu.memory_space<hbm>>
      %dma_wait3A_20 = arith.constant 0 : i32
      %dma_wait3A_21 = arith.constant 0 : i32
      %dma_wait3A_22 = tpu.memref_slice %arg6[%add3A, %dma_wait3A_20, %dma_wait3A_21] : memref<32x4x10240xf32, #tpu.memory_space<hbm>> -> memref<1x4x10240xf32, #tpu.memory_space<hbm>>
      %dma_wait3A_23 = tpu.memref_squeeze %dma_wait3A_22 : memref<1x4x10240xf32, #tpu.memory_space<hbm>> -> memref<4x10240xf32, #tpu.memory_space<hbm>>
      tpu.wait_dma2 semaphore(%run_scoped3A : memref<!tpu.dma_semaphore, #tpu.memory_space<semaphore_mem>>) src(%arg8 : memref<4x10240xf32, #tpu.memory_space<vmem>>) dst(%dma_wait3A_23 : memref<4x10240xf32, #tpu.memory_space<hbm>>)
      tpu.yield
    }) : () -> ()
    return
  }
}

#map = affine_map<(d0, d1) -> (0, 0)>
#map1 = affine_map<(d0, d1) -> (0, 0, 0)>
module attributes {stable_mosaic.version = 14 : i64} {
  func.func @seg16(%arg0: i32, %arg1: i32, %arg2: memref<10240x64xf32, #tpu.memory_space<hbm>>, %arg3: memref<32x80x128xi32, #tpu.memory_space<hbm>>, %arg4: memref<32x80x128xi32, #tpu.memory_space<hbm>>, %arg5: memref<10240x64xf32, #tpu.memory_space<hbm>>, %arg6: memref<2x10240x64xf32, #tpu.memory_space<hbm>>, %arg7: memref<80x128xi32, #tpu.memory_space<vmem>>, %arg8: memref<80x128xi32, #tpu.memory_space<vmem>>, %arg9: memref<128x64xf32, #tpu.memory_space<vmem>>, %arg10: memref<128x64xf32, #tpu.memory_space<vmem>>, %arg11: memref<128x64xf32, #tpu.memory_space<vmem>>, %arg12: memref<128x64xf32, #tpu.memory_space<vmem>>, %arg13: memref<128x64xf32, #tpu.memory_space<vmem>>, %arg14: memref<128x64xf32, #tpu.memory_space<vmem>>, %arg15: memref<128x64xf32, #tpu.memory_space<vmem>>, %arg16: memref<128x64xf32, #tpu.memory_space<vmem>>, %arg17: memref<10240x64xf32, #tpu.memory_space<vmem_shared>>, %arg18: memref<!tpu.dma_semaphore, #tpu.memory_space<semaphore_mem>>, %arg19: memref<!tpu.dma_semaphore, #tpu.memory_space<semaphore_mem>>, %arg20: memref<!tpu.dma_semaphore, #tpu.memory_space<semaphore_mem>>, %arg21: memref<!tpu.dma_semaphore, #tpu.memory_space<semaphore_mem>>, %arg22: memref<!tpu.dma_semaphore, #tpu.memory_space<semaphore_mem>>, %arg23: memref<!tpu.dma_semaphore, #tpu.memory_space<semaphore_mem>>, %arg24: memref<!tpu.dma_semaphore, #tpu.memory_space<semaphore_mem>>, %arg25: memref<!tpu.dma_semaphore, #tpu.memory_space<semaphore_mem>>, %arg26: memref<!tpu.dma_semaphore, #tpu.memory_space<semaphore_mem>>, %arg27: memref<!tpu.dma_semaphore, #tpu.memory_space<semaphore_mem>>, %arg28: memref<!tpu.dma_semaphore, #tpu.memory_space<semaphore_mem>>, %arg29: memref<!tpu.dma_semaphore, #tpu.memory_space<semaphore_mem>>, %arg30: memref<!tpu.dma_semaphore, #tpu.memory_space<semaphore_mem>>, %arg31: memref<!tpu.dma_semaphore, #tpu.memory_space<semaphore_mem>>, %arg32: memref<!tpu.dma_semaphore, #tpu.memory_space<semaphore_mem>>, %arg33: memref<!tpu.dma_semaphore, #tpu.memory_space<semaphore_mem>>) attributes {dimension_semantics = [#tpu.dimension_semantics<core_parallel>, #tpu.dimension_semantics<subcore_parallel>], iteration_bounds = array<i64: 2, 16>, scalar_prefetch = 0 : i64, scratch_operands = 27 : i64, tpu.core_type = #tpu.core_type<sc_vector_subcore>, window_params = [{transform_indices = #map}, {transform_indices = #map1}, {transform_indices = #map1}, {transform_indices = #map}, {transform_indices = #map1}]} {
    %mul3A = arith.constant 2 : i32
    %mul3A_0 = arith.muli %arg1, %mul3A : i32
    %add3A = arith.addi %mul3A_0, %arg0 : i32
    %mul3A_1 = arith.constant 640 : i32
    %mul3A_2 = arith.muli %arg1, %mul3A_1 : i32
    "tpu.region"() ({
      %run_scoped3A = tpu.sem_alloc : memref<!tpu.dma_semaphore, #tpu.memory_space<semaphore_mem>>
      %dma_start3A = arith.constant 0 : i32
      %dma_start3A_9 = tpu.memref_slice %arg17[%mul3A_2, %dma_start3A] : memref<10240x64xf32, #tpu.memory_space<vmem_shared>> -> memref<640x64xf32, #tpu.memory_space<vmem_shared>>
      %dma_start3A_10 = arith.constant 0 : i32
      %dma_start3A_11 = tpu.memref_slice %arg5[%mul3A_2, %dma_start3A_10] : memref<10240x64xf32, #tpu.memory_space<hbm>> -> memref<640x64xf32, #tpu.memory_space<hbm>>
      tpu.enqueue_dma source(%dma_start3A_11 : memref<640x64xf32, #tpu.memory_space<hbm>>) target(%dma_start3A_9 : memref<640x64xf32, #tpu.memory_space<vmem_shared>>) target_semaphore(%run_scoped3A : memref<!tpu.dma_semaphore, #tpu.memory_space<semaphore_mem>>)
      %dma_wait3A = arith.constant 0 : i32
      %dma_wait3A_12 = tpu.memref_slice %arg17[%mul3A_2, %dma_wait3A] : memref<10240x64xf32, #tpu.memory_space<vmem_shared>> -> memref<640x64xf32, #tpu.memory_space<vmem_shared>>
      %dma_wait3A_13 = arith.constant 0 : i32
      %dma_wait3A_14 = tpu.memref_slice %arg5[%mul3A_2, %dma_wait3A_13] : memref<10240x64xf32, #tpu.memory_space<hbm>> -> memref<640x64xf32, #tpu.memory_space<hbm>>
      tpu.wait_dma2 semaphore(%run_scoped3A : memref<!tpu.dma_semaphore, #tpu.memory_space<semaphore_mem>>) src(%dma_wait3A_14 : memref<640x64xf32, #tpu.memory_space<hbm>>) dst(%dma_wait3A_12 : memref<640x64xf32, #tpu.memory_space<vmem_shared>>)
      tpu.yield
    }) : () -> ()
    "tpu.region"() ({
      %run_scoped3A = tpu.sem_alloc : memref<!tpu.dma_semaphore, #tpu.memory_space<semaphore_mem>>
      %dma_start3A = arith.constant 0 : i32
      %dma_start3A_9 = arith.constant 0 : i32
      %dma_start3A_10 = tpu.memref_slice %arg3[%add3A, %dma_start3A, %dma_start3A_9] : memref<32x80x128xi32, #tpu.memory_space<hbm>> -> memref<1x80x128xi32, #tpu.memory_space<hbm>>
      %dma_start3A_11 = tpu.memref_squeeze %dma_start3A_10 : memref<1x80x128xi32, #tpu.memory_space<hbm>> -> memref<80x128xi32, #tpu.memory_space<hbm>>
      %dma_start3A_12 = arith.constant 0 : i32
      %dma_start3A_13 = arith.constant 0 : i32
      %dma_start3A_14 = tpu.memref_slice %arg3[%add3A, %dma_start3A_12, %dma_start3A_13] : memref<32x80x128xi32, #tpu.memory_space<hbm>> -> memref<1x80x128xi32, #tpu.memory_space<hbm>>
      %dma_start3A_15 = tpu.memref_squeeze %dma_start3A_14 : memref<1x80x128xi32, #tpu.memory_space<hbm>> -> memref<80x128xi32, #tpu.memory_space<hbm>>
      tpu.enqueue_dma source(%dma_start3A_15 : memref<80x128xi32, #tpu.memory_space<hbm>>) target(%arg7 : memref<80x128xi32, #tpu.memory_space<vmem>>) target_semaphore(%run_scoped3A : memref<!tpu.dma_semaphore, #tpu.memory_space<semaphore_mem>>)
      %dma_wait3A = arith.constant 0 : i32
      %dma_wait3A_16 = arith.constant 0 : i32
      %dma_wait3A_17 = tpu.memref_slice %arg3[%add3A, %dma_wait3A, %dma_wait3A_16] : memref<32x80x128xi32, #tpu.memory_space<hbm>> -> memref<1x80x128xi32, #tpu.memory_space<hbm>>
      %dma_wait3A_18 = tpu.memref_squeeze %dma_wait3A_17 : memref<1x80x128xi32, #tpu.memory_space<hbm>> -> memref<80x128xi32, #tpu.memory_space<hbm>>
      %dma_wait3A_19 = arith.constant 0 : i32
      %dma_wait3A_20 = arith.constant 0 : i32
      %dma_wait3A_21 = tpu.memref_slice %arg3[%add3A, %dma_wait3A_19, %dma_wait3A_20] : memref<32x80x128xi32, #tpu.memory_space<hbm>> -> memref<1x80x128xi32, #tpu.memory_space<hbm>>
      %dma_wait3A_22 = tpu.memref_squeeze %dma_wait3A_21 : memref<1x80x128xi32, #tpu.memory_space<hbm>> -> memref<80x128xi32, #tpu.memory_space<hbm>>
      tpu.wait_dma2 semaphore(%run_scoped3A : memref<!tpu.dma_semaphore, #tpu.memory_space<semaphore_mem>>) src(%dma_wait3A_22 : memref<80x128xi32, #tpu.memory_space<hbm>>) dst(%arg7 : memref<80x128xi32, #tpu.memory_space<vmem>>)
      tpu.yield
    }) : () -> ()
    "tpu.region"() ({
      %run_scoped3A = tpu.sem_alloc : memref<!tpu.dma_semaphore, #tpu.memory_space<semaphore_mem>>
      %dma_start3A = arith.constant 0 : i32
      %dma_start3A_9 = arith.constant 0 : i32
      %dma_start3A_10 = tpu.memref_slice %arg4[%add3A, %dma_start3A, %dma_start3A_9] : memref<32x80x128xi32, #tpu.memory_space<hbm>> -> memref<1x80x128xi32, #tpu.memory_space<hbm>>
      %dma_start3A_11 = tpu.memref_squeeze %dma_start3A_10 : memref<1x80x128xi32, #tpu.memory_space<hbm>> -> memref<80x128xi32, #tpu.memory_space<hbm>>
      %dma_start3A_12 = arith.constant 0 : i32
      %dma_start3A_13 = arith.constant 0 : i32
      %dma_start3A_14 = tpu.memref_slice %arg4[%add3A, %dma_start3A_12, %dma_start3A_13] : memref<32x80x128xi32, #tpu.memory_space<hbm>> -> memref<1x80x128xi32, #tpu.memory_space<hbm>>
      %dma_start3A_15 = tpu.memref_squeeze %dma_start3A_14 : memref<1x80x128xi32, #tpu.memory_space<hbm>> -> memref<80x128xi32, #tpu.memory_space<hbm>>
      tpu.enqueue_dma source(%dma_start3A_15 : memref<80x128xi32, #tpu.memory_space<hbm>>) target(%arg8 : memref<80x128xi32, #tpu.memory_space<vmem>>) target_semaphore(%run_scoped3A : memref<!tpu.dma_semaphore, #tpu.memory_space<semaphore_mem>>)
      %dma_wait3A = arith.constant 0 : i32
      %dma_wait3A_16 = arith.constant 0 : i32
      %dma_wait3A_17 = tpu.memref_slice %arg4[%add3A, %dma_wait3A, %dma_wait3A_16] : memref<32x80x128xi32, #tpu.memory_space<hbm>> -> memref<1x80x128xi32, #tpu.memory_space<hbm>>
      %dma_wait3A_18 = tpu.memref_squeeze %dma_wait3A_17 : memref<1x80x128xi32, #tpu.memory_space<hbm>> -> memref<80x128xi32, #tpu.memory_space<hbm>>
      %dma_wait3A_19 = arith.constant 0 : i32
      %dma_wait3A_20 = arith.constant 0 : i32
      %dma_wait3A_21 = tpu.memref_slice %arg4[%add3A, %dma_wait3A_19, %dma_wait3A_20] : memref<32x80x128xi32, #tpu.memory_space<hbm>> -> memref<1x80x128xi32, #tpu.memory_space<hbm>>
      %dma_wait3A_22 = tpu.memref_squeeze %dma_wait3A_21 : memref<1x80x128xi32, #tpu.memory_space<hbm>> -> memref<80x128xi32, #tpu.memory_space<hbm>>
      tpu.wait_dma2 semaphore(%run_scoped3A : memref<!tpu.dma_semaphore, #tpu.memory_space<semaphore_mem>>) src(%dma_wait3A_22 : memref<80x128xi32, #tpu.memory_space<hbm>>) dst(%arg8 : memref<80x128xi32, #tpu.memory_space<vmem>>)
      tpu.yield
    }) : () -> ()
    %barrier3A = arith.constant 0 : index
    tpu.barrier barrier_id(%barrier3A)
    %scan3A = arith.constant 0 : i32
    %scan3A_3 = arith.constant 0 : i32
    %scan3A_4 = arith.constant 10 : i32
    %scan3A_5 = arith.addi %scan3A_3, %scan3A_4 : i32
    %scan3A_6 = arith.constant 1 : i32
    scf.for %scan3A_9 = %scan3A_3 to %scan3A_5 step %scan3A_6  : i32 {
      %mul3A_10 = arith.constant 8 : i32
      %mul3A_11 = arith.muli %scan3A_9, %mul3A_10 : i32
      %add3A_12 = arith.constant 0 : i32
      %add3A_13 = arith.addi %mul3A_11, %add3A_12 : i32
      %dma_start3A = arith.constant 0 : i32
      %dma_start3A_14 = tpu.memref_slice %arg7[%add3A_13, %dma_start3A] : memref<80x128xi32, #tpu.memory_space<vmem>> -> memref<1x128xi32, #tpu.memory_space<vmem>>
      %dma_start3A_15 = tpu.memref_squeeze %dma_start3A_14 : memref<1x128xi32, #tpu.memory_space<vmem>> -> memref<128xi32, #tpu.memory_space<vmem>>
      %dma_start3A_16 = arith.constant 0 : i32
      %dma_start3A_17 = arith.constant 0 : i32
      %dma_start3A_18 = tpu.memref_slice %arg2[%dma_start3A_16, %dma_start3A_17] : memref<10240x64xf32, #tpu.memory_space<hbm>> -> memref<10240x64xf32, #tpu.memory_space<hbm>>
      tpu.enqueue_indirect_dma source(%dma_start3A_18 : memref<10240x64xf32, #tpu.memory_space<hbm>>) target(%arg9 : memref<128x64xf32, #tpu.memory_space<vmem>>) offsets(%dma_start3A_15 : memref<128xi32, #tpu.memory_space<vmem>>) semaphore(%arg18 : memref<!tpu.dma_semaphore, #tpu.memory_space<semaphore_mem>>)
      %add3A_19 = arith.constant 1 : i32
      %add3A_20 = arith.addi %mul3A_11, %add3A_19 : i32
      %dma_start3A_21 = arith.constant 0 : i32
      %dma_start3A_22 = tpu.memref_slice %arg7[%add3A_20, %dma_start3A_21] : memref<80x128xi32, #tpu.memory_space<vmem>> -> memref<1x128xi32, #tpu.memory_space<vmem>>
      %dma_start3A_23 = tpu.memref_squeeze %dma_start3A_22 : memref<1x128xi32, #tpu.memory_space<vmem>> -> memref<128xi32, #tpu.memory_space<vmem>>
      %dma_start3A_24 = arith.constant 0 : i32
      %dma_start3A_25 = arith.constant 0 : i32
      %dma_start3A_26 = tpu.memref_slice %arg2[%dma_start3A_24, %dma_start3A_25] : memref<10240x64xf32, #tpu.memory_space<hbm>> -> memref<10240x64xf32, #tpu.memory_space<hbm>>
      tpu.enqueue_indirect_dma source(%dma_start3A_26 : memref<10240x64xf32, #tpu.memory_space<hbm>>) target(%arg10 : memref<128x64xf32, #tpu.memory_space<vmem>>) offsets(%dma_start3A_23 : memref<128xi32, #tpu.memory_space<vmem>>) semaphore(%arg19 : memref<!tpu.dma_semaphore, #tpu.memory_space<semaphore_mem>>)
      %add3A_27 = arith.constant 2 : i32
      %add3A_28 = arith.addi %mul3A_11, %add3A_27 : i32
      %dma_start3A_29 = arith.constant 0 : i32
      %dma_start3A_30 = tpu.memref_slice %arg7[%add3A_28, %dma_start3A_29] : memref<80x128xi32, #tpu.memory_space<vmem>> -> memref<1x128xi32, #tpu.memory_space<vmem>>
      %dma_start3A_31 = tpu.memref_squeeze %dma_start3A_30 : memref<1x128xi32, #tpu.memory_space<vmem>> -> memref<128xi32, #tpu.memory_space<vmem>>
      %dma_start3A_32 = arith.constant 0 : i32
      %dma_start3A_33 = arith.constant 0 : i32
      %dma_start3A_34 = tpu.memref_slice %arg2[%dma_start3A_32, %dma_start3A_33] : memref<10240x64xf32, #tpu.memory_space<hbm>> -> memref<10240x64xf32, #tpu.memory_space<hbm>>
      tpu.enqueue_indirect_dma source(%dma_start3A_34 : memref<10240x64xf32, #tpu.memory_space<hbm>>) target(%arg11 : memref<128x64xf32, #tpu.memory_space<vmem>>) offsets(%dma_start3A_31 : memref<128xi32, #tpu.memory_space<vmem>>) semaphore(%arg20 : memref<!tpu.dma_semaphore, #tpu.memory_space<semaphore_mem>>)
      %add3A_35 = arith.constant 3 : i32
      %add3A_36 = arith.addi %mul3A_11, %add3A_35 : i32
      %dma_start3A_37 = arith.constant 0 : i32
      %dma_start3A_38 = tpu.memref_slice %arg7[%add3A_36, %dma_start3A_37] : memref<80x128xi32, #tpu.memory_space<vmem>> -> memref<1x128xi32, #tpu.memory_space<vmem>>
      %dma_start3A_39 = tpu.memref_squeeze %dma_start3A_38 : memref<1x128xi32, #tpu.memory_space<vmem>> -> memref<128xi32, #tpu.memory_space<vmem>>
      %dma_start3A_40 = arith.constant 0 : i32
      %dma_start3A_41 = arith.constant 0 : i32
      %dma_start3A_42 = tpu.memref_slice %arg2[%dma_start3A_40, %dma_start3A_41] : memref<10240x64xf32, #tpu.memory_space<hbm>> -> memref<10240x64xf32, #tpu.memory_space<hbm>>
      tpu.enqueue_indirect_dma source(%dma_start3A_42 : memref<10240x64xf32, #tpu.memory_space<hbm>>) target(%arg12 : memref<128x64xf32, #tpu.memory_space<vmem>>) offsets(%dma_start3A_39 : memref<128xi32, #tpu.memory_space<vmem>>) semaphore(%arg21 : memref<!tpu.dma_semaphore, #tpu.memory_space<semaphore_mem>>)
      %add3A_43 = arith.constant 4 : i32
      %add3A_44 = arith.addi %mul3A_11, %add3A_43 : i32
      %dma_start3A_45 = arith.constant 0 : i32
      %dma_start3A_46 = tpu.memref_slice %arg7[%add3A_44, %dma_start3A_45] : memref<80x128xi32, #tpu.memory_space<vmem>> -> memref<1x128xi32, #tpu.memory_space<vmem>>
      %dma_start3A_47 = tpu.memref_squeeze %dma_start3A_46 : memref<1x128xi32, #tpu.memory_space<vmem>> -> memref<128xi32, #tpu.memory_space<vmem>>
      %dma_start3A_48 = arith.constant 0 : i32
      %dma_start3A_49 = arith.constant 0 : i32
      %dma_start3A_50 = tpu.memref_slice %arg2[%dma_start3A_48, %dma_start3A_49] : memref<10240x64xf32, #tpu.memory_space<hbm>> -> memref<10240x64xf32, #tpu.memory_space<hbm>>
      tpu.enqueue_indirect_dma source(%dma_start3A_50 : memref<10240x64xf32, #tpu.memory_space<hbm>>) target(%arg13 : memref<128x64xf32, #tpu.memory_space<vmem>>) offsets(%dma_start3A_47 : memref<128xi32, #tpu.memory_space<vmem>>) semaphore(%arg22 : memref<!tpu.dma_semaphore, #tpu.memory_space<semaphore_mem>>)
      %add3A_51 = arith.constant 5 : i32
      %add3A_52 = arith.addi %mul3A_11, %add3A_51 : i32
      %dma_start3A_53 = arith.constant 0 : i32
      %dma_start3A_54 = tpu.memref_slice %arg7[%add3A_52, %dma_start3A_53] : memref<80x128xi32, #tpu.memory_space<vmem>> -> memref<1x128xi32, #tpu.memory_space<vmem>>
      %dma_start3A_55 = tpu.memref_squeeze %dma_start3A_54 : memref<1x128xi32, #tpu.memory_space<vmem>> -> memref<128xi32, #tpu.memory_space<vmem>>
      %dma_start3A_56 = arith.constant 0 : i32
      %dma_start3A_57 = arith.constant 0 : i32
      %dma_start3A_58 = tpu.memref_slice %arg2[%dma_start3A_56, %dma_start3A_57] : memref<10240x64xf32, #tpu.memory_space<hbm>> -> memref<10240x64xf32, #tpu.memory_space<hbm>>
      tpu.enqueue_indirect_dma source(%dma_start3A_58 : memref<10240x64xf32, #tpu.memory_space<hbm>>) target(%arg14 : memref<128x64xf32, #tpu.memory_space<vmem>>) offsets(%dma_start3A_55 : memref<128xi32, #tpu.memory_space<vmem>>) semaphore(%arg23 : memref<!tpu.dma_semaphore, #tpu.memory_space<semaphore_mem>>)
      %add3A_59 = arith.constant 6 : i32
      %add3A_60 = arith.addi %mul3A_11, %add3A_59 : i32
      %dma_start3A_61 = arith.constant 0 : i32
      %dma_start3A_62 = tpu.memref_slice %arg7[%add3A_60, %dma_start3A_61] : memref<80x128xi32, #tpu.memory_space<vmem>> -> memref<1x128xi32, #tpu.memory_space<vmem>>
      %dma_start3A_63 = tpu.memref_squeeze %dma_start3A_62 : memref<1x128xi32, #tpu.memory_space<vmem>> -> memref<128xi32, #tpu.memory_space<vmem>>
      %dma_start3A_64 = arith.constant 0 : i32
      %dma_start3A_65 = arith.constant 0 : i32
      %dma_start3A_66 = tpu.memref_slice %arg2[%dma_start3A_64, %dma_start3A_65] : memref<10240x64xf32, #tpu.memory_space<hbm>> -> memref<10240x64xf32, #tpu.memory_space<hbm>>
      tpu.enqueue_indirect_dma source(%dma_start3A_66 : memref<10240x64xf32, #tpu.memory_space<hbm>>) target(%arg15 : memref<128x64xf32, #tpu.memory_space<vmem>>) offsets(%dma_start3A_63 : memref<128xi32, #tpu.memory_space<vmem>>) semaphore(%arg24 : memref<!tpu.dma_semaphore, #tpu.memory_space<semaphore_mem>>)
      %add3A_67 = arith.constant 7 : i32
      %add3A_68 = arith.addi %mul3A_11, %add3A_67 : i32
      %dma_start3A_69 = arith.constant 0 : i32
      %dma_start3A_70 = tpu.memref_slice %arg7[%add3A_68, %dma_start3A_69] : memref<80x128xi32, #tpu.memory_space<vmem>> -> memref<1x128xi32, #tpu.memory_space<vmem>>
      %dma_start3A_71 = tpu.memref_squeeze %dma_start3A_70 : memref<1x128xi32, #tpu.memory_space<vmem>> -> memref<128xi32, #tpu.memory_space<vmem>>
      %dma_start3A_72 = arith.constant 0 : i32
      %dma_start3A_73 = arith.constant 0 : i32
      %dma_start3A_74 = tpu.memref_slice %arg2[%dma_start3A_72, %dma_start3A_73] : memref<10240x64xf32, #tpu.memory_space<hbm>> -> memref<10240x64xf32, #tpu.memory_space<hbm>>
      tpu.enqueue_indirect_dma source(%dma_start3A_74 : memref<10240x64xf32, #tpu.memory_space<hbm>>) target(%arg16 : memref<128x64xf32, #tpu.memory_space<vmem>>) offsets(%dma_start3A_71 : memref<128xi32, #tpu.memory_space<vmem>>) semaphore(%arg25 : memref<!tpu.dma_semaphore, #tpu.memory_space<semaphore_mem>>)
      %dma_wait3A = arith.constant 0 : i32
      %dma_wait3A_75 = tpu.memref_slice %arg7[%add3A_13, %dma_wait3A] : memref<80x128xi32, #tpu.memory_space<vmem>> -> memref<1x128xi32, #tpu.memory_space<vmem>>
      %dma_wait3A_76 = tpu.memref_squeeze %dma_wait3A_75 : memref<1x128xi32, #tpu.memory_space<vmem>> -> memref<128xi32, #tpu.memory_space<vmem>>
      %dma_wait3A_77 = arith.constant 0 : i32
      %dma_wait3A_78 = arith.constant 0 : i32
      %dma_wait3A_79 = tpu.memref_slice %arg2[%dma_wait3A_77, %dma_wait3A_78] : memref<10240x64xf32, #tpu.memory_space<hbm>> -> memref<10240x64xf32, #tpu.memory_space<hbm>>
      tpu.wait_indirect_dma semaphore(%arg18 : memref<!tpu.dma_semaphore, #tpu.memory_space<semaphore_mem>>) src(%dma_wait3A_79 : memref<10240x64xf32, #tpu.memory_space<hbm>>) dst(%arg9 : memref<128x64xf32, #tpu.memory_space<vmem>>)
      %add3A_80 = arith.constant 0 : i32
      %add3A_81 = arith.addi %mul3A_11, %add3A_80 : i32
      %dma_start3A_82 = arith.constant 0 : i32
      %dma_start3A_83 = tpu.memref_slice %arg8[%add3A_81, %dma_start3A_82] : memref<80x128xi32, #tpu.memory_space<vmem>> -> memref<1x128xi32, #tpu.memory_space<vmem>>
      %dma_start3A_84 = tpu.memref_squeeze %dma_start3A_83 : memref<1x128xi32, #tpu.memory_space<vmem>> -> memref<128xi32, #tpu.memory_space<vmem>>
      %dma_start3A_85 = arith.constant 0 : i32
      %dma_start3A_86 = arith.constant 0 : i32
      %dma_start3A_87 = tpu.memref_slice %arg17[%dma_start3A_85, %dma_start3A_86] : memref<10240x64xf32, #tpu.memory_space<vmem_shared>> -> memref<10240x64xf32, #tpu.memory_space<vmem_shared>>
      tpu.enqueue_indirect_dma source(%arg9 : memref<128x64xf32, #tpu.memory_space<vmem>>) target(%dma_start3A_87 : memref<10240x64xf32, #tpu.memory_space<vmem_shared>>) offsets(%dma_start3A_84 : memref<128xi32, #tpu.memory_space<vmem>>) semaphore(%arg26 : memref<!tpu.dma_semaphore, #tpu.memory_space<semaphore_mem>>) {add = true}
      %dma_wait3A_88 = arith.constant 0 : i32
      %dma_wait3A_89 = tpu.memref_slice %arg7[%add3A_20, %dma_wait3A_88] : memref<80x128xi32, #tpu.memory_space<vmem>> -> memref<1x128xi32, #tpu.memory_space<vmem>>
      %dma_wait3A_90 = tpu.memref_squeeze %dma_wait3A_89 : memref<1x128xi32, #tpu.memory_space<vmem>> -> memref<128xi32, #tpu.memory_space<vmem>>
      %dma_wait3A_91 = arith.constant 0 : i32
      %dma_wait3A_92 = arith.constant 0 : i32
      %dma_wait3A_93 = tpu.memref_slice %arg2[%dma_wait3A_91, %dma_wait3A_92] : memref<10240x64xf32, #tpu.memory_space<hbm>> -> memref<10240x64xf32, #tpu.memory_space<hbm>>
      tpu.wait_indirect_dma semaphore(%arg19 : memref<!tpu.dma_semaphore, #tpu.memory_space<semaphore_mem>>) src(%dma_wait3A_93 : memref<10240x64xf32, #tpu.memory_space<hbm>>) dst(%arg10 : memref<128x64xf32, #tpu.memory_space<vmem>>)
      %add3A_94 = arith.constant 1 : i32
      %add3A_95 = arith.addi %mul3A_11, %add3A_94 : i32
      %dma_start3A_96 = arith.constant 0 : i32
      %dma_start3A_97 = tpu.memref_slice %arg8[%add3A_95, %dma_start3A_96] : memref<80x128xi32, #tpu.memory_space<vmem>> -> memref<1x128xi32, #tpu.memory_space<vmem>>
      %dma_start3A_98 = tpu.memref_squeeze %dma_start3A_97 : memref<1x128xi32, #tpu.memory_space<vmem>> -> memref<128xi32, #tpu.memory_space<vmem>>
      %dma_start3A_99 = arith.constant 0 : i32
      %dma_start3A_100 = arith.constant 0 : i32
      %dma_start3A_101 = tpu.memref_slice %arg17[%dma_start3A_99, %dma_start3A_100] : memref<10240x64xf32, #tpu.memory_space<vmem_shared>> -> memref<10240x64xf32, #tpu.memory_space<vmem_shared>>
      tpu.enqueue_indirect_dma source(%arg10 : memref<128x64xf32, #tpu.memory_space<vmem>>) target(%dma_start3A_101 : memref<10240x64xf32, #tpu.memory_space<vmem_shared>>) offsets(%dma_start3A_98 : memref<128xi32, #tpu.memory_space<vmem>>) semaphore(%arg27 : memref<!tpu.dma_semaphore, #tpu.memory_space<semaphore_mem>>) {add = true}
      %dma_wait3A_102 = arith.constant 0 : i32
      %dma_wait3A_103 = tpu.memref_slice %arg7[%add3A_28, %dma_wait3A_102] : memref<80x128xi32, #tpu.memory_space<vmem>> -> memref<1x128xi32, #tpu.memory_space<vmem>>
      %dma_wait3A_104 = tpu.memref_squeeze %dma_wait3A_103 : memref<1x128xi32, #tpu.memory_space<vmem>> -> memref<128xi32, #tpu.memory_space<vmem>>
      %dma_wait3A_105 = arith.constant 0 : i32
      %dma_wait3A_106 = arith.constant 0 : i32
      %dma_wait3A_107 = tpu.memref_slice %arg2[%dma_wait3A_105, %dma_wait3A_106] : memref<10240x64xf32, #tpu.memory_space<hbm>> -> memref<10240x64xf32, #tpu.memory_space<hbm>>
      tpu.wait_indirect_dma semaphore(%arg20 : memref<!tpu.dma_semaphore, #tpu.memory_space<semaphore_mem>>) src(%dma_wait3A_107 : memref<10240x64xf32, #tpu.memory_space<hbm>>) dst(%arg11 : memref<128x64xf32, #tpu.memory_space<vmem>>)
      %add3A_108 = arith.constant 2 : i32
      %add3A_109 = arith.addi %mul3A_11, %add3A_108 : i32
      %dma_start3A_110 = arith.constant 0 : i32
      %dma_start3A_111 = tpu.memref_slice %arg8[%add3A_109, %dma_start3A_110] : memref<80x128xi32, #tpu.memory_space<vmem>> -> memref<1x128xi32, #tpu.memory_space<vmem>>
      %dma_start3A_112 = tpu.memref_squeeze %dma_start3A_111 : memref<1x128xi32, #tpu.memory_space<vmem>> -> memref<128xi32, #tpu.memory_space<vmem>>
      %dma_start3A_113 = arith.constant 0 : i32
      %dma_start3A_114 = arith.constant 0 : i32
      %dma_start3A_115 = tpu.memref_slice %arg17[%dma_start3A_113, %dma_start3A_114] : memref<10240x64xf32, #tpu.memory_space<vmem_shared>> -> memref<10240x64xf32, #tpu.memory_space<vmem_shared>>
      tpu.enqueue_indirect_dma source(%arg11 : memref<128x64xf32, #tpu.memory_space<vmem>>) target(%dma_start3A_115 : memref<10240x64xf32, #tpu.memory_space<vmem_shared>>) offsets(%dma_start3A_112 : memref<128xi32, #tpu.memory_space<vmem>>) semaphore(%arg28 : memref<!tpu.dma_semaphore, #tpu.memory_space<semaphore_mem>>) {add = true}
      %dma_wait3A_116 = arith.constant 0 : i32
      %dma_wait3A_117 = tpu.memref_slice %arg7[%add3A_36, %dma_wait3A_116] : memref<80x128xi32, #tpu.memory_space<vmem>> -> memref<1x128xi32, #tpu.memory_space<vmem>>
      %dma_wait3A_118 = tpu.memref_squeeze %dma_wait3A_117 : memref<1x128xi32, #tpu.memory_space<vmem>> -> memref<128xi32, #tpu.memory_space<vmem>>
      %dma_wait3A_119 = arith.constant 0 : i32
      %dma_wait3A_120 = arith.constant 0 : i32
      %dma_wait3A_121 = tpu.memref_slice %arg2[%dma_wait3A_119, %dma_wait3A_120] : memref<10240x64xf32, #tpu.memory_space<hbm>> -> memref<10240x64xf32, #tpu.memory_space<hbm>>
      tpu.wait_indirect_dma semaphore(%arg21 : memref<!tpu.dma_semaphore, #tpu.memory_space<semaphore_mem>>) src(%dma_wait3A_121 : memref<10240x64xf32, #tpu.memory_space<hbm>>) dst(%arg12 : memref<128x64xf32, #tpu.memory_space<vmem>>)
      %add3A_122 = arith.constant 3 : i32
      %add3A_123 = arith.addi %mul3A_11, %add3A_122 : i32
      %dma_start3A_124 = arith.constant 0 : i32
      %dma_start3A_125 = tpu.memref_slice %arg8[%add3A_123, %dma_start3A_124] : memref<80x128xi32, #tpu.memory_space<vmem>> -> memref<1x128xi32, #tpu.memory_space<vmem>>
      %dma_start3A_126 = tpu.memref_squeeze %dma_start3A_125 : memref<1x128xi32, #tpu.memory_space<vmem>> -> memref<128xi32, #tpu.memory_space<vmem>>
      %dma_start3A_127 = arith.constant 0 : i32
      %dma_start3A_128 = arith.constant 0 : i32
      %dma_start3A_129 = tpu.memref_slice %arg17[%dma_start3A_127, %dma_start3A_128] : memref<10240x64xf32, #tpu.memory_space<vmem_shared>> -> memref<10240x64xf32, #tpu.memory_space<vmem_shared>>
      tpu.enqueue_indirect_dma source(%arg12 : memref<128x64xf32, #tpu.memory_space<vmem>>) target(%dma_start3A_129 : memref<10240x64xf32, #tpu.memory_space<vmem_shared>>) offsets(%dma_start3A_126 : memref<128xi32, #tpu.memory_space<vmem>>) semaphore(%arg29 : memref<!tpu.dma_semaphore, #tpu.memory_space<semaphore_mem>>) {add = true}
      %dma_wait3A_130 = arith.constant 0 : i32
      %dma_wait3A_131 = tpu.memref_slice %arg7[%add3A_44, %dma_wait3A_130] : memref<80x128xi32, #tpu.memory_space<vmem>> -> memref<1x128xi32, #tpu.memory_space<vmem>>
      %dma_wait3A_132 = tpu.memref_squeeze %dma_wait3A_131 : memref<1x128xi32, #tpu.memory_space<vmem>> -> memref<128xi32, #tpu.memory_space<vmem>>
      %dma_wait3A_133 = arith.constant 0 : i32
      %dma_wait3A_134 = arith.constant 0 : i32
      %dma_wait3A_135 = tpu.memref_slice %arg2[%dma_wait3A_133, %dma_wait3A_134] : memref<10240x64xf32, #tpu.memory_space<hbm>> -> memref<10240x64xf32, #tpu.memory_space<hbm>>
      tpu.wait_indirect_dma semaphore(%arg22 : memref<!tpu.dma_semaphore, #tpu.memory_space<semaphore_mem>>) src(%dma_wait3A_135 : memref<10240x64xf32, #tpu.memory_space<hbm>>) dst(%arg13 : memref<128x64xf32, #tpu.memory_space<vmem>>)
      %add3A_136 = arith.constant 4 : i32
      %add3A_137 = arith.addi %mul3A_11, %add3A_136 : i32
      %dma_start3A_138 = arith.constant 0 : i32
      %dma_start3A_139 = tpu.memref_slice %arg8[%add3A_137, %dma_start3A_138] : memref<80x128xi32, #tpu.memory_space<vmem>> -> memref<1x128xi32, #tpu.memory_space<vmem>>
      %dma_start3A_140 = tpu.memref_squeeze %dma_start3A_139 : memref<1x128xi32, #tpu.memory_space<vmem>> -> memref<128xi32, #tpu.memory_space<vmem>>
      %dma_start3A_141 = arith.constant 0 : i32
      %dma_start3A_142 = arith.constant 0 : i32
      %dma_start3A_143 = tpu.memref_slice %arg17[%dma_start3A_141, %dma_start3A_142] : memref<10240x64xf32, #tpu.memory_space<vmem_shared>> -> memref<10240x64xf32, #tpu.memory_space<vmem_shared>>
      tpu.enqueue_indirect_dma source(%arg13 : memref<128x64xf32, #tpu.memory_space<vmem>>) target(%dma_start3A_143 : memref<10240x64xf32, #tpu.memory_space<vmem_shared>>) offsets(%dma_start3A_140 : memref<128xi32, #tpu.memory_space<vmem>>) semaphore(%arg30 : memref<!tpu.dma_semaphore, #tpu.memory_space<semaphore_mem>>) {add = true}
      %dma_wait3A_144 = arith.constant 0 : i32
      %dma_wait3A_145 = tpu.memref_slice %arg7[%add3A_52, %dma_wait3A_144] : memref<80x128xi32, #tpu.memory_space<vmem>> -> memref<1x128xi32, #tpu.memory_space<vmem>>
      %dma_wait3A_146 = tpu.memref_squeeze %dma_wait3A_145 : memref<1x128xi32, #tpu.memory_space<vmem>> -> memref<128xi32, #tpu.memory_space<vmem>>
      %dma_wait3A_147 = arith.constant 0 : i32
      %dma_wait3A_148 = arith.constant 0 : i32
      %dma_wait3A_149 = tpu.memref_slice %arg2[%dma_wait3A_147, %dma_wait3A_148] : memref<10240x64xf32, #tpu.memory_space<hbm>> -> memref<10240x64xf32, #tpu.memory_space<hbm>>
      tpu.wait_indirect_dma semaphore(%arg23 : memref<!tpu.dma_semaphore, #tpu.memory_space<semaphore_mem>>) src(%dma_wait3A_149 : memref<10240x64xf32, #tpu.memory_space<hbm>>) dst(%arg14 : memref<128x64xf32, #tpu.memory_space<vmem>>)
      %add3A_150 = arith.constant 5 : i32
      %add3A_151 = arith.addi %mul3A_11, %add3A_150 : i32
      %dma_start3A_152 = arith.constant 0 : i32
      %dma_start3A_153 = tpu.memref_slice %arg8[%add3A_151, %dma_start3A_152] : memref<80x128xi32, #tpu.memory_space<vmem>> -> memref<1x128xi32, #tpu.memory_space<vmem>>
      %dma_start3A_154 = tpu.memref_squeeze %dma_start3A_153 : memref<1x128xi32, #tpu.memory_space<vmem>> -> memref<128xi32, #tpu.memory_space<vmem>>
      %dma_start3A_155 = arith.constant 0 : i32
      %dma_start3A_156 = arith.constant 0 : i32
      %dma_start3A_157 = tpu.memref_slice %arg17[%dma_start3A_155, %dma_start3A_156] : memref<10240x64xf32, #tpu.memory_space<vmem_shared>> -> memref<10240x64xf32, #tpu.memory_space<vmem_shared>>
      tpu.enqueue_indirect_dma source(%arg14 : memref<128x64xf32, #tpu.memory_space<vmem>>) target(%dma_start3A_157 : memref<10240x64xf32, #tpu.memory_space<vmem_shared>>) offsets(%dma_start3A_154 : memref<128xi32, #tpu.memory_space<vmem>>) semaphore(%arg31 : memref<!tpu.dma_semaphore, #tpu.memory_space<semaphore_mem>>) {add = true}
      %dma_wait3A_158 = arith.constant 0 : i32
      %dma_wait3A_159 = tpu.memref_slice %arg7[%add3A_60, %dma_wait3A_158] : memref<80x128xi32, #tpu.memory_space<vmem>> -> memref<1x128xi32, #tpu.memory_space<vmem>>
      %dma_wait3A_160 = tpu.memref_squeeze %dma_wait3A_159 : memref<1x128xi32, #tpu.memory_space<vmem>> -> memref<128xi32, #tpu.memory_space<vmem>>
      %dma_wait3A_161 = arith.constant 0 : i32
      %dma_wait3A_162 = arith.constant 0 : i32
      %dma_wait3A_163 = tpu.memref_slice %arg2[%dma_wait3A_161, %dma_wait3A_162] : memref<10240x64xf32, #tpu.memory_space<hbm>> -> memref<10240x64xf32, #tpu.memory_space<hbm>>
      tpu.wait_indirect_dma semaphore(%arg24 : memref<!tpu.dma_semaphore, #tpu.memory_space<semaphore_mem>>) src(%dma_wait3A_163 : memref<10240x64xf32, #tpu.memory_space<hbm>>) dst(%arg15 : memref<128x64xf32, #tpu.memory_space<vmem>>)
      %add3A_164 = arith.constant 6 : i32
      %add3A_165 = arith.addi %mul3A_11, %add3A_164 : i32
      %dma_start3A_166 = arith.constant 0 : i32
      %dma_start3A_167 = tpu.memref_slice %arg8[%add3A_165, %dma_start3A_166] : memref<80x128xi32, #tpu.memory_space<vmem>> -> memref<1x128xi32, #tpu.memory_space<vmem>>
      %dma_start3A_168 = tpu.memref_squeeze %dma_start3A_167 : memref<1x128xi32, #tpu.memory_space<vmem>> -> memref<128xi32, #tpu.memory_space<vmem>>
      %dma_start3A_169 = arith.constant 0 : i32
      %dma_start3A_170 = arith.constant 0 : i32
      %dma_start3A_171 = tpu.memref_slice %arg17[%dma_start3A_169, %dma_start3A_170] : memref<10240x64xf32, #tpu.memory_space<vmem_shared>> -> memref<10240x64xf32, #tpu.memory_space<vmem_shared>>
      tpu.enqueue_indirect_dma source(%arg15 : memref<128x64xf32, #tpu.memory_space<vmem>>) target(%dma_start3A_171 : memref<10240x64xf32, #tpu.memory_space<vmem_shared>>) offsets(%dma_start3A_168 : memref<128xi32, #tpu.memory_space<vmem>>) semaphore(%arg32 : memref<!tpu.dma_semaphore, #tpu.memory_space<semaphore_mem>>) {add = true}
      %dma_wait3A_172 = arith.constant 0 : i32
      %dma_wait3A_173 = tpu.memref_slice %arg7[%add3A_68, %dma_wait3A_172] : memref<80x128xi32, #tpu.memory_space<vmem>> -> memref<1x128xi32, #tpu.memory_space<vmem>>
      %dma_wait3A_174 = tpu.memref_squeeze %dma_wait3A_173 : memref<1x128xi32, #tpu.memory_space<vmem>> -> memref<128xi32, #tpu.memory_space<vmem>>
      %dma_wait3A_175 = arith.constant 0 : i32
      %dma_wait3A_176 = arith.constant 0 : i32
      %dma_wait3A_177 = tpu.memref_slice %arg2[%dma_wait3A_175, %dma_wait3A_176] : memref<10240x64xf32, #tpu.memory_space<hbm>> -> memref<10240x64xf32, #tpu.memory_space<hbm>>
      tpu.wait_indirect_dma semaphore(%arg25 : memref<!tpu.dma_semaphore, #tpu.memory_space<semaphore_mem>>) src(%dma_wait3A_177 : memref<10240x64xf32, #tpu.memory_space<hbm>>) dst(%arg16 : memref<128x64xf32, #tpu.memory_space<vmem>>)
      %add3A_178 = arith.constant 7 : i32
      %add3A_179 = arith.addi %mul3A_11, %add3A_178 : i32
      %dma_start3A_180 = arith.constant 0 : i32
      %dma_start3A_181 = tpu.memref_slice %arg8[%add3A_179, %dma_start3A_180] : memref<80x128xi32, #tpu.memory_space<vmem>> -> memref<1x128xi32, #tpu.memory_space<vmem>>
      %dma_start3A_182 = tpu.memref_squeeze %dma_start3A_181 : memref<1x128xi32, #tpu.memory_space<vmem>> -> memref<128xi32, #tpu.memory_space<vmem>>
      %dma_start3A_183 = arith.constant 0 : i32
      %dma_start3A_184 = arith.constant 0 : i32
      %dma_start3A_185 = tpu.memref_slice %arg17[%dma_start3A_183, %dma_start3A_184] : memref<10240x64xf32, #tpu.memory_space<vmem_shared>> -> memref<10240x64xf32, #tpu.memory_space<vmem_shared>>
      tpu.enqueue_indirect_dma source(%arg16 : memref<128x64xf32, #tpu.memory_space<vmem>>) target(%dma_start3A_185 : memref<10240x64xf32, #tpu.memory_space<vmem_shared>>) offsets(%dma_start3A_182 : memref<128xi32, #tpu.memory_space<vmem>>) semaphore(%arg33 : memref<!tpu.dma_semaphore, #tpu.memory_space<semaphore_mem>>) {add = true}
      %dma_wait3A_186 = arith.constant 0 : i32
      %dma_wait3A_187 = tpu.memref_slice %arg8[%add3A_81, %dma_wait3A_186] : memref<80x128xi32, #tpu.memory_space<vmem>> -> memref<1x128xi32, #tpu.memory_space<vmem>>
      %dma_wait3A_188 = tpu.memref_squeeze %dma_wait3A_187 : memref<1x128xi32, #tpu.memory_space<vmem>> -> memref<128xi32, #tpu.memory_space<vmem>>
      %dma_wait3A_189 = arith.constant 0 : i32
      %dma_wait3A_190 = arith.constant 0 : i32
      %dma_wait3A_191 = tpu.memref_slice %arg17[%dma_wait3A_189, %dma_wait3A_190] : memref<10240x64xf32, #tpu.memory_space<vmem_shared>> -> memref<10240x64xf32, #tpu.memory_space<vmem_shared>>
      tpu.wait_indirect_dma semaphore(%arg26 : memref<!tpu.dma_semaphore, #tpu.memory_space<semaphore_mem>>) src(%arg9 : memref<128x64xf32, #tpu.memory_space<vmem>>) dst(%dma_wait3A_191 : memref<10240x64xf32, #tpu.memory_space<vmem_shared>>)
      %dma_wait3A_192 = arith.constant 0 : i32
      %dma_wait3A_193 = tpu.memref_slice %arg8[%add3A_95, %dma_wait3A_192] : memref<80x128xi32, #tpu.memory_space<vmem>> -> memref<1x128xi32, #tpu.memory_space<vmem>>
      %dma_wait3A_194 = tpu.memref_squeeze %dma_wait3A_193 : memref<1x128xi32, #tpu.memory_space<vmem>> -> memref<128xi32, #tpu.memory_space<vmem>>
      %dma_wait3A_195 = arith.constant 0 : i32
      %dma_wait3A_196 = arith.constant 0 : i32
      %dma_wait3A_197 = tpu.memref_slice %arg17[%dma_wait3A_195, %dma_wait3A_196] : memref<10240x64xf32, #tpu.memory_space<vmem_shared>> -> memref<10240x64xf32, #tpu.memory_space<vmem_shared>>
      tpu.wait_indirect_dma semaphore(%arg27 : memref<!tpu.dma_semaphore, #tpu.memory_space<semaphore_mem>>) src(%arg10 : memref<128x64xf32, #tpu.memory_space<vmem>>) dst(%dma_wait3A_197 : memref<10240x64xf32, #tpu.memory_space<vmem_shared>>)
      %dma_wait3A_198 = arith.constant 0 : i32
      %dma_wait3A_199 = tpu.memref_slice %arg8[%add3A_109, %dma_wait3A_198] : memref<80x128xi32, #tpu.memory_space<vmem>> -> memref<1x128xi32, #tpu.memory_space<vmem>>
      %dma_wait3A_200 = tpu.memref_squeeze %dma_wait3A_199 : memref<1x128xi32, #tpu.memory_space<vmem>> -> memref<128xi32, #tpu.memory_space<vmem>>
      %dma_wait3A_201 = arith.constant 0 : i32
      %dma_wait3A_202 = arith.constant 0 : i32
      %dma_wait3A_203 = tpu.memref_slice %arg17[%dma_wait3A_201, %dma_wait3A_202] : memref<10240x64xf32, #tpu.memory_space<vmem_shared>> -> memref<10240x64xf32, #tpu.memory_space<vmem_shared>>
      tpu.wait_indirect_dma semaphore(%arg28 : memref<!tpu.dma_semaphore, #tpu.memory_space<semaphore_mem>>) src(%arg11 : memref<128x64xf32, #tpu.memory_space<vmem>>) dst(%dma_wait3A_203 : memref<10240x64xf32, #tpu.memory_space<vmem_shared>>)
      %dma_wait3A_204 = arith.constant 0 : i32
      %dma_wait3A_205 = tpu.memref_slice %arg8[%add3A_123, %dma_wait3A_204] : memref<80x128xi32, #tpu.memory_space<vmem>> -> memref<1x128xi32, #tpu.memory_space<vmem>>
      %dma_wait3A_206 = tpu.memref_squeeze %dma_wait3A_205 : memref<1x128xi32, #tpu.memory_space<vmem>> -> memref<128xi32, #tpu.memory_space<vmem>>
      %dma_wait3A_207 = arith.constant 0 : i32
      %dma_wait3A_208 = arith.constant 0 : i32
      %dma_wait3A_209 = tpu.memref_slice %arg17[%dma_wait3A_207, %dma_wait3A_208] : memref<10240x64xf32, #tpu.memory_space<vmem_shared>> -> memref<10240x64xf32, #tpu.memory_space<vmem_shared>>
      tpu.wait_indirect_dma semaphore(%arg29 : memref<!tpu.dma_semaphore, #tpu.memory_space<semaphore_mem>>) src(%arg12 : memref<128x64xf32, #tpu.memory_space<vmem>>) dst(%dma_wait3A_209 : memref<10240x64xf32, #tpu.memory_space<vmem_shared>>)
      %dma_wait3A_210 = arith.constant 0 : i32
      %dma_wait3A_211 = tpu.memref_slice %arg8[%add3A_137, %dma_wait3A_210] : memref<80x128xi32, #tpu.memory_space<vmem>> -> memref<1x128xi32, #tpu.memory_space<vmem>>
      %dma_wait3A_212 = tpu.memref_squeeze %dma_wait3A_211 : memref<1x128xi32, #tpu.memory_space<vmem>> -> memref<128xi32, #tpu.memory_space<vmem>>
      %dma_wait3A_213 = arith.constant 0 : i32
      %dma_wait3A_214 = arith.constant 0 : i32
      %dma_wait3A_215 = tpu.memref_slice %arg17[%dma_wait3A_213, %dma_wait3A_214] : memref<10240x64xf32, #tpu.memory_space<vmem_shared>> -> memref<10240x64xf32, #tpu.memory_space<vmem_shared>>
      tpu.wait_indirect_dma semaphore(%arg30 : memref<!tpu.dma_semaphore, #tpu.memory_space<semaphore_mem>>) src(%arg13 : memref<128x64xf32, #tpu.memory_space<vmem>>) dst(%dma_wait3A_215 : memref<10240x64xf32, #tpu.memory_space<vmem_shared>>)
      %dma_wait3A_216 = arith.constant 0 : i32
      %dma_wait3A_217 = tpu.memref_slice %arg8[%add3A_151, %dma_wait3A_216] : memref<80x128xi32, #tpu.memory_space<vmem>> -> memref<1x128xi32, #tpu.memory_space<vmem>>
      %dma_wait3A_218 = tpu.memref_squeeze %dma_wait3A_217 : memref<1x128xi32, #tpu.memory_space<vmem>> -> memref<128xi32, #tpu.memory_space<vmem>>
      %dma_wait3A_219 = arith.constant 0 : i32
      %dma_wait3A_220 = arith.constant 0 : i32
      %dma_wait3A_221 = tpu.memref_slice %arg17[%dma_wait3A_219, %dma_wait3A_220] : memref<10240x64xf32, #tpu.memory_space<vmem_shared>> -> memref<10240x64xf32, #tpu.memory_space<vmem_shared>>
      tpu.wait_indirect_dma semaphore(%arg31 : memref<!tpu.dma_semaphore, #tpu.memory_space<semaphore_mem>>) src(%arg14 : memref<128x64xf32, #tpu.memory_space<vmem>>) dst(%dma_wait3A_221 : memref<10240x64xf32, #tpu.memory_space<vmem_shared>>)
      %dma_wait3A_222 = arith.constant 0 : i32
      %dma_wait3A_223 = tpu.memref_slice %arg8[%add3A_165, %dma_wait3A_222] : memref<80x128xi32, #tpu.memory_space<vmem>> -> memref<1x128xi32, #tpu.memory_space<vmem>>
      %dma_wait3A_224 = tpu.memref_squeeze %dma_wait3A_223 : memref<1x128xi32, #tpu.memory_space<vmem>> -> memref<128xi32, #tpu.memory_space<vmem>>
      %dma_wait3A_225 = arith.constant 0 : i32
      %dma_wait3A_226 = arith.constant 0 : i32
      %dma_wait3A_227 = tpu.memref_slice %arg17[%dma_wait3A_225, %dma_wait3A_226] : memref<10240x64xf32, #tpu.memory_space<vmem_shared>> -> memref<10240x64xf32, #tpu.memory_space<vmem_shared>>
      tpu.wait_indirect_dma semaphore(%arg32 : memref<!tpu.dma_semaphore, #tpu.memory_space<semaphore_mem>>) src(%arg15 : memref<128x64xf32, #tpu.memory_space<vmem>>) dst(%dma_wait3A_227 : memref<10240x64xf32, #tpu.memory_space<vmem_shared>>)
      %dma_wait3A_228 = arith.constant 0 : i32
      %dma_wait3A_229 = tpu.memref_slice %arg8[%add3A_179, %dma_wait3A_228] : memref<80x128xi32, #tpu.memory_space<vmem>> -> memref<1x128xi32, #tpu.memory_space<vmem>>
      %dma_wait3A_230 = tpu.memref_squeeze %dma_wait3A_229 : memref<1x128xi32, #tpu.memory_space<vmem>> -> memref<128xi32, #tpu.memory_space<vmem>>
      %dma_wait3A_231 = arith.constant 0 : i32
      %dma_wait3A_232 = arith.constant 0 : i32
      %dma_wait3A_233 = tpu.memref_slice %arg17[%dma_wait3A_231, %dma_wait3A_232] : memref<10240x64xf32, #tpu.memory_space<vmem_shared>> -> memref<10240x64xf32, #tpu.memory_space<vmem_shared>>
      tpu.wait_indirect_dma semaphore(%arg33 : memref<!tpu.dma_semaphore, #tpu.memory_space<semaphore_mem>>) src(%arg16 : memref<128x64xf32, #tpu.memory_space<vmem>>) dst(%dma_wait3A_233 : memref<10240x64xf32, #tpu.memory_space<vmem_shared>>)
    }
    %scan3A_7 = arith.constant 10 : i32
    %barrier3A_8 = arith.constant 0 : index
    tpu.barrier barrier_id(%barrier3A_8)
    "tpu.region"() ({
      %run_scoped3A = tpu.sem_alloc : memref<!tpu.dma_semaphore, #tpu.memory_space<semaphore_mem>>
      %dma_start3A = arith.constant 0 : i32
      %dma_start3A_9 = arith.constant 0 : i32
      %dma_start3A_10 = tpu.memref_slice %arg6[%arg0, %dma_start3A, %dma_start3A_9] : memref<2x10240x64xf32, #tpu.memory_space<hbm>> -> memref<1x10240x64xf32, #tpu.memory_space<hbm>>
      %dma_start3A_11 = tpu.memref_squeeze %dma_start3A_10 : memref<1x10240x64xf32, #tpu.memory_space<hbm>> -> memref<10240x64xf32, #tpu.memory_space<hbm>>
      %dma_start3A_12 = arith.constant 0 : i32
      %dma_start3A_13 = tpu.memref_slice %dma_start3A_11[%mul3A_2, %dma_start3A_12] : memref<10240x64xf32, #tpu.memory_space<hbm>> -> memref<640x64xf32, #tpu.memory_space<hbm>>
      %dma_start3A_14 = arith.constant 0 : i32
      %dma_start3A_15 = tpu.memref_slice %arg17[%mul3A_2, %dma_start3A_14] : memref<10240x64xf32, #tpu.memory_space<vmem_shared>> -> memref<640x64xf32, #tpu.memory_space<vmem_shared>>
      tpu.enqueue_dma source(%dma_start3A_15 : memref<640x64xf32, #tpu.memory_space<vmem_shared>>) target(%dma_start3A_13 : memref<640x64xf32, #tpu.memory_space<hbm>>) target_semaphore(%run_scoped3A : memref<!tpu.dma_semaphore, #tpu.memory_space<semaphore_mem>>)
      %dma_wait3A = arith.constant 0 : i32
      %dma_wait3A_16 = arith.constant 0 : i32
      %dma_wait3A_17 = tpu.memref_slice %arg6[%arg0, %dma_wait3A, %dma_wait3A_16] : memref<2x10240x64xf32, #tpu.memory_space<hbm>> -> memref<1x10240x64xf32, #tpu.memory_space<hbm>>
      %dma_wait3A_18 = tpu.memref_squeeze %dma_wait3A_17 : memref<1x10240x64xf32, #tpu.memory_space<hbm>> -> memref<10240x64xf32, #tpu.memory_space<hbm>>
      %dma_wait3A_19 = arith.constant 0 : i32
      %dma_wait3A_20 = tpu.memref_slice %dma_wait3A_18[%mul3A_2, %dma_wait3A_19] : memref<10240x64xf32, #tpu.memory_space<hbm>> -> memref<640x64xf32, #tpu.memory_space<hbm>>
      %dma_wait3A_21 = arith.constant 0 : i32
      %dma_wait3A_22 = tpu.memref_slice %arg17[%mul3A_2, %dma_wait3A_21] : memref<10240x64xf32, #tpu.memory_space<vmem_shared>> -> memref<640x64xf32, #tpu.memory_space<vmem_shared>>
      tpu.wait_dma2 semaphore(%run_scoped3A : memref<!tpu.dma_semaphore, #tpu.memory_space<semaphore_mem>>) src(%dma_wait3A_22 : memref<640x64xf32, #tpu.memory_space<vmem_shared>>) dst(%dma_wait3A_20 : memref<640x64xf32, #tpu.memory_space<hbm>>)
      tpu.yield
    }) : () -> ()
    return
  }
}

#map = affine_map<(d0, d1) -> (0, 0)>
#map1 = affine_map<(d0, d1) -> (0, 0, 0)>
module attributes {stable_mosaic.version = 14 : i64} {
  func.func @seg16(%arg0: i32, %arg1: i32, %arg2: memref<10240x64xf32, #tpu.memory_space<hbm>>, %arg3: memref<32x80x128xi32, #tpu.memory_space<hbm>>, %arg4: memref<32x80x128xi32, #tpu.memory_space<hbm>>, %arg5: memref<10240x64xf32, #tpu.memory_space<hbm>>, %arg6: memref<2x10240x64xf32, #tpu.memory_space<hbm>>, %arg7: memref<80x128xi32, #tpu.memory_space<vmem>>, %arg8: memref<80x128xi32, #tpu.memory_space<vmem>>, %arg9: memref<128x64xf32, #tpu.memory_space<vmem>>, %arg10: memref<128x64xf32, #tpu.memory_space<vmem>>, %arg11: memref<128x64xf32, #tpu.memory_space<vmem>>, %arg12: memref<128x64xf32, #tpu.memory_space<vmem>>, %arg13: memref<128x64xf32, #tpu.memory_space<vmem>>, %arg14: memref<128x64xf32, #tpu.memory_space<vmem>>, %arg15: memref<128x64xf32, #tpu.memory_space<vmem>>, %arg16: memref<128x64xf32, #tpu.memory_space<vmem>>, %arg17: memref<10240x64xf32, #tpu.memory_space<vmem_shared>>, %arg18: memref<!tpu.dma_semaphore, #tpu.memory_space<semaphore_mem>>, %arg19: memref<!tpu.dma_semaphore, #tpu.memory_space<semaphore_mem>>, %arg20: memref<!tpu.dma_semaphore, #tpu.memory_space<semaphore_mem>>, %arg21: memref<!tpu.dma_semaphore, #tpu.memory_space<semaphore_mem>>, %arg22: memref<!tpu.dma_semaphore, #tpu.memory_space<semaphore_mem>>, %arg23: memref<!tpu.dma_semaphore, #tpu.memory_space<semaphore_mem>>, %arg24: memref<!tpu.dma_semaphore, #tpu.memory_space<semaphore_mem>>, %arg25: memref<!tpu.dma_semaphore, #tpu.memory_space<semaphore_mem>>, %arg26: memref<!tpu.dma_semaphore, #tpu.memory_space<semaphore_mem>>, %arg27: memref<!tpu.dma_semaphore, #tpu.memory_space<semaphore_mem>>, %arg28: memref<!tpu.dma_semaphore, #tpu.memory_space<semaphore_mem>>, %arg29: memref<!tpu.dma_semaphore, #tpu.memory_space<semaphore_mem>>, %arg30: memref<!tpu.dma_semaphore, #tpu.memory_space<semaphore_mem>>, %arg31: memref<!tpu.dma_semaphore, #tpu.memory_space<semaphore_mem>>, %arg32: memref<!tpu.dma_semaphore, #tpu.memory_space<semaphore_mem>>, %arg33: memref<!tpu.dma_semaphore, #tpu.memory_space<semaphore_mem>>) attributes {dimension_semantics = [#tpu.dimension_semantics<core_parallel>, #tpu.dimension_semantics<subcore_parallel>], iteration_bounds = array<i64: 2, 16>, scalar_prefetch = 0 : i64, scratch_operands = 27 : i64, tpu.core_type = #tpu.core_type<sc_vector_subcore>, window_params = [{transform_indices = #map}, {transform_indices = #map1}, {transform_indices = #map1}, {transform_indices = #map}, {transform_indices = #map1}]} {
    %mul3A = arith.constant 2 : i32
    %mul3A_0 = arith.muli %arg1, %mul3A : i32
    %add3A = arith.addi %mul3A_0, %arg0 : i32
    %mul3A_1 = arith.constant 640 : i32
    %mul3A_2 = arith.muli %arg1, %mul3A_1 : i32
    "tpu.region"() ({
      %run_scoped3A = tpu.sem_alloc : memref<!tpu.dma_semaphore, #tpu.memory_space<semaphore_mem>>
      %dma_start3A = arith.constant 0 : i32
      %dma_start3A_9 = tpu.memref_slice %arg17[%mul3A_2, %dma_start3A] : memref<10240x64xf32, #tpu.memory_space<vmem_shared>> -> memref<640x64xf32, #tpu.memory_space<vmem_shared>>
      %dma_start3A_10 = arith.constant 0 : i32
      %dma_start3A_11 = tpu.memref_slice %arg5[%mul3A_2, %dma_start3A_10] : memref<10240x64xf32, #tpu.memory_space<hbm>> -> memref<640x64xf32, #tpu.memory_space<hbm>>
      tpu.enqueue_dma source(%dma_start3A_11 : memref<640x64xf32, #tpu.memory_space<hbm>>) target(%dma_start3A_9 : memref<640x64xf32, #tpu.memory_space<vmem_shared>>) target_semaphore(%run_scoped3A : memref<!tpu.dma_semaphore, #tpu.memory_space<semaphore_mem>>)
      %dma_wait3A = arith.constant 0 : i32
      %dma_wait3A_12 = tpu.memref_slice %arg17[%mul3A_2, %dma_wait3A] : memref<10240x64xf32, #tpu.memory_space<vmem_shared>> -> memref<640x64xf32, #tpu.memory_space<vmem_shared>>
      %dma_wait3A_13 = arith.constant 0 : i32
      %dma_wait3A_14 = tpu.memref_slice %arg5[%mul3A_2, %dma_wait3A_13] : memref<10240x64xf32, #tpu.memory_space<hbm>> -> memref<640x64xf32, #tpu.memory_space<hbm>>
      tpu.wait_dma2 semaphore(%run_scoped3A : memref<!tpu.dma_semaphore, #tpu.memory_space<semaphore_mem>>) src(%dma_wait3A_14 : memref<640x64xf32, #tpu.memory_space<hbm>>) dst(%dma_wait3A_12 : memref<640x64xf32, #tpu.memory_space<vmem_shared>>)
      tpu.yield
    }) : () -> ()
    "tpu.region"() ({
      %run_scoped3A = tpu.sem_alloc : memref<!tpu.dma_semaphore, #tpu.memory_space<semaphore_mem>>
      %dma_start3A = arith.constant 0 : i32
      %dma_start3A_9 = arith.constant 0 : i32
      %dma_start3A_10 = tpu.memref_slice %arg3[%add3A, %dma_start3A, %dma_start3A_9] : memref<32x80x128xi32, #tpu.memory_space<hbm>> -> memref<1x80x128xi32, #tpu.memory_space<hbm>>
      %dma_start3A_11 = tpu.memref_squeeze %dma_start3A_10 : memref<1x80x128xi32, #tpu.memory_space<hbm>> -> memref<80x128xi32, #tpu.memory_space<hbm>>
      %dma_start3A_12 = arith.constant 0 : i32
      %dma_start3A_13 = arith.constant 0 : i32
      %dma_start3A_14 = tpu.memref_slice %arg3[%add3A, %dma_start3A_12, %dma_start3A_13] : memref<32x80x128xi32, #tpu.memory_space<hbm>> -> memref<1x80x128xi32, #tpu.memory_space<hbm>>
      %dma_start3A_15 = tpu.memref_squeeze %dma_start3A_14 : memref<1x80x128xi32, #tpu.memory_space<hbm>> -> memref<80x128xi32, #tpu.memory_space<hbm>>
      tpu.enqueue_dma source(%dma_start3A_15 : memref<80x128xi32, #tpu.memory_space<hbm>>) target(%arg7 : memref<80x128xi32, #tpu.memory_space<vmem>>) target_semaphore(%run_scoped3A : memref<!tpu.dma_semaphore, #tpu.memory_space<semaphore_mem>>)
      %dma_wait3A = arith.constant 0 : i32
      %dma_wait3A_16 = arith.constant 0 : i32
      %dma_wait3A_17 = tpu.memref_slice %arg3[%add3A, %dma_wait3A, %dma_wait3A_16] : memref<32x80x128xi32, #tpu.memory_space<hbm>> -> memref<1x80x128xi32, #tpu.memory_space<hbm>>
      %dma_wait3A_18 = tpu.memref_squeeze %dma_wait3A_17 : memref<1x80x128xi32, #tpu.memory_space<hbm>> -> memref<80x128xi32, #tpu.memory_space<hbm>>
      %dma_wait3A_19 = arith.constant 0 : i32
      %dma_wait3A_20 = arith.constant 0 : i32
      %dma_wait3A_21 = tpu.memref_slice %arg3[%add3A, %dma_wait3A_19, %dma_wait3A_20] : memref<32x80x128xi32, #tpu.memory_space<hbm>> -> memref<1x80x128xi32, #tpu.memory_space<hbm>>
      %dma_wait3A_22 = tpu.memref_squeeze %dma_wait3A_21 : memref<1x80x128xi32, #tpu.memory_space<hbm>> -> memref<80x128xi32, #tpu.memory_space<hbm>>
      tpu.wait_dma2 semaphore(%run_scoped3A : memref<!tpu.dma_semaphore, #tpu.memory_space<semaphore_mem>>) src(%dma_wait3A_22 : memref<80x128xi32, #tpu.memory_space<hbm>>) dst(%arg7 : memref<80x128xi32, #tpu.memory_space<vmem>>)
      tpu.yield
    }) : () -> ()
    "tpu.region"() ({
      %run_scoped3A = tpu.sem_alloc : memref<!tpu.dma_semaphore, #tpu.memory_space<semaphore_mem>>
      %dma_start3A = arith.constant 0 : i32
      %dma_start3A_9 = arith.constant 0 : i32
      %dma_start3A_10 = tpu.memref_slice %arg4[%add3A, %dma_start3A, %dma_start3A_9] : memref<32x80x128xi32, #tpu.memory_space<hbm>> -> memref<1x80x128xi32, #tpu.memory_space<hbm>>
      %dma_start3A_11 = tpu.memref_squeeze %dma_start3A_10 : memref<1x80x128xi32, #tpu.memory_space<hbm>> -> memref<80x128xi32, #tpu.memory_space<hbm>>
      %dma_start3A_12 = arith.constant 0 : i32
      %dma_start3A_13 = arith.constant 0 : i32
      %dma_start3A_14 = tpu.memref_slice %arg4[%add3A, %dma_start3A_12, %dma_start3A_13] : memref<32x80x128xi32, #tpu.memory_space<hbm>> -> memref<1x80x128xi32, #tpu.memory_space<hbm>>
      %dma_start3A_15 = tpu.memref_squeeze %dma_start3A_14 : memref<1x80x128xi32, #tpu.memory_space<hbm>> -> memref<80x128xi32, #tpu.memory_space<hbm>>
      tpu.enqueue_dma source(%dma_start3A_15 : memref<80x128xi32, #tpu.memory_space<hbm>>) target(%arg8 : memref<80x128xi32, #tpu.memory_space<vmem>>) target_semaphore(%run_scoped3A : memref<!tpu.dma_semaphore, #tpu.memory_space<semaphore_mem>>)
      %dma_wait3A = arith.constant 0 : i32
      %dma_wait3A_16 = arith.constant 0 : i32
      %dma_wait3A_17 = tpu.memref_slice %arg4[%add3A, %dma_wait3A, %dma_wait3A_16] : memref<32x80x128xi32, #tpu.memory_space<hbm>> -> memref<1x80x128xi32, #tpu.memory_space<hbm>>
      %dma_wait3A_18 = tpu.memref_squeeze %dma_wait3A_17 : memref<1x80x128xi32, #tpu.memory_space<hbm>> -> memref<80x128xi32, #tpu.memory_space<hbm>>
      %dma_wait3A_19 = arith.constant 0 : i32
      %dma_wait3A_20 = arith.constant 0 : i32
      %dma_wait3A_21 = tpu.memref_slice %arg4[%add3A, %dma_wait3A_19, %dma_wait3A_20] : memref<32x80x128xi32, #tpu.memory_space<hbm>> -> memref<1x80x128xi32, #tpu.memory_space<hbm>>
      %dma_wait3A_22 = tpu.memref_squeeze %dma_wait3A_21 : memref<1x80x128xi32, #tpu.memory_space<hbm>> -> memref<80x128xi32, #tpu.memory_space<hbm>>
      tpu.wait_dma2 semaphore(%run_scoped3A : memref<!tpu.dma_semaphore, #tpu.memory_space<semaphore_mem>>) src(%dma_wait3A_22 : memref<80x128xi32, #tpu.memory_space<hbm>>) dst(%arg8 : memref<80x128xi32, #tpu.memory_space<vmem>>)
      tpu.yield
    }) : () -> ()
    %barrier3A = arith.constant 0 : index
    tpu.barrier barrier_id(%barrier3A)
    %scan3A = arith.constant 0 : i32
    %scan3A_3 = arith.constant 0 : i32
    %scan3A_4 = arith.constant 10 : i32
    %scan3A_5 = arith.addi %scan3A_3, %scan3A_4 : i32
    %scan3A_6 = arith.constant 1 : i32
    scf.for %scan3A_9 = %scan3A_3 to %scan3A_5 step %scan3A_6  : i32 {
      %mul3A_10 = arith.constant 8 : i32
      %mul3A_11 = arith.muli %scan3A_9, %mul3A_10 : i32
      %add3A_12 = arith.constant 0 : i32
      %add3A_13 = arith.addi %mul3A_11, %add3A_12 : i32
      %dma_start3A = arith.constant 0 : i32
      %dma_start3A_14 = tpu.memref_slice %arg7[%add3A_13, %dma_start3A] : memref<80x128xi32, #tpu.memory_space<vmem>> -> memref<1x128xi32, #tpu.memory_space<vmem>>
      %dma_start3A_15 = tpu.memref_squeeze %dma_start3A_14 : memref<1x128xi32, #tpu.memory_space<vmem>> -> memref<128xi32, #tpu.memory_space<vmem>>
      %dma_start3A_16 = arith.constant 0 : i32
      %dma_start3A_17 = arith.constant 0 : i32
      %dma_start3A_18 = tpu.memref_slice %arg2[%dma_start3A_16, %dma_start3A_17] : memref<10240x64xf32, #tpu.memory_space<hbm>> -> memref<10240x64xf32, #tpu.memory_space<hbm>>
      tpu.enqueue_indirect_dma source(%dma_start3A_18 : memref<10240x64xf32, #tpu.memory_space<hbm>>) target(%arg9 : memref<128x64xf32, #tpu.memory_space<vmem>>) offsets(%dma_start3A_15 : memref<128xi32, #tpu.memory_space<vmem>>) semaphore(%arg18 : memref<!tpu.dma_semaphore, #tpu.memory_space<semaphore_mem>>)
      %add3A_19 = arith.constant 1 : i32
      %add3A_20 = arith.addi %mul3A_11, %add3A_19 : i32
      %dma_start3A_21 = arith.constant 0 : i32
      %dma_start3A_22 = tpu.memref_slice %arg7[%add3A_20, %dma_start3A_21] : memref<80x128xi32, #tpu.memory_space<vmem>> -> memref<1x128xi32, #tpu.memory_space<vmem>>
      %dma_start3A_23 = tpu.memref_squeeze %dma_start3A_22 : memref<1x128xi32, #tpu.memory_space<vmem>> -> memref<128xi32, #tpu.memory_space<vmem>>
      %dma_start3A_24 = arith.constant 0 : i32
      %dma_start3A_25 = arith.constant 0 : i32
      %dma_start3A_26 = tpu.memref_slice %arg2[%dma_start3A_24, %dma_start3A_25] : memref<10240x64xf32, #tpu.memory_space<hbm>> -> memref<10240x64xf32, #tpu.memory_space<hbm>>
      tpu.enqueue_indirect_dma source(%dma_start3A_26 : memref<10240x64xf32, #tpu.memory_space<hbm>>) target(%arg10 : memref<128x64xf32, #tpu.memory_space<vmem>>) offsets(%dma_start3A_23 : memref<128xi32, #tpu.memory_space<vmem>>) semaphore(%arg19 : memref<!tpu.dma_semaphore, #tpu.memory_space<semaphore_mem>>)
      %add3A_27 = arith.constant 2 : i32
      %add3A_28 = arith.addi %mul3A_11, %add3A_27 : i32
      %dma_start3A_29 = arith.constant 0 : i32
      %dma_start3A_30 = tpu.memref_slice %arg7[%add3A_28, %dma_start3A_29] : memref<80x128xi32, #tpu.memory_space<vmem>> -> memref<1x128xi32, #tpu.memory_space<vmem>>
      %dma_start3A_31 = tpu.memref_squeeze %dma_start3A_30 : memref<1x128xi32, #tpu.memory_space<vmem>> -> memref<128xi32, #tpu.memory_space<vmem>>
      %dma_start3A_32 = arith.constant 0 : i32
      %dma_start3A_33 = arith.constant 0 : i32
      %dma_start3A_34 = tpu.memref_slice %arg2[%dma_start3A_32, %dma_start3A_33] : memref<10240x64xf32, #tpu.memory_space<hbm>> -> memref<10240x64xf32, #tpu.memory_space<hbm>>
      tpu.enqueue_indirect_dma source(%dma_start3A_34 : memref<10240x64xf32, #tpu.memory_space<hbm>>) target(%arg11 : memref<128x64xf32, #tpu.memory_space<vmem>>) offsets(%dma_start3A_31 : memref<128xi32, #tpu.memory_space<vmem>>) semaphore(%arg20 : memref<!tpu.dma_semaphore, #tpu.memory_space<semaphore_mem>>)
      %add3A_35 = arith.constant 3 : i32
      %add3A_36 = arith.addi %mul3A_11, %add3A_35 : i32
      %dma_start3A_37 = arith.constant 0 : i32
      %dma_start3A_38 = tpu.memref_slice %arg7[%add3A_36, %dma_start3A_37] : memref<80x128xi32, #tpu.memory_space<vmem>> -> memref<1x128xi32, #tpu.memory_space<vmem>>
      %dma_start3A_39 = tpu.memref_squeeze %dma_start3A_38 : memref<1x128xi32, #tpu.memory_space<vmem>> -> memref<128xi32, #tpu.memory_space<vmem>>
      %dma_start3A_40 = arith.constant 0 : i32
      %dma_start3A_41 = arith.constant 0 : i32
      %dma_start3A_42 = tpu.memref_slice %arg2[%dma_start3A_40, %dma_start3A_41] : memref<10240x64xf32, #tpu.memory_space<hbm>> -> memref<10240x64xf32, #tpu.memory_space<hbm>>
      tpu.enqueue_indirect_dma source(%dma_start3A_42 : memref<10240x64xf32, #tpu.memory_space<hbm>>) target(%arg12 : memref<128x64xf32, #tpu.memory_space<vmem>>) offsets(%dma_start3A_39 : memref<128xi32, #tpu.memory_space<vmem>>) semaphore(%arg21 : memref<!tpu.dma_semaphore, #tpu.memory_space<semaphore_mem>>)
      %add3A_43 = arith.constant 4 : i32
      %add3A_44 = arith.addi %mul3A_11, %add3A_43 : i32
      %dma_start3A_45 = arith.constant 0 : i32
      %dma_start3A_46 = tpu.memref_slice %arg7[%add3A_44, %dma_start3A_45] : memref<80x128xi32, #tpu.memory_space<vmem>> -> memref<1x128xi32, #tpu.memory_space<vmem>>
      %dma_start3A_47 = tpu.memref_squeeze %dma_start3A_46 : memref<1x128xi32, #tpu.memory_space<vmem>> -> memref<128xi32, #tpu.memory_space<vmem>>
      %dma_start3A_48 = arith.constant 0 : i32
      %dma_start3A_49 = arith.constant 0 : i32
      %dma_start3A_50 = tpu.memref_slice %arg2[%dma_start3A_48, %dma_start3A_49] : memref<10240x64xf32, #tpu.memory_space<hbm>> -> memref<10240x64xf32, #tpu.memory_space<hbm>>
      tpu.enqueue_indirect_dma source(%dma_start3A_50 : memref<10240x64xf32, #tpu.memory_space<hbm>>) target(%arg13 : memref<128x64xf32, #tpu.memory_space<vmem>>) offsets(%dma_start3A_47 : memref<128xi32, #tpu.memory_space<vmem>>) semaphore(%arg22 : memref<!tpu.dma_semaphore, #tpu.memory_space<semaphore_mem>>)
      %add3A_51 = arith.constant 5 : i32
      %add3A_52 = arith.addi %mul3A_11, %add3A_51 : i32
      %dma_start3A_53 = arith.constant 0 : i32
      %dma_start3A_54 = tpu.memref_slice %arg7[%add3A_52, %dma_start3A_53] : memref<80x128xi32, #tpu.memory_space<vmem>> -> memref<1x128xi32, #tpu.memory_space<vmem>>
      %dma_start3A_55 = tpu.memref_squeeze %dma_start3A_54 : memref<1x128xi32, #tpu.memory_space<vmem>> -> memref<128xi32, #tpu.memory_space<vmem>>
      %dma_start3A_56 = arith.constant 0 : i32
      %dma_start3A_57 = arith.constant 0 : i32
      %dma_start3A_58 = tpu.memref_slice %arg2[%dma_start3A_56, %dma_start3A_57] : memref<10240x64xf32, #tpu.memory_space<hbm>> -> memref<10240x64xf32, #tpu.memory_space<hbm>>
      tpu.enqueue_indirect_dma source(%dma_start3A_58 : memref<10240x64xf32, #tpu.memory_space<hbm>>) target(%arg14 : memref<128x64xf32, #tpu.memory_space<vmem>>) offsets(%dma_start3A_55 : memref<128xi32, #tpu.memory_space<vmem>>) semaphore(%arg23 : memref<!tpu.dma_semaphore, #tpu.memory_space<semaphore_mem>>)
      %add3A_59 = arith.constant 6 : i32
      %add3A_60 = arith.addi %mul3A_11, %add3A_59 : i32
      %dma_start3A_61 = arith.constant 0 : i32
      %dma_start3A_62 = tpu.memref_slice %arg7[%add3A_60, %dma_start3A_61] : memref<80x128xi32, #tpu.memory_space<vmem>> -> memref<1x128xi32, #tpu.memory_space<vmem>>
      %dma_start3A_63 = tpu.memref_squeeze %dma_start3A_62 : memref<1x128xi32, #tpu.memory_space<vmem>> -> memref<128xi32, #tpu.memory_space<vmem>>
      %dma_start3A_64 = arith.constant 0 : i32
      %dma_start3A_65 = arith.constant 0 : i32
      %dma_start3A_66 = tpu.memref_slice %arg2[%dma_start3A_64, %dma_start3A_65] : memref<10240x64xf32, #tpu.memory_space<hbm>> -> memref<10240x64xf32, #tpu.memory_space<hbm>>
      tpu.enqueue_indirect_dma source(%dma_start3A_66 : memref<10240x64xf32, #tpu.memory_space<hbm>>) target(%arg15 : memref<128x64xf32, #tpu.memory_space<vmem>>) offsets(%dma_start3A_63 : memref<128xi32, #tpu.memory_space<vmem>>) semaphore(%arg24 : memref<!tpu.dma_semaphore, #tpu.memory_space<semaphore_mem>>)
      %add3A_67 = arith.constant 7 : i32
      %add3A_68 = arith.addi %mul3A_11, %add3A_67 : i32
      %dma_start3A_69 = arith.constant 0 : i32
      %dma_start3A_70 = tpu.memref_slice %arg7[%add3A_68, %dma_start3A_69] : memref<80x128xi32, #tpu.memory_space<vmem>> -> memref<1x128xi32, #tpu.memory_space<vmem>>
      %dma_start3A_71 = tpu.memref_squeeze %dma_start3A_70 : memref<1x128xi32, #tpu.memory_space<vmem>> -> memref<128xi32, #tpu.memory_space<vmem>>
      %dma_start3A_72 = arith.constant 0 : i32
      %dma_start3A_73 = arith.constant 0 : i32
      %dma_start3A_74 = tpu.memref_slice %arg2[%dma_start3A_72, %dma_start3A_73] : memref<10240x64xf32, #tpu.memory_space<hbm>> -> memref<10240x64xf32, #tpu.memory_space<hbm>>
      tpu.enqueue_indirect_dma source(%dma_start3A_74 : memref<10240x64xf32, #tpu.memory_space<hbm>>) target(%arg16 : memref<128x64xf32, #tpu.memory_space<vmem>>) offsets(%dma_start3A_71 : memref<128xi32, #tpu.memory_space<vmem>>) semaphore(%arg25 : memref<!tpu.dma_semaphore, #tpu.memory_space<semaphore_mem>>)
      %dma_wait3A = arith.constant 0 : i32
      %dma_wait3A_75 = tpu.memref_slice %arg7[%add3A_13, %dma_wait3A] : memref<80x128xi32, #tpu.memory_space<vmem>> -> memref<1x128xi32, #tpu.memory_space<vmem>>
      %dma_wait3A_76 = tpu.memref_squeeze %dma_wait3A_75 : memref<1x128xi32, #tpu.memory_space<vmem>> -> memref<128xi32, #tpu.memory_space<vmem>>
      %dma_wait3A_77 = arith.constant 0 : i32
      %dma_wait3A_78 = arith.constant 0 : i32
      %dma_wait3A_79 = tpu.memref_slice %arg2[%dma_wait3A_77, %dma_wait3A_78] : memref<10240x64xf32, #tpu.memory_space<hbm>> -> memref<10240x64xf32, #tpu.memory_space<hbm>>
      tpu.wait_indirect_dma semaphore(%arg18 : memref<!tpu.dma_semaphore, #tpu.memory_space<semaphore_mem>>) src(%dma_wait3A_79 : memref<10240x64xf32, #tpu.memory_space<hbm>>) dst(%arg9 : memref<128x64xf32, #tpu.memory_space<vmem>>)
      %add3A_80 = arith.constant 0 : i32
      %add3A_81 = arith.addi %mul3A_11, %add3A_80 : i32
      %dma_start3A_82 = arith.constant 0 : i32
      %dma_start3A_83 = tpu.memref_slice %arg8[%add3A_81, %dma_start3A_82] : memref<80x128xi32, #tpu.memory_space<vmem>> -> memref<1x128xi32, #tpu.memory_space<vmem>>
      %dma_start3A_84 = tpu.memref_squeeze %dma_start3A_83 : memref<1x128xi32, #tpu.memory_space<vmem>> -> memref<128xi32, #tpu.memory_space<vmem>>
      %dma_start3A_85 = arith.constant 0 : i32
      %dma_start3A_86 = arith.constant 0 : i32
      %dma_start3A_87 = tpu.memref_slice %arg17[%dma_start3A_85, %dma_start3A_86] : memref<10240x64xf32, #tpu.memory_space<vmem_shared>> -> memref<10240x64xf32, #tpu.memory_space<vmem_shared>>
      tpu.enqueue_indirect_dma source(%arg9 : memref<128x64xf32, #tpu.memory_space<vmem>>) target(%dma_start3A_87 : memref<10240x64xf32, #tpu.memory_space<vmem_shared>>) offsets(%dma_start3A_84 : memref<128xi32, #tpu.memory_space<vmem>>) semaphore(%arg26 : memref<!tpu.dma_semaphore, #tpu.memory_space<semaphore_mem>>) {add = true}
      %dma_wait3A_88 = arith.constant 0 : i32
      %dma_wait3A_89 = tpu.memref_slice %arg7[%add3A_20, %dma_wait3A_88] : memref<80x128xi32, #tpu.memory_space<vmem>> -> memref<1x128xi32, #tpu.memory_space<vmem>>
      %dma_wait3A_90 = tpu.memref_squeeze %dma_wait3A_89 : memref<1x128xi32, #tpu.memory_space<vmem>> -> memref<128xi32, #tpu.memory_space<vmem>>
      %dma_wait3A_91 = arith.constant 0 : i32
      %dma_wait3A_92 = arith.constant 0 : i32
      %dma_wait3A_93 = tpu.memref_slice %arg2[%dma_wait3A_91, %dma_wait3A_92] : memref<10240x64xf32, #tpu.memory_space<hbm>> -> memref<10240x64xf32, #tpu.memory_space<hbm>>
      tpu.wait_indirect_dma semaphore(%arg19 : memref<!tpu.dma_semaphore, #tpu.memory_space<semaphore_mem>>) src(%dma_wait3A_93 : memref<10240x64xf32, #tpu.memory_space<hbm>>) dst(%arg10 : memref<128x64xf32, #tpu.memory_space<vmem>>)
      %add3A_94 = arith.constant 1 : i32
      %add3A_95 = arith.addi %mul3A_11, %add3A_94 : i32
      %dma_start3A_96 = arith.constant 0 : i32
      %dma_start3A_97 = tpu.memref_slice %arg8[%add3A_95, %dma_start3A_96] : memref<80x128xi32, #tpu.memory_space<vmem>> -> memref<1x128xi32, #tpu.memory_space<vmem>>
      %dma_start3A_98 = tpu.memref_squeeze %dma_start3A_97 : memref<1x128xi32, #tpu.memory_space<vmem>> -> memref<128xi32, #tpu.memory_space<vmem>>
      %dma_start3A_99 = arith.constant 0 : i32
      %dma_start3A_100 = arith.constant 0 : i32
      %dma_start3A_101 = tpu.memref_slice %arg17[%dma_start3A_99, %dma_start3A_100] : memref<10240x64xf32, #tpu.memory_space<vmem_shared>> -> memref<10240x64xf32, #tpu.memory_space<vmem_shared>>
      tpu.enqueue_indirect_dma source(%arg10 : memref<128x64xf32, #tpu.memory_space<vmem>>) target(%dma_start3A_101 : memref<10240x64xf32, #tpu.memory_space<vmem_shared>>) offsets(%dma_start3A_98 : memref<128xi32, #tpu.memory_space<vmem>>) semaphore(%arg27 : memref<!tpu.dma_semaphore, #tpu.memory_space<semaphore_mem>>) {add = true}
      %dma_wait3A_102 = arith.constant 0 : i32
      %dma_wait3A_103 = tpu.memref_slice %arg7[%add3A_28, %dma_wait3A_102] : memref<80x128xi32, #tpu.memory_space<vmem>> -> memref<1x128xi32, #tpu.memory_space<vmem>>
      %dma_wait3A_104 = tpu.memref_squeeze %dma_wait3A_103 : memref<1x128xi32, #tpu.memory_space<vmem>> -> memref<128xi32, #tpu.memory_space<vmem>>
      %dma_wait3A_105 = arith.constant 0 : i32
      %dma_wait3A_106 = arith.constant 0 : i32
      %dma_wait3A_107 = tpu.memref_slice %arg2[%dma_wait3A_105, %dma_wait3A_106] : memref<10240x64xf32, #tpu.memory_space<hbm>> -> memref<10240x64xf32, #tpu.memory_space<hbm>>
      tpu.wait_indirect_dma semaphore(%arg20 : memref<!tpu.dma_semaphore, #tpu.memory_space<semaphore_mem>>) src(%dma_wait3A_107 : memref<10240x64xf32, #tpu.memory_space<hbm>>) dst(%arg11 : memref<128x64xf32, #tpu.memory_space<vmem>>)
      %add3A_108 = arith.constant 2 : i32
      %add3A_109 = arith.addi %mul3A_11, %add3A_108 : i32
      %dma_start3A_110 = arith.constant 0 : i32
      %dma_start3A_111 = tpu.memref_slice %arg8[%add3A_109, %dma_start3A_110] : memref<80x128xi32, #tpu.memory_space<vmem>> -> memref<1x128xi32, #tpu.memory_space<vmem>>
      %dma_start3A_112 = tpu.memref_squeeze %dma_start3A_111 : memref<1x128xi32, #tpu.memory_space<vmem>> -> memref<128xi32, #tpu.memory_space<vmem>>
      %dma_start3A_113 = arith.constant 0 : i32
      %dma_start3A_114 = arith.constant 0 : i32
      %dma_start3A_115 = tpu.memref_slice %arg17[%dma_start3A_113, %dma_start3A_114] : memref<10240x64xf32, #tpu.memory_space<vmem_shared>> -> memref<10240x64xf32, #tpu.memory_space<vmem_shared>>
      tpu.enqueue_indirect_dma source(%arg11 : memref<128x64xf32, #tpu.memory_space<vmem>>) target(%dma_start3A_115 : memref<10240x64xf32, #tpu.memory_space<vmem_shared>>) offsets(%dma_start3A_112 : memref<128xi32, #tpu.memory_space<vmem>>) semaphore(%arg28 : memref<!tpu.dma_semaphore, #tpu.memory_space<semaphore_mem>>) {add = true}
      %dma_wait3A_116 = arith.constant 0 : i32
      %dma_wait3A_117 = tpu.memref_slice %arg7[%add3A_36, %dma_wait3A_116] : memref<80x128xi32, #tpu.memory_space<vmem>> -> memref<1x128xi32, #tpu.memory_space<vmem>>
      %dma_wait3A_118 = tpu.memref_squeeze %dma_wait3A_117 : memref<1x128xi32, #tpu.memory_space<vmem>> -> memref<128xi32, #tpu.memory_space<vmem>>
      %dma_wait3A_119 = arith.constant 0 : i32
      %dma_wait3A_120 = arith.constant 0 : i32
      %dma_wait3A_121 = tpu.memref_slice %arg2[%dma_wait3A_119, %dma_wait3A_120] : memref<10240x64xf32, #tpu.memory_space<hbm>> -> memref<10240x64xf32, #tpu.memory_space<hbm>>
      tpu.wait_indirect_dma semaphore(%arg21 : memref<!tpu.dma_semaphore, #tpu.memory_space<semaphore_mem>>) src(%dma_wait3A_121 : memref<10240x64xf32, #tpu.memory_space<hbm>>) dst(%arg12 : memref<128x64xf32, #tpu.memory_space<vmem>>)
      %add3A_122 = arith.constant 3 : i32
      %add3A_123 = arith.addi %mul3A_11, %add3A_122 : i32
      %dma_start3A_124 = arith.constant 0 : i32
      %dma_start3A_125 = tpu.memref_slice %arg8[%add3A_123, %dma_start3A_124] : memref<80x128xi32, #tpu.memory_space<vmem>> -> memref<1x128xi32, #tpu.memory_space<vmem>>
      %dma_start3A_126 = tpu.memref_squeeze %dma_start3A_125 : memref<1x128xi32, #tpu.memory_space<vmem>> -> memref<128xi32, #tpu.memory_space<vmem>>
      %dma_start3A_127 = arith.constant 0 : i32
      %dma_start3A_128 = arith.constant 0 : i32
      %dma_start3A_129 = tpu.memref_slice %arg17[%dma_start3A_127, %dma_start3A_128] : memref<10240x64xf32, #tpu.memory_space<vmem_shared>> -> memref<10240x64xf32, #tpu.memory_space<vmem_shared>>
      tpu.enqueue_indirect_dma source(%arg12 : memref<128x64xf32, #tpu.memory_space<vmem>>) target(%dma_start3A_129 : memref<10240x64xf32, #tpu.memory_space<vmem_shared>>) offsets(%dma_start3A_126 : memref<128xi32, #tpu.memory_space<vmem>>) semaphore(%arg29 : memref<!tpu.dma_semaphore, #tpu.memory_space<semaphore_mem>>) {add = true}
      %dma_wait3A_130 = arith.constant 0 : i32
      %dma_wait3A_131 = tpu.memref_slice %arg7[%add3A_44, %dma_wait3A_130] : memref<80x128xi32, #tpu.memory_space<vmem>> -> memref<1x128xi32, #tpu.memory_space<vmem>>
      %dma_wait3A_132 = tpu.memref_squeeze %dma_wait3A_131 : memref<1x128xi32, #tpu.memory_space<vmem>> -> memref<128xi32, #tpu.memory_space<vmem>>
      %dma_wait3A_133 = arith.constant 0 : i32
      %dma_wait3A_134 = arith.constant 0 : i32
      %dma_wait3A_135 = tpu.memref_slice %arg2[%dma_wait3A_133, %dma_wait3A_134] : memref<10240x64xf32, #tpu.memory_space<hbm>> -> memref<10240x64xf32, #tpu.memory_space<hbm>>
      tpu.wait_indirect_dma semaphore(%arg22 : memref<!tpu.dma_semaphore, #tpu.memory_space<semaphore_mem>>) src(%dma_wait3A_135 : memref<10240x64xf32, #tpu.memory_space<hbm>>) dst(%arg13 : memref<128x64xf32, #tpu.memory_space<vmem>>)
      %add3A_136 = arith.constant 4 : i32
      %add3A_137 = arith.addi %mul3A_11, %add3A_136 : i32
      %dma_start3A_138 = arith.constant 0 : i32
      %dma_start3A_139 = tpu.memref_slice %arg8[%add3A_137, %dma_start3A_138] : memref<80x128xi32, #tpu.memory_space<vmem>> -> memref<1x128xi32, #tpu.memory_space<vmem>>
      %dma_start3A_140 = tpu.memref_squeeze %dma_start3A_139 : memref<1x128xi32, #tpu.memory_space<vmem>> -> memref<128xi32, #tpu.memory_space<vmem>>
      %dma_start3A_141 = arith.constant 0 : i32
      %dma_start3A_142 = arith.constant 0 : i32
      %dma_start3A_143 = tpu.memref_slice %arg17[%dma_start3A_141, %dma_start3A_142] : memref<10240x64xf32, #tpu.memory_space<vmem_shared>> -> memref<10240x64xf32, #tpu.memory_space<vmem_shared>>
      tpu.enqueue_indirect_dma source(%arg13 : memref<128x64xf32, #tpu.memory_space<vmem>>) target(%dma_start3A_143 : memref<10240x64xf32, #tpu.memory_space<vmem_shared>>) offsets(%dma_start3A_140 : memref<128xi32, #tpu.memory_space<vmem>>) semaphore(%arg30 : memref<!tpu.dma_semaphore, #tpu.memory_space<semaphore_mem>>) {add = true}
      %dma_wait3A_144 = arith.constant 0 : i32
      %dma_wait3A_145 = tpu.memref_slice %arg7[%add3A_52, %dma_wait3A_144] : memref<80x128xi32, #tpu.memory_space<vmem>> -> memref<1x128xi32, #tpu.memory_space<vmem>>
      %dma_wait3A_146 = tpu.memref_squeeze %dma_wait3A_145 : memref<1x128xi32, #tpu.memory_space<vmem>> -> memref<128xi32, #tpu.memory_space<vmem>>
      %dma_wait3A_147 = arith.constant 0 : i32
      %dma_wait3A_148 = arith.constant 0 : i32
      %dma_wait3A_149 = tpu.memref_slice %arg2[%dma_wait3A_147, %dma_wait3A_148] : memref<10240x64xf32, #tpu.memory_space<hbm>> -> memref<10240x64xf32, #tpu.memory_space<hbm>>
      tpu.wait_indirect_dma semaphore(%arg23 : memref<!tpu.dma_semaphore, #tpu.memory_space<semaphore_mem>>) src(%dma_wait3A_149 : memref<10240x64xf32, #tpu.memory_space<hbm>>) dst(%arg14 : memref<128x64xf32, #tpu.memory_space<vmem>>)
      %add3A_150 = arith.constant 5 : i32
      %add3A_151 = arith.addi %mul3A_11, %add3A_150 : i32
      %dma_start3A_152 = arith.constant 0 : i32
      %dma_start3A_153 = tpu.memref_slice %arg8[%add3A_151, %dma_start3A_152] : memref<80x128xi32, #tpu.memory_space<vmem>> -> memref<1x128xi32, #tpu.memory_space<vmem>>
      %dma_start3A_154 = tpu.memref_squeeze %dma_start3A_153 : memref<1x128xi32, #tpu.memory_space<vmem>> -> memref<128xi32, #tpu.memory_space<vmem>>
      %dma_start3A_155 = arith.constant 0 : i32
      %dma_start3A_156 = arith.constant 0 : i32
      %dma_start3A_157 = tpu.memref_slice %arg17[%dma_start3A_155, %dma_start3A_156] : memref<10240x64xf32, #tpu.memory_space<vmem_shared>> -> memref<10240x64xf32, #tpu.memory_space<vmem_shared>>
      tpu.enqueue_indirect_dma source(%arg14 : memref<128x64xf32, #tpu.memory_space<vmem>>) target(%dma_start3A_157 : memref<10240x64xf32, #tpu.memory_space<vmem_shared>>) offsets(%dma_start3A_154 : memref<128xi32, #tpu.memory_space<vmem>>) semaphore(%arg31 : memref<!tpu.dma_semaphore, #tpu.memory_space<semaphore_mem>>) {add = true}
      %dma_wait3A_158 = arith.constant 0 : i32
      %dma_wait3A_159 = tpu.memref_slice %arg7[%add3A_60, %dma_wait3A_158] : memref<80x128xi32, #tpu.memory_space<vmem>> -> memref<1x128xi32, #tpu.memory_space<vmem>>
      %dma_wait3A_160 = tpu.memref_squeeze %dma_wait3A_159 : memref<1x128xi32, #tpu.memory_space<vmem>> -> memref<128xi32, #tpu.memory_space<vmem>>
      %dma_wait3A_161 = arith.constant 0 : i32
      %dma_wait3A_162 = arith.constant 0 : i32
      %dma_wait3A_163 = tpu.memref_slice %arg2[%dma_wait3A_161, %dma_wait3A_162] : memref<10240x64xf32, #tpu.memory_space<hbm>> -> memref<10240x64xf32, #tpu.memory_space<hbm>>
      tpu.wait_indirect_dma semaphore(%arg24 : memref<!tpu.dma_semaphore, #tpu.memory_space<semaphore_mem>>) src(%dma_wait3A_163 : memref<10240x64xf32, #tpu.memory_space<hbm>>) dst(%arg15 : memref<128x64xf32, #tpu.memory_space<vmem>>)
      %add3A_164 = arith.constant 6 : i32
      %add3A_165 = arith.addi %mul3A_11, %add3A_164 : i32
      %dma_start3A_166 = arith.constant 0 : i32
      %dma_start3A_167 = tpu.memref_slice %arg8[%add3A_165, %dma_start3A_166] : memref<80x128xi32, #tpu.memory_space<vmem>> -> memref<1x128xi32, #tpu.memory_space<vmem>>
      %dma_start3A_168 = tpu.memref_squeeze %dma_start3A_167 : memref<1x128xi32, #tpu.memory_space<vmem>> -> memref<128xi32, #tpu.memory_space<vmem>>
      %dma_start3A_169 = arith.constant 0 : i32
      %dma_start3A_170 = arith.constant 0 : i32
      %dma_start3A_171 = tpu.memref_slice %arg17[%dma_start3A_169, %dma_start3A_170] : memref<10240x64xf32, #tpu.memory_space<vmem_shared>> -> memref<10240x64xf32, #tpu.memory_space<vmem_shared>>
      tpu.enqueue_indirect_dma source(%arg15 : memref<128x64xf32, #tpu.memory_space<vmem>>) target(%dma_start3A_171 : memref<10240x64xf32, #tpu.memory_space<vmem_shared>>) offsets(%dma_start3A_168 : memref<128xi32, #tpu.memory_space<vmem>>) semaphore(%arg32 : memref<!tpu.dma_semaphore, #tpu.memory_space<semaphore_mem>>) {add = true}
      %dma_wait3A_172 = arith.constant 0 : i32
      %dma_wait3A_173 = tpu.memref_slice %arg7[%add3A_68, %dma_wait3A_172] : memref<80x128xi32, #tpu.memory_space<vmem>> -> memref<1x128xi32, #tpu.memory_space<vmem>>
      %dma_wait3A_174 = tpu.memref_squeeze %dma_wait3A_173 : memref<1x128xi32, #tpu.memory_space<vmem>> -> memref<128xi32, #tpu.memory_space<vmem>>
      %dma_wait3A_175 = arith.constant 0 : i32
      %dma_wait3A_176 = arith.constant 0 : i32
      %dma_wait3A_177 = tpu.memref_slice %arg2[%dma_wait3A_175, %dma_wait3A_176] : memref<10240x64xf32, #tpu.memory_space<hbm>> -> memref<10240x64xf32, #tpu.memory_space<hbm>>
      tpu.wait_indirect_dma semaphore(%arg25 : memref<!tpu.dma_semaphore, #tpu.memory_space<semaphore_mem>>) src(%dma_wait3A_177 : memref<10240x64xf32, #tpu.memory_space<hbm>>) dst(%arg16 : memref<128x64xf32, #tpu.memory_space<vmem>>)
      %add3A_178 = arith.constant 7 : i32
      %add3A_179 = arith.addi %mul3A_11, %add3A_178 : i32
      %dma_start3A_180 = arith.constant 0 : i32
      %dma_start3A_181 = tpu.memref_slice %arg8[%add3A_179, %dma_start3A_180] : memref<80x128xi32, #tpu.memory_space<vmem>> -> memref<1x128xi32, #tpu.memory_space<vmem>>
      %dma_start3A_182 = tpu.memref_squeeze %dma_start3A_181 : memref<1x128xi32, #tpu.memory_space<vmem>> -> memref<128xi32, #tpu.memory_space<vmem>>
      %dma_start3A_183 = arith.constant 0 : i32
      %dma_start3A_184 = arith.constant 0 : i32
      %dma_start3A_185 = tpu.memref_slice %arg17[%dma_start3A_183, %dma_start3A_184] : memref<10240x64xf32, #tpu.memory_space<vmem_shared>> -> memref<10240x64xf32, #tpu.memory_space<vmem_shared>>
      tpu.enqueue_indirect_dma source(%arg16 : memref<128x64xf32, #tpu.memory_space<vmem>>) target(%dma_start3A_185 : memref<10240x64xf32, #tpu.memory_space<vmem_shared>>) offsets(%dma_start3A_182 : memref<128xi32, #tpu.memory_space<vmem>>) semaphore(%arg33 : memref<!tpu.dma_semaphore, #tpu.memory_space<semaphore_mem>>) {add = true}
      %dma_wait3A_186 = arith.constant 0 : i32
      %dma_wait3A_187 = tpu.memref_slice %arg8[%add3A_81, %dma_wait3A_186] : memref<80x128xi32, #tpu.memory_space<vmem>> -> memref<1x128xi32, #tpu.memory_space<vmem>>
      %dma_wait3A_188 = tpu.memref_squeeze %dma_wait3A_187 : memref<1x128xi32, #tpu.memory_space<vmem>> -> memref<128xi32, #tpu.memory_space<vmem>>
      %dma_wait3A_189 = arith.constant 0 : i32
      %dma_wait3A_190 = arith.constant 0 : i32
      %dma_wait3A_191 = tpu.memref_slice %arg17[%dma_wait3A_189, %dma_wait3A_190] : memref<10240x64xf32, #tpu.memory_space<vmem_shared>> -> memref<10240x64xf32, #tpu.memory_space<vmem_shared>>
      tpu.wait_indirect_dma semaphore(%arg26 : memref<!tpu.dma_semaphore, #tpu.memory_space<semaphore_mem>>) src(%arg9 : memref<128x64xf32, #tpu.memory_space<vmem>>) dst(%dma_wait3A_191 : memref<10240x64xf32, #tpu.memory_space<vmem_shared>>)
      %dma_wait3A_192 = arith.constant 0 : i32
      %dma_wait3A_193 = tpu.memref_slice %arg8[%add3A_95, %dma_wait3A_192] : memref<80x128xi32, #tpu.memory_space<vmem>> -> memref<1x128xi32, #tpu.memory_space<vmem>>
      %dma_wait3A_194 = tpu.memref_squeeze %dma_wait3A_193 : memref<1x128xi32, #tpu.memory_space<vmem>> -> memref<128xi32, #tpu.memory_space<vmem>>
      %dma_wait3A_195 = arith.constant 0 : i32
      %dma_wait3A_196 = arith.constant 0 : i32
      %dma_wait3A_197 = tpu.memref_slice %arg17[%dma_wait3A_195, %dma_wait3A_196] : memref<10240x64xf32, #tpu.memory_space<vmem_shared>> -> memref<10240x64xf32, #tpu.memory_space<vmem_shared>>
      tpu.wait_indirect_dma semaphore(%arg27 : memref<!tpu.dma_semaphore, #tpu.memory_space<semaphore_mem>>) src(%arg10 : memref<128x64xf32, #tpu.memory_space<vmem>>) dst(%dma_wait3A_197 : memref<10240x64xf32, #tpu.memory_space<vmem_shared>>)
      %dma_wait3A_198 = arith.constant 0 : i32
      %dma_wait3A_199 = tpu.memref_slice %arg8[%add3A_109, %dma_wait3A_198] : memref<80x128xi32, #tpu.memory_space<vmem>> -> memref<1x128xi32, #tpu.memory_space<vmem>>
      %dma_wait3A_200 = tpu.memref_squeeze %dma_wait3A_199 : memref<1x128xi32, #tpu.memory_space<vmem>> -> memref<128xi32, #tpu.memory_space<vmem>>
      %dma_wait3A_201 = arith.constant 0 : i32
      %dma_wait3A_202 = arith.constant 0 : i32
      %dma_wait3A_203 = tpu.memref_slice %arg17[%dma_wait3A_201, %dma_wait3A_202] : memref<10240x64xf32, #tpu.memory_space<vmem_shared>> -> memref<10240x64xf32, #tpu.memory_space<vmem_shared>>
      tpu.wait_indirect_dma semaphore(%arg28 : memref<!tpu.dma_semaphore, #tpu.memory_space<semaphore_mem>>) src(%arg11 : memref<128x64xf32, #tpu.memory_space<vmem>>) dst(%dma_wait3A_203 : memref<10240x64xf32, #tpu.memory_space<vmem_shared>>)
      %dma_wait3A_204 = arith.constant 0 : i32
      %dma_wait3A_205 = tpu.memref_slice %arg8[%add3A_123, %dma_wait3A_204] : memref<80x128xi32, #tpu.memory_space<vmem>> -> memref<1x128xi32, #tpu.memory_space<vmem>>
      %dma_wait3A_206 = tpu.memref_squeeze %dma_wait3A_205 : memref<1x128xi32, #tpu.memory_space<vmem>> -> memref<128xi32, #tpu.memory_space<vmem>>
      %dma_wait3A_207 = arith.constant 0 : i32
      %dma_wait3A_208 = arith.constant 0 : i32
      %dma_wait3A_209 = tpu.memref_slice %arg17[%dma_wait3A_207, %dma_wait3A_208] : memref<10240x64xf32, #tpu.memory_space<vmem_shared>> -> memref<10240x64xf32, #tpu.memory_space<vmem_shared>>
      tpu.wait_indirect_dma semaphore(%arg29 : memref<!tpu.dma_semaphore, #tpu.memory_space<semaphore_mem>>) src(%arg12 : memref<128x64xf32, #tpu.memory_space<vmem>>) dst(%dma_wait3A_209 : memref<10240x64xf32, #tpu.memory_space<vmem_shared>>)
      %dma_wait3A_210 = arith.constant 0 : i32
      %dma_wait3A_211 = tpu.memref_slice %arg8[%add3A_137, %dma_wait3A_210] : memref<80x128xi32, #tpu.memory_space<vmem>> -> memref<1x128xi32, #tpu.memory_space<vmem>>
      %dma_wait3A_212 = tpu.memref_squeeze %dma_wait3A_211 : memref<1x128xi32, #tpu.memory_space<vmem>> -> memref<128xi32, #tpu.memory_space<vmem>>
      %dma_wait3A_213 = arith.constant 0 : i32
      %dma_wait3A_214 = arith.constant 0 : i32
      %dma_wait3A_215 = tpu.memref_slice %arg17[%dma_wait3A_213, %dma_wait3A_214] : memref<10240x64xf32, #tpu.memory_space<vmem_shared>> -> memref<10240x64xf32, #tpu.memory_space<vmem_shared>>
      tpu.wait_indirect_dma semaphore(%arg30 : memref<!tpu.dma_semaphore, #tpu.memory_space<semaphore_mem>>) src(%arg13 : memref<128x64xf32, #tpu.memory_space<vmem>>) dst(%dma_wait3A_215 : memref<10240x64xf32, #tpu.memory_space<vmem_shared>>)
      %dma_wait3A_216 = arith.constant 0 : i32
      %dma_wait3A_217 = tpu.memref_slice %arg8[%add3A_151, %dma_wait3A_216] : memref<80x128xi32, #tpu.memory_space<vmem>> -> memref<1x128xi32, #tpu.memory_space<vmem>>
      %dma_wait3A_218 = tpu.memref_squeeze %dma_wait3A_217 : memref<1x128xi32, #tpu.memory_space<vmem>> -> memref<128xi32, #tpu.memory_space<vmem>>
      %dma_wait3A_219 = arith.constant 0 : i32
      %dma_wait3A_220 = arith.constant 0 : i32
      %dma_wait3A_221 = tpu.memref_slice %arg17[%dma_wait3A_219, %dma_wait3A_220] : memref<10240x64xf32, #tpu.memory_space<vmem_shared>> -> memref<10240x64xf32, #tpu.memory_space<vmem_shared>>
      tpu.wait_indirect_dma semaphore(%arg31 : memref<!tpu.dma_semaphore, #tpu.memory_space<semaphore_mem>>) src(%arg14 : memref<128x64xf32, #tpu.memory_space<vmem>>) dst(%dma_wait3A_221 : memref<10240x64xf32, #tpu.memory_space<vmem_shared>>)
      %dma_wait3A_222 = arith.constant 0 : i32
      %dma_wait3A_223 = tpu.memref_slice %arg8[%add3A_165, %dma_wait3A_222] : memref<80x128xi32, #tpu.memory_space<vmem>> -> memref<1x128xi32, #tpu.memory_space<vmem>>
      %dma_wait3A_224 = tpu.memref_squeeze %dma_wait3A_223 : memref<1x128xi32, #tpu.memory_space<vmem>> -> memref<128xi32, #tpu.memory_space<vmem>>
      %dma_wait3A_225 = arith.constant 0 : i32
      %dma_wait3A_226 = arith.constant 0 : i32
      %dma_wait3A_227 = tpu.memref_slice %arg17[%dma_wait3A_225, %dma_wait3A_226] : memref<10240x64xf32, #tpu.memory_space<vmem_shared>> -> memref<10240x64xf32, #tpu.memory_space<vmem_shared>>
      tpu.wait_indirect_dma semaphore(%arg32 : memref<!tpu.dma_semaphore, #tpu.memory_space<semaphore_mem>>) src(%arg15 : memref<128x64xf32, #tpu.memory_space<vmem>>) dst(%dma_wait3A_227 : memref<10240x64xf32, #tpu.memory_space<vmem_shared>>)
      %dma_wait3A_228 = arith.constant 0 : i32
      %dma_wait3A_229 = tpu.memref_slice %arg8[%add3A_179, %dma_wait3A_228] : memref<80x128xi32, #tpu.memory_space<vmem>> -> memref<1x128xi32, #tpu.memory_space<vmem>>
      %dma_wait3A_230 = tpu.memref_squeeze %dma_wait3A_229 : memref<1x128xi32, #tpu.memory_space<vmem>> -> memref<128xi32, #tpu.memory_space<vmem>>
      %dma_wait3A_231 = arith.constant 0 : i32
      %dma_wait3A_232 = arith.constant 0 : i32
      %dma_wait3A_233 = tpu.memref_slice %arg17[%dma_wait3A_231, %dma_wait3A_232] : memref<10240x64xf32, #tpu.memory_space<vmem_shared>> -> memref<10240x64xf32, #tpu.memory_space<vmem_shared>>
      tpu.wait_indirect_dma semaphore(%arg33 : memref<!tpu.dma_semaphore, #tpu.memory_space<semaphore_mem>>) src(%arg16 : memref<128x64xf32, #tpu.memory_space<vmem>>) dst(%dma_wait3A_233 : memref<10240x64xf32, #tpu.memory_space<vmem_shared>>)
    }
    %scan3A_7 = arith.constant 10 : i32
    %barrier3A_8 = arith.constant 0 : index
    tpu.barrier barrier_id(%barrier3A_8)
    "tpu.region"() ({
      %run_scoped3A = tpu.sem_alloc : memref<!tpu.dma_semaphore, #tpu.memory_space<semaphore_mem>>
      %dma_start3A = arith.constant 0 : i32
      %dma_start3A_9 = arith.constant 0 : i32
      %dma_start3A_10 = tpu.memref_slice %arg6[%arg0, %dma_start3A, %dma_start3A_9] : memref<2x10240x64xf32, #tpu.memory_space<hbm>> -> memref<1x10240x64xf32, #tpu.memory_space<hbm>>
      %dma_start3A_11 = tpu.memref_squeeze %dma_start3A_10 : memref<1x10240x64xf32, #tpu.memory_space<hbm>> -> memref<10240x64xf32, #tpu.memory_space<hbm>>
      %dma_start3A_12 = arith.constant 0 : i32
      %dma_start3A_13 = tpu.memref_slice %dma_start3A_11[%mul3A_2, %dma_start3A_12] : memref<10240x64xf32, #tpu.memory_space<hbm>> -> memref<640x64xf32, #tpu.memory_space<hbm>>
      %dma_start3A_14 = arith.constant 0 : i32
      %dma_start3A_15 = tpu.memref_slice %arg17[%mul3A_2, %dma_start3A_14] : memref<10240x64xf32, #tpu.memory_space<vmem_shared>> -> memref<640x64xf32, #tpu.memory_space<vmem_shared>>
      tpu.enqueue_dma source(%dma_start3A_15 : memref<640x64xf32, #tpu.memory_space<vmem_shared>>) target(%dma_start3A_13 : memref<640x64xf32, #tpu.memory_space<hbm>>) target_semaphore(%run_scoped3A : memref<!tpu.dma_semaphore, #tpu.memory_space<semaphore_mem>>)
      %dma_wait3A = arith.constant 0 : i32
      %dma_wait3A_16 = arith.constant 0 : i32
      %dma_wait3A_17 = tpu.memref_slice %arg6[%arg0, %dma_wait3A, %dma_wait3A_16] : memref<2x10240x64xf32, #tpu.memory_space<hbm>> -> memref<1x10240x64xf32, #tpu.memory_space<hbm>>
      %dma_wait3A_18 = tpu.memref_squeeze %dma_wait3A_17 : memref<1x10240x64xf32, #tpu.memory_space<hbm>> -> memref<10240x64xf32, #tpu.memory_space<hbm>>
      %dma_wait3A_19 = arith.constant 0 : i32
      %dma_wait3A_20 = tpu.memref_slice %dma_wait3A_18[%mul3A_2, %dma_wait3A_19] : memref<10240x64xf32, #tpu.memory_space<hbm>> -> memref<640x64xf32, #tpu.memory_space<hbm>>
      %dma_wait3A_21 = arith.constant 0 : i32
      %dma_wait3A_22 = tpu.memref_slice %arg17[%mul3A_2, %dma_wait3A_21] : memref<10240x64xf32, #tpu.memory_space<vmem_shared>> -> memref<640x64xf32, #tpu.memory_space<vmem_shared>>
      tpu.wait_dma2 semaphore(%run_scoped3A : memref<!tpu.dma_semaphore, #tpu.memory_space<semaphore_mem>>) src(%dma_wait3A_22 : memref<640x64xf32, #tpu.memory_space<vmem_shared>>) dst(%dma_wait3A_20 : memref<640x64xf32, #tpu.memory_space<hbm>>)
      tpu.yield
    }) : () -> ()
    return
  }
}

module attributes {stable_mosaic.version = 14 : i64} {
  func.func @_tc_prep_body(%arg0: memref<32x10240xf32, #tpu.memory_space<vmem>>, %arg1: memref<10240x1xf32, #tpu.memory_space<vmem>>, %arg2: memref<10240xf32, #tpu.memory_space<vmem>>) attributes {dimension_semantics = [], scalar_prefetch = 0 : i64, scratch_operands = 0 : i64, tpu.core_type = #tpu.core_type<tc>} {
    %scan3A = arith.constant 0 : i32
    %scan3A_0 = arith.constant 20 : i32
    %scan3A_1 = arith.addi %scan3A, %scan3A_0 : i32
    %scan3A_2 = arith.constant 1 : i32
    scf.for %scan3A_9 = %scan3A to %scan3A_1 step %scan3A_2  : i32 {
      %mul3A = arith.constant 512 : i32
      %mul3A_10 = arith.muli %scan3A_9, %mul3A : i32
      %get3A = arith.constant 0 : index
      %get3A_11 = arith.index_cast %mul3A_10 : i32 to index
      %get3A_12 = vector.load %arg0[%get3A, %get3A_11] : memref<32x10240xf32, #tpu.memory_space<vmem>>, vector<32x512xf32>
      %broadcast_in_dim3A = arith.constant 1.000000e+00 : f32
      %broadcast_in_dim3A_13 = vector.broadcast %broadcast_in_dim3A : f32 to vector<32x1xf32>
      %dot_general3A = arith.constant dense<0.000000e+00> : vector<512x1xf32>
      %dot_general3A_14 = tpu.matmul %get3A_12, %broadcast_in_dim3A_13, %dot_general3A {dimension_numbers = #tpu.dot_dimension_numbers<[0], [0], [1], [1], [0, 1, 1, 1], [], []>, precision = #tpu.contract_precision<fp32>, transpose_lhs_hint = false} : vector<32x512xf32>, vector<32x1xf32>, vector<512x1xf32> -> vector<512x1xf32>
      %add3A = arith.constant 1.000000e+00 : f32
      %add3A_15 = vector.broadcast %add3A : f32 to vector<512x1xf32>
      %add3A_16 = arith.addf %add3A_15, %dot_general3A_14 : vector<512x1xf32>
      %gt3A = arith.constant 0.000000e+00 : f32
      %gt3A_17 = vector.broadcast %gt3A : f32 to vector<512x1xf32>
      %gt3A_18 = arith.cmpf ogt, %add3A_16, %gt3A_17 : vector<512x1xf32>
      %pow3A = arith.constant -5.000000e-01 : f32
      %pow3A_19 = vector.broadcast %pow3A : f32 to vector<512x1xf32>
      %pow3A_20 = math.powf %add3A_16, %pow3A_19 : vector<512x1xf32>
      %jit3A = arith.constant 0.000000e+00 : f32
      %broadcast_in_dim3A_21 = vector.broadcast %jit3A : f32 to vector<512x1xf32>
      %select_n3A = arith.select %gt3A_18, %pow3A_20, %broadcast_in_dim3A_21 : vector<512x1xi1>, vector<512x1xf32>
      %swap3A = arith.index_cast %mul3A_10 : i32 to index
      %swap3A_22 = arith.constant 0 : index
      %swap3A_23 = vector.load %arg1[%swap3A, %swap3A_22] : memref<10240x1xf32, #tpu.memory_space<vmem>>, vector<512x1xf32>
      tpu.vector_store %arg1[%swap3A, %swap3A_22], %select_n3A {strides = array<i32>} : memref<10240x1xf32, #tpu.memory_space<vmem>>, vector<512x1xf32>,
    }
    %scan3A_3 = arith.constant 20 : i32
    %scan3A_4 = arith.constant 0 : i32
    %scan3A_5 = arith.constant 80 : i32
    %scan3A_6 = arith.addi %scan3A_4, %scan3A_5 : i32
    %scan3A_7 = arith.constant 1 : i32
    scf.for %scan3A_9 = %scan3A_4 to %scan3A_6 step %scan3A_7  : i32 {
      %mul3A = arith.constant 128 : i32
      %mul3A_10 = arith.muli %scan3A_9, %mul3A : i32
      %get3A = arith.constant 0 : index
      %get3A_11 = arith.index_cast %mul3A_10 : i32 to index
      %get3A_12 = vector.load %arg0[%get3A, %get3A_11] : memref<32x10240xf32, #tpu.memory_space<vmem>>, vector<32x128xf32>
      %reduce_sum3A = arith.constant dense<0.000000e+00> : vector<128xf32>
      %reduce_sum3A_13 = vector.multi_reduction <add>, %get3A_12, %reduce_sum3A [0] : vector<32x128xf32> to vector<128xf32>
      %add3A = arith.constant 1.000000e+00 : f32
      %add3A_14 = vector.broadcast %add3A : f32 to vector<128xf32>
      %add3A_15 = arith.addf %add3A_14, %reduce_sum3A_13 : vector<128xf32>
      %gt3A = arith.constant 0.000000e+00 : f32
      %gt3A_16 = vector.broadcast %gt3A : f32 to vector<128xf32>
      %gt3A_17 = arith.cmpf ogt, %add3A_15, %gt3A_16 : vector<128xf32>
      %pow3A = arith.constant -5.000000e-01 : f32
      %pow3A_18 = vector.broadcast %pow3A : f32 to vector<128xf32>
      %pow3A_19 = math.powf %add3A_15, %pow3A_18 : vector<128xf32>
      %jit3A = arith.constant 0.000000e+00 : f32
      %broadcast_in_dim3A = vector.broadcast %jit3A : f32 to vector<128xf32>
      %select_n3A = arith.select %gt3A_17, %pow3A_19, %broadcast_in_dim3A : vector<128xi1>, vector<128xf32>
      %swap3A = arith.index_cast %mul3A_10 : i32 to index
      %swap3A_20 = vector.load %arg2[%swap3A] : memref<10240xf32, #tpu.memory_space<vmem>>, vector<128xf32>
      tpu.vector_store %arg2[%swap3A], %select_n3A {strides = array<i32>} : memref<10240xf32, #tpu.memory_space<vmem>>, vector<128xf32>,
    }
    %scan3A_8 = arith.constant 80 : i32
    return
  }
}

module attributes {stable_mosaic.version = 14 : i64} {
  func.func @_tc1_body(%arg0: memref<4x10240x128xf32, #tpu.memory_space<vmem>>, %arg1: memref<128x16xf32, #tpu.memory_space<vmem>>, %arg2: memref<10240x1xf32, #tpu.memory_space<vmem>>, %arg3: memref<10240x64xf32, #tpu.memory_space<vmem>>) attributes {dimension_semantics = [], scalar_prefetch = 0 : i64, scratch_operands = 0 : i64, tpu.core_type = #tpu.core_type<tc>} {
    %scan3A = arith.constant 0 : i32
    %scan3A_0 = arith.constant 20 : i32
    %scan3A_1 = arith.addi %scan3A, %scan3A_0 : i32
    %scan3A_2 = arith.constant 1 : i32
    scf.for %scan3A_4 = %scan3A to %scan3A_1 step %scan3A_2  : i32 {
      %mul3A = arith.constant 512 : i32
      %mul3A_5 = arith.muli %scan3A_4, %mul3A : i32
      %get3A = arith.index_cast %mul3A_5 : i32 to index
      %get3A_6 = arith.constant 0 : index
      %get3A_7 = vector.load %arg2[%get3A, %get3A_6] : memref<10240x1xf32, #tpu.memory_space<vmem>>, vector<512x1xf32>
      %broadcast_in_dim3A = arith.constant 0.000000e+00 : f32
      %broadcast_in_dim3A_8 = vector.broadcast %broadcast_in_dim3A : f32 to vector<512x64xf32>
      %get3A_9 = arith.constant 0 : index
      %get3A_10 = arith.index_cast %mul3A_5 : i32 to index
      %get3A_11 = arith.constant 0 : index
      %get3A_12 = vector.load %arg0[%get3A_9, %get3A_10, %get3A_11] : memref<4x10240x128xf32, #tpu.memory_space<vmem>>, vector<1x512x128xf32>
      %get3A_13 = vector.shape_cast %get3A_12 : vector<1x512x128xf32> to vector<512x128xf32>
      %get3A_14 = arith.constant 0 : index
      %get3A_15 = arith.constant 0 : index
      %get3A_16 = vector.load %arg1[%get3A_14, %get3A_15] : memref<128x16xf32, #tpu.memory_space<vmem>>, vector<128x16xf32>
      %dot_general3A = arith.constant dense<0.000000e+00> : vector<512x16xf32>
      %dot_general3A_17 = tpu.matmul %get3A_13, %get3A_16, %dot_general3A {dimension_numbers = #tpu.dot_dimension_numbers<[1], [0], [0], [1], [0, 0, 1, 1], [], []>, transpose_lhs_hint = false} : vector<512x128xf32>, vector<128x16xf32>, vector<512x16xf32> -> vector<512x16xf32>
      %mul3A_18 = vector.broadcast %get3A_7 : vector<512x1xf32> to vector<512x16xf32>
      %mul3A_19 = arith.mulf %dot_general3A_17, %mul3A_18 : vector<512x16xf32>
      %iota3A = tpu.iota {dimensions = array<i32: 0>} : vector<16x64xi32>
      %iota3A_20 = tpu.iota {dimensions = array<i32: 1>} : vector<16x64xi32>
      %add3A = arith.constant 0 : i32
      %add3A_21 = vector.broadcast %add3A : i32 to vector<16x64xi32>
      %add3A_22 = arith.addi %iota3A, %add3A_21 : vector<16x64xi32>
      %eq3A = arith.cmpi eq, %iota3A_20, %add3A_22 : vector<16x64xi32>
      %convert_element_type3A = arith.extui %eq3A : vector<16x64xi1> to vector<16x64xi32>
      %convert_element_type3A_23 = arith.sitofp %convert_element_type3A : vector<16x64xi32> to vector<16x64xf32>
      %dot_general3A_24 = arith.constant dense<0.000000e+00> : vector<512x64xf32>
      %dot_general3A_25 = tpu.matmul %mul3A_19, %convert_element_type3A_23, %dot_general3A_24 {dimension_numbers = #tpu.dot_dimension_numbers<[1], [0], [0], [1], [0, 0, 1, 1], [], []>, precision = #tpu.contract_precision<fp32>, transpose_lhs_hint = false} : vector<512x16xf32>, vector<16x64xf32>, vector<512x64xf32> -> vector<512x64xf32>
      %add3A_26 = arith.addf %broadcast_in_dim3A_8, %dot_general3A_25 : vector<512x64xf32>
      %get3A_27 = arith.constant 1 : index
      %get3A_28 = arith.index_cast %mul3A_5 : i32 to index
      %get3A_29 = arith.constant 0 : index
      %get3A_30 = vector.load %arg0[%get3A_27, %get3A_28, %get3A_29] : memref<4x10240x128xf32, #tpu.memory_space<vmem>>, vector<1x512x128xf32>
      %get3A_31 = vector.shape_cast %get3A_30 : vector<1x512x128xf32> to vector<512x128xf32>
      %get3A_32 = arith.constant 0 : index
      %get3A_33 = arith.constant 0 : index
      %get3A_34 = vector.load %arg1[%get3A_32, %get3A_33] : memref<128x16xf32, #tpu.memory_space<vmem>>, vector<128x16xf32>
      %dot_general3A_35 = arith.constant dense<0.000000e+00> : vector<512x16xf32>
      %dot_general3A_36 = tpu.matmul %get3A_31, %get3A_34, %dot_general3A_35 {dimension_numbers = #tpu.dot_dimension_numbers<[1], [0], [0], [1], [0, 0, 1, 1], [], []>, transpose_lhs_hint = false} : vector<512x128xf32>, vector<128x16xf32>, vector<512x16xf32> -> vector<512x16xf32>
      %mul3A_37 = vector.broadcast %get3A_7 : vector<512x1xf32> to vector<512x16xf32>
      %mul3A_38 = arith.mulf %dot_general3A_36, %mul3A_37 : vector<512x16xf32>
      %iota3A_39 = tpu.iota {dimensions = array<i32: 0>} : vector<16x64xi32>
      %iota3A_40 = tpu.iota {dimensions = array<i32: 1>} : vector<16x64xi32>
      %add3A_41 = arith.constant 16 : i32
      %add3A_42 = vector.broadcast %add3A_41 : i32 to vector<16x64xi32>
      %add3A_43 = arith.addi %iota3A_39, %add3A_42 : vector<16x64xi32>
      %eq3A_44 = arith.cmpi eq, %iota3A_40, %add3A_43 : vector<16x64xi32>
      %convert_element_type3A_45 = arith.extui %eq3A_44 : vector<16x64xi1> to vector<16x64xi32>
      %convert_element_type3A_46 = arith.sitofp %convert_element_type3A_45 : vector<16x64xi32> to vector<16x64xf32>
      %dot_general3A_47 = arith.constant dense<0.000000e+00> : vector<512x64xf32>
      %dot_general3A_48 = tpu.matmul %mul3A_38, %convert_element_type3A_46, %dot_general3A_47 {dimension_numbers = #tpu.dot_dimension_numbers<[1], [0], [0], [1], [0, 0, 1, 1], [], []>, precision = #tpu.contract_precision<fp32>, transpose_lhs_hint = false} : vector<512x16xf32>, vector<16x64xf32>, vector<512x64xf32> -> vector<512x64xf32>
      %add3A_49 = arith.addf %add3A_26, %dot_general3A_48 : vector<512x64xf32>
      %get3A_50 = arith.constant 2 : index
      %get3A_51 = arith.index_cast %mul3A_5 : i32 to index
      %get3A_52 = arith.constant 0 : index
      %get3A_53 = vector.load %arg0[%get3A_50, %get3A_51, %get3A_52] : memref<4x10240x128xf32, #tpu.memory_space<vmem>>, vector<1x512x128xf32>
      %get3A_54 = vector.shape_cast %get3A_53 : vector<1x512x128xf32> to vector<512x128xf32>
      %get3A_55 = arith.constant 0 : index
      %get3A_56 = arith.constant 0 : index
      %get3A_57 = vector.load %arg1[%get3A_55, %get3A_56] : memref<128x16xf32, #tpu.memory_space<vmem>>, vector<128x16xf32>
      %dot_general3A_58 = arith.constant dense<0.000000e+00> : vector<512x16xf32>
      %dot_general3A_59 = tpu.matmul %get3A_54, %get3A_57, %dot_general3A_58 {dimension_numbers = #tpu.dot_dimension_numbers<[1], [0], [0], [1], [0, 0, 1, 1], [], []>, transpose_lhs_hint = false} : vector<512x128xf32>, vector<128x16xf32>, vector<512x16xf32> -> vector<512x16xf32>
      %mul3A_60 = vector.broadcast %get3A_7 : vector<512x1xf32> to vector<512x16xf32>
      %mul3A_61 = arith.mulf %dot_general3A_59, %mul3A_60 : vector<512x16xf32>
      %iota3A_62 = tpu.iota {dimensions = array<i32: 0>} : vector<16x64xi32>
      %iota3A_63 = tpu.iota {dimensions = array<i32: 1>} : vector<16x64xi32>
      %add3A_64 = arith.constant 32 : i32
      %add3A_65 = vector.broadcast %add3A_64 : i32 to vector<16x64xi32>
      %add3A_66 = arith.addi %iota3A_62, %add3A_65 : vector<16x64xi32>
      %eq3A_67 = arith.cmpi eq, %iota3A_63, %add3A_66 : vector<16x64xi32>
      %convert_element_type3A_68 = arith.extui %eq3A_67 : vector<16x64xi1> to vector<16x64xi32>
      %convert_element_type3A_69 = arith.sitofp %convert_element_type3A_68 : vector<16x64xi32> to vector<16x64xf32>
      %dot_general3A_70 = arith.constant dense<0.000000e+00> : vector<512x64xf32>
      %dot_general3A_71 = tpu.matmul %mul3A_61, %convert_element_type3A_69, %dot_general3A_70 {dimension_numbers = #tpu.dot_dimension_numbers<[1], [0], [0], [1], [0, 0, 1, 1], [], []>, precision = #tpu.contract_precision<fp32>, transpose_lhs_hint = false} : vector<512x16xf32>, vector<16x64xf32>, vector<512x64xf32> -> vector<512x64xf32>
      %add3A_72 = arith.addf %add3A_49, %dot_general3A_71 : vector<512x64xf32>
      %get3A_73 = arith.constant 3 : index
      %get3A_74 = arith.index_cast %mul3A_5 : i32 to index
      %get3A_75 = arith.constant 0 : index
      %get3A_76 = vector.load %arg0[%get3A_73, %get3A_74, %get3A_75] : memref<4x10240x128xf32, #tpu.memory_space<vmem>>, vector<1x512x128xf32>
      %get3A_77 = vector.shape_cast %get3A_76 : vector<1x512x128xf32> to vector<512x128xf32>
      %get3A_78 = arith.constant 0 : index
      %get3A_79 = arith.constant 0 : index
      %get3A_80 = vector.load %arg1[%get3A_78, %get3A_79] : memref<128x16xf32, #tpu.memory_space<vmem>>, vector<128x16xf32>
      %dot_general3A_81 = arith.constant dense<0.000000e+00> : vector<512x16xf32>
      %dot_general3A_82 = tpu.matmul %get3A_77, %get3A_80, %dot_general3A_81 {dimension_numbers = #tpu.dot_dimension_numbers<[1], [0], [0], [1], [0, 0, 1, 1], [], []>, transpose_lhs_hint = false} : vector<512x128xf32>, vector<128x16xf32>, vector<512x16xf32> -> vector<512x16xf32>
      %mul3A_83 = vector.broadcast %get3A_7 : vector<512x1xf32> to vector<512x16xf32>
      %mul3A_84 = arith.mulf %dot_general3A_82, %mul3A_83 : vector<512x16xf32>
      %iota3A_85 = tpu.iota {dimensions = array<i32: 0>} : vector<16x64xi32>
      %iota3A_86 = tpu.iota {dimensions = array<i32: 1>} : vector<16x64xi32>
      %add3A_87 = arith.constant 48 : i32
      %add3A_88 = vector.broadcast %add3A_87 : i32 to vector<16x64xi32>
      %add3A_89 = arith.addi %iota3A_85, %add3A_88 : vector<16x64xi32>
      %eq3A_90 = arith.cmpi eq, %iota3A_86, %add3A_89 : vector<16x64xi32>
      %convert_element_type3A_91 = arith.extui %eq3A_90 : vector<16x64xi1> to vector<16x64xi32>
      %convert_element_type3A_92 = arith.sitofp %convert_element_type3A_91 : vector<16x64xi32> to vector<16x64xf32>
      %dot_general3A_93 = arith.constant dense<0.000000e+00> : vector<512x64xf32>
      %dot_general3A_94 = tpu.matmul %mul3A_84, %convert_element_type3A_92, %dot_general3A_93 {dimension_numbers = #tpu.dot_dimension_numbers<[1], [0], [0], [1], [0, 0, 1, 1], [], []>, precision = #tpu.contract_precision<fp32>, transpose_lhs_hint = false} : vector<512x16xf32>, vector<16x64xf32>, vector<512x64xf32> -> vector<512x64xf32>
      %add3A_95 = arith.addf %add3A_72, %dot_general3A_94 : vector<512x64xf32>
      %swap3A = arith.index_cast %mul3A_5 : i32 to index
      %swap3A_96 = arith.constant 0 : index
      %swap3A_97 = vector.load %arg3[%swap3A, %swap3A_96] : memref<10240x64xf32, #tpu.memory_space<vmem>>, vector<512x64xf32>
      tpu.vector_store %arg3[%swap3A, %swap3A_96], %add3A_95 {strides = array<i32>} : memref<10240x64xf32, #tpu.memory_space<vmem>>, vector<512x64xf32>,
    }
    %scan3A_3 = arith.constant 20 : i32
    return
  }
}

module attributes {stable_mosaic.version = 14 : i64} {
  func.func @_tc2_body(%arg0: memref<2x10240x64xf32, #tpu.memory_space<vmem>>, %arg1: memref<10240x64xf32, #tpu.memory_space<vmem>>, %arg2: memref<10240x1xf32, #tpu.memory_space<vmem>>, %arg3: memref<1x64xf32, #tpu.memory_space<vmem>>, %arg4: memref<64x4xf32, #tpu.memory_space<vmem>>, %arg5: memref<10240x64xf32, #tpu.memory_space<vmem>>, %arg6: memref<4x10240xf32, #tpu.memory_space<vmem>>) attributes {dimension_semantics = [], scalar_prefetch = 0 : i64, scratch_operands = 0 : i64, tpu.core_type = #tpu.core_type<tc>} {
    %scan3A = arith.constant 0 : i32
    %scan3A_0 = arith.constant 80 : i32
    %scan3A_1 = arith.addi %scan3A, %scan3A_0 : i32
    %scan3A_2 = arith.constant 1 : i32
    scf.for %scan3A_4 = %scan3A to %scan3A_1 step %scan3A_2  : i32 {
      %mul3A = arith.constant 128 : i32
      %mul3A_5 = arith.muli %scan3A_4, %mul3A : i32
      %get3A = arith.index_cast %mul3A_5 : i32 to index
      %get3A_6 = arith.constant 0 : index
      %get3A_7 = vector.load %arg2[%get3A, %get3A_6] : memref<10240x1xf32, #tpu.memory_space<vmem>>, vector<128x1xf32>
      %get3A_8 = arith.constant 0 : index
      %get3A_9 = arith.index_cast %mul3A_5 : i32 to index
      %get3A_10 = arith.constant 0 : index
      %get3A_11 = vector.load %arg0[%get3A_8, %get3A_9, %get3A_10] : memref<2x10240x64xf32, #tpu.memory_space<vmem>>, vector<1x128x64xf32>
      %get3A_12 = vector.shape_cast %get3A_11 : vector<1x128x64xf32> to vector<128x64xf32>
      %get3A_13 = arith.constant 1 : index
      %get3A_14 = arith.index_cast %mul3A_5 : i32 to index
      %get3A_15 = arith.constant 0 : index
      %get3A_16 = vector.load %arg0[%get3A_13, %get3A_14, %get3A_15] : memref<2x10240x64xf32, #tpu.memory_space<vmem>>, vector<1x128x64xf32>
      %get3A_17 = vector.shape_cast %get3A_16 : vector<1x128x64xf32> to vector<128x64xf32>
      %add3A = arith.addf %get3A_12, %get3A_17 : vector<128x64xf32>
      %mul3A_18 = vector.broadcast %get3A_7 : vector<128x1xf32> to vector<128x64xf32>
      %mul3A_19 = arith.mulf %mul3A_18, %add3A : vector<128x64xf32>
      %get3A_20 = arith.index_cast %mul3A_5 : i32 to index
      %get3A_21 = arith.constant 0 : index
      %get3A_22 = vector.load %arg1[%get3A_20, %get3A_21] : memref<10240x64xf32, #tpu.memory_space<vmem>>, vector<128x64xf32>
      %mul3A_23 = vector.broadcast %get3A_7 : vector<128x1xf32> to vector<128x64xf32>
      %mul3A_24 = arith.mulf %get3A_22, %mul3A_23 : vector<128x64xf32>
      %add3A_25 = arith.addf %mul3A_19, %mul3A_24 : vector<128x64xf32>
      %get3A_26 = arith.constant 0 : index
      %get3A_27 = arith.constant 0 : index
      %get3A_28 = vector.load %arg3[%get3A_26, %get3A_27] : memref<1x64xf32, #tpu.memory_space<vmem>>, vector<1x64xf32>
      %add3A_29 = vector.broadcast %get3A_28 : vector<1x64xf32> to vector<128x64xf32>
      %add3A_30 = arith.addf %add3A_25, %add3A_29 : vector<128x64xf32>
      %max3A = arith.constant 0.000000e+00 : f32
      %max3A_31 = vector.broadcast %max3A : f32 to vector<128x64xf32>
      %max3A_32 = arith.maximumf %add3A_30, %max3A_31 : vector<128x64xf32>
      %swap3A = arith.index_cast %mul3A_5 : i32 to index
      %swap3A_33 = arith.constant 0 : index
      %swap3A_34 = vector.load %arg5[%swap3A, %swap3A_33] : memref<10240x64xf32, #tpu.memory_space<vmem>>, vector<128x64xf32>
      tpu.vector_store %arg5[%swap3A, %swap3A_33], %max3A_32 {strides = array<i32>} : memref<10240x64xf32, #tpu.memory_space<vmem>>, vector<128x64xf32>,
      %get3A_35 = arith.constant 0 : index
      %get3A_36 = arith.constant 0 : index
      %get3A_37 = vector.load %arg4[%get3A_35, %get3A_36] : memref<64x4xf32, #tpu.memory_space<vmem>>, vector<64x4xf32>
      %dot_general3A = arith.constant dense<0.000000e+00> : vector<128x4xf32>
      %dot_general3A_38 = tpu.matmul %max3A_32, %get3A_37, %dot_general3A {dimension_numbers = #tpu.dot_dimension_numbers<[1], [0], [0], [1], [0, 0, 1, 1], [], []>, transpose_lhs_hint = false} : vector<128x64xf32>, vector<64x4xf32>, vector<128x4xf32> -> vector<128x4xf32>
      %mul3A_39 = vector.broadcast %get3A_7 : vector<128x1xf32> to vector<128x4xf32>
      %mul3A_40 = arith.mulf %dot_general3A_38, %mul3A_39 : vector<128x4xf32>
      %iota3A = tpu.iota {dimensions = array<i32: 0>} : vector<4x1xi32>
      %eq3A = arith.constant 0 : i32
      %eq3A_41 = vector.broadcast %eq3A : i32 to vector<4x1xi32>
      %eq3A_42 = arith.cmpi eq, %iota3A, %eq3A_41 : vector<4x1xi32>
      %convert_element_type3A = arith.extui %eq3A_42 : vector<4x1xi1> to vector<4x1xi32>
      %convert_element_type3A_43 = arith.sitofp %convert_element_type3A : vector<4x1xi32> to vector<4x1xf32>
      %dot_general3A_44 = arith.constant dense<0.000000e+00> : vector<128x1xf32>
      %dot_general3A_45 = tpu.matmul %mul3A_40, %convert_element_type3A_43, %dot_general3A_44 {dimension_numbers = #tpu.dot_dimension_numbers<[1], [0], [0], [1], [0, 0, 1, 1], [], []>, precision = #tpu.contract_precision<fp32>, transpose_lhs_hint = false} : vector<128x4xf32>, vector<4x1xf32>, vector<128x1xf32> -> vector<128x1xf32>
      %iota3A_46 = tpu.iota {dimensions = array<i32: 0>} : vector<128x128xi32>
      %iota3A_47 = tpu.iota {dimensions = array<i32: 1>} : vector<128x128xi32>
      %eq3A_48 = arith.cmpi eq, %iota3A_46, %iota3A_47 : vector<128x128xi32>
      %convert_element_type3A_49 = arith.extui %eq3A_48 : vector<128x128xi1> to vector<128x128xi32>
      %convert_element_type3A_50 = arith.sitofp %convert_element_type3A_49 : vector<128x128xi32> to vector<128x128xf32>
      %mul3A_51 = vector.broadcast %dot_general3A_45 : vector<128x1xf32> to vector<128x128xf32>
      %mul3A_52 = arith.mulf %mul3A_51, %convert_element_type3A_50 : vector<128x128xf32>
      %broadcast_in_dim3A = arith.constant 1.000000e+00 : f32
      %broadcast_in_dim3A_53 = vector.broadcast %broadcast_in_dim3A : f32 to vector<1x128xf32>
      %dot_general3A_54 = arith.constant dense<0.000000e+00> : vector<1x128xf32>
      %dot_general3A_55 = tpu.matmul %broadcast_in_dim3A_53, %mul3A_52, %dot_general3A_54 {dimension_numbers = #tpu.dot_dimension_numbers<[1], [0], [0], [1], [0, 0, 1, 1], [], []>, precision = #tpu.contract_precision<fp32>, transpose_lhs_hint = false} : vector<1x128xf32>, vector<128x128xf32>, vector<1x128xf32> -> vector<1x128xf32>
      %reshape3A = vector.shape_cast %dot_general3A_55 : vector<1x128xf32> to vector<128xf32>
      %swap3A_56 = arith.constant 0 : index
      %swap3A_57 = arith.index_cast %mul3A_5 : i32 to index
      %swap3A_58 = vector.load %arg6[%swap3A_56, %swap3A_57] : memref<4x10240xf32, #tpu.memory_space<vmem>>, vector<1x128xf32>
      %swap3A_59 = vector.shape_cast %swap3A_58 : vector<1x128xf32> to vector<128xf32>
      %swap3A_60 = vector.shape_cast %reshape3A : vector<128xf32> to vector<1x128xf32>
      tpu.vector_store %arg6[%swap3A_56, %swap3A_57], %swap3A_60 {strides = array<i32>} : memref<4x10240xf32, #tpu.memory_space<vmem>>, vector<1x128xf32>,
      %iota3A_61 = tpu.iota {dimensions = array<i32: 0>} : vector<4x1xi32>
      %eq3A_62 = arith.constant 1 : i32
      %eq3A_63 = vector.broadcast %eq3A_62 : i32 to vector<4x1xi32>
      %eq3A_64 = arith.cmpi eq, %iota3A_61, %eq3A_63 : vector<4x1xi32>
      %convert_element_type3A_65 = arith.extui %eq3A_64 : vector<4x1xi1> to vector<4x1xi32>
      %convert_element_type3A_66 = arith.sitofp %convert_element_type3A_65 : vector<4x1xi32> to vector<4x1xf32>
      %dot_general3A_67 = arith.constant dense<0.000000e+00> : vector<128x1xf32>
      %dot_general3A_68 = tpu.matmul %mul3A_40, %convert_element_type3A_66, %dot_general3A_67 {dimension_numbers = #tpu.dot_dimension_numbers<[1], [0], [0], [1], [0, 0, 1, 1], [], []>, precision = #tpu.contract_precision<fp32>, transpose_lhs_hint = false} : vector<128x4xf32>, vector<4x1xf32>, vector<128x1xf32> -> vector<128x1xf32>
      %iota3A_69 = tpu.iota {dimensions = array<i32: 0>} : vector<128x128xi32>
      %iota3A_70 = tpu.iota {dimensions = array<i32: 1>} : vector<128x128xi32>
      %eq3A_71 = arith.cmpi eq, %iota3A_69, %iota3A_70 : vector<128x128xi32>
      %convert_element_type3A_72 = arith.extui %eq3A_71 : vector<128x128xi1> to vector<128x128xi32>
      %convert_element_type3A_73 = arith.sitofp %convert_element_type3A_72 : vector<128x128xi32> to vector<128x128xf32>
      %mul3A_74 = vector.broadcast %dot_general3A_68 : vector<128x1xf32> to vector<128x128xf32>
      %mul3A_75 = arith.mulf %mul3A_74, %convert_element_type3A_73 : vector<128x128xf32>
      %broadcast_in_dim3A_76 = arith.constant 1.000000e+00 : f32
      %broadcast_in_dim3A_77 = vector.broadcast %broadcast_in_dim3A_76 : f32 to vector<1x128xf32>
      %dot_general3A_78 = arith.constant dense<0.000000e+00> : vector<1x128xf32>
      %dot_general3A_79 = tpu.matmul %broadcast_in_dim3A_77, %mul3A_75, %dot_general3A_78 {dimension_numbers = #tpu.dot_dimension_numbers<[1], [0], [0], [1], [0, 0, 1, 1], [], []>, precision = #tpu.contract_precision<fp32>, transpose_lhs_hint = false} : vector<1x128xf32>, vector<128x128xf32>, vector<1x128xf32> -> vector<1x128xf32>
      %reshape3A_80 = vector.shape_cast %dot_general3A_79 : vector<1x128xf32> to vector<128xf32>
      %swap3A_81 = arith.constant 1 : index
      %swap3A_82 = arith.index_cast %mul3A_5 : i32 to index
      %swap3A_83 = vector.load %arg6[%swap3A_81, %swap3A_82] : memref<4x10240xf32, #tpu.memory_space<vmem>>, vector<1x128xf32>
      %swap3A_84 = vector.shape_cast %swap3A_83 : vector<1x128xf32> to vector<128xf32>
      %swap3A_85 = vector.shape_cast %reshape3A_80 : vector<128xf32> to vector<1x128xf32>
      tpu.vector_store %arg6[%swap3A_81, %swap3A_82], %swap3A_85 {strides = array<i32>} : memref<4x10240xf32, #tpu.memory_space<vmem>>, vector<1x128xf32>,
      %iota3A_86 = tpu.iota {dimensions = array<i32: 0>} : vector<4x1xi32>
      %eq3A_87 = arith.constant 2 : i32
      %eq3A_88 = vector.broadcast %eq3A_87 : i32 to vector<4x1xi32>
      %eq3A_89 = arith.cmpi eq, %iota3A_86, %eq3A_88 : vector<4x1xi32>
      %convert_element_type3A_90 = arith.extui %eq3A_89 : vector<4x1xi1> to vector<4x1xi32>
      %convert_element_type3A_91 = arith.sitofp %convert_element_type3A_90 : vector<4x1xi32> to vector<4x1xf32>
      %dot_general3A_92 = arith.constant dense<0.000000e+00> : vector<128x1xf32>
      %dot_general3A_93 = tpu.matmul %mul3A_40, %convert_element_type3A_91, %dot_general3A_92 {dimension_numbers = #tpu.dot_dimension_numbers<[1], [0], [0], [1], [0, 0, 1, 1], [], []>, precision = #tpu.contract_precision<fp32>, transpose_lhs_hint = false} : vector<128x4xf32>, vector<4x1xf32>, vector<128x1xf32> -> vector<128x1xf32>
      %iota3A_94 = tpu.iota {dimensions = array<i32: 0>} : vector<128x128xi32>
      %iota3A_95 = tpu.iota {dimensions = array<i32: 1>} : vector<128x128xi32>
      %eq3A_96 = arith.cmpi eq, %iota3A_94, %iota3A_95 : vector<128x128xi32>
      %convert_element_type3A_97 = arith.extui %eq3A_96 : vector<128x128xi1> to vector<128x128xi32>
      %convert_element_type3A_98 = arith.sitofp %convert_element_type3A_97 : vector<128x128xi32> to vector<128x128xf32>
      %mul3A_99 = vector.broadcast %dot_general3A_93 : vector<128x1xf32> to vector<128x128xf32>
      %mul3A_100 = arith.mulf %mul3A_99, %convert_element_type3A_98 : vector<128x128xf32>
      %broadcast_in_dim3A_101 = arith.constant 1.000000e+00 : f32
      %broadcast_in_dim3A_102 = vector.broadcast %broadcast_in_dim3A_101 : f32 to vector<1x128xf32>
      %dot_general3A_103 = arith.constant dense<0.000000e+00> : vector<1x128xf32>
      %dot_general3A_104 = tpu.matmul %broadcast_in_dim3A_102, %mul3A_100, %dot_general3A_103 {dimension_numbers = #tpu.dot_dimension_numbers<[1], [0], [0], [1], [0, 0, 1, 1], [], []>, precision = #tpu.contract_precision<fp32>, transpose_lhs_hint = false} : vector<1x128xf32>, vector<128x128xf32>, vector<1x128xf32> -> vector<1x128xf32>
      %reshape3A_105 = vector.shape_cast %dot_general3A_104 : vector<1x128xf32> to vector<128xf32>
      %swap3A_106 = arith.constant 2 : index
      %swap3A_107 = arith.index_cast %mul3A_5 : i32 to index
      %swap3A_108 = vector.load %arg6[%swap3A_106, %swap3A_107] : memref<4x10240xf32, #tpu.memory_space<vmem>>, vector<1x128xf32>
      %swap3A_109 = vector.shape_cast %swap3A_108 : vector<1x128xf32> to vector<128xf32>
      %swap3A_110 = vector.shape_cast %reshape3A_105 : vector<128xf32> to vector<1x128xf32>
      tpu.vector_store %arg6[%swap3A_106, %swap3A_107], %swap3A_110 {strides = array<i32>} : memref<4x10240xf32, #tpu.memory_space<vmem>>, vector<1x128xf32>,
      %iota3A_111 = tpu.iota {dimensions = array<i32: 0>} : vector<4x1xi32>
      %eq3A_112 = arith.constant 3 : i32
      %eq3A_113 = vector.broadcast %eq3A_112 : i32 to vector<4x1xi32>
      %eq3A_114 = arith.cmpi eq, %iota3A_111, %eq3A_113 : vector<4x1xi32>
      %convert_element_type3A_115 = arith.extui %eq3A_114 : vector<4x1xi1> to vector<4x1xi32>
      %convert_element_type3A_116 = arith.sitofp %convert_element_type3A_115 : vector<4x1xi32> to vector<4x1xf32>
      %dot_general3A_117 = arith.constant dense<0.000000e+00> : vector<128x1xf32>
      %dot_general3A_118 = tpu.matmul %mul3A_40, %convert_element_type3A_116, %dot_general3A_117 {dimension_numbers = #tpu.dot_dimension_numbers<[1], [0], [0], [1], [0, 0, 1, 1], [], []>, precision = #tpu.contract_precision<fp32>, transpose_lhs_hint = false} : vector<128x4xf32>, vector<4x1xf32>, vector<128x1xf32> -> vector<128x1xf32>
      %iota3A_119 = tpu.iota {dimensions = array<i32: 0>} : vector<128x128xi32>
      %iota3A_120 = tpu.iota {dimensions = array<i32: 1>} : vector<128x128xi32>
      %eq3A_121 = arith.cmpi eq, %iota3A_119, %iota3A_120 : vector<128x128xi32>
      %convert_element_type3A_122 = arith.extui %eq3A_121 : vector<128x128xi1> to vector<128x128xi32>
      %convert_element_type3A_123 = arith.sitofp %convert_element_type3A_122 : vector<128x128xi32> to vector<128x128xf32>
      %mul3A_124 = vector.broadcast %dot_general3A_118 : vector<128x1xf32> to vector<128x128xf32>
      %mul3A_125 = arith.mulf %mul3A_124, %convert_element_type3A_123 : vector<128x128xf32>
      %broadcast_in_dim3A_126 = arith.constant 1.000000e+00 : f32
      %broadcast_in_dim3A_127 = vector.broadcast %broadcast_in_dim3A_126 : f32 to vector<1x128xf32>
      %dot_general3A_128 = arith.constant dense<0.000000e+00> : vector<1x128xf32>
      %dot_general3A_129 = tpu.matmul %broadcast_in_dim3A_127, %mul3A_125, %dot_general3A_128 {dimension_numbers = #tpu.dot_dimension_numbers<[1], [0], [0], [1], [0, 0, 1, 1], [], []>, precision = #tpu.contract_precision<fp32>, transpose_lhs_hint = false} : vector<1x128xf32>, vector<128x128xf32>, vector<1x128xf32> -> vector<1x128xf32>
      %reshape3A_130 = vector.shape_cast %dot_general3A_129 : vector<1x128xf32> to vector<128xf32>
      %swap3A_131 = arith.constant 3 : index
      %swap3A_132 = arith.index_cast %mul3A_5 : i32 to index
      %swap3A_133 = vector.load %arg6[%swap3A_131, %swap3A_132] : memref<4x10240xf32, #tpu.memory_space<vmem>>, vector<1x128xf32>
      %swap3A_134 = vector.shape_cast %swap3A_133 : vector<1x128xf32> to vector<128xf32>
      %swap3A_135 = vector.shape_cast %reshape3A_130 : vector<128xf32> to vector<1x128xf32>
      tpu.vector_store %arg6[%swap3A_131, %swap3A_132], %swap3A_135 {strides = array<i32>} : memref<4x10240xf32, #tpu.memory_space<vmem>>, vector<1x128xf32>,
    }
    %scan3A_3 = arith.constant 80 : i32
    return
  }
}

module attributes {stable_mosaic.version = 14 : i64} {
  func.func @_tc3_body(%arg0: memref<32x4x10240xf32, #tpu.memory_space<vmem>>, %arg1: memref<4x10240xf32, #tpu.memory_space<vmem>>, %arg2: memref<10240xf32, #tpu.memory_space<vmem>>, %arg3: memref<10240x64xf32, #tpu.memory_space<vmem>>, %arg4: memref<10240xf32, #tpu.memory_space<vmem>>, %arg5: memref<1x1xf32, #tpu.memory_space<vmem>>, %arg6: memref<80xi32, #tpu.memory_space<smem>>, %arg7: memref<80xi32, #tpu.memory_space<smem>>, %arg8: memref<4x10240xf32, #tpu.memory_space<vmem>>, %arg9: memref<10240x64xf32, #tpu.memory_space<vmem>>, %arg10: memref<4x10240xf32, #tpu.memory_space<vmem>>, %arg11: memref<10240xf32, #tpu.memory_space<vmem>>) attributes {dimension_semantics = [], scalar_prefetch = 0 : i64, scratch_operands = 2 : i64, tpu.core_type = #tpu.core_type<tc>} {
    %broadcast_in_dim3A = arith.constant 0.000000e+00 : f32
    %broadcast_in_dim3A_0 = vector.broadcast %broadcast_in_dim3A : f32 to vector<1x9xf32>
    %scan3A = arith.constant 0 : i32
    %scan3A_1 = arith.constant 80 : i32
    %scan3A_2 = arith.addi %scan3A, %scan3A_1 : i32
    %scan3A_3 = arith.constant 1 : i32
    %scan3A_4 = scf.for %scan3A_26 = %scan3A to %scan3A_2 step %scan3A_3 iter_args(%scan3A_27 = %broadcast_in_dim3A_0) -> (vector<1x9xf32>)  : i32 {
      %mul3A_28 = arith.constant 128 : i32
      %mul3A_29 = arith.muli %scan3A_26, %mul3A_28 : i32
      %get3A = arith.index_cast %mul3A_29 : i32 to index
      %get3A_30 = vector.load %arg2[%get3A] : memref<10240xf32, #tpu.memory_space<vmem>>, vector<128xf32>
      %get3A_31 = arith.index_cast %mul3A_29 : i32 to index
      %get3A_32 = vector.load %arg4[%get3A_31] : memref<10240xf32, #tpu.memory_space<vmem>>, vector<128xf32>
      %get3A_33 = arith.constant 0 : index
      %get3A_34 = arith.constant 0 : index
      %get3A_35 = arith.index_cast %mul3A_29 : i32 to index
      %get3A_36 = vector.load %arg0[%get3A_33, %get3A_34, %get3A_35] : memref<32x4x10240xf32, #tpu.memory_space<vmem>>, vector<32x1x128xf32>
      %get3A_37 = vector.shape_cast %get3A_36 : vector<32x1x128xf32> to vector<32x128xf32>
      %reduce_sum3A = arith.constant dense<0.000000e+00> : vector<128xf32>
      %reduce_sum3A_38 = vector.multi_reduction <add>, %get3A_37, %reduce_sum3A [0] : vector<32x128xf32> to vector<128xf32>
      %mul3A_39 = arith.mulf %get3A_30, %reduce_sum3A_38 : vector<128xf32>
      %get3A_40 = arith.constant 0 : index
      %get3A_41 = arith.index_cast %mul3A_29 : i32 to index
      %get3A_42 = vector.load %arg1[%get3A_40, %get3A_41] : memref<4x10240xf32, #tpu.memory_space<vmem>>, vector<1x128xf32>
      %get3A_43 = vector.shape_cast %get3A_42 : vector<1x128xf32> to vector<128xf32>
      %mul3A_44 = arith.mulf %get3A_43, %get3A_30 : vector<128xf32>
      %add3A = arith.addf %mul3A_39, %mul3A_44 : vector<128xf32>
      %get3A_45 = arith.constant 0 : index
      %get3A_46 = arith.constant 0 : index
      %get3A_47 = vector.load %arg5[%get3A_45, %get3A_46] : memref<1x1xf32, #tpu.memory_space<vmem>>, vector<1x1xf32>
      %get3A_48 = vector.extract %get3A_47[0, 0] : f32 from vector<1x1xf32>
      %add3A_49 = vector.broadcast %get3A_48 : f32 to vector<128xf32>
      %add3A_50 = arith.addf %add3A, %add3A_49 : vector<128xf32>
      %swap3A = arith.constant 0 : index
      %swap3A_51 = arith.index_cast %mul3A_29 : i32 to index
      %swap3A_52 = vector.load %arg10[%swap3A, %swap3A_51] : memref<4x10240xf32, #tpu.memory_space<vmem>>, vector<1x128xf32>
      %swap3A_53 = vector.shape_cast %swap3A_52 : vector<1x128xf32> to vector<128xf32>
      %swap3A_54 = vector.shape_cast %add3A_50 : vector<128xf32> to vector<1x128xf32>
      tpu.vector_store %arg10[%swap3A, %swap3A_51], %swap3A_54 {strides = array<i32>} : memref<4x10240xf32, #tpu.memory_space<vmem>>, vector<1x128xf32>,
      %get3A_55 = arith.constant 0 : index
      %get3A_56 = arith.constant 1 : index
      %get3A_57 = arith.index_cast %mul3A_29 : i32 to index
      %get3A_58 = vector.load %arg0[%get3A_55, %get3A_56, %get3A_57] : memref<32x4x10240xf32, #tpu.memory_space<vmem>>, vector<32x1x128xf32>
      %get3A_59 = vector.shape_cast %get3A_58 : vector<32x1x128xf32> to vector<32x128xf32>
      %reduce_sum3A_60 = arith.constant dense<0.000000e+00> : vector<128xf32>
      %reduce_sum3A_61 = vector.multi_reduction <add>, %get3A_59, %reduce_sum3A_60 [0] : vector<32x128xf32> to vector<128xf32>
      %mul3A_62 = arith.mulf %get3A_30, %reduce_sum3A_61 : vector<128xf32>
      %get3A_63 = arith.constant 1 : index
      %get3A_64 = arith.index_cast %mul3A_29 : i32 to index
      %get3A_65 = vector.load %arg1[%get3A_63, %get3A_64] : memref<4x10240xf32, #tpu.memory_space<vmem>>, vector<1x128xf32>
      %get3A_66 = vector.shape_cast %get3A_65 : vector<1x128xf32> to vector<128xf32>
      %mul3A_67 = arith.mulf %get3A_66, %get3A_30 : vector<128xf32>
      %add3A_68 = arith.addf %mul3A_62, %mul3A_67 : vector<128xf32>
      %get3A_69 = arith.constant 0 : index
      %get3A_70 = arith.constant 0 : index
      %get3A_71 = vector.load %arg5[%get3A_69, %get3A_70] : memref<1x1xf32, #tpu.memory_space<vmem>>, vector<1x1xf32>
      %get3A_72 = vector.extract %get3A_71[0, 0] : f32 from vector<1x1xf32>
      %add3A_73 = vector.broadcast %get3A_72 : f32 to vector<128xf32>
      %add3A_74 = arith.addf %add3A_68, %add3A_73 : vector<128xf32>
      %swap3A_75 = arith.constant 1 : index
      %swap3A_76 = arith.index_cast %mul3A_29 : i32 to index
      %swap3A_77 = vector.load %arg10[%swap3A_75, %swap3A_76] : memref<4x10240xf32, #tpu.memory_space<vmem>>, vector<1x128xf32>
      %swap3A_78 = vector.shape_cast %swap3A_77 : vector<1x128xf32> to vector<128xf32>
      %swap3A_79 = vector.shape_cast %add3A_74 : vector<128xf32> to vector<1x128xf32>
      tpu.vector_store %arg10[%swap3A_75, %swap3A_76], %swap3A_79 {strides = array<i32>} : memref<4x10240xf32, #tpu.memory_space<vmem>>, vector<1x128xf32>,
      %get3A_80 = arith.constant 0 : index
      %get3A_81 = arith.constant 2 : index
      %get3A_82 = arith.index_cast %mul3A_29 : i32 to index
      %get3A_83 = vector.load %arg0[%get3A_80, %get3A_81, %get3A_82] : memref<32x4x10240xf32, #tpu.memory_space<vmem>>, vector<32x1x128xf32>
      %get3A_84 = vector.shape_cast %get3A_83 : vector<32x1x128xf32> to vector<32x128xf32>
      %reduce_sum3A_85 = arith.constant dense<0.000000e+00> : vector<128xf32>
      %reduce_sum3A_86 = vector.multi_reduction <add>, %get3A_84, %reduce_sum3A_85 [0] : vector<32x128xf32> to vector<128xf32>
      %mul3A_87 = arith.mulf %get3A_30, %reduce_sum3A_86 : vector<128xf32>
      %get3A_88 = arith.constant 2 : index
      %get3A_89 = arith.index_cast %mul3A_29 : i32 to index
      %get3A_90 = vector.load %arg1[%get3A_88, %get3A_89] : memref<4x10240xf32, #tpu.memory_space<vmem>>, vector<1x128xf32>
      %get3A_91 = vector.shape_cast %get3A_90 : vector<1x128xf32> to vector<128xf32>
      %mul3A_92 = arith.mulf %get3A_91, %get3A_30 : vector<128xf32>
      %add3A_93 = arith.addf %mul3A_87, %mul3A_92 : vector<128xf32>
      %get3A_94 = arith.constant 0 : index
      %get3A_95 = arith.constant 0 : index
      %get3A_96 = vector.load %arg5[%get3A_94, %get3A_95] : memref<1x1xf32, #tpu.memory_space<vmem>>, vector<1x1xf32>
      %get3A_97 = vector.extract %get3A_96[0, 0] : f32 from vector<1x1xf32>
      %add3A_98 = vector.broadcast %get3A_97 : f32 to vector<128xf32>
      %add3A_99 = arith.addf %add3A_93, %add3A_98 : vector<128xf32>
      %swap3A_100 = arith.constant 2 : index
      %swap3A_101 = arith.index_cast %mul3A_29 : i32 to index
      %swap3A_102 = vector.load %arg10[%swap3A_100, %swap3A_101] : memref<4x10240xf32, #tpu.memory_space<vmem>>, vector<1x128xf32>
      %swap3A_103 = vector.shape_cast %swap3A_102 : vector<1x128xf32> to vector<128xf32>
      %swap3A_104 = vector.shape_cast %add3A_99 : vector<128xf32> to vector<1x128xf32>
      tpu.vector_store %arg10[%swap3A_100, %swap3A_101], %swap3A_104 {strides = array<i32>} : memref<4x10240xf32, #tpu.memory_space<vmem>>, vector<1x128xf32>,
      %get3A_105 = arith.constant 0 : index
      %get3A_106 = arith.constant 3 : index
      %get3A_107 = arith.index_cast %mul3A_29 : i32 to index
      %get3A_108 = vector.load %arg0[%get3A_105, %get3A_106, %get3A_107] : memref<32x4x10240xf32, #tpu.memory_space<vmem>>, vector<32x1x128xf32>
      %get3A_109 = vector.shape_cast %get3A_108 : vector<32x1x128xf32> to vector<32x128xf32>
      %reduce_sum3A_110 = arith.constant dense<0.000000e+00> : vector<128xf32>
      %reduce_sum3A_111 = vector.multi_reduction <add>, %get3A_109, %reduce_sum3A_110 [0] : vector<32x128xf32> to vector<128xf32>
      %mul3A_112 = arith.mulf %get3A_30, %reduce_sum3A_111 : vector<128xf32>
      %get3A_113 = arith.constant 3 : index
      %get3A_114 = arith.index_cast %mul3A_29 : i32 to index
      %get3A_115 = vector.load %arg1[%get3A_113, %get3A_114] : memref<4x10240xf32, #tpu.memory_space<vmem>>, vector<1x128xf32>
      %get3A_116 = vector.shape_cast %get3A_115 : vector<1x128xf32> to vector<128xf32>
      %mul3A_117 = arith.mulf %get3A_116, %get3A_30 : vector<128xf32>
      %add3A_118 = arith.addf %mul3A_112, %mul3A_117 : vector<128xf32>
      %get3A_119 = arith.constant 0 : index
      %get3A_120 = arith.constant 0 : index
      %get3A_121 = vector.load %arg5[%get3A_119, %get3A_120] : memref<1x1xf32, #tpu.memory_space<vmem>>, vector<1x1xf32>
      %get3A_122 = vector.extract %get3A_121[0, 0] : f32 from vector<1x1xf32>
      %add3A_123 = vector.broadcast %get3A_122 : f32 to vector<128xf32>
      %add3A_124 = arith.addf %add3A_118, %add3A_123 : vector<128xf32>
      %swap3A_125 = arith.constant 3 : index
      %swap3A_126 = arith.index_cast %mul3A_29 : i32 to index
      %swap3A_127 = vector.load %arg10[%swap3A_125, %swap3A_126] : memref<4x10240xf32, #tpu.memory_space<vmem>>, vector<1x128xf32>
      %swap3A_128 = vector.shape_cast %swap3A_127 : vector<1x128xf32> to vector<128xf32>
      %swap3A_129 = vector.shape_cast %add3A_124 : vector<128xf32> to vector<1x128xf32>
      tpu.vector_store %arg10[%swap3A_125, %swap3A_126], %swap3A_129 {strides = array<i32>} : memref<4x10240xf32, #tpu.memory_space<vmem>>, vector<1x128xf32>,
      %broadcast_in_dim3A_130 = arith.constant 0.000000e+00 : f32
      %broadcast_in_dim3A_131 = vector.broadcast %broadcast_in_dim3A_130 : f32 to vector<1x9xf32>
      %eq3A = arith.constant 0.000000e+00 : f32
      %eq3A_132 = vector.broadcast %eq3A : f32 to vector<128xf32>
      %eq3A_133 = arith.cmpf oeq, %get3A_32, %eq3A_132 : vector<128xf32>
      %jit3A = arith.constant 1.000000e+00 : f32
      %jit3A_134 = arith.constant 0.000000e+00 : f32
      %broadcast_in_dim3A_135 = vector.broadcast %jit3A : f32 to vector<128xf32>
      %broadcast_in_dim3A_136 = vector.broadcast %jit3A_134 : f32 to vector<128xf32>
      %select_n3A = arith.select %eq3A_133, %broadcast_in_dim3A_135, %broadcast_in_dim3A_136 : vector<128xi1>, vector<128xf32>
      %reduce_sum3A_137 = vector.shape_cast %select_n3A : vector<128xf32> to vector<1x128xf32>
      %reduce_sum3A_138 = arith.constant dense<0.000000e+00> : vector<1xf32>
      %reduce_sum3A_139 = vector.multi_reduction <add>, %reduce_sum3A_137, %reduce_sum3A_138 [1] : vector<1x128xf32> to vector<1xf32>
      %reduce_sum3A_140 = vector.shape_cast %reduce_sum3A_139 : vector<1xf32> to vector<1x1xf32>
      %reduce_sum3A_141 = vector.extract %reduce_sum3A_140[0, 0] : f32 from vector<1x1xf32>
      %iota3A_142 = tpu.iota {dimensions = array<i32: 1>} : vector<1x9xi32>
      %eq3A_143 = arith.constant 0 : i32
      %eq3A_144 = vector.broadcast %eq3A_143 : i32 to vector<1x9xi32>
      %eq3A_145 = arith.cmpi eq, %iota3A_142, %eq3A_144 : vector<1x9xi32>
      %convert_element_type3A_146 = arith.extui %eq3A_145 : vector<1x9xi1> to vector<1x9xi32>
      %convert_element_type3A_147 = arith.sitofp %convert_element_type3A_146 : vector<1x9xi32> to vector<1x9xf32>
      %mul3A_148 = vector.broadcast %reduce_sum3A_141 : f32 to vector<1x9xf32>
      %mul3A_149 = arith.mulf %mul3A_148, %convert_element_type3A_147 : vector<1x9xf32>
      %add3A_150 = arith.addf %broadcast_in_dim3A_131, %mul3A_149 : vector<1x9xf32>
      %eq3A_151 = arith.constant 1.000000e+00 : f32
      %eq3A_152 = vector.broadcast %eq3A_151 : f32 to vector<128xf32>
      %eq3A_153 = arith.cmpf oeq, %get3A_32, %eq3A_152 : vector<128xf32>
      %jit3A_154 = arith.constant 1.000000e+00 : f32
      %jit3A_155 = arith.constant 0.000000e+00 : f32
      %broadcast_in_dim3A_156 = vector.broadcast %jit3A_154 : f32 to vector<128xf32>
      %broadcast_in_dim3A_157 = vector.broadcast %jit3A_155 : f32 to vector<128xf32>
      %select_n3A_158 = arith.select %eq3A_153, %broadcast_in_dim3A_156, %broadcast_in_dim3A_157 : vector<128xi1>, vector<128xf32>
      %reduce_sum3A_159 = vector.shape_cast %select_n3A_158 : vector<128xf32> to vector<1x128xf32>
      %reduce_sum3A_160 = arith.constant dense<0.000000e+00> : vector<1xf32>
      %reduce_sum3A_161 = vector.multi_reduction <add>, %reduce_sum3A_159, %reduce_sum3A_160 [1] : vector<1x128xf32> to vector<1xf32>
      %reduce_sum3A_162 = vector.shape_cast %reduce_sum3A_161 : vector<1xf32> to vector<1x1xf32>
      %reduce_sum3A_163 = vector.extract %reduce_sum3A_162[0, 0] : f32 from vector<1x1xf32>
      %iota3A_164 = tpu.iota {dimensions = array<i32: 1>} : vector<1x9xi32>
      %eq3A_165 = arith.constant 1 : i32
      %eq3A_166 = vector.broadcast %eq3A_165 : i32 to vector<1x9xi32>
      %eq3A_167 = arith.cmpi eq, %iota3A_164, %eq3A_166 : vector<1x9xi32>
      %convert_element_type3A_168 = arith.extui %eq3A_167 : vector<1x9xi1> to vector<1x9xi32>
      %convert_element_type3A_169 = arith.sitofp %convert_element_type3A_168 : vector<1x9xi32> to vector<1x9xf32>
      %mul3A_170 = vector.broadcast %reduce_sum3A_163 : f32 to vector<1x9xf32>
      %mul3A_171 = arith.mulf %mul3A_170, %convert_element_type3A_169 : vector<1x9xf32>
      %add3A_172 = arith.addf %add3A_150, %mul3A_171 : vector<1x9xf32>
      %eq3A_173 = arith.constant 2.000000e+00 : f32
      %eq3A_174 = vector.broadcast %eq3A_173 : f32 to vector<128xf32>
      %eq3A_175 = arith.cmpf oeq, %get3A_32, %eq3A_174 : vector<128xf32>
      %jit3A_176 = arith.constant 1.000000e+00 : f32
      %jit3A_177 = arith.constant 0.000000e+00 : f32
      %broadcast_in_dim3A_178 = vector.broadcast %jit3A_176 : f32 to vector<128xf32>
      %broadcast_in_dim3A_179 = vector.broadcast %jit3A_177 : f32 to vector<128xf32>
      %select_n3A_180 = arith.select %eq3A_175, %broadcast_in_dim3A_178, %broadcast_in_dim3A_179 : vector<128xi1>, vector<128xf32>
      %reduce_sum3A_181 = vector.shape_cast %select_n3A_180 : vector<128xf32> to vector<1x128xf32>
      %reduce_sum3A_182 = arith.constant dense<0.000000e+00> : vector<1xf32>
      %reduce_sum3A_183 = vector.multi_reduction <add>, %reduce_sum3A_181, %reduce_sum3A_182 [1] : vector<1x128xf32> to vector<1xf32>
      %reduce_sum3A_184 = vector.shape_cast %reduce_sum3A_183 : vector<1xf32> to vector<1x1xf32>
      %reduce_sum3A_185 = vector.extract %reduce_sum3A_184[0, 0] : f32 from vector<1x1xf32>
      %iota3A_186 = tpu.iota {dimensions = array<i32: 1>} : vector<1x9xi32>
      %eq3A_187 = arith.constant 2 : i32
      %eq3A_188 = vector.broadcast %eq3A_187 : i32 to vector<1x9xi32>
      %eq3A_189 = arith.cmpi eq, %iota3A_186, %eq3A_188 : vector<1x9xi32>
      %convert_element_type3A_190 = arith.extui %eq3A_189 : vector<1x9xi1> to vector<1x9xi32>
      %convert_element_type3A_191 = arith.sitofp %convert_element_type3A_190 : vector<1x9xi32> to vector<1x9xf32>
      %mul3A_192 = vector.broadcast %reduce_sum3A_185 : f32 to vector<1x9xf32>
      %mul3A_193 = arith.mulf %mul3A_192, %convert_element_type3A_191 : vector<1x9xf32>
      %add3A_194 = arith.addf %add3A_172, %mul3A_193 : vector<1x9xf32>
      %eq3A_195 = arith.constant 3.000000e+00 : f32
      %eq3A_196 = vector.broadcast %eq3A_195 : f32 to vector<128xf32>
      %eq3A_197 = arith.cmpf oeq, %get3A_32, %eq3A_196 : vector<128xf32>
      %jit3A_198 = arith.constant 1.000000e+00 : f32
      %jit3A_199 = arith.constant 0.000000e+00 : f32
      %broadcast_in_dim3A_200 = vector.broadcast %jit3A_198 : f32 to vector<128xf32>
      %broadcast_in_dim3A_201 = vector.broadcast %jit3A_199 : f32 to vector<128xf32>
      %select_n3A_202 = arith.select %eq3A_197, %broadcast_in_dim3A_200, %broadcast_in_dim3A_201 : vector<128xi1>, vector<128xf32>
      %reduce_sum3A_203 = vector.shape_cast %select_n3A_202 : vector<128xf32> to vector<1x128xf32>
      %reduce_sum3A_204 = arith.constant dense<0.000000e+00> : vector<1xf32>
      %reduce_sum3A_205 = vector.multi_reduction <add>, %reduce_sum3A_203, %reduce_sum3A_204 [1] : vector<1x128xf32> to vector<1xf32>
      %reduce_sum3A_206 = vector.shape_cast %reduce_sum3A_205 : vector<1xf32> to vector<1x1xf32>
      %reduce_sum3A_207 = vector.extract %reduce_sum3A_206[0, 0] : f32 from vector<1x1xf32>
      %iota3A_208 = tpu.iota {dimensions = array<i32: 1>} : vector<1x9xi32>
      %eq3A_209 = arith.constant 3 : i32
      %eq3A_210 = vector.broadcast %eq3A_209 : i32 to vector<1x9xi32>
      %eq3A_211 = arith.cmpi eq, %iota3A_208, %eq3A_210 : vector<1x9xi32>
      %convert_element_type3A_212 = arith.extui %eq3A_211 : vector<1x9xi1> to vector<1x9xi32>
      %convert_element_type3A_213 = arith.sitofp %convert_element_type3A_212 : vector<1x9xi32> to vector<1x9xf32>
      %mul3A_214 = vector.broadcast %reduce_sum3A_207 : f32 to vector<1x9xf32>
      %mul3A_215 = arith.mulf %mul3A_214, %convert_element_type3A_213 : vector<1x9xf32>
      %add3A_216 = arith.addf %add3A_194, %mul3A_215 : vector<1x9xf32>
      %eq3A_217 = arith.constant 4.000000e+00 : f32
      %eq3A_218 = vector.broadcast %eq3A_217 : f32 to vector<128xf32>
      %eq3A_219 = arith.cmpf oeq, %get3A_32, %eq3A_218 : vector<128xf32>
      %jit3A_220 = arith.constant 1.000000e+00 : f32
      %jit3A_221 = arith.constant 0.000000e+00 : f32
      %broadcast_in_dim3A_222 = vector.broadcast %jit3A_220 : f32 to vector<128xf32>
      %broadcast_in_dim3A_223 = vector.broadcast %jit3A_221 : f32 to vector<128xf32>
      %select_n3A_224 = arith.select %eq3A_219, %broadcast_in_dim3A_222, %broadcast_in_dim3A_223 : vector<128xi1>, vector<128xf32>
      %reduce_sum3A_225 = vector.shape_cast %select_n3A_224 : vector<128xf32> to vector<1x128xf32>
      %reduce_sum3A_226 = arith.constant dense<0.000000e+00> : vector<1xf32>
      %reduce_sum3A_227 = vector.multi_reduction <add>, %reduce_sum3A_225, %reduce_sum3A_226 [1] : vector<1x128xf32> to vector<1xf32>
      %reduce_sum3A_228 = vector.shape_cast %reduce_sum3A_227 : vector<1xf32> to vector<1x1xf32>
      %reduce_sum3A_229 = vector.extract %reduce_sum3A_228[0, 0] : f32 from vector<1x1xf32>
      %iota3A_230 = tpu.iota {dimensions = array<i32: 1>} : vector<1x9xi32>
      %eq3A_231 = arith.constant 4 : i32
      %eq3A_232 = vector.broadcast %eq3A_231 : i32 to vector<1x9xi32>
      %eq3A_233 = arith.cmpi eq, %iota3A_230, %eq3A_232 : vector<1x9xi32>
      %convert_element_type3A_234 = arith.extui %eq3A_233 : vector<1x9xi1> to vector<1x9xi32>
      %convert_element_type3A_235 = arith.sitofp %convert_element_type3A_234 : vector<1x9xi32> to vector<1x9xf32>
      %mul3A_236 = vector.broadcast %reduce_sum3A_229 : f32 to vector<1x9xf32>
      %mul3A_237 = arith.mulf %mul3A_236, %convert_element_type3A_235 : vector<1x9xf32>
      %add3A_238 = arith.addf %add3A_216, %mul3A_237 : vector<1x9xf32>
      %eq3A_239 = arith.constant 5.000000e+00 : f32
      %eq3A_240 = vector.broadcast %eq3A_239 : f32 to vector<128xf32>
      %eq3A_241 = arith.cmpf oeq, %get3A_32, %eq3A_240 : vector<128xf32>
      %jit3A_242 = arith.constant 1.000000e+00 : f32
      %jit3A_243 = arith.constant 0.000000e+00 : f32
      %broadcast_in_dim3A_244 = vector.broadcast %jit3A_242 : f32 to vector<128xf32>
      %broadcast_in_dim3A_245 = vector.broadcast %jit3A_243 : f32 to vector<128xf32>
      %select_n3A_246 = arith.select %eq3A_241, %broadcast_in_dim3A_244, %broadcast_in_dim3A_245 : vector<128xi1>, vector<128xf32>
      %reduce_sum3A_247 = vector.shape_cast %select_n3A_246 : vector<128xf32> to vector<1x128xf32>
      %reduce_sum3A_248 = arith.constant dense<0.000000e+00> : vector<1xf32>
      %reduce_sum3A_249 = vector.multi_reduction <add>, %reduce_sum3A_247, %reduce_sum3A_248 [1] : vector<1x128xf32> to vector<1xf32>
      %reduce_sum3A_250 = vector.shape_cast %reduce_sum3A_249 : vector<1xf32> to vector<1x1xf32>
      %reduce_sum3A_251 = vector.extract %reduce_sum3A_250[0, 0] : f32 from vector<1x1xf32>
      %iota3A_252 = tpu.iota {dimensions = array<i32: 1>} : vector<1x9xi32>
      %eq3A_253 = arith.constant 5 : i32
      %eq3A_254 = vector.broadcast %eq3A_253 : i32 to vector<1x9xi32>
      %eq3A_255 = arith.cmpi eq, %iota3A_252, %eq3A_254 : vector<1x9xi32>
      %convert_element_type3A_256 = arith.extui %eq3A_255 : vector<1x9xi1> to vector<1x9xi32>
      %convert_element_type3A_257 = arith.sitofp %convert_element_type3A_256 : vector<1x9xi32> to vector<1x9xf32>
      %mul3A_258 = vector.broadcast %reduce_sum3A_251 : f32 to vector<1x9xf32>
      %mul3A_259 = arith.mulf %mul3A_258, %convert_element_type3A_257 : vector<1x9xf32>
      %add3A_260 = arith.addf %add3A_238, %mul3A_259 : vector<1x9xf32>
      %eq3A_261 = arith.constant 6.000000e+00 : f32
      %eq3A_262 = vector.broadcast %eq3A_261 : f32 to vector<128xf32>
      %eq3A_263 = arith.cmpf oeq, %get3A_32, %eq3A_262 : vector<128xf32>
      %jit3A_264 = arith.constant 1.000000e+00 : f32
      %jit3A_265 = arith.constant 0.000000e+00 : f32
      %broadcast_in_dim3A_266 = vector.broadcast %jit3A_264 : f32 to vector<128xf32>
      %broadcast_in_dim3A_267 = vector.broadcast %jit3A_265 : f32 to vector<128xf32>
      %select_n3A_268 = arith.select %eq3A_263, %broadcast_in_dim3A_266, %broadcast_in_dim3A_267 : vector<128xi1>, vector<128xf32>
      %reduce_sum3A_269 = vector.shape_cast %select_n3A_268 : vector<128xf32> to vector<1x128xf32>
      %reduce_sum3A_270 = arith.constant dense<0.000000e+00> : vector<1xf32>
      %reduce_sum3A_271 = vector.multi_reduction <add>, %reduce_sum3A_269, %reduce_sum3A_270 [1] : vector<1x128xf32> to vector<1xf32>
      %reduce_sum3A_272 = vector.shape_cast %reduce_sum3A_271 : vector<1xf32> to vector<1x1xf32>
      %reduce_sum3A_273 = vector.extract %reduce_sum3A_272[0, 0] : f32 from vector<1x1xf32>
      %iota3A_274 = tpu.iota {dimensions = array<i32: 1>} : vector<1x9xi32>
      %eq3A_275 = arith.constant 6 : i32
      %eq3A_276 = vector.broadcast %eq3A_275 : i32 to vector<1x9xi32>
      %eq3A_277 = arith.cmpi eq, %iota3A_274, %eq3A_276 : vector<1x9xi32>
      %convert_element_type3A_278 = arith.extui %eq3A_277 : vector<1x9xi1> to vector<1x9xi32>
      %convert_element_type3A_279 = arith.sitofp %convert_element_type3A_278 : vector<1x9xi32> to vector<1x9xf32>
      %mul3A_280 = vector.broadcast %reduce_sum3A_273 : f32 to vector<1x9xf32>
      %mul3A_281 = arith.mulf %mul3A_280, %convert_element_type3A_279 : vector<1x9xf32>
      %add3A_282 = arith.addf %add3A_260, %mul3A_281 : vector<1x9xf32>
      %eq3A_283 = arith.constant 7.000000e+00 : f32
      %eq3A_284 = vector.broadcast %eq3A_283 : f32 to vector<128xf32>
      %eq3A_285 = arith.cmpf oeq, %get3A_32, %eq3A_284 : vector<128xf32>
      %jit3A_286 = arith.constant 1.000000e+00 : f32
      %jit3A_287 = arith.constant 0.000000e+00 : f32
      %broadcast_in_dim3A_288 = vector.broadcast %jit3A_286 : f32 to vector<128xf32>
      %broadcast_in_dim3A_289 = vector.broadcast %jit3A_287 : f32 to vector<128xf32>
      %select_n3A_290 = arith.select %eq3A_285, %broadcast_in_dim3A_288, %broadcast_in_dim3A_289 : vector<128xi1>, vector<128xf32>
      %reduce_sum3A_291 = vector.shape_cast %select_n3A_290 : vector<128xf32> to vector<1x128xf32>
      %reduce_sum3A_292 = arith.constant dense<0.000000e+00> : vector<1xf32>
      %reduce_sum3A_293 = vector.multi_reduction <add>, %reduce_sum3A_291, %reduce_sum3A_292 [1] : vector<1x128xf32> to vector<1xf32>
      %reduce_sum3A_294 = vector.shape_cast %reduce_sum3A_293 : vector<1xf32> to vector<1x1xf32>
      %reduce_sum3A_295 = vector.extract %reduce_sum3A_294[0, 0] : f32 from vector<1x1xf32>
      %iota3A_296 = tpu.iota {dimensions = array<i32: 1>} : vector<1x9xi32>
      %eq3A_297 = arith.constant 7 : i32
      %eq3A_298 = vector.broadcast %eq3A_297 : i32 to vector<1x9xi32>
      %eq3A_299 = arith.cmpi eq, %iota3A_296, %eq3A_298 : vector<1x9xi32>
      %convert_element_type3A_300 = arith.extui %eq3A_299 : vector<1x9xi1> to vector<1x9xi32>
      %convert_element_type3A_301 = arith.sitofp %convert_element_type3A_300 : vector<1x9xi32> to vector<1x9xf32>
      %mul3A_302 = vector.broadcast %reduce_sum3A_295 : f32 to vector<1x9xf32>
      %mul3A_303 = arith.mulf %mul3A_302, %convert_element_type3A_301 : vector<1x9xf32>
      %add3A_304 = arith.addf %add3A_282, %mul3A_303 : vector<1x9xf32>
      %eq3A_305 = arith.constant 8.000000e+00 : f32
      %eq3A_306 = vector.broadcast %eq3A_305 : f32 to vector<128xf32>
      %eq3A_307 = arith.cmpf oeq, %get3A_32, %eq3A_306 : vector<128xf32>
      %jit3A_308 = arith.constant 1.000000e+00 : f32
      %jit3A_309 = arith.constant 0.000000e+00 : f32
      %broadcast_in_dim3A_310 = vector.broadcast %jit3A_308 : f32 to vector<128xf32>
      %broadcast_in_dim3A_311 = vector.broadcast %jit3A_309 : f32 to vector<128xf32>
      %select_n3A_312 = arith.select %eq3A_307, %broadcast_in_dim3A_310, %broadcast_in_dim3A_311 : vector<128xi1>, vector<128xf32>
      %reduce_sum3A_313 = vector.shape_cast %select_n3A_312 : vector<128xf32> to vector<1x128xf32>
      %reduce_sum3A_314 = arith.constant dense<0.000000e+00> : vector<1xf32>
      %reduce_sum3A_315 = vector.multi_reduction <add>, %reduce_sum3A_313, %reduce_sum3A_314 [1] : vector<1x128xf32> to vector<1xf32>
      %reduce_sum3A_316 = vector.shape_cast %reduce_sum3A_315 : vector<1xf32> to vector<1x1xf32>
      %reduce_sum3A_317 = vector.extract %reduce_sum3A_316[0, 0] : f32 from vector<1x1xf32>
      %iota3A_318 = tpu.iota {dimensions = array<i32: 1>} : vector<1x9xi32>
      %eq3A_319 = arith.constant 8 : i32
      %eq3A_320 = vector.broadcast %eq3A_319 : i32 to vector<1x9xi32>
      %eq3A_321 = arith.cmpi eq, %iota3A_318, %eq3A_320 : vector<1x9xi32>
      %convert_element_type3A_322 = arith.extui %eq3A_321 : vector<1x9xi1> to vector<1x9xi32>
      %convert_element_type3A_323 = arith.sitofp %convert_element_type3A_322 : vector<1x9xi32> to vector<1x9xf32>
      %mul3A_324 = vector.broadcast %reduce_sum3A_317 : f32 to vector<1x9xf32>
      %mul3A_325 = arith.mulf %mul3A_324, %convert_element_type3A_323 : vector<1x9xf32>
      %add3A_326 = arith.addf %add3A_304, %mul3A_325 : vector<1x9xf32>
      %add3A_327 = arith.addf %scan3A_27, %add3A_326 : vector<1x9xf32>
      scf.yield %add3A_327 : vector<1x9xf32>
    }
    %scan3A_5 = arith.constant 80 : i32
    %mul3A = arith.constant 8.000000e-01 : f32
    %mul3A_6 = vector.broadcast %mul3A : f32 to vector<1x9xf32>
    %mul3A_7 = arith.mulf %mul3A_6, %scan3A_4 : vector<1x9xf32>
    %ceil3A = math.ceil %mul3A_7 : vector<1x9xf32>
    %scan3A_8 = arith.constant 0 : i32
    %scan3A_9 = arith.constant 80 : i32
    %scan3A_10 = arith.addi %scan3A_8, %scan3A_9 : i32
    %scan3A_11 = arith.constant 1 : i32
    scf.for %scan3A_26 = %scan3A_8 to %scan3A_10 step %scan3A_11  : i32 {
      %mul3A_27 = arith.constant 128 : i32
      %mul3A_28 = arith.muli %scan3A_26, %mul3A_27 : i32
      %get3A = arith.index_cast %mul3A_28 : i32 to index
      %get3A_29 = vector.load %arg4[%get3A] : memref<10240xf32, #tpu.memory_space<vmem>>, vector<128xf32>
      %broadcast_in_dim3A_30 = arith.constant 0.000000e+00 : f32
      %broadcast_in_dim3A_31 = vector.broadcast %broadcast_in_dim3A_30 : f32 to vector<128xf32>
      %eq3A = arith.constant 0.000000e+00 : f32
      %eq3A_32 = vector.broadcast %eq3A : f32 to vector<128xf32>
      %eq3A_33 = arith.cmpf oeq, %get3A_29, %eq3A_32 : vector<128xf32>
      %slice3A = vector.extract_strided_slice %ceil3A {offsets = [0, 0], sizes = [1, 1], strides = [1, 1]} : vector<1x9xf32> to vector<1x1xf32>
      %squeeze3A = vector.extract %slice3A[0, 0] : f32 from vector<1x1xf32>
      %jit3A = arith.constant 0.000000e+00 : f32
      %broadcast_in_dim3A_34 = vector.broadcast %squeeze3A : f32 to vector<128xf32>
      %broadcast_in_dim3A_35 = vector.broadcast %jit3A : f32 to vector<128xf32>
      %select_n3A = arith.select %eq3A_33, %broadcast_in_dim3A_34, %broadcast_in_dim3A_35 : vector<128xi1>, vector<128xf32>
      %add3A = arith.addf %broadcast_in_dim3A_31, %select_n3A : vector<128xf32>
      %eq3A_36 = arith.constant 1.000000e+00 : f32
      %eq3A_37 = vector.broadcast %eq3A_36 : f32 to vector<128xf32>
      %eq3A_38 = arith.cmpf oeq, %get3A_29, %eq3A_37 : vector<128xf32>
      %slice3A_39 = vector.extract_strided_slice %ceil3A {offsets = [0, 1], sizes = [1, 1], strides = [1, 1]} : vector<1x9xf32> to vector<1x1xf32>
      %squeeze3A_40 = vector.extract %slice3A_39[0, 0] : f32 from vector<1x1xf32>
      %jit3A_41 = arith.constant 0.000000e+00 : f32
      %broadcast_in_dim3A_42 = vector.broadcast %squeeze3A_40 : f32 to vector<128xf32>
      %broadcast_in_dim3A_43 = vector.broadcast %jit3A_41 : f32 to vector<128xf32>
      %select_n3A_44 = arith.select %eq3A_38, %broadcast_in_dim3A_42, %broadcast_in_dim3A_43 : vector<128xi1>, vector<128xf32>
      %add3A_45 = arith.addf %add3A, %select_n3A_44 : vector<128xf32>
      %eq3A_46 = arith.constant 2.000000e+00 : f32
      %eq3A_47 = vector.broadcast %eq3A_46 : f32 to vector<128xf32>
      %eq3A_48 = arith.cmpf oeq, %get3A_29, %eq3A_47 : vector<128xf32>
      %slice3A_49 = vector.extract_strided_slice %ceil3A {offsets = [0, 2], sizes = [1, 1], strides = [1, 1]} : vector<1x9xf32> to vector<1x1xf32>
      %squeeze3A_50 = vector.extract %slice3A_49[0, 0] : f32 from vector<1x1xf32>
      %jit3A_51 = arith.constant 0.000000e+00 : f32
      %broadcast_in_dim3A_52 = vector.broadcast %squeeze3A_50 : f32 to vector<128xf32>
      %broadcast_in_dim3A_53 = vector.broadcast %jit3A_51 : f32 to vector<128xf32>
      %select_n3A_54 = arith.select %eq3A_48, %broadcast_in_dim3A_52, %broadcast_in_dim3A_53 : vector<128xi1>, vector<128xf32>
      %add3A_55 = arith.addf %add3A_45, %select_n3A_54 : vector<128xf32>
      %eq3A_56 = arith.constant 3.000000e+00 : f32
      %eq3A_57 = vector.broadcast %eq3A_56 : f32 to vector<128xf32>
      %eq3A_58 = arith.cmpf oeq, %get3A_29, %eq3A_57 : vector<128xf32>
      %slice3A_59 = vector.extract_strided_slice %ceil3A {offsets = [0, 3], sizes = [1, 1], strides = [1, 1]} : vector<1x9xf32> to vector<1x1xf32>
      %squeeze3A_60 = vector.extract %slice3A_59[0, 0] : f32 from vector<1x1xf32>
      %jit3A_61 = arith.constant 0.000000e+00 : f32
      %broadcast_in_dim3A_62 = vector.broadcast %squeeze3A_60 : f32 to vector<128xf32>
      %broadcast_in_dim3A_63 = vector.broadcast %jit3A_61 : f32 to vector<128xf32>
      %select_n3A_64 = arith.select %eq3A_58, %broadcast_in_dim3A_62, %broadcast_in_dim3A_63 : vector<128xi1>, vector<128xf32>
      %add3A_65 = arith.addf %add3A_55, %select_n3A_64 : vector<128xf32>
      %eq3A_66 = arith.constant 4.000000e+00 : f32
      %eq3A_67 = vector.broadcast %eq3A_66 : f32 to vector<128xf32>
      %eq3A_68 = arith.cmpf oeq, %get3A_29, %eq3A_67 : vector<128xf32>
      %slice3A_69 = vector.extract_strided_slice %ceil3A {offsets = [0, 4], sizes = [1, 1], strides = [1, 1]} : vector<1x9xf32> to vector<1x1xf32>
      %squeeze3A_70 = vector.extract %slice3A_69[0, 0] : f32 from vector<1x1xf32>
      %jit3A_71 = arith.constant 0.000000e+00 : f32
      %broadcast_in_dim3A_72 = vector.broadcast %squeeze3A_70 : f32 to vector<128xf32>
      %broadcast_in_dim3A_73 = vector.broadcast %jit3A_71 : f32 to vector<128xf32>
      %select_n3A_74 = arith.select %eq3A_68, %broadcast_in_dim3A_72, %broadcast_in_dim3A_73 : vector<128xi1>, vector<128xf32>
      %add3A_75 = arith.addf %add3A_65, %select_n3A_74 : vector<128xf32>
      %eq3A_76 = arith.constant 5.000000e+00 : f32
      %eq3A_77 = vector.broadcast %eq3A_76 : f32 to vector<128xf32>
      %eq3A_78 = arith.cmpf oeq, %get3A_29, %eq3A_77 : vector<128xf32>
      %slice3A_79 = vector.extract_strided_slice %ceil3A {offsets = [0, 5], sizes = [1, 1], strides = [1, 1]} : vector<1x9xf32> to vector<1x1xf32>
      %squeeze3A_80 = vector.extract %slice3A_79[0, 0] : f32 from vector<1x1xf32>
      %jit3A_81 = arith.constant 0.000000e+00 : f32
      %broadcast_in_dim3A_82 = vector.broadcast %squeeze3A_80 : f32 to vector<128xf32>
      %broadcast_in_dim3A_83 = vector.broadcast %jit3A_81 : f32 to vector<128xf32>
      %select_n3A_84 = arith.select %eq3A_78, %broadcast_in_dim3A_82, %broadcast_in_dim3A_83 : vector<128xi1>, vector<128xf32>
      %add3A_85 = arith.addf %add3A_75, %select_n3A_84 : vector<128xf32>
      %eq3A_86 = arith.constant 6.000000e+00 : f32
      %eq3A_87 = vector.broadcast %eq3A_86 : f32 to vector<128xf32>
      %eq3A_88 = arith.cmpf oeq, %get3A_29, %eq3A_87 : vector<128xf32>
      %slice3A_89 = vector.extract_strided_slice %ceil3A {offsets = [0, 6], sizes = [1, 1], strides = [1, 1]} : vector<1x9xf32> to vector<1x1xf32>
      %squeeze3A_90 = vector.extract %slice3A_89[0, 0] : f32 from vector<1x1xf32>
      %jit3A_91 = arith.constant 0.000000e+00 : f32
      %broadcast_in_dim3A_92 = vector.broadcast %squeeze3A_90 : f32 to vector<128xf32>
      %broadcast_in_dim3A_93 = vector.broadcast %jit3A_91 : f32 to vector<128xf32>
      %select_n3A_94 = arith.select %eq3A_88, %broadcast_in_dim3A_92, %broadcast_in_dim3A_93 : vector<128xi1>, vector<128xf32>
      %add3A_95 = arith.addf %add3A_85, %select_n3A_94 : vector<128xf32>
      %eq3A_96 = arith.constant 7.000000e+00 : f32
      %eq3A_97 = vector.broadcast %eq3A_96 : f32 to vector<128xf32>
      %eq3A_98 = arith.cmpf oeq, %get3A_29, %eq3A_97 : vector<128xf32>
      %slice3A_99 = vector.extract_strided_slice %ceil3A {offsets = [0, 7], sizes = [1, 1], strides = [1, 1]} : vector<1x9xf32> to vector<1x1xf32>
      %squeeze3A_100 = vector.extract %slice3A_99[0, 0] : f32 from vector<1x1xf32>
      %jit3A_101 = arith.constant 0.000000e+00 : f32
      %broadcast_in_dim3A_102 = vector.broadcast %squeeze3A_100 : f32 to vector<128xf32>
      %broadcast_in_dim3A_103 = vector.broadcast %jit3A_101 : f32 to vector<128xf32>
      %select_n3A_104 = arith.select %eq3A_98, %broadcast_in_dim3A_102, %broadcast_in_dim3A_103 : vector<128xi1>, vector<128xf32>
      %add3A_105 = arith.addf %add3A_95, %select_n3A_104 : vector<128xf32>
      %eq3A_106 = arith.constant 8.000000e+00 : f32
      %eq3A_107 = vector.broadcast %eq3A_106 : f32 to vector<128xf32>
      %eq3A_108 = arith.cmpf oeq, %get3A_29, %eq3A_107 : vector<128xf32>
      %slice3A_109 = vector.extract_strided_slice %ceil3A {offsets = [0, 8], sizes = [1, 1], strides = [1, 1]} : vector<1x9xf32> to vector<1x1xf32>
      %squeeze3A_110 = vector.extract %slice3A_109[0, 0] : f32 from vector<1x1xf32>
      %jit3A_111 = arith.constant 0.000000e+00 : f32
      %broadcast_in_dim3A_112 = vector.broadcast %squeeze3A_110 : f32 to vector<128xf32>
      %broadcast_in_dim3A_113 = vector.broadcast %jit3A_111 : f32 to vector<128xf32>
      %select_n3A_114 = arith.select %eq3A_108, %broadcast_in_dim3A_112, %broadcast_in_dim3A_113 : vector<128xi1>, vector<128xf32>
      %add3A_115 = arith.addf %add3A_105, %select_n3A_114 : vector<128xf32>
      %swap3A = arith.index_cast %mul3A_28 : i32 to index
      %swap3A_116 = vector.load %arg11[%swap3A] : memref<10240xf32, #tpu.memory_space<vmem>>, vector<128xf32>
      tpu.vector_store %arg11[%swap3A], %add3A_115 {strides = array<i32>} : memref<10240xf32, #tpu.memory_space<vmem>>, vector<128xf32>,
    }
    %scan3A_12 = arith.constant 80 : i32
    %iota3A = tpu.iota {dimensions = array<i32: 1>} : vector<1x128xi32>
    %iota3A_13 = vector.shape_cast %iota3A : vector<1x128xi32> to vector<128xi32>
    %convert_element_type3A = arith.sitofp %iota3A_13 : vector<128xi32> to vector<128xf32>
    %iota3A_14 = tpu.iota {dimensions = array<i32: 0>} : vector<128x1xi32>
    %convert_element_type3A_15 = arith.sitofp %iota3A_14 : vector<128x1xi32> to vector<128x1xf32>
    %scan3A_16 = arith.constant 0 : i32
    %scan3A_17 = arith.constant 80 : i32
    %scan3A_18 = arith.addi %scan3A_16, %scan3A_17 : i32
    %scan3A_19 = arith.constant 1 : i32
    scf.for %scan3A_26 = %scan3A_16 to %scan3A_18 step %scan3A_19  : i32 {
      %mul3A_27 = arith.constant 128 : i32
      %mul3A_28 = arith.muli %scan3A_26, %mul3A_27 : i32
      %get3A = arith.index_cast %mul3A_28 : i32 to index
      %get3A_29 = vector.load %arg4[%get3A] : memref<10240xf32, #tpu.memory_space<vmem>>, vector<128xf32>
      %iota3A_30 = tpu.iota {dimensions = array<i32: 0>} : vector<128x128xi32>
      %iota3A_31 = tpu.iota {dimensions = array<i32: 1>} : vector<128x128xi32>
      %eq3A = arith.cmpi eq, %iota3A_30, %iota3A_31 : vector<128x128xi32>
      %convert_element_type3A_32 = arith.extui %eq3A : vector<128x128xi1> to vector<128x128xi32>
      %convert_element_type3A_33 = arith.sitofp %convert_element_type3A_32 : vector<128x128xi32> to vector<128x128xf32>
      %broadcast_in_dim3A_34 = vector.shape_cast %get3A_29 : vector<128xf32> to vector<1x128xf32>
      %mul3A_35 = vector.broadcast %broadcast_in_dim3A_34 : vector<1x128xf32> to vector<128x128xf32>
      %mul3A_36 = arith.mulf %convert_element_type3A_33, %mul3A_35 : vector<128x128xf32>
      %broadcast_in_dim3A_37 = arith.constant 1.000000e+00 : f32
      %broadcast_in_dim3A_38 = vector.broadcast %broadcast_in_dim3A_37 : f32 to vector<128x1xf32>
      %dot_general3A = arith.constant dense<0.000000e+00> : vector<128x1xf32>
      %dot_general3A_39 = tpu.matmul %mul3A_36, %broadcast_in_dim3A_38, %dot_general3A {dimension_numbers = #tpu.dot_dimension_numbers<[1], [0], [0], [1], [0, 0, 1, 1], [], []>, precision = #tpu.contract_precision<fp32>, transpose_lhs_hint = false} : vector<128x128xf32>, vector<128x1xf32>, vector<128x1xf32> -> vector<128x1xf32>
      %get3A_40 = arith.index_cast %mul3A_28 : i32 to index
      %get3A_41 = vector.load %arg11[%get3A_40] : memref<10240xf32, #tpu.memory_space<vmem>>, vector<128xf32>
      %iota3A_42 = tpu.iota {dimensions = array<i32: 0>} : vector<128x128xi32>
      %iota3A_43 = tpu.iota {dimensions = array<i32: 1>} : vector<128x128xi32>
      %eq3A_44 = arith.cmpi eq, %iota3A_42, %iota3A_43 : vector<128x128xi32>
      %convert_element_type3A_45 = arith.extui %eq3A_44 : vector<128x128xi1> to vector<128x128xi32>
      %convert_element_type3A_46 = arith.sitofp %convert_element_type3A_45 : vector<128x128xi32> to vector<128x128xf32>
      %broadcast_in_dim3A_47 = vector.shape_cast %get3A_41 : vector<128xf32> to vector<1x128xf32>
      %mul3A_48 = vector.broadcast %broadcast_in_dim3A_47 : vector<1x128xf32> to vector<128x128xf32>
      %mul3A_49 = arith.mulf %convert_element_type3A_46, %mul3A_48 : vector<128x128xf32>
      %broadcast_in_dim3A_50 = arith.constant 1.000000e+00 : f32
      %broadcast_in_dim3A_51 = vector.broadcast %broadcast_in_dim3A_50 : f32 to vector<128x1xf32>
      %dot_general3A_52 = arith.constant dense<0.000000e+00> : vector<128x1xf32>
      %dot_general3A_53 = tpu.matmul %mul3A_49, %broadcast_in_dim3A_51, %dot_general3A_52 {dimension_numbers = #tpu.dot_dimension_numbers<[1], [0], [0], [1], [0, 0, 1, 1], [], []>, precision = #tpu.contract_precision<fp32>, transpose_lhs_hint = false} : vector<128x128xf32>, vector<128x1xf32>, vector<128x1xf32> -> vector<128x1xf32>
      %get3A_54 = arith.constant 0 : index
      %get3A_55 = arith.index_cast %mul3A_28 : i32 to index
      %get3A_56 = vector.load %arg10[%get3A_54, %get3A_55] : memref<4x10240xf32, #tpu.memory_space<vmem>>, vector<1x128xf32>
      %get3A_57 = vector.shape_cast %get3A_56 : vector<1x128xf32> to vector<128xf32>
      %iota3A_58 = tpu.iota {dimensions = array<i32: 0>} : vector<128x128xi32>
      %iota3A_59 = tpu.iota {dimensions = array<i32: 1>} : vector<128x128xi32>
      %eq3A_60 = arith.cmpi eq, %iota3A_58, %iota3A_59 : vector<128x128xi32>
      %convert_element_type3A_61 = arith.extui %eq3A_60 : vector<128x128xi1> to vector<128x128xi32>
      %convert_element_type3A_62 = arith.sitofp %convert_element_type3A_61 : vector<128x128xi32> to vector<128x128xf32>
      %broadcast_in_dim3A_63 = vector.shape_cast %get3A_57 : vector<128xf32> to vector<1x128xf32>
      %mul3A_64 = vector.broadcast %broadcast_in_dim3A_63 : vector<1x128xf32> to vector<128x128xf32>
      %mul3A_65 = arith.mulf %convert_element_type3A_62, %mul3A_64 : vector<128x128xf32>
      %broadcast_in_dim3A_66 = arith.constant 1.000000e+00 : f32
      %broadcast_in_dim3A_67 = vector.broadcast %broadcast_in_dim3A_66 : f32 to vector<128x1xf32>
      %dot_general3A_68 = arith.constant dense<0.000000e+00> : vector<128x1xf32>
      %dot_general3A_69 = tpu.matmul %mul3A_65, %broadcast_in_dim3A_67, %dot_general3A_68 {dimension_numbers = #tpu.dot_dimension_numbers<[1], [0], [0], [1], [0, 0, 1, 1], [], []>, precision = #tpu.contract_precision<fp32>, transpose_lhs_hint = false} : vector<128x128xf32>, vector<128x1xf32>, vector<128x1xf32> -> vector<128x1xf32>
      %get3A_70 = arith.constant 1 : index
      %get3A_71 = arith.index_cast %mul3A_28 : i32 to index
      %get3A_72 = vector.load %arg10[%get3A_70, %get3A_71] : memref<4x10240xf32, #tpu.memory_space<vmem>>, vector<1x128xf32>
      %get3A_73 = vector.shape_cast %get3A_72 : vector<1x128xf32> to vector<128xf32>
      %iota3A_74 = tpu.iota {dimensions = array<i32: 0>} : vector<128x128xi32>
      %iota3A_75 = tpu.iota {dimensions = array<i32: 1>} : vector<128x128xi32>
      %eq3A_76 = arith.cmpi eq, %iota3A_74, %iota3A_75 : vector<128x128xi32>
      %convert_element_type3A_77 = arith.extui %eq3A_76 : vector<128x128xi1> to vector<128x128xi32>
      %convert_element_type3A_78 = arith.sitofp %convert_element_type3A_77 : vector<128x128xi32> to vector<128x128xf32>
      %broadcast_in_dim3A_79 = vector.shape_cast %get3A_73 : vector<128xf32> to vector<1x128xf32>
      %mul3A_80 = vector.broadcast %broadcast_in_dim3A_79 : vector<1x128xf32> to vector<128x128xf32>
      %mul3A_81 = arith.mulf %convert_element_type3A_78, %mul3A_80 : vector<128x128xf32>
      %broadcast_in_dim3A_82 = arith.constant 1.000000e+00 : f32
      %broadcast_in_dim3A_83 = vector.broadcast %broadcast_in_dim3A_82 : f32 to vector<128x1xf32>
      %dot_general3A_84 = arith.constant dense<0.000000e+00> : vector<128x1xf32>
      %dot_general3A_85 = tpu.matmul %mul3A_81, %broadcast_in_dim3A_83, %dot_general3A_84 {dimension_numbers = #tpu.dot_dimension_numbers<[1], [0], [0], [1], [0, 0, 1, 1], [], []>, precision = #tpu.contract_precision<fp32>, transpose_lhs_hint = false} : vector<128x128xf32>, vector<128x1xf32>, vector<128x1xf32> -> vector<128x1xf32>
      %get3A_86 = arith.constant 2 : index
      %get3A_87 = arith.index_cast %mul3A_28 : i32 to index
      %get3A_88 = vector.load %arg10[%get3A_86, %get3A_87] : memref<4x10240xf32, #tpu.memory_space<vmem>>, vector<1x128xf32>
      %get3A_89 = vector.shape_cast %get3A_88 : vector<1x128xf32> to vector<128xf32>
      %iota3A_90 = tpu.iota {dimensions = array<i32: 0>} : vector<128x128xi32>
      %iota3A_91 = tpu.iota {dimensions = array<i32: 1>} : vector<128x128xi32>
      %eq3A_92 = arith.cmpi eq, %iota3A_90, %iota3A_91 : vector<128x128xi32>
      %convert_element_type3A_93 = arith.extui %eq3A_92 : vector<128x128xi1> to vector<128x128xi32>
      %convert_element_type3A_94 = arith.sitofp %convert_element_type3A_93 : vector<128x128xi32> to vector<128x128xf32>
      %broadcast_in_dim3A_95 = vector.shape_cast %get3A_89 : vector<128xf32> to vector<1x128xf32>
      %mul3A_96 = vector.broadcast %broadcast_in_dim3A_95 : vector<1x128xf32> to vector<128x128xf32>
      %mul3A_97 = arith.mulf %convert_element_type3A_94, %mul3A_96 : vector<128x128xf32>
      %broadcast_in_dim3A_98 = arith.constant 1.000000e+00 : f32
      %broadcast_in_dim3A_99 = vector.broadcast %broadcast_in_dim3A_98 : f32 to vector<128x1xf32>
      %dot_general3A_100 = arith.constant dense<0.000000e+00> : vector<128x1xf32>
      %dot_general3A_101 = tpu.matmul %mul3A_97, %broadcast_in_dim3A_99, %dot_general3A_100 {dimension_numbers = #tpu.dot_dimension_numbers<[1], [0], [0], [1], [0, 0, 1, 1], [], []>, precision = #tpu.contract_precision<fp32>, transpose_lhs_hint = false} : vector<128x128xf32>, vector<128x1xf32>, vector<128x1xf32> -> vector<128x1xf32>
      %get3A_102 = arith.constant 3 : index
      %get3A_103 = arith.index_cast %mul3A_28 : i32 to index
      %get3A_104 = vector.load %arg10[%get3A_102, %get3A_103] : memref<4x10240xf32, #tpu.memory_space<vmem>>, vector<1x128xf32>
      %get3A_105 = vector.shape_cast %get3A_104 : vector<1x128xf32> to vector<128xf32>
      %iota3A_106 = tpu.iota {dimensions = array<i32: 0>} : vector<128x128xi32>
      %iota3A_107 = tpu.iota {dimensions = array<i32: 1>} : vector<128x128xi32>
      %eq3A_108 = arith.cmpi eq, %iota3A_106, %iota3A_107 : vector<128x128xi32>
      %convert_element_type3A_109 = arith.extui %eq3A_108 : vector<128x128xi1> to vector<128x128xi32>
      %convert_element_type3A_110 = arith.sitofp %convert_element_type3A_109 : vector<128x128xi32> to vector<128x128xf32>
      %broadcast_in_dim3A_111 = vector.shape_cast %get3A_105 : vector<128xf32> to vector<1x128xf32>
      %mul3A_112 = vector.broadcast %broadcast_in_dim3A_111 : vector<1x128xf32> to vector<128x128xf32>
      %mul3A_113 = arith.mulf %convert_element_type3A_110, %mul3A_112 : vector<128x128xf32>
      %broadcast_in_dim3A_114 = arith.constant 1.000000e+00 : f32
      %broadcast_in_dim3A_115 = vector.broadcast %broadcast_in_dim3A_114 : f32 to vector<128x1xf32>
      %dot_general3A_116 = arith.constant dense<0.000000e+00> : vector<128x1xf32>
      %dot_general3A_117 = tpu.matmul %mul3A_113, %broadcast_in_dim3A_115, %dot_general3A_116 {dimension_numbers = #tpu.dot_dimension_numbers<[1], [0], [0], [1], [0, 0, 1, 1], [], []>, precision = #tpu.contract_precision<fp32>, transpose_lhs_hint = false} : vector<128x128xf32>, vector<128x1xf32>, vector<128x1xf32> -> vector<128x1xf32>
      %convert_element_type3A_118 = arith.sitofp %scan3A_26 : i32 to f32
      %mul3A_119 = arith.constant 1.280000e+02 : f32
      %mul3A_120 = arith.mulf %mul3A_119, %convert_element_type3A_118 : f32
      %add3A = vector.broadcast %mul3A_120 : f32 to vector<128x1xf32>
      %add3A_121 = arith.addf %convert_element_type3A_15, %add3A : vector<128x1xf32>
      %get3A_122 = arith.index_cast %scan3A_26 : i32 to index
      %get3A_123 = memref.load %arg6[%get3A_122] : memref<80xi32, #tpu.memory_space<smem>>
      %get3A_124 = arith.index_cast %scan3A_26 : i32 to index
      %get3A_125 = memref.load %arg7[%get3A_124] : memref<80xi32, #tpu.memory_space<smem>>
      %broadcast_in_dim3A_126 = arith.constant 0.000000e+00 : f32
      %broadcast_in_dim3A_127 = vector.broadcast %broadcast_in_dim3A_126 : f32 to vector<128x1xf32>
      %broadcast_in_dim3A_128 = arith.constant 0.000000e+00 : f32
      %broadcast_in_dim3A_129 = vector.broadcast %broadcast_in_dim3A_128 : f32 to vector<128x1xf32>
      %broadcast_in_dim3A_130 = arith.constant 0.000000e+00 : f32
      %broadcast_in_dim3A_131 = vector.broadcast %broadcast_in_dim3A_130 : f32 to vector<128x1xf32>
      %broadcast_in_dim3A_132 = arith.constant 0.000000e+00 : f32
      %broadcast_in_dim3A_133 = vector.broadcast %broadcast_in_dim3A_132 : f32 to vector<128x1xf32>
      %while3A = arith.subi %get3A_125, %get3A_123 : i32
      %while3A_134 = arith.addi %get3A_123, %while3A : i32
      %while3A_135 = arith.constant 1 : i32
      %while3A_136 = arith.divsi %while3A, %while3A_135 : i32
      %while3A_137 = arith.muli %while3A_136, %while3A_135 : i32
      %while3A_138 = arith.addi %get3A_123, %while3A_137 : i32
      %while3A_139 = arith.constant 1 : i32
      %while3A_140:4 = scf.for %while3A_230 = %get3A_123 to %while3A_138 step %while3A_139 iter_args(%while3A_231 = %broadcast_in_dim3A_127, %while3A_232 = %broadcast_in_dim3A_129, %while3A_233 = %broadcast_in_dim3A_131, %while3A_234 = %broadcast_in_dim3A_133) -> (vector<128x1xf32>, vector<128x1xf32>, vector<128x1xf32>, vector<128x1xf32>)  : i32 {
        %mul3A_235 = arith.constant 128 : i32
        %mul3A_236 = arith.muli %while3A_230, %mul3A_235 : i32
        %get3A_237 = arith.index_cast %mul3A_236 : i32 to index
        %get3A_238 = vector.load %arg4[%get3A_237] : memref<10240xf32, #tpu.memory_space<vmem>>, vector<128xf32>
        %convert_element_type3A_239 = arith.sitofp %while3A_230 : i32 to f32
        %mul3A_240 = arith.constant 1.280000e+02 : f32
        %mul3A_241 = arith.mulf %mul3A_240, %convert_element_type3A_239 : f32
        %add3A_242 = vector.broadcast %mul3A_241 : f32 to vector<128xf32>
        %add3A_243 = arith.addf %convert_element_type3A, %add3A_242 : vector<128xf32>
        %broadcast_in_dim3A_244 = vector.shape_cast %get3A_238 : vector<128xf32> to vector<1x128xf32>
        %eq3A_245 = vector.broadcast %broadcast_in_dim3A_244 : vector<1x128xf32> to vector<128x128xf32>
        %eq3A_246 = vector.broadcast %dot_general3A_39 : vector<128x1xf32> to vector<128x128xf32>
        %eq3A_247 = arith.cmpf oeq, %eq3A_245, %eq3A_246 : vector<128x128xf32>
        %broadcast_in_dim3A_248 = vector.shape_cast %add3A_243 : vector<128xf32> to vector<1x128xf32>
        %lt3A_249 = vector.broadcast %broadcast_in_dim3A_248 : vector<1x128xf32> to vector<128x128xf32>
        %lt3A_250 = vector.broadcast %add3A_121 : vector<128x1xf32> to vector<128x128xf32>
        %lt3A_251 = arith.cmpf olt, %lt3A_249, %lt3A_250 : vector<128x128xf32>
        %get3A_252 = arith.constant 0 : index
        %get3A_253 = arith.index_cast %mul3A_236 : i32 to index
        %get3A_254 = vector.load %arg10[%get3A_252, %get3A_253] : memref<4x10240xf32, #tpu.memory_space<vmem>>, vector<1x128xf32>
        %get3A_255 = vector.shape_cast %get3A_254 : vector<1x128xf32> to vector<128xf32>
        %broadcast_in_dim3A_256 = vector.shape_cast %get3A_255 : vector<128xf32> to vector<1x128xf32>
        %gt3A = vector.broadcast %broadcast_in_dim3A_256 : vector<1x128xf32> to vector<128x128xf32>
        %gt3A_257 = vector.broadcast %dot_general3A_69 : vector<128x1xf32> to vector<128x128xf32>
        %gt3A_258 = arith.cmpf ogt, %gt3A, %gt3A_257 : vector<128x128xf32>
        %broadcast_in_dim3A_259 = vector.shape_cast %get3A_255 : vector<128xf32> to vector<1x128xf32>
        %eq3A_260 = vector.broadcast %broadcast_in_dim3A_259 : vector<1x128xf32> to vector<128x128xf32>
        %eq3A_261 = vector.broadcast %dot_general3A_69 : vector<128x1xf32> to vector<128x128xf32>
        %eq3A_262 = arith.cmpf oeq, %eq3A_260, %eq3A_261 : vector<128x128xf32>
        %and3A = arith.andi %eq3A_262, %lt3A_251 : vector<128x128xi1>
        %or3A = arith.ori %gt3A_258, %and3A : vector<128x128xi1>
        %and3A_263 = arith.andi %eq3A_247, %or3A : vector<128x128xi1>
        %jit3A_264 = arith.constant 1.000000e+00 : f32
        %jit3A_265 = arith.constant 0.000000e+00 : f32
        %broadcast_in_dim3A_266 = vector.broadcast %jit3A_264 : f32 to vector<128x128xf32>
        %broadcast_in_dim3A_267 = vector.broadcast %jit3A_265 : f32 to vector<128x128xf32>
        %select_n3A_268 = arith.select %and3A_263, %broadcast_in_dim3A_266, %broadcast_in_dim3A_267 : vector<128x128xi1>, vector<128x128xf32>
        %reduce_sum3A = arith.constant dense<0.000000e+00> : vector<128xf32>
        %reduce_sum3A_269 = vector.multi_reduction <add>, %select_n3A_268, %reduce_sum3A [1] : vector<128x128xf32> to vector<128xf32>
        %broadcast_in_dim3A_270 = vector.shape_cast %reduce_sum3A_269 : vector<128xf32> to vector<128x1xf32>
        %add3A_271 = arith.addf %while3A_231, %broadcast_in_dim3A_270 : vector<128x1xf32>
        %get3A_272 = arith.constant 1 : index
        %get3A_273 = arith.index_cast %mul3A_236 : i32 to index
        %get3A_274 = vector.load %arg10[%get3A_272, %get3A_273] : memref<4x10240xf32, #tpu.memory_space<vmem>>, vector<1x128xf32>
        %get3A_275 = vector.shape_cast %get3A_274 : vector<1x128xf32> to vector<128xf32>
        %broadcast_in_dim3A_276 = vector.shape_cast %get3A_275 : vector<128xf32> to vector<1x128xf32>
        %gt3A_277 = vector.broadcast %broadcast_in_dim3A_276 : vector<1x128xf32> to vector<128x128xf32>
        %gt3A_278 = vector.broadcast %dot_general3A_85 : vector<128x1xf32> to vector<128x128xf32>
        %gt3A_279 = arith.cmpf ogt, %gt3A_277, %gt3A_278 : vector<128x128xf32>
        %broadcast_in_dim3A_280 = vector.shape_cast %get3A_275 : vector<128xf32> to vector<1x128xf32>
        %eq3A_281 = vector.broadcast %broadcast_in_dim3A_280 : vector<1x128xf32> to vector<128x128xf32>
        %eq3A_282 = vector.broadcast %dot_general3A_85 : vector<128x1xf32> to vector<128x128xf32>
        %eq3A_283 = arith.cmpf oeq, %eq3A_281, %eq3A_282 : vector<128x128xf32>
        %and3A_284 = arith.andi %eq3A_283, %lt3A_251 : vector<128x128xi1>
        %or3A_285 = arith.ori %gt3A_279, %and3A_284 : vector<128x128xi1>
        %and3A_286 = arith.andi %eq3A_247, %or3A_285 : vector<128x128xi1>
        %jit3A_287 = arith.constant 1.000000e+00 : f32
        %jit3A_288 = arith.constant 0.000000e+00 : f32
        %broadcast_in_dim3A_289 = vector.broadcast %jit3A_287 : f32 to vector<128x128xf32>
        %broadcast_in_dim3A_290 = vector.broadcast %jit3A_288 : f32 to vector<128x128xf32>
        %select_n3A_291 = arith.select %and3A_286, %broadcast_in_dim3A_289, %broadcast_in_dim3A_290 : vector<128x128xi1>, vector<128x128xf32>
        %reduce_sum3A_292 = arith.constant dense<0.000000e+00> : vector<128xf32>
        %reduce_sum3A_293 = vector.multi_reduction <add>, %select_n3A_291, %reduce_sum3A_292 [1] : vector<128x128xf32> to vector<128xf32>
        %broadcast_in_dim3A_294 = vector.shape_cast %reduce_sum3A_293 : vector<128xf32> to vector<128x1xf32>
        %add3A_295 = arith.addf %while3A_232, %broadcast_in_dim3A_294 : vector<128x1xf32>
        %get3A_296 = arith.constant 2 : index
        %get3A_297 = arith.index_cast %mul3A_236 : i32 to index
        %get3A_298 = vector.load %arg10[%get3A_296, %get3A_297] : memref<4x10240xf32, #tpu.memory_space<vmem>>, vector<1x128xf32>
        %get3A_299 = vector.shape_cast %get3A_298 : vector<1x128xf32> to vector<128xf32>
        %broadcast_in_dim3A_300 = vector.shape_cast %get3A_299 : vector<128xf32> to vector<1x128xf32>
        %gt3A_301 = vector.broadcast %broadcast_in_dim3A_300 : vector<1x128xf32> to vector<128x128xf32>
        %gt3A_302 = vector.broadcast %dot_general3A_101 : vector<128x1xf32> to vector<128x128xf32>
        %gt3A_303 = arith.cmpf ogt, %gt3A_301, %gt3A_302 : vector<128x128xf32>
        %broadcast_in_dim3A_304 = vector.shape_cast %get3A_299 : vector<128xf32> to vector<1x128xf32>
        %eq3A_305 = vector.broadcast %broadcast_in_dim3A_304 : vector<1x128xf32> to vector<128x128xf32>
        %eq3A_306 = vector.broadcast %dot_general3A_101 : vector<128x1xf32> to vector<128x128xf32>
        %eq3A_307 = arith.cmpf oeq, %eq3A_305, %eq3A_306 : vector<128x128xf32>
        %and3A_308 = arith.andi %eq3A_307, %lt3A_251 : vector<128x128xi1>
        %or3A_309 = arith.ori %gt3A_303, %and3A_308 : vector<128x128xi1>
        %and3A_310 = arith.andi %eq3A_247, %or3A_309 : vector<128x128xi1>
        %jit3A_311 = arith.constant 1.000000e+00 : f32
        %jit3A_312 = arith.constant 0.000000e+00 : f32
        %broadcast_in_dim3A_313 = vector.broadcast %jit3A_311 : f32 to vector<128x128xf32>
        %broadcast_in_dim3A_314 = vector.broadcast %jit3A_312 : f32 to vector<128x128xf32>
        %select_n3A_315 = arith.select %and3A_310, %broadcast_in_dim3A_313, %broadcast_in_dim3A_314 : vector<128x128xi1>, vector<128x128xf32>
        %reduce_sum3A_316 = arith.constant dense<0.000000e+00> : vector<128xf32>
        %reduce_sum3A_317 = vector.multi_reduction <add>, %select_n3A_315, %reduce_sum3A_316 [1] : vector<128x128xf32> to vector<128xf32>
        %broadcast_in_dim3A_318 = vector.shape_cast %reduce_sum3A_317 : vector<128xf32> to vector<128x1xf32>
        %add3A_319 = arith.addf %while3A_233, %broadcast_in_dim3A_318 : vector<128x1xf32>
        %get3A_320 = arith.constant 3 : index
        %get3A_321 = arith.index_cast %mul3A_236 : i32 to index
        %get3A_322 = vector.load %arg10[%get3A_320, %get3A_321] : memref<4x10240xf32, #tpu.memory_space<vmem>>, vector<1x128xf32>
        %get3A_323 = vector.shape_cast %get3A_322 : vector<1x128xf32> to vector<128xf32>
        %broadcast_in_dim3A_324 = vector.shape_cast %get3A_323 : vector<128xf32> to vector<1x128xf32>
        %gt3A_325 = vector.broadcast %broadcast_in_dim3A_324 : vector<1x128xf32> to vector<128x128xf32>
        %gt3A_326 = vector.broadcast %dot_general3A_117 : vector<128x1xf32> to vector<128x128xf32>
        %gt3A_327 = arith.cmpf ogt, %gt3A_325, %gt3A_326 : vector<128x128xf32>
        %broadcast_in_dim3A_328 = vector.shape_cast %get3A_323 : vector<128xf32> to vector<1x128xf32>
        %eq3A_329 = vector.broadcast %broadcast_in_dim3A_328 : vector<1x128xf32> to vector<128x128xf32>
        %eq3A_330 = vector.broadcast %dot_general3A_117 : vector<128x1xf32> to vector<128x128xf32>
        %eq3A_331 = arith.cmpf oeq, %eq3A_329, %eq3A_330 : vector<128x128xf32>
        %and3A_332 = arith.andi %eq3A_331, %lt3A_251 : vector<128x128xi1>
        %or3A_333 = arith.ori %gt3A_327, %and3A_332 : vector<128x128xi1>
        %and3A_334 = arith.andi %eq3A_247, %or3A_333 : vector<128x128xi1>
        %jit3A_335 = arith.constant 1.000000e+00 : f32
        %jit3A_336 = arith.constant 0.000000e+00 : f32
        %broadcast_in_dim3A_337 = vector.broadcast %jit3A_335 : f32 to vector<128x128xf32>
        %broadcast_in_dim3A_338 = vector.broadcast %jit3A_336 : f32 to vector<128x128xf32>
        %select_n3A_339 = arith.select %and3A_334, %broadcast_in_dim3A_337, %broadcast_in_dim3A_338 : vector<128x128xi1>, vector<128x128xf32>
        %reduce_sum3A_340 = arith.constant dense<0.000000e+00> : vector<128xf32>
        %reduce_sum3A_341 = vector.multi_reduction <add>, %select_n3A_339, %reduce_sum3A_340 [1] : vector<128x128xf32> to vector<128xf32>
        %broadcast_in_dim3A_342 = vector.shape_cast %reduce_sum3A_341 : vector<128xf32> to vector<128x1xf32>
        %add3A_343 = arith.addf %while3A_234, %broadcast_in_dim3A_342 : vector<128x1xf32>
        scf.yield %add3A_271, %add3A_295, %add3A_319, %add3A_343 : vector<128x1xf32>, vector<128x1xf32>, vector<128x1xf32>, vector<128x1xf32>
      }
      %while3A_141 = arith.constant 1 : i32
      %while3A_142:4 = scf.for %while3A_230 = %while3A_138 to %while3A_134 step %while3A_141 iter_args(%while3A_231 = %while3A_140#0, %while3A_232 = %while3A_140#1, %while3A_233 = %while3A_140#2, %while3A_234 = %while3A_140#3) -> (vector<128x1xf32>, vector<128x1xf32>, vector<128x1xf32>, vector<128x1xf32>)  : i32 {
        %mul3A_235 = arith.constant 128 : i32
        %mul3A_236 = arith.muli %while3A_230, %mul3A_235 : i32
        %get3A_237 = arith.index_cast %mul3A_236 : i32 to index
        %get3A_238 = vector.load %arg4[%get3A_237] : memref<10240xf32, #tpu.memory_space<vmem>>, vector<128xf32>
        %convert_element_type3A_239 = arith.sitofp %while3A_230 : i32 to f32
        %mul3A_240 = arith.constant 1.280000e+02 : f32
        %mul3A_241 = arith.mulf %mul3A_240, %convert_element_type3A_239 : f32
        %add3A_242 = vector.broadcast %mul3A_241 : f32 to vector<128xf32>
        %add3A_243 = arith.addf %convert_element_type3A, %add3A_242 : vector<128xf32>
        %broadcast_in_dim3A_244 = vector.shape_cast %get3A_238 : vector<128xf32> to vector<1x128xf32>
        %eq3A_245 = vector.broadcast %broadcast_in_dim3A_244 : vector<1x128xf32> to vector<128x128xf32>
        %eq3A_246 = vector.broadcast %dot_general3A_39 : vector<128x1xf32> to vector<128x128xf32>
        %eq3A_247 = arith.cmpf oeq, %eq3A_245, %eq3A_246 : vector<128x128xf32>
        %broadcast_in_dim3A_248 = vector.shape_cast %add3A_243 : vector<128xf32> to vector<1x128xf32>
        %lt3A_249 = vector.broadcast %broadcast_in_dim3A_248 : vector<1x128xf32> to vector<128x128xf32>
        %lt3A_250 = vector.broadcast %add3A_121 : vector<128x1xf32> to vector<128x128xf32>
        %lt3A_251 = arith.cmpf olt, %lt3A_249, %lt3A_250 : vector<128x128xf32>
        %get3A_252 = arith.constant 0 : index
        %get3A_253 = arith.index_cast %mul3A_236 : i32 to index
        %get3A_254 = vector.load %arg10[%get3A_252, %get3A_253] : memref<4x10240xf32, #tpu.memory_space<vmem>>, vector<1x128xf32>
        %get3A_255 = vector.shape_cast %get3A_254 : vector<1x128xf32> to vector<128xf32>
        %broadcast_in_dim3A_256 = vector.shape_cast %get3A_255 : vector<128xf32> to vector<1x128xf32>
        %gt3A = vector.broadcast %broadcast_in_dim3A_256 : vector<1x128xf32> to vector<128x128xf32>
        %gt3A_257 = vector.broadcast %dot_general3A_69 : vector<128x1xf32> to vector<128x128xf32>
        %gt3A_258 = arith.cmpf ogt, %gt3A, %gt3A_257 : vector<128x128xf32>
        %broadcast_in_dim3A_259 = vector.shape_cast %get3A_255 : vector<128xf32> to vector<1x128xf32>
        %eq3A_260 = vector.broadcast %broadcast_in_dim3A_259 : vector<1x128xf32> to vector<128x128xf32>
        %eq3A_261 = vector.broadcast %dot_general3A_69 : vector<128x1xf32> to vector<128x128xf32>
        %eq3A_262 = arith.cmpf oeq, %eq3A_260, %eq3A_261 : vector<128x128xf32>
        %and3A = arith.andi %eq3A_262, %lt3A_251 : vector<128x128xi1>
        %or3A = arith.ori %gt3A_258, %and3A : vector<128x128xi1>
        %and3A_263 = arith.andi %eq3A_247, %or3A : vector<128x128xi1>
        %jit3A_264 = arith.constant 1.000000e+00 : f32
        %jit3A_265 = arith.constant 0.000000e+00 : f32
        %broadcast_in_dim3A_266 = vector.broadcast %jit3A_264 : f32 to vector<128x128xf32>
        %broadcast_in_dim3A_267 = vector.broadcast %jit3A_265 : f32 to vector<128x128xf32>
        %select_n3A_268 = arith.select %and3A_263, %broadcast_in_dim3A_266, %broadcast_in_dim3A_267 : vector<128x128xi1>, vector<128x128xf32>
        %reduce_sum3A = arith.constant dense<0.000000e+00> : vector<128xf32>
        %reduce_sum3A_269 = vector.multi_reduction <add>, %select_n3A_268, %reduce_sum3A [1] : vector<128x128xf32> to vector<128xf32>
        %broadcast_in_dim3A_270 = vector.shape_cast %reduce_sum3A_269 : vector<128xf32> to vector<128x1xf32>
        %add3A_271 = arith.addf %while3A_231, %broadcast_in_dim3A_270 : vector<128x1xf32>
        %get3A_272 = arith.constant 1 : index
        %get3A_273 = arith.index_cast %mul3A_236 : i32 to index
        %get3A_274 = vector.load %arg10[%get3A_272, %get3A_273] : memref<4x10240xf32, #tpu.memory_space<vmem>>, vector<1x128xf32>
        %get3A_275 = vector.shape_cast %get3A_274 : vector<1x128xf32> to vector<128xf32>
        %broadcast_in_dim3A_276 = vector.shape_cast %get3A_275 : vector<128xf32> to vector<1x128xf32>
        %gt3A_277 = vector.broadcast %broadcast_in_dim3A_276 : vector<1x128xf32> to vector<128x128xf32>
        %gt3A_278 = vector.broadcast %dot_general3A_85 : vector<128x1xf32> to vector<128x128xf32>
        %gt3A_279 = arith.cmpf ogt, %gt3A_277, %gt3A_278 : vector<128x128xf32>
        %broadcast_in_dim3A_280 = vector.shape_cast %get3A_275 : vector<128xf32> to vector<1x128xf32>
        %eq3A_281 = vector.broadcast %broadcast_in_dim3A_280 : vector<1x128xf32> to vector<128x128xf32>
        %eq3A_282 = vector.broadcast %dot_general3A_85 : vector<128x1xf32> to vector<128x128xf32>
        %eq3A_283 = arith.cmpf oeq, %eq3A_281, %eq3A_282 : vector<128x128xf32>
        %and3A_284 = arith.andi %eq3A_283, %lt3A_251 : vector<128x128xi1>
        %or3A_285 = arith.ori %gt3A_279, %and3A_284 : vector<128x128xi1>
        %and3A_286 = arith.andi %eq3A_247, %or3A_285 : vector<128x128xi1>
        %jit3A_287 = arith.constant 1.000000e+00 : f32
        %jit3A_288 = arith.constant 0.000000e+00 : f32
        %broadcast_in_dim3A_289 = vector.broadcast %jit3A_287 : f32 to vector<128x128xf32>
        %broadcast_in_dim3A_290 = vector.broadcast %jit3A_288 : f32 to vector<128x128xf32>
        %select_n3A_291 = arith.select %and3A_286, %broadcast_in_dim3A_289, %broadcast_in_dim3A_290 : vector<128x128xi1>, vector<128x128xf32>
        %reduce_sum3A_292 = arith.constant dense<0.000000e+00> : vector<128xf32>
        %reduce_sum3A_293 = vector.multi_reduction <add>, %select_n3A_291, %reduce_sum3A_292 [1] : vector<128x128xf32> to vector<128xf32>
        %broadcast_in_dim3A_294 = vector.shape_cast %reduce_sum3A_293 : vector<128xf32> to vector<128x1xf32>
        %add3A_295 = arith.addf %while3A_232, %broadcast_in_dim3A_294 : vector<128x1xf32>
        %get3A_296 = arith.constant 2 : index
        %get3A_297 = arith.index_cast %mul3A_236 : i32 to index
        %get3A_298 = vector.load %arg10[%get3A_296, %get3A_297] : memref<4x10240xf32, #tpu.memory_space<vmem>>, vector<1x128xf32>
        %get3A_299 = vector.shape_cast %get3A_298 : vector<1x128xf32> to vector<128xf32>
        %broadcast_in_dim3A_300 = vector.shape_cast %get3A_299 : vector<128xf32> to vector<1x128xf32>
        %gt3A_301 = vector.broadcast %broadcast_in_dim3A_300 : vector<1x128xf32> to vector<128x128xf32>
        %gt3A_302 = vector.broadcast %dot_general3A_101 : vector<128x1xf32> to vector<128x128xf32>
        %gt3A_303 = arith.cmpf ogt, %gt3A_301, %gt3A_302 : vector<128x128xf32>
        %broadcast_in_dim3A_304 = vector.shape_cast %get3A_299 : vector<128xf32> to vector<1x128xf32>
        %eq3A_305 = vector.broadcast %broadcast_in_dim3A_304 : vector<1x128xf32> to vector<128x128xf32>
        %eq3A_306 = vector.broadcast %dot_general3A_101 : vector<128x1xf32> to vector<128x128xf32>
        %eq3A_307 = arith.cmpf oeq, %eq3A_305, %eq3A_306 : vector<128x128xf32>
        %and3A_308 = arith.andi %eq3A_307, %lt3A_251 : vector<128x128xi1>
        %or3A_309 = arith.ori %gt3A_303, %and3A_308 : vector<128x128xi1>
        %and3A_310 = arith.andi %eq3A_247, %or3A_309 : vector<128x128xi1>
        %jit3A_311 = arith.constant 1.000000e+00 : f32
        %jit3A_312 = arith.constant 0.000000e+00 : f32
        %broadcast_in_dim3A_313 = vector.broadcast %jit3A_311 : f32 to vector<128x128xf32>
        %broadcast_in_dim3A_314 = vector.broadcast %jit3A_312 : f32 to vector<128x128xf32>
        %select_n3A_315 = arith.select %and3A_310, %broadcast_in_dim3A_313, %broadcast_in_dim3A_314 : vector<128x128xi1>, vector<128x128xf32>
        %reduce_sum3A_316 = arith.constant dense<0.000000e+00> : vector<128xf32>
        %reduce_sum3A_317 = vector.multi_reduction <add>, %select_n3A_315, %reduce_sum3A_316 [1] : vector<128x128xf32> to vector<128xf32>
        %broadcast_in_dim3A_318 = vector.shape_cast %reduce_sum3A_317 : vector<128xf32> to vector<128x1xf32>
        %add3A_319 = arith.addf %while3A_233, %broadcast_in_dim3A_318 : vector<128x1xf32>
        %get3A_320 = arith.constant 3 : index
        %get3A_321 = arith.index_cast %mul3A_236 : i32 to index
        %get3A_322 = vector.load %arg10[%get3A_320, %get3A_321] : memref<4x10240xf32, #tpu.memory_space<vmem>>, vector<1x128xf32>
        %get3A_323 = vector.shape_cast %get3A_322 : vector<1x128xf32> to vector<128xf32>
        %broadcast_in_dim3A_324 = vector.shape_cast %get3A_323 : vector<128xf32> to vector<1x128xf32>
        %gt3A_325 = vector.broadcast %broadcast_in_dim3A_324 : vector<1x128xf32> to vector<128x128xf32>
        %gt3A_326 = vector.broadcast %dot_general3A_117 : vector<128x1xf32> to vector<128x128xf32>
        %gt3A_327 = arith.cmpf ogt, %gt3A_325, %gt3A_326 : vector<128x128xf32>
        %broadcast_in_dim3A_328 = vector.shape_cast %get3A_323 : vector<128xf32> to vector<1x128xf32>
        %eq3A_329 = vector.broadcast %broadcast_in_dim3A_328 : vector<1x128xf32> to vector<128x128xf32>
        %eq3A_330 = vector.broadcast %dot_general3A_117 : vector<128x1xf32> to vector<128x128xf32>
        %eq3A_331 = arith.cmpf oeq, %eq3A_329, %eq3A_330 : vector<128x128xf32>
        %and3A_332 = arith.andi %eq3A_331, %lt3A_251 : vector<128x128xi1>
        %or3A_333 = arith.ori %gt3A_327, %and3A_332 : vector<128x128xi1>
        %and3A_334 = arith.andi %eq3A_247, %or3A_333 : vector<128x128xi1>
        %jit3A_335 = arith.constant 1.000000e+00 : f32
        %jit3A_336 = arith.constant 0.000000e+00 : f32
        %broadcast_in_dim3A_337 = vector.broadcast %jit3A_335 : f32 to vector<128x128xf32>
        %broadcast_in_dim3A_338 = vector.broadcast %jit3A_336 : f32 to vector<128x128xf32>
        %select_n3A_339 = arith.select %and3A_334, %broadcast_in_dim3A_337, %broadcast_in_dim3A_338 : vector<128x128xi1>, vector<128x128xf32>
        %reduce_sum3A_340 = arith.constant dense<0.000000e+00> : vector<128xf32>
        %reduce_sum3A_341 = vector.multi_reduction <add>, %select_n3A_339, %reduce_sum3A_340 [1] : vector<128x128xf32> to vector<128xf32>
        %broadcast_in_dim3A_342 = vector.shape_cast %reduce_sum3A_341 : vector<128xf32> to vector<128x1xf32>
        %add3A_343 = arith.addf %while3A_234, %broadcast_in_dim3A_342 : vector<128x1xf32>
        scf.yield %add3A_271, %add3A_295, %add3A_319, %add3A_343 : vector<128x1xf32>, vector<128x1xf32>, vector<128x1xf32>, vector<128x1xf32>
      }
      %lt3A = arith.cmpf olt, %while3A_142#0, %dot_general3A_53 : vector<128x1xf32>
      %jit3A = arith.constant 1.000000e+00 : f32
      %jit3A_143 = arith.constant 0.000000e+00 : f32
      %broadcast_in_dim3A_144 = vector.broadcast %jit3A : f32 to vector<128x1xf32>
      %broadcast_in_dim3A_145 = vector.broadcast %jit3A_143 : f32 to vector<128x1xf32>
      %select_n3A = arith.select %lt3A, %broadcast_in_dim3A_144, %broadcast_in_dim3A_145 : vector<128x1xi1>, vector<128x1xf32>
      %iota3A_146 = tpu.iota {dimensions = array<i32: 0>} : vector<128x128xi32>
      %iota3A_147 = tpu.iota {dimensions = array<i32: 1>} : vector<128x128xi32>
      %eq3A_148 = arith.cmpi eq, %iota3A_146, %iota3A_147 : vector<128x128xi32>
      %convert_element_type3A_149 = arith.extui %eq3A_148 : vector<128x128xi1> to vector<128x128xi32>
      %convert_element_type3A_150 = arith.sitofp %convert_element_type3A_149 : vector<128x128xi32> to vector<128x128xf32>
      %mul3A_151 = vector.broadcast %select_n3A : vector<128x1xf32> to vector<128x128xf32>
      %mul3A_152 = arith.mulf %mul3A_151, %convert_element_type3A_150 : vector<128x128xf32>
      %broadcast_in_dim3A_153 = arith.constant 1.000000e+00 : f32
      %broadcast_in_dim3A_154 = vector.broadcast %broadcast_in_dim3A_153 : f32 to vector<1x128xf32>
      %dot_general3A_155 = arith.constant dense<0.000000e+00> : vector<1x128xf32>
      %dot_general3A_156 = tpu.matmul %broadcast_in_dim3A_154, %mul3A_152, %dot_general3A_155 {dimension_numbers = #tpu.dot_dimension_numbers<[1], [0], [0], [1], [0, 0, 1, 1], [], []>, precision = #tpu.contract_precision<fp32>, transpose_lhs_hint = false} : vector<1x128xf32>, vector<128x128xf32>, vector<1x128xf32> -> vector<1x128xf32>
      %reshape3A = vector.shape_cast %dot_general3A_156 : vector<1x128xf32> to vector<128xf32>
      %swap3A = arith.constant 0 : index
      %swap3A_157 = arith.index_cast %mul3A_28 : i32 to index
      %swap3A_158 = vector.load %arg8[%swap3A, %swap3A_157] : memref<4x10240xf32, #tpu.memory_space<vmem>>, vector<1x128xf32>
      %swap3A_159 = vector.shape_cast %swap3A_158 : vector<1x128xf32> to vector<128xf32>
      %swap3A_160 = vector.shape_cast %reshape3A : vector<128xf32> to vector<1x128xf32>
      tpu.vector_store %arg8[%swap3A, %swap3A_157], %swap3A_160 {strides = array<i32>} : memref<4x10240xf32, #tpu.memory_space<vmem>>, vector<1x128xf32>,
      %lt3A_161 = arith.cmpf olt, %while3A_142#1, %dot_general3A_53 : vector<128x1xf32>
      %jit3A_162 = arith.constant 1.000000e+00 : f32
      %jit3A_163 = arith.constant 0.000000e+00 : f32
      %broadcast_in_dim3A_164 = vector.broadcast %jit3A_162 : f32 to vector<128x1xf32>
      %broadcast_in_dim3A_165 = vector.broadcast %jit3A_163 : f32 to vector<128x1xf32>
      %select_n3A_166 = arith.select %lt3A_161, %broadcast_in_dim3A_164, %broadcast_in_dim3A_165 : vector<128x1xi1>, vector<128x1xf32>
      %iota3A_167 = tpu.iota {dimensions = array<i32: 0>} : vector<128x128xi32>
      %iota3A_168 = tpu.iota {dimensions = array<i32: 1>} : vector<128x128xi32>
      %eq3A_169 = arith.cmpi eq, %iota3A_167, %iota3A_168 : vector<128x128xi32>
      %convert_element_type3A_170 = arith.extui %eq3A_169 : vector<128x128xi1> to vector<128x128xi32>
      %convert_element_type3A_171 = arith.sitofp %convert_element_type3A_170 : vector<128x128xi32> to vector<128x128xf32>
      %mul3A_172 = vector.broadcast %select_n3A_166 : vector<128x1xf32> to vector<128x128xf32>
      %mul3A_173 = arith.mulf %mul3A_172, %convert_element_type3A_171 : vector<128x128xf32>
      %broadcast_in_dim3A_174 = arith.constant 1.000000e+00 : f32
      %broadcast_in_dim3A_175 = vector.broadcast %broadcast_in_dim3A_174 : f32 to vector<1x128xf32>
      %dot_general3A_176 = arith.constant dense<0.000000e+00> : vector<1x128xf32>
      %dot_general3A_177 = tpu.matmul %broadcast_in_dim3A_175, %mul3A_173, %dot_general3A_176 {dimension_numbers = #tpu.dot_dimension_numbers<[1], [0], [0], [1], [0, 0, 1, 1], [], []>, precision = #tpu.contract_precision<fp32>, transpose_lhs_hint = false} : vector<1x128xf32>, vector<128x128xf32>, vector<1x128xf32> -> vector<1x128xf32>
      %reshape3A_178 = vector.shape_cast %dot_general3A_177 : vector<1x128xf32> to vector<128xf32>
      %swap3A_179 = arith.constant 1 : index
      %swap3A_180 = arith.index_cast %mul3A_28 : i32 to index
      %swap3A_181 = vector.load %arg8[%swap3A_179, %swap3A_180] : memref<4x10240xf32, #tpu.memory_space<vmem>>, vector<1x128xf32>
      %swap3A_182 = vector.shape_cast %swap3A_181 : vector<1x128xf32> to vector<128xf32>
      %swap3A_183 = vector.shape_cast %reshape3A_178 : vector<128xf32> to vector<1x128xf32>
      tpu.vector_store %arg8[%swap3A_179, %swap3A_180], %swap3A_183 {strides = array<i32>} : memref<4x10240xf32, #tpu.memory_space<vmem>>, vector<1x128xf32>,
      %lt3A_184 = arith.cmpf olt, %while3A_142#2, %dot_general3A_53 : vector<128x1xf32>
      %jit3A_185 = arith.constant 1.000000e+00 : f32
      %jit3A_186 = arith.constant 0.000000e+00 : f32
      %broadcast_in_dim3A_187 = vector.broadcast %jit3A_185 : f32 to vector<128x1xf32>
      %broadcast_in_dim3A_188 = vector.broadcast %jit3A_186 : f32 to vector<128x1xf32>
      %select_n3A_189 = arith.select %lt3A_184, %broadcast_in_dim3A_187, %broadcast_in_dim3A_188 : vector<128x1xi1>, vector<128x1xf32>
      %iota3A_190 = tpu.iota {dimensions = array<i32: 0>} : vector<128x128xi32>
      %iota3A_191 = tpu.iota {dimensions = array<i32: 1>} : vector<128x128xi32>
      %eq3A_192 = arith.cmpi eq, %iota3A_190, %iota3A_191 : vector<128x128xi32>
      %convert_element_type3A_193 = arith.extui %eq3A_192 : vector<128x128xi1> to vector<128x128xi32>
      %convert_element_type3A_194 = arith.sitofp %convert_element_type3A_193 : vector<128x128xi32> to vector<128x128xf32>
      %mul3A_195 = vector.broadcast %select_n3A_189 : vector<128x1xf32> to vector<128x128xf32>
      %mul3A_196 = arith.mulf %mul3A_195, %convert_element_type3A_194 : vector<128x128xf32>
      %broadcast_in_dim3A_197 = arith.constant 1.000000e+00 : f32
      %broadcast_in_dim3A_198 = vector.broadcast %broadcast_in_dim3A_197 : f32 to vector<1x128xf32>
      %dot_general3A_199 = arith.constant dense<0.000000e+00> : vector<1x128xf32>
      %dot_general3A_200 = tpu.matmul %broadcast_in_dim3A_198, %mul3A_196, %dot_general3A_199 {dimension_numbers = #tpu.dot_dimension_numbers<[1], [0], [0], [1], [0, 0, 1, 1], [], []>, precision = #tpu.contract_precision<fp32>, transpose_lhs_hint = false} : vector<1x128xf32>, vector<128x128xf32>, vector<1x128xf32> -> vector<1x128xf32>
      %reshape3A_201 = vector.shape_cast %dot_general3A_200 : vector<1x128xf32> to vector<128xf32>
      %swap3A_202 = arith.constant 2 : index
      %swap3A_203 = arith.index_cast %mul3A_28 : i32 to index
      %swap3A_204 = vector.load %arg8[%swap3A_202, %swap3A_203] : memref<4x10240xf32, #tpu.memory_space<vmem>>, vector<1x128xf32>
      %swap3A_205 = vector.shape_cast %swap3A_204 : vector<1x128xf32> to vector<128xf32>
      %swap3A_206 = vector.shape_cast %reshape3A_201 : vector<128xf32> to vector<1x128xf32>
      tpu.vector_store %arg8[%swap3A_202, %swap3A_203], %swap3A_206 {strides = array<i32>} : memref<4x10240xf32, #tpu.memory_space<vmem>>, vector<1x128xf32>,
      %lt3A_207 = arith.cmpf olt, %while3A_142#3, %dot_general3A_53 : vector<128x1xf32>
      %jit3A_208 = arith.constant 1.000000e+00 : f32
      %jit3A_209 = arith.constant 0.000000e+00 : f32
      %broadcast_in_dim3A_210 = vector.broadcast %jit3A_208 : f32 to vector<128x1xf32>
      %broadcast_in_dim3A_211 = vector.broadcast %jit3A_209 : f32 to vector<128x1xf32>
      %select_n3A_212 = arith.select %lt3A_207, %broadcast_in_dim3A_210, %broadcast_in_dim3A_211 : vector<128x1xi1>, vector<128x1xf32>
      %iota3A_213 = tpu.iota {dimensions = array<i32: 0>} : vector<128x128xi32>
      %iota3A_214 = tpu.iota {dimensions = array<i32: 1>} : vector<128x128xi32>
      %eq3A_215 = arith.cmpi eq, %iota3A_213, %iota3A_214 : vector<128x128xi32>
      %convert_element_type3A_216 = arith.extui %eq3A_215 : vector<128x128xi1> to vector<128x128xi32>
      %convert_element_type3A_217 = arith.sitofp %convert_element_type3A_216 : vector<128x128xi32> to vector<128x128xf32>
      %mul3A_218 = vector.broadcast %select_n3A_212 : vector<128x1xf32> to vector<128x128xf32>
      %mul3A_219 = arith.mulf %mul3A_218, %convert_element_type3A_217 : vector<128x128xf32>
      %broadcast_in_dim3A_220 = arith.constant 1.000000e+00 : f32
      %broadcast_in_dim3A_221 = vector.broadcast %broadcast_in_dim3A_220 : f32 to vector<1x128xf32>
      %dot_general3A_222 = arith.constant dense<0.000000e+00> : vector<1x128xf32>
      %dot_general3A_223 = tpu.matmul %broadcast_in_dim3A_221, %mul3A_219, %dot_general3A_222 {dimension_numbers = #tpu.dot_dimension_numbers<[1], [0], [0], [1], [0, 0, 1, 1], [], []>, precision = #tpu.contract_precision<fp32>, transpose_lhs_hint = false} : vector<1x128xf32>, vector<128x128xf32>, vector<1x128xf32> -> vector<1x128xf32>
      %reshape3A_224 = vector.shape_cast %dot_general3A_223 : vector<1x128xf32> to vector<128xf32>
      %swap3A_225 = arith.constant 3 : index
      %swap3A_226 = arith.index_cast %mul3A_28 : i32 to index
      %swap3A_227 = vector.load %arg8[%swap3A_225, %swap3A_226] : memref<4x10240xf32, #tpu.memory_space<vmem>>, vector<1x128xf32>
      %swap3A_228 = vector.shape_cast %swap3A_227 : vector<1x128xf32> to vector<128xf32>
      %swap3A_229 = vector.shape_cast %reshape3A_224 : vector<128xf32> to vector<1x128xf32>
      tpu.vector_store %arg8[%swap3A_225, %swap3A_226], %swap3A_229 {strides = array<i32>} : memref<4x10240xf32, #tpu.memory_space<vmem>>, vector<1x128xf32>,
    }
    %scan3A_20 = arith.constant 80 : i32
    %scan3A_21 = arith.constant 0 : i32
    %scan3A_22 = arith.constant 80 : i32
    %scan3A_23 = arith.addi %scan3A_21, %scan3A_22 : i32
    %scan3A_24 = arith.constant 1 : i32
    scf.for %scan3A_26 = %scan3A_21 to %scan3A_23 step %scan3A_24  : i32 {
      %mul3A_27 = arith.constant 128 : i32
      %mul3A_28 = arith.muli %scan3A_26, %mul3A_27 : i32
      %broadcast_in_dim3A_29 = arith.constant 0.000000e+00 : f32
      %broadcast_in_dim3A_30 = vector.broadcast %broadcast_in_dim3A_29 : f32 to vector<128x64xf32>
      %get3A = arith.constant 0 : index
      %get3A_31 = arith.index_cast %mul3A_28 : i32 to index
      %get3A_32 = vector.load %arg10[%get3A, %get3A_31] : memref<4x10240xf32, #tpu.memory_space<vmem>>, vector<1x128xf32>
      %get3A_33 = vector.shape_cast %get3A_32 : vector<1x128xf32> to vector<128xf32>
      %tanh3A = math.tanh %get3A_33 : vector<128xf32>
      %get3A_34 = arith.constant 0 : index
      %get3A_35 = arith.index_cast %mul3A_28 : i32 to index
      %get3A_36 = vector.load %arg8[%get3A_34, %get3A_35] : memref<4x10240xf32, #tpu.memory_space<vmem>>, vector<1x128xf32>
      %get3A_37 = vector.shape_cast %get3A_36 : vector<1x128xf32> to vector<128xf32>
      %mul3A_38 = arith.mulf %tanh3A, %get3A_37 : vector<128xf32>
      %get3A_39 = arith.index_cast %mul3A_28 : i32 to index
      %get3A_40 = arith.constant 0 : index
      %get3A_41 = vector.load %arg3[%get3A_39, %get3A_40] : memref<10240x64xf32, #tpu.memory_space<vmem>>, vector<128x64xf32>
      %iota3A_42 = tpu.iota {dimensions = array<i32: 0>} : vector<64x16xi32>
      %iota3A_43 = tpu.iota {dimensions = array<i32: 1>} : vector<64x16xi32>
      %add3A = arith.constant 0 : i32
      %add3A_44 = vector.broadcast %add3A : i32 to vector<64x16xi32>
      %add3A_45 = arith.addi %iota3A_43, %add3A_44 : vector<64x16xi32>
      %eq3A = arith.cmpi eq, %iota3A_42, %add3A_45 : vector<64x16xi32>
      %convert_element_type3A_46 = arith.extui %eq3A : vector<64x16xi1> to vector<64x16xi32>
      %convert_element_type3A_47 = arith.sitofp %convert_element_type3A_46 : vector<64x16xi32> to vector<64x16xf32>
      %dot_general3A = arith.constant dense<0.000000e+00> : vector<128x16xf32>
      %dot_general3A_48 = tpu.matmul %get3A_41, %convert_element_type3A_47, %dot_general3A {dimension_numbers = #tpu.dot_dimension_numbers<[1], [0], [0], [1], [0, 0, 1, 1], [], []>, precision = #tpu.contract_precision<fp32>, transpose_lhs_hint = false} : vector<128x64xf32>, vector<64x16xf32>, vector<128x16xf32> -> vector<128x16xf32>
      %iota3A_49 = tpu.iota {dimensions = array<i32: 0>} : vector<128x128xi32>
      %iota3A_50 = tpu.iota {dimensions = array<i32: 1>} : vector<128x128xi32>
      %eq3A_51 = arith.cmpi eq, %iota3A_49, %iota3A_50 : vector<128x128xi32>
      %convert_element_type3A_52 = arith.extui %eq3A_51 : vector<128x128xi1> to vector<128x128xi32>
      %convert_element_type3A_53 = arith.sitofp %convert_element_type3A_52 : vector<128x128xi32> to vector<128x128xf32>
      %broadcast_in_dim3A_54 = vector.shape_cast %mul3A_38 : vector<128xf32> to vector<1x128xf32>
      %mul3A_55 = vector.broadcast %broadcast_in_dim3A_54 : vector<1x128xf32> to vector<128x128xf32>
      %mul3A_56 = arith.mulf %convert_element_type3A_53, %mul3A_55 : vector<128x128xf32>
      %broadcast_in_dim3A_57 = arith.constant 1.000000e+00 : f32
      %broadcast_in_dim3A_58 = vector.broadcast %broadcast_in_dim3A_57 : f32 to vector<128x1xf32>
      %dot_general3A_59 = arith.constant dense<0.000000e+00> : vector<128x1xf32>
      %dot_general3A_60 = tpu.matmul %mul3A_56, %broadcast_in_dim3A_58, %dot_general3A_59 {dimension_numbers = #tpu.dot_dimension_numbers<[1], [0], [0], [1], [0, 0, 1, 1], [], []>, precision = #tpu.contract_precision<fp32>, transpose_lhs_hint = false} : vector<128x128xf32>, vector<128x1xf32>, vector<128x1xf32> -> vector<128x1xf32>
      %mul3A_61 = vector.broadcast %dot_general3A_60 : vector<128x1xf32> to vector<128x16xf32>
      %mul3A_62 = arith.mulf %dot_general3A_48, %mul3A_61 : vector<128x16xf32>
      %iota3A_63 = tpu.iota {dimensions = array<i32: 0>} : vector<16x64xi32>
      %iota3A_64 = tpu.iota {dimensions = array<i32: 1>} : vector<16x64xi32>
      %add3A_65 = arith.constant 0 : i32
      %add3A_66 = vector.broadcast %add3A_65 : i32 to vector<16x64xi32>
      %add3A_67 = arith.addi %iota3A_63, %add3A_66 : vector<16x64xi32>
      %eq3A_68 = arith.cmpi eq, %iota3A_64, %add3A_67 : vector<16x64xi32>
      %convert_element_type3A_69 = arith.extui %eq3A_68 : vector<16x64xi1> to vector<16x64xi32>
      %convert_element_type3A_70 = arith.sitofp %convert_element_type3A_69 : vector<16x64xi32> to vector<16x64xf32>
      %dot_general3A_71 = arith.constant dense<0.000000e+00> : vector<128x64xf32>
      %dot_general3A_72 = tpu.matmul %mul3A_62, %convert_element_type3A_70, %dot_general3A_71 {dimension_numbers = #tpu.dot_dimension_numbers<[1], [0], [0], [1], [0, 0, 1, 1], [], []>, precision = #tpu.contract_precision<fp32>, transpose_lhs_hint = false} : vector<128x16xf32>, vector<16x64xf32>, vector<128x64xf32> -> vector<128x64xf32>
      %add3A_73 = arith.addf %broadcast_in_dim3A_30, %dot_general3A_72 : vector<128x64xf32>
      %get3A_74 = arith.constant 1 : index
      %get3A_75 = arith.index_cast %mul3A_28 : i32 to index
      %get3A_76 = vector.load %arg10[%get3A_74, %get3A_75] : memref<4x10240xf32, #tpu.memory_space<vmem>>, vector<1x128xf32>
      %get3A_77 = vector.shape_cast %get3A_76 : vector<1x128xf32> to vector<128xf32>
      %tanh3A_78 = math.tanh %get3A_77 : vector<128xf32>
      %get3A_79 = arith.constant 1 : index
      %get3A_80 = arith.index_cast %mul3A_28 : i32 to index
      %get3A_81 = vector.load %arg8[%get3A_79, %get3A_80] : memref<4x10240xf32, #tpu.memory_space<vmem>>, vector<1x128xf32>
      %get3A_82 = vector.shape_cast %get3A_81 : vector<1x128xf32> to vector<128xf32>
      %mul3A_83 = arith.mulf %tanh3A_78, %get3A_82 : vector<128xf32>
      %get3A_84 = arith.index_cast %mul3A_28 : i32 to index
      %get3A_85 = arith.constant 0 : index
      %get3A_86 = vector.load %arg3[%get3A_84, %get3A_85] : memref<10240x64xf32, #tpu.memory_space<vmem>>, vector<128x64xf32>
      %iota3A_87 = tpu.iota {dimensions = array<i32: 0>} : vector<64x16xi32>
      %iota3A_88 = tpu.iota {dimensions = array<i32: 1>} : vector<64x16xi32>
      %add3A_89 = arith.constant 16 : i32
      %add3A_90 = vector.broadcast %add3A_89 : i32 to vector<64x16xi32>
      %add3A_91 = arith.addi %iota3A_88, %add3A_90 : vector<64x16xi32>
      %eq3A_92 = arith.cmpi eq, %iota3A_87, %add3A_91 : vector<64x16xi32>
      %convert_element_type3A_93 = arith.extui %eq3A_92 : vector<64x16xi1> to vector<64x16xi32>
      %convert_element_type3A_94 = arith.sitofp %convert_element_type3A_93 : vector<64x16xi32> to vector<64x16xf32>
      %dot_general3A_95 = arith.constant dense<0.000000e+00> : vector<128x16xf32>
      %dot_general3A_96 = tpu.matmul %get3A_86, %convert_element_type3A_94, %dot_general3A_95 {dimension_numbers = #tpu.dot_dimension_numbers<[1], [0], [0], [1], [0, 0, 1, 1], [], []>, precision = #tpu.contract_precision<fp32>, transpose_lhs_hint = false} : vector<128x64xf32>, vector<64x16xf32>, vector<128x16xf32> -> vector<128x16xf32>
      %iota3A_97 = tpu.iota {dimensions = array<i32: 0>} : vector<128x128xi32>
      %iota3A_98 = tpu.iota {dimensions = array<i32: 1>} : vector<128x128xi32>
      %eq3A_99 = arith.cmpi eq, %iota3A_97, %iota3A_98 : vector<128x128xi32>
      %convert_element_type3A_100 = arith.extui %eq3A_99 : vector<128x128xi1> to vector<128x128xi32>
      %convert_element_type3A_101 = arith.sitofp %convert_element_type3A_100 : vector<128x128xi32> to vector<128x128xf32>
      %broadcast_in_dim3A_102 = vector.shape_cast %mul3A_83 : vector<128xf32> to vector<1x128xf32>
      %mul3A_103 = vector.broadcast %broadcast_in_dim3A_102 : vector<1x128xf32> to vector<128x128xf32>
      %mul3A_104 = arith.mulf %convert_element_type3A_101, %mul3A_103 : vector<128x128xf32>
      %broadcast_in_dim3A_105 = arith.constant 1.000000e+00 : f32
      %broadcast_in_dim3A_106 = vector.broadcast %broadcast_in_dim3A_105 : f32 to vector<128x1xf32>
      %dot_general3A_107 = arith.constant dense<0.000000e+00> : vector<128x1xf32>
      %dot_general3A_108 = tpu.matmul %mul3A_104, %broadcast_in_dim3A_106, %dot_general3A_107 {dimension_numbers = #tpu.dot_dimension_numbers<[1], [0], [0], [1], [0, 0, 1, 1], [], []>, precision = #tpu.contract_precision<fp32>, transpose_lhs_hint = false} : vector<128x128xf32>, vector<128x1xf32>, vector<128x1xf32> -> vector<128x1xf32>
      %mul3A_109 = vector.broadcast %dot_general3A_108 : vector<128x1xf32> to vector<128x16xf32>
      %mul3A_110 = arith.mulf %dot_general3A_96, %mul3A_109 : vector<128x16xf32>
      %iota3A_111 = tpu.iota {dimensions = array<i32: 0>} : vector<16x64xi32>
      %iota3A_112 = tpu.iota {dimensions = array<i32: 1>} : vector<16x64xi32>
      %add3A_113 = arith.constant 16 : i32
      %add3A_114 = vector.broadcast %add3A_113 : i32 to vector<16x64xi32>
      %add3A_115 = arith.addi %iota3A_111, %add3A_114 : vector<16x64xi32>
      %eq3A_116 = arith.cmpi eq, %iota3A_112, %add3A_115 : vector<16x64xi32>
      %convert_element_type3A_117 = arith.extui %eq3A_116 : vector<16x64xi1> to vector<16x64xi32>
      %convert_element_type3A_118 = arith.sitofp %convert_element_type3A_117 : vector<16x64xi32> to vector<16x64xf32>
      %dot_general3A_119 = arith.constant dense<0.000000e+00> : vector<128x64xf32>
      %dot_general3A_120 = tpu.matmul %mul3A_110, %convert_element_type3A_118, %dot_general3A_119 {dimension_numbers = #tpu.dot_dimension_numbers<[1], [0], [0], [1], [0, 0, 1, 1], [], []>, precision = #tpu.contract_precision<fp32>, transpose_lhs_hint = false} : vector<128x16xf32>, vector<16x64xf32>, vector<128x64xf32> -> vector<128x64xf32>
      %add3A_121 = arith.addf %add3A_73, %dot_general3A_120 : vector<128x64xf32>
      %get3A_122 = arith.constant 2 : index
      %get3A_123 = arith.index_cast %mul3A_28 : i32 to index
      %get3A_124 = vector.load %arg10[%get3A_122, %get3A_123] : memref<4x10240xf32, #tpu.memory_space<vmem>>, vector<1x128xf32>
      %get3A_125 = vector.shape_cast %get3A_124 : vector<1x128xf32> to vector<128xf32>
      %tanh3A_126 = math.tanh %get3A_125 : vector<128xf32>
      %get3A_127 = arith.constant 2 : index
      %get3A_128 = arith.index_cast %mul3A_28 : i32 to index
      %get3A_129 = vector.load %arg8[%get3A_127, %get3A_128] : memref<4x10240xf32, #tpu.memory_space<vmem>>, vector<1x128xf32>
      %get3A_130 = vector.shape_cast %get3A_129 : vector<1x128xf32> to vector<128xf32>
      %mul3A_131 = arith.mulf %tanh3A_126, %get3A_130 : vector<128xf32>
      %get3A_132 = arith.index_cast %mul3A_28 : i32 to index
      %get3A_133 = arith.constant 0 : index
      %get3A_134 = vector.load %arg3[%get3A_132, %get3A_133] : memref<10240x64xf32, #tpu.memory_space<vmem>>, vector<128x64xf32>
      %iota3A_135 = tpu.iota {dimensions = array<i32: 0>} : vector<64x16xi32>
      %iota3A_136 = tpu.iota {dimensions = array<i32: 1>} : vector<64x16xi32>
      %add3A_137 = arith.constant 32 : i32
      %add3A_138 = vector.broadcast %add3A_137 : i32 to vector<64x16xi32>
      %add3A_139 = arith.addi %iota3A_136, %add3A_138 : vector<64x16xi32>
      %eq3A_140 = arith.cmpi eq, %iota3A_135, %add3A_139 : vector<64x16xi32>
      %convert_element_type3A_141 = arith.extui %eq3A_140 : vector<64x16xi1> to vector<64x16xi32>
      %convert_element_type3A_142 = arith.sitofp %convert_element_type3A_141 : vector<64x16xi32> to vector<64x16xf32>
      %dot_general3A_143 = arith.constant dense<0.000000e+00> : vector<128x16xf32>
      %dot_general3A_144 = tpu.matmul %get3A_134, %convert_element_type3A_142, %dot_general3A_143 {dimension_numbers = #tpu.dot_dimension_numbers<[1], [0], [0], [1], [0, 0, 1, 1], [], []>, precision = #tpu.contract_precision<fp32>, transpose_lhs_hint = false} : vector<128x64xf32>, vector<64x16xf32>, vector<128x16xf32> -> vector<128x16xf32>
      %iota3A_145 = tpu.iota {dimensions = array<i32: 0>} : vector<128x128xi32>
      %iota3A_146 = tpu.iota {dimensions = array<i32: 1>} : vector<128x128xi32>
      %eq3A_147 = arith.cmpi eq, %iota3A_145, %iota3A_146 : vector<128x128xi32>
      %convert_element_type3A_148 = arith.extui %eq3A_147 : vector<128x128xi1> to vector<128x128xi32>
      %convert_element_type3A_149 = arith.sitofp %convert_element_type3A_148 : vector<128x128xi32> to vector<128x128xf32>
      %broadcast_in_dim3A_150 = vector.shape_cast %mul3A_131 : vector<128xf32> to vector<1x128xf32>
      %mul3A_151 = vector.broadcast %broadcast_in_dim3A_150 : vector<1x128xf32> to vector<128x128xf32>
      %mul3A_152 = arith.mulf %convert_element_type3A_149, %mul3A_151 : vector<128x128xf32>
      %broadcast_in_dim3A_153 = arith.constant 1.000000e+00 : f32
      %broadcast_in_dim3A_154 = vector.broadcast %broadcast_in_dim3A_153 : f32 to vector<128x1xf32>
      %dot_general3A_155 = arith.constant dense<0.000000e+00> : vector<128x1xf32>
      %dot_general3A_156 = tpu.matmul %mul3A_152, %broadcast_in_dim3A_154, %dot_general3A_155 {dimension_numbers = #tpu.dot_dimension_numbers<[1], [0], [0], [1], [0, 0, 1, 1], [], []>, precision = #tpu.contract_precision<fp32>, transpose_lhs_hint = false} : vector<128x128xf32>, vector<128x1xf32>, vector<128x1xf32> -> vector<128x1xf32>
      %mul3A_157 = vector.broadcast %dot_general3A_156 : vector<128x1xf32> to vector<128x16xf32>
      %mul3A_158 = arith.mulf %dot_general3A_144, %mul3A_157 : vector<128x16xf32>
      %iota3A_159 = tpu.iota {dimensions = array<i32: 0>} : vector<16x64xi32>
      %iota3A_160 = tpu.iota {dimensions = array<i32: 1>} : vector<16x64xi32>
      %add3A_161 = arith.constant 32 : i32
      %add3A_162 = vector.broadcast %add3A_161 : i32 to vector<16x64xi32>
      %add3A_163 = arith.addi %iota3A_159, %add3A_162 : vector<16x64xi32>
      %eq3A_164 = arith.cmpi eq, %iota3A_160, %add3A_163 : vector<16x64xi32>
      %convert_element_type3A_165 = arith.extui %eq3A_164 : vector<16x64xi1> to vector<16x64xi32>
      %convert_element_type3A_166 = arith.sitofp %convert_element_type3A_165 : vector<16x64xi32> to vector<16x64xf32>
      %dot_general3A_167 = arith.constant dense<0.000000e+00> : vector<128x64xf32>
      %dot_general3A_168 = tpu.matmul %mul3A_158, %convert_element_type3A_166, %dot_general3A_167 {dimension_numbers = #tpu.dot_dimension_numbers<[1], [0], [0], [1], [0, 0, 1, 1], [], []>, precision = #tpu.contract_precision<fp32>, transpose_lhs_hint = false} : vector<128x16xf32>, vector<16x64xf32>, vector<128x64xf32> -> vector<128x64xf32>
      %add3A_169 = arith.addf %add3A_121, %dot_general3A_168 : vector<128x64xf32>
      %get3A_170 = arith.constant 3 : index
      %get3A_171 = arith.index_cast %mul3A_28 : i32 to index
      %get3A_172 = vector.load %arg10[%get3A_170, %get3A_171] : memref<4x10240xf32, #tpu.memory_space<vmem>>, vector<1x128xf32>
      %get3A_173 = vector.shape_cast %get3A_172 : vector<1x128xf32> to vector<128xf32>
      %tanh3A_174 = math.tanh %get3A_173 : vector<128xf32>
      %get3A_175 = arith.constant 3 : index
      %get3A_176 = arith.index_cast %mul3A_28 : i32 to index
      %get3A_177 = vector.load %arg8[%get3A_175, %get3A_176] : memref<4x10240xf32, #tpu.memory_space<vmem>>, vector<1x128xf32>
      %get3A_178 = vector.shape_cast %get3A_177 : vector<1x128xf32> to vector<128xf32>
      %mul3A_179 = arith.mulf %tanh3A_174, %get3A_178 : vector<128xf32>
      %get3A_180 = arith.index_cast %mul3A_28 : i32 to index
      %get3A_181 = arith.constant 0 : index
      %get3A_182 = vector.load %arg3[%get3A_180, %get3A_181] : memref<10240x64xf32, #tpu.memory_space<vmem>>, vector<128x64xf32>
      %iota3A_183 = tpu.iota {dimensions = array<i32: 0>} : vector<64x16xi32>
      %iota3A_184 = tpu.iota {dimensions = array<i32: 1>} : vector<64x16xi32>
      %add3A_185 = arith.constant 48 : i32
      %add3A_186 = vector.broadcast %add3A_185 : i32 to vector<64x16xi32>
      %add3A_187 = arith.addi %iota3A_184, %add3A_186 : vector<64x16xi32>
      %eq3A_188 = arith.cmpi eq, %iota3A_183, %add3A_187 : vector<64x16xi32>
      %convert_element_type3A_189 = arith.extui %eq3A_188 : vector<64x16xi1> to vector<64x16xi32>
      %convert_element_type3A_190 = arith.sitofp %convert_element_type3A_189 : vector<64x16xi32> to vector<64x16xf32>
      %dot_general3A_191 = arith.constant dense<0.000000e+00> : vector<128x16xf32>
      %dot_general3A_192 = tpu.matmul %get3A_182, %convert_element_type3A_190, %dot_general3A_191 {dimension_numbers = #tpu.dot_dimension_numbers<[1], [0], [0], [1], [0, 0, 1, 1], [], []>, precision = #tpu.contract_precision<fp32>, transpose_lhs_hint = false} : vector<128x64xf32>, vector<64x16xf32>, vector<128x16xf32> -> vector<128x16xf32>
      %iota3A_193 = tpu.iota {dimensions = array<i32: 0>} : vector<128x128xi32>
      %iota3A_194 = tpu.iota {dimensions = array<i32: 1>} : vector<128x128xi32>
      %eq3A_195 = arith.cmpi eq, %iota3A_193, %iota3A_194 : vector<128x128xi32>
      %convert_element_type3A_196 = arith.extui %eq3A_195 : vector<128x128xi1> to vector<128x128xi32>
      %convert_element_type3A_197 = arith.sitofp %convert_element_type3A_196 : vector<128x128xi32> to vector<128x128xf32>
      %broadcast_in_dim3A_198 = vector.shape_cast %mul3A_179 : vector<128xf32> to vector<1x128xf32>
      %mul3A_199 = vector.broadcast %broadcast_in_dim3A_198 : vector<1x128xf32> to vector<128x128xf32>
      %mul3A_200 = arith.mulf %convert_element_type3A_197, %mul3A_199 : vector<128x128xf32>
      %broadcast_in_dim3A_201 = arith.constant 1.000000e+00 : f32
      %broadcast_in_dim3A_202 = vector.broadcast %broadcast_in_dim3A_201 : f32 to vector<128x1xf32>
      %dot_general3A_203 = arith.constant dense<0.000000e+00> : vector<128x1xf32>
      %dot_general3A_204 = tpu.matmul %mul3A_200, %broadcast_in_dim3A_202, %dot_general3A_203 {dimension_numbers = #tpu.dot_dimension_numbers<[1], [0], [0], [1], [0, 0, 1, 1], [], []>, precision = #tpu.contract_precision<fp32>, transpose_lhs_hint = false} : vector<128x128xf32>, vector<128x1xf32>, vector<128x1xf32> -> vector<128x1xf32>
      %mul3A_205 = vector.broadcast %dot_general3A_204 : vector<128x1xf32> to vector<128x16xf32>
      %mul3A_206 = arith.mulf %dot_general3A_192, %mul3A_205 : vector<128x16xf32>
      %iota3A_207 = tpu.iota {dimensions = array<i32: 0>} : vector<16x64xi32>
      %iota3A_208 = tpu.iota {dimensions = array<i32: 1>} : vector<16x64xi32>
      %add3A_209 = arith.constant 48 : i32
      %add3A_210 = vector.broadcast %add3A_209 : i32 to vector<16x64xi32>
      %add3A_211 = arith.addi %iota3A_207, %add3A_210 : vector<16x64xi32>
      %eq3A_212 = arith.cmpi eq, %iota3A_208, %add3A_211 : vector<16x64xi32>
      %convert_element_type3A_213 = arith.extui %eq3A_212 : vector<16x64xi1> to vector<16x64xi32>
      %convert_element_type3A_214 = arith.sitofp %convert_element_type3A_213 : vector<16x64xi32> to vector<16x64xf32>
      %dot_general3A_215 = arith.constant dense<0.000000e+00> : vector<128x64xf32>
      %dot_general3A_216 = tpu.matmul %mul3A_206, %convert_element_type3A_214, %dot_general3A_215 {dimension_numbers = #tpu.dot_dimension_numbers<[1], [0], [0], [1], [0, 0, 1, 1], [], []>, precision = #tpu.contract_precision<fp32>, transpose_lhs_hint = false} : vector<128x16xf32>, vector<16x64xf32>, vector<128x64xf32> -> vector<128x64xf32>
      %add3A_217 = arith.addf %add3A_169, %dot_general3A_216 : vector<128x64xf32>
      %swap3A = arith.index_cast %mul3A_28 : i32 to index
      %swap3A_218 = arith.constant 0 : index
      %swap3A_219 = vector.load %arg9[%swap3A, %swap3A_218] : memref<10240x64xf32, #tpu.memory_space<vmem>>, vector<128x64xf32>
      tpu.vector_store %arg9[%swap3A, %swap3A_218], %add3A_217 {strides = array<i32>} : memref<10240x64xf32, #tpu.memory_space<vmem>>, vector<128x64xf32>,
    }
    %scan3A_25 = arith.constant 80 : i32
    return
  }
}

module attributes {stable_mosaic.version = 14 : i64} {
  func.func @_tc4_body(%arg0: memref<32x4x10240xf32, #tpu.memory_space<vmem>>, %arg1: memref<4x10240xf32, #tpu.memory_space<vmem>>, %arg2: memref<10240x64xf32, #tpu.memory_space<vmem>>, %arg3: memref<4x10240xf32, #tpu.memory_space<vmem>>, %arg4: memref<10240x64xf32, #tpu.memory_space<vmem>>) attributes {dimension_semantics = [], scalar_prefetch = 0 : i64, scratch_operands = 0 : i64, tpu.core_type = #tpu.core_type<tc>} {
    %scan3A = arith.constant 0 : i32
    %scan3A_0 = arith.constant 80 : i32
    %scan3A_1 = arith.addi %scan3A, %scan3A_0 : i32
    %scan3A_2 = arith.constant 1 : i32
    scf.for %scan3A_4 = %scan3A to %scan3A_1 step %scan3A_2  : i32 {
      %mul3A = arith.constant 128 : i32
      %mul3A_5 = arith.muli %scan3A_4, %mul3A : i32
      %broadcast_in_dim3A = arith.constant 0.000000e+00 : f32
      %broadcast_in_dim3A_6 = vector.broadcast %broadcast_in_dim3A : f32 to vector<128x64xf32>
      %get3A = arith.constant 0 : index
      %get3A_7 = arith.constant 0 : index
      %get3A_8 = arith.index_cast %mul3A_5 : i32 to index
      %get3A_9 = vector.load %arg0[%get3A, %get3A_7, %get3A_8] : memref<32x4x10240xf32, #tpu.memory_space<vmem>>, vector<32x1x128xf32>
      %get3A_10 = vector.shape_cast %get3A_9 : vector<32x1x128xf32> to vector<32x128xf32>
      %reduce_sum3A = arith.constant dense<0.000000e+00> : vector<128xf32>
      %reduce_sum3A_11 = vector.multi_reduction <add>, %get3A_10, %reduce_sum3A [0] : vector<32x128xf32> to vector<128xf32>
      %get3A_12 = arith.constant 0 : index
      %get3A_13 = arith.index_cast %mul3A_5 : i32 to index
      %get3A_14 = vector.load %arg1[%get3A_12, %get3A_13] : memref<4x10240xf32, #tpu.memory_space<vmem>>, vector<1x128xf32>
      %get3A_15 = vector.shape_cast %get3A_14 : vector<1x128xf32> to vector<128xf32>
      %add3A = arith.constant 1.000000e+00 : f32
      %add3A_16 = vector.broadcast %add3A : f32 to vector<128xf32>
      %add3A_17 = arith.addf %add3A_16, %reduce_sum3A_11 : vector<128xf32>
      %mul3A_18 = arith.mulf %get3A_15, %add3A_17 : vector<128xf32>
      %gt3A = arith.constant 0.000000e+00 : f32
      %gt3A_19 = vector.broadcast %gt3A : f32 to vector<128xf32>
      %gt3A_20 = arith.cmpf ogt, %mul3A_18, %gt3A_19 : vector<128xf32>
      %pow3A = arith.constant -5.000000e-01 : f32
      %pow3A_21 = vector.broadcast %pow3A : f32 to vector<128xf32>
      %pow3A_22 = math.powf %mul3A_18, %pow3A_21 : vector<128xf32>
      %jit3A = arith.constant 0.000000e+00 : f32
      %broadcast_in_dim3A_23 = vector.broadcast %jit3A : f32 to vector<128xf32>
      %select_n3A = arith.select %gt3A_20, %pow3A_22, %broadcast_in_dim3A_23 : vector<128xi1>, vector<128xf32>
      %swap3A = arith.constant 0 : index
      %swap3A_24 = arith.index_cast %mul3A_5 : i32 to index
      %swap3A_25 = vector.load %arg3[%swap3A, %swap3A_24] : memref<4x10240xf32, #tpu.memory_space<vmem>>, vector<1x128xf32>
      %swap3A_26 = vector.shape_cast %swap3A_25 : vector<1x128xf32> to vector<128xf32>
      %swap3A_27 = vector.shape_cast %select_n3A : vector<128xf32> to vector<1x128xf32>
      tpu.vector_store %arg3[%swap3A, %swap3A_24], %swap3A_27 {strides = array<i32>} : memref<4x10240xf32, #tpu.memory_space<vmem>>, vector<1x128xf32>,
      %get3A_28 = arith.index_cast %mul3A_5 : i32 to index
      %get3A_29 = arith.constant 0 : index
      %get3A_30 = vector.load %arg2[%get3A_28, %get3A_29] : memref<10240x64xf32, #tpu.memory_space<vmem>>, vector<128x64xf32>
      %iota3A = tpu.iota {dimensions = array<i32: 0>} : vector<64x16xi32>
      %iota3A_31 = tpu.iota {dimensions = array<i32: 1>} : vector<64x16xi32>
      %add3A_32 = arith.constant 0 : i32
      %add3A_33 = vector.broadcast %add3A_32 : i32 to vector<64x16xi32>
      %add3A_34 = arith.addi %iota3A_31, %add3A_33 : vector<64x16xi32>
      %eq3A = arith.cmpi eq, %iota3A, %add3A_34 : vector<64x16xi32>
      %convert_element_type3A = arith.extui %eq3A : vector<64x16xi1> to vector<64x16xi32>
      %convert_element_type3A_35 = arith.sitofp %convert_element_type3A : vector<64x16xi32> to vector<64x16xf32>
      %dot_general3A = arith.constant dense<0.000000e+00> : vector<128x16xf32>
      %dot_general3A_36 = tpu.matmul %get3A_30, %convert_element_type3A_35, %dot_general3A {dimension_numbers = #tpu.dot_dimension_numbers<[1], [0], [0], [1], [0, 0, 1, 1], [], []>, precision = #tpu.contract_precision<fp32>, transpose_lhs_hint = false} : vector<128x64xf32>, vector<64x16xf32>, vector<128x16xf32> -> vector<128x16xf32>
      %iota3A_37 = tpu.iota {dimensions = array<i32: 0>} : vector<128x128xi32>
      %iota3A_38 = tpu.iota {dimensions = array<i32: 1>} : vector<128x128xi32>
      %eq3A_39 = arith.cmpi eq, %iota3A_37, %iota3A_38 : vector<128x128xi32>
      %convert_element_type3A_40 = arith.extui %eq3A_39 : vector<128x128xi1> to vector<128x128xi32>
      %convert_element_type3A_41 = arith.sitofp %convert_element_type3A_40 : vector<128x128xi32> to vector<128x128xf32>
      %broadcast_in_dim3A_42 = vector.shape_cast %select_n3A : vector<128xf32> to vector<1x128xf32>
      %mul3A_43 = vector.broadcast %broadcast_in_dim3A_42 : vector<1x128xf32> to vector<128x128xf32>
      %mul3A_44 = arith.mulf %convert_element_type3A_41, %mul3A_43 : vector<128x128xf32>
      %broadcast_in_dim3A_45 = arith.constant 1.000000e+00 : f32
      %broadcast_in_dim3A_46 = vector.broadcast %broadcast_in_dim3A_45 : f32 to vector<128x1xf32>
      %dot_general3A_47 = arith.constant dense<0.000000e+00> : vector<128x1xf32>
      %dot_general3A_48 = tpu.matmul %mul3A_44, %broadcast_in_dim3A_46, %dot_general3A_47 {dimension_numbers = #tpu.dot_dimension_numbers<[1], [0], [0], [1], [0, 0, 1, 1], [], []>, precision = #tpu.contract_precision<fp32>, transpose_lhs_hint = false} : vector<128x128xf32>, vector<128x1xf32>, vector<128x1xf32> -> vector<128x1xf32>
      %mul3A_49 = vector.broadcast %dot_general3A_48 : vector<128x1xf32> to vector<128x16xf32>
      %mul3A_50 = arith.mulf %dot_general3A_36, %mul3A_49 : vector<128x16xf32>
      %iota3A_51 = tpu.iota {dimensions = array<i32: 0>} : vector<16x64xi32>
      %iota3A_52 = tpu.iota {dimensions = array<i32: 1>} : vector<16x64xi32>
      %add3A_53 = arith.constant 0 : i32
      %add3A_54 = vector.broadcast %add3A_53 : i32 to vector<16x64xi32>
      %add3A_55 = arith.addi %iota3A_51, %add3A_54 : vector<16x64xi32>
      %eq3A_56 = arith.cmpi eq, %iota3A_52, %add3A_55 : vector<16x64xi32>
      %convert_element_type3A_57 = arith.extui %eq3A_56 : vector<16x64xi1> to vector<16x64xi32>
      %convert_element_type3A_58 = arith.sitofp %convert_element_type3A_57 : vector<16x64xi32> to vector<16x64xf32>
      %dot_general3A_59 = arith.constant dense<0.000000e+00> : vector<128x64xf32>
      %dot_general3A_60 = tpu.matmul %mul3A_50, %convert_element_type3A_58, %dot_general3A_59 {dimension_numbers = #tpu.dot_dimension_numbers<[1], [0], [0], [1], [0, 0, 1, 1], [], []>, precision = #tpu.contract_precision<fp32>, transpose_lhs_hint = false} : vector<128x16xf32>, vector<16x64xf32>, vector<128x64xf32> -> vector<128x64xf32>
      %add3A_61 = arith.addf %broadcast_in_dim3A_6, %dot_general3A_60 : vector<128x64xf32>
      %get3A_62 = arith.constant 0 : index
      %get3A_63 = arith.constant 1 : index
      %get3A_64 = arith.index_cast %mul3A_5 : i32 to index
      %get3A_65 = vector.load %arg0[%get3A_62, %get3A_63, %get3A_64] : memref<32x4x10240xf32, #tpu.memory_space<vmem>>, vector<32x1x128xf32>
      %get3A_66 = vector.shape_cast %get3A_65 : vector<32x1x128xf32> to vector<32x128xf32>
      %reduce_sum3A_67 = arith.constant dense<0.000000e+00> : vector<128xf32>
      %reduce_sum3A_68 = vector.multi_reduction <add>, %get3A_66, %reduce_sum3A_67 [0] : vector<32x128xf32> to vector<128xf32>
      %get3A_69 = arith.constant 1 : index
      %get3A_70 = arith.index_cast %mul3A_5 : i32 to index
      %get3A_71 = vector.load %arg1[%get3A_69, %get3A_70] : memref<4x10240xf32, #tpu.memory_space<vmem>>, vector<1x128xf32>
      %get3A_72 = vector.shape_cast %get3A_71 : vector<1x128xf32> to vector<128xf32>
      %add3A_73 = arith.constant 1.000000e+00 : f32
      %add3A_74 = vector.broadcast %add3A_73 : f32 to vector<128xf32>
      %add3A_75 = arith.addf %add3A_74, %reduce_sum3A_68 : vector<128xf32>
      %mul3A_76 = arith.mulf %get3A_72, %add3A_75 : vector<128xf32>
      %gt3A_77 = arith.constant 0.000000e+00 : f32
      %gt3A_78 = vector.broadcast %gt3A_77 : f32 to vector<128xf32>
      %gt3A_79 = arith.cmpf ogt, %mul3A_76, %gt3A_78 : vector<128xf32>
      %pow3A_80 = arith.constant -5.000000e-01 : f32
      %pow3A_81 = vector.broadcast %pow3A_80 : f32 to vector<128xf32>
      %pow3A_82 = math.powf %mul3A_76, %pow3A_81 : vector<128xf32>
      %jit3A_83 = arith.constant 0.000000e+00 : f32
      %broadcast_in_dim3A_84 = vector.broadcast %jit3A_83 : f32 to vector<128xf32>
      %select_n3A_85 = arith.select %gt3A_79, %pow3A_82, %broadcast_in_dim3A_84 : vector<128xi1>, vector<128xf32>
      %swap3A_86 = arith.constant 1 : index
      %swap3A_87 = arith.index_cast %mul3A_5 : i32 to index
      %swap3A_88 = vector.load %arg3[%swap3A_86, %swap3A_87] : memref<4x10240xf32, #tpu.memory_space<vmem>>, vector<1x128xf32>
      %swap3A_89 = vector.shape_cast %swap3A_88 : vector<1x128xf32> to vector<128xf32>
      %swap3A_90 = vector.shape_cast %select_n3A_85 : vector<128xf32> to vector<1x128xf32>
      tpu.vector_store %arg3[%swap3A_86, %swap3A_87], %swap3A_90 {strides = array<i32>} : memref<4x10240xf32, #tpu.memory_space<vmem>>, vector<1x128xf32>,
      %get3A_91 = arith.index_cast %mul3A_5 : i32 to index
      %get3A_92 = arith.constant 0 : index
      %get3A_93 = vector.load %arg2[%get3A_91, %get3A_92] : memref<10240x64xf32, #tpu.memory_space<vmem>>, vector<128x64xf32>
      %iota3A_94 = tpu.iota {dimensions = array<i32: 0>} : vector<64x16xi32>
      %iota3A_95 = tpu.iota {dimensions = array<i32: 1>} : vector<64x16xi32>
      %add3A_96 = arith.constant 16 : i32
      %add3A_97 = vector.broadcast %add3A_96 : i32 to vector<64x16xi32>
      %add3A_98 = arith.addi %iota3A_95, %add3A_97 : vector<64x16xi32>
      %eq3A_99 = arith.cmpi eq, %iota3A_94, %add3A_98 : vector<64x16xi32>
      %convert_element_type3A_100 = arith.extui %eq3A_99 : vector<64x16xi1> to vector<64x16xi32>
      %convert_element_type3A_101 = arith.sitofp %convert_element_type3A_100 : vector<64x16xi32> to vector<64x16xf32>
      %dot_general3A_102 = arith.constant dense<0.000000e+00> : vector<128x16xf32>
      %dot_general3A_103 = tpu.matmul %get3A_93, %convert_element_type3A_101, %dot_general3A_102 {dimension_numbers = #tpu.dot_dimension_numbers<[1], [0], [0], [1], [0, 0, 1, 1], [], []>, precision = #tpu.contract_precision<fp32>, transpose_lhs_hint = false} : vector<128x64xf32>, vector<64x16xf32>, vector<128x16xf32> -> vector<128x16xf32>
      %iota3A_104 = tpu.iota {dimensions = array<i32: 0>} : vector<128x128xi32>
      %iota3A_105 = tpu.iota {dimensions = array<i32: 1>} : vector<128x128xi32>
      %eq3A_106 = arith.cmpi eq, %iota3A_104, %iota3A_105 : vector<128x128xi32>
      %convert_element_type3A_107 = arith.extui %eq3A_106 : vector<128x128xi1> to vector<128x128xi32>
      %convert_element_type3A_108 = arith.sitofp %convert_element_type3A_107 : vector<128x128xi32> to vector<128x128xf32>
      %broadcast_in_dim3A_109 = vector.shape_cast %select_n3A_85 : vector<128xf32> to vector<1x128xf32>
      %mul3A_110 = vector.broadcast %broadcast_in_dim3A_109 : vector<1x128xf32> to vector<128x128xf32>
      %mul3A_111 = arith.mulf %convert_element_type3A_108, %mul3A_110 : vector<128x128xf32>
      %broadcast_in_dim3A_112 = arith.constant 1.000000e+00 : f32
      %broadcast_in_dim3A_113 = vector.broadcast %broadcast_in_dim3A_112 : f32 to vector<128x1xf32>
      %dot_general3A_114 = arith.constant dense<0.000000e+00> : vector<128x1xf32>
      %dot_general3A_115 = tpu.matmul %mul3A_111, %broadcast_in_dim3A_113, %dot_general3A_114 {dimension_numbers = #tpu.dot_dimension_numbers<[1], [0], [0], [1], [0, 0, 1, 1], [], []>, precision = #tpu.contract_precision<fp32>, transpose_lhs_hint = false} : vector<128x128xf32>, vector<128x1xf32>, vector<128x1xf32> -> vector<128x1xf32>
      %mul3A_116 = vector.broadcast %dot_general3A_115 : vector<128x1xf32> to vector<128x16xf32>
      %mul3A_117 = arith.mulf %dot_general3A_103, %mul3A_116 : vector<128x16xf32>
      %iota3A_118 = tpu.iota {dimensions = array<i32: 0>} : vector<16x64xi32>
      %iota3A_119 = tpu.iota {dimensions = array<i32: 1>} : vector<16x64xi32>
      %add3A_120 = arith.constant 16 : i32
      %add3A_121 = vector.broadcast %add3A_120 : i32 to vector<16x64xi32>
      %add3A_122 = arith.addi %iota3A_118, %add3A_121 : vector<16x64xi32>
      %eq3A_123 = arith.cmpi eq, %iota3A_119, %add3A_122 : vector<16x64xi32>
      %convert_element_type3A_124 = arith.extui %eq3A_123 : vector<16x64xi1> to vector<16x64xi32>
      %convert_element_type3A_125 = arith.sitofp %convert_element_type3A_124 : vector<16x64xi32> to vector<16x64xf32>
      %dot_general3A_126 = arith.constant dense<0.000000e+00> : vector<128x64xf32>
      %dot_general3A_127 = tpu.matmul %mul3A_117, %convert_element_type3A_125, %dot_general3A_126 {dimension_numbers = #tpu.dot_dimension_numbers<[1], [0], [0], [1], [0, 0, 1, 1], [], []>, precision = #tpu.contract_precision<fp32>, transpose_lhs_hint = false} : vector<128x16xf32>, vector<16x64xf32>, vector<128x64xf32> -> vector<128x64xf32>
      %add3A_128 = arith.addf %add3A_61, %dot_general3A_127 : vector<128x64xf32>
      %get3A_129 = arith.constant 0 : index
      %get3A_130 = arith.constant 2 : index
      %get3A_131 = arith.index_cast %mul3A_5 : i32 to index
      %get3A_132 = vector.load %arg0[%get3A_129, %get3A_130, %get3A_131] : memref<32x4x10240xf32, #tpu.memory_space<vmem>>, vector<32x1x128xf32>
      %get3A_133 = vector.shape_cast %get3A_132 : vector<32x1x128xf32> to vector<32x128xf32>
      %reduce_sum3A_134 = arith.constant dense<0.000000e+00> : vector<128xf32>
      %reduce_sum3A_135 = vector.multi_reduction <add>, %get3A_133, %reduce_sum3A_134 [0] : vector<32x128xf32> to vector<128xf32>
      %get3A_136 = arith.constant 2 : index
      %get3A_137 = arith.index_cast %mul3A_5 : i32 to index
      %get3A_138 = vector.load %arg1[%get3A_136, %get3A_137] : memref<4x10240xf32, #tpu.memory_space<vmem>>, vector<1x128xf32>
      %get3A_139 = vector.shape_cast %get3A_138 : vector<1x128xf32> to vector<128xf32>
      %add3A_140 = arith.constant 1.000000e+00 : f32
      %add3A_141 = vector.broadcast %add3A_140 : f32 to vector<128xf32>
      %add3A_142 = arith.addf %add3A_141, %reduce_sum3A_135 : vector<128xf32>
      %mul3A_143 = arith.mulf %get3A_139, %add3A_142 : vector<128xf32>
      %gt3A_144 = arith.constant 0.000000e+00 : f32
      %gt3A_145 = vector.broadcast %gt3A_144 : f32 to vector<128xf32>
      %gt3A_146 = arith.cmpf ogt, %mul3A_143, %gt3A_145 : vector<128xf32>
      %pow3A_147 = arith.constant -5.000000e-01 : f32
      %pow3A_148 = vector.broadcast %pow3A_147 : f32 to vector<128xf32>
      %pow3A_149 = math.powf %mul3A_143, %pow3A_148 : vector<128xf32>
      %jit3A_150 = arith.constant 0.000000e+00 : f32
      %broadcast_in_dim3A_151 = vector.broadcast %jit3A_150 : f32 to vector<128xf32>
      %select_n3A_152 = arith.select %gt3A_146, %pow3A_149, %broadcast_in_dim3A_151 : vector<128xi1>, vector<128xf32>
      %swap3A_153 = arith.constant 2 : index
      %swap3A_154 = arith.index_cast %mul3A_5 : i32 to index
      %swap3A_155 = vector.load %arg3[%swap3A_153, %swap3A_154] : memref<4x10240xf32, #tpu.memory_space<vmem>>, vector<1x128xf32>
      %swap3A_156 = vector.shape_cast %swap3A_155 : vector<1x128xf32> to vector<128xf32>
      %swap3A_157 = vector.shape_cast %select_n3A_152 : vector<128xf32> to vector<1x128xf32>
      tpu.vector_store %arg3[%swap3A_153, %swap3A_154], %swap3A_157 {strides = array<i32>} : memref<4x10240xf32, #tpu.memory_space<vmem>>, vector<1x128xf32>,
      %get3A_158 = arith.index_cast %mul3A_5 : i32 to index
      %get3A_159 = arith.constant 0 : index
      %get3A_160 = vector.load %arg2[%get3A_158, %get3A_159] : memref<10240x64xf32, #tpu.memory_space<vmem>>, vector<128x64xf32>
      %iota3A_161 = tpu.iota {dimensions = array<i32: 0>} : vector<64x16xi32>
      %iota3A_162 = tpu.iota {dimensions = array<i32: 1>} : vector<64x16xi32>
      %add3A_163 = arith.constant 32 : i32
      %add3A_164 = vector.broadcast %add3A_163 : i32 to vector<64x16xi32>
      %add3A_165 = arith.addi %iota3A_162, %add3A_164 : vector<64x16xi32>
      %eq3A_166 = arith.cmpi eq, %iota3A_161, %add3A_165 : vector<64x16xi32>
      %convert_element_type3A_167 = arith.extui %eq3A_166 : vector<64x16xi1> to vector<64x16xi32>
      %convert_element_type3A_168 = arith.sitofp %convert_element_type3A_167 : vector<64x16xi32> to vector<64x16xf32>
      %dot_general3A_169 = arith.constant dense<0.000000e+00> : vector<128x16xf32>
      %dot_general3A_170 = tpu.matmul %get3A_160, %convert_element_type3A_168, %dot_general3A_169 {dimension_numbers = #tpu.dot_dimension_numbers<[1], [0], [0], [1], [0, 0, 1, 1], [], []>, precision = #tpu.contract_precision<fp32>, transpose_lhs_hint = false} : vector<128x64xf32>, vector<64x16xf32>, vector<128x16xf32> -> vector<128x16xf32>
      %iota3A_171 = tpu.iota {dimensions = array<i32: 0>} : vector<128x128xi32>
      %iota3A_172 = tpu.iota {dimensions = array<i32: 1>} : vector<128x128xi32>
      %eq3A_173 = arith.cmpi eq, %iota3A_171, %iota3A_172 : vector<128x128xi32>
      %convert_element_type3A_174 = arith.extui %eq3A_173 : vector<128x128xi1> to vector<128x128xi32>
      %convert_element_type3A_175 = arith.sitofp %convert_element_type3A_174 : vector<128x128xi32> to vector<128x128xf32>
      %broadcast_in_dim3A_176 = vector.shape_cast %select_n3A_152 : vector<128xf32> to vector<1x128xf32>
      %mul3A_177 = vector.broadcast %broadcast_in_dim3A_176 : vector<1x128xf32> to vector<128x128xf32>
      %mul3A_178 = arith.mulf %convert_element_type3A_175, %mul3A_177 : vector<128x128xf32>
      %broadcast_in_dim3A_179 = arith.constant 1.000000e+00 : f32
      %broadcast_in_dim3A_180 = vector.broadcast %broadcast_in_dim3A_179 : f32 to vector<128x1xf32>
      %dot_general3A_181 = arith.constant dense<0.000000e+00> : vector<128x1xf32>
      %dot_general3A_182 = tpu.matmul %mul3A_178, %broadcast_in_dim3A_180, %dot_general3A_181 {dimension_numbers = #tpu.dot_dimension_numbers<[1], [0], [0], [1], [0, 0, 1, 1], [], []>, precision = #tpu.contract_precision<fp32>, transpose_lhs_hint = false} : vector<128x128xf32>, vector<128x1xf32>, vector<128x1xf32> -> vector<128x1xf32>
      %mul3A_183 = vector.broadcast %dot_general3A_182 : vector<128x1xf32> to vector<128x16xf32>
      %mul3A_184 = arith.mulf %dot_general3A_170, %mul3A_183 : vector<128x16xf32>
      %iota3A_185 = tpu.iota {dimensions = array<i32: 0>} : vector<16x64xi32>
      %iota3A_186 = tpu.iota {dimensions = array<i32: 1>} : vector<16x64xi32>
      %add3A_187 = arith.constant 32 : i32
      %add3A_188 = vector.broadcast %add3A_187 : i32 to vector<16x64xi32>
      %add3A_189 = arith.addi %iota3A_185, %add3A_188 : vector<16x64xi32>
      %eq3A_190 = arith.cmpi eq, %iota3A_186, %add3A_189 : vector<16x64xi32>
      %convert_element_type3A_191 = arith.extui %eq3A_190 : vector<16x64xi1> to vector<16x64xi32>
      %convert_element_type3A_192 = arith.sitofp %convert_element_type3A_191 : vector<16x64xi32> to vector<16x64xf32>
      %dot_general3A_193 = arith.constant dense<0.000000e+00> : vector<128x64xf32>
      %dot_general3A_194 = tpu.matmul %mul3A_184, %convert_element_type3A_192, %dot_general3A_193 {dimension_numbers = #tpu.dot_dimension_numbers<[1], [0], [0], [1], [0, 0, 1, 1], [], []>, precision = #tpu.contract_precision<fp32>, transpose_lhs_hint = false} : vector<128x16xf32>, vector<16x64xf32>, vector<128x64xf32> -> vector<128x64xf32>
      %add3A_195 = arith.addf %add3A_128, %dot_general3A_194 : vector<128x64xf32>
      %get3A_196 = arith.constant 0 : index
      %get3A_197 = arith.constant 3 : index
      %get3A_198 = arith.index_cast %mul3A_5 : i32 to index
      %get3A_199 = vector.load %arg0[%get3A_196, %get3A_197, %get3A_198] : memref<32x4x10240xf32, #tpu.memory_space<vmem>>, vector<32x1x128xf32>
      %get3A_200 = vector.shape_cast %get3A_199 : vector<32x1x128xf32> to vector<32x128xf32>
      %reduce_sum3A_201 = arith.constant dense<0.000000e+00> : vector<128xf32>
      %reduce_sum3A_202 = vector.multi_reduction <add>, %get3A_200, %reduce_sum3A_201 [0] : vector<32x128xf32> to vector<128xf32>
      %get3A_203 = arith.constant 3 : index
      %get3A_204 = arith.index_cast %mul3A_5 : i32 to index
      %get3A_205 = vector.load %arg1[%get3A_203, %get3A_204] : memref<4x10240xf32, #tpu.memory_space<vmem>>, vector<1x128xf32>
      %get3A_206 = vector.shape_cast %get3A_205 : vector<1x128xf32> to vector<128xf32>
      %add3A_207 = arith.constant 1.000000e+00 : f32
      %add3A_208 = vector.broadcast %add3A_207 : f32 to vector<128xf32>
      %add3A_209 = arith.addf %add3A_208, %reduce_sum3A_202 : vector<128xf32>
      %mul3A_210 = arith.mulf %get3A_206, %add3A_209 : vector<128xf32>
      %gt3A_211 = arith.constant 0.000000e+00 : f32
      %gt3A_212 = vector.broadcast %gt3A_211 : f32 to vector<128xf32>
      %gt3A_213 = arith.cmpf ogt, %mul3A_210, %gt3A_212 : vector<128xf32>
      %pow3A_214 = arith.constant -5.000000e-01 : f32
      %pow3A_215 = vector.broadcast %pow3A_214 : f32 to vector<128xf32>
      %pow3A_216 = math.powf %mul3A_210, %pow3A_215 : vector<128xf32>
      %jit3A_217 = arith.constant 0.000000e+00 : f32
      %broadcast_in_dim3A_218 = vector.broadcast %jit3A_217 : f32 to vector<128xf32>
      %select_n3A_219 = arith.select %gt3A_213, %pow3A_216, %broadcast_in_dim3A_218 : vector<128xi1>, vector<128xf32>
      %swap3A_220 = arith.constant 3 : index
      %swap3A_221 = arith.index_cast %mul3A_5 : i32 to index
      %swap3A_222 = vector.load %arg3[%swap3A_220, %swap3A_221] : memref<4x10240xf32, #tpu.memory_space<vmem>>, vector<1x128xf32>
      %swap3A_223 = vector.shape_cast %swap3A_222 : vector<1x128xf32> to vector<128xf32>
      %swap3A_224 = vector.shape_cast %select_n3A_219 : vector<128xf32> to vector<1x128xf32>
      tpu.vector_store %arg3[%swap3A_220, %swap3A_221], %swap3A_224 {strides = array<i32>} : memref<4x10240xf32, #tpu.memory_space<vmem>>, vector<1x128xf32>,
      %get3A_225 = arith.index_cast %mul3A_5 : i32 to index
      %get3A_226 = arith.constant 0 : index
      %get3A_227 = vector.load %arg2[%get3A_225, %get3A_226] : memref<10240x64xf32, #tpu.memory_space<vmem>>, vector<128x64xf32>
      %iota3A_228 = tpu.iota {dimensions = array<i32: 0>} : vector<64x16xi32>
      %iota3A_229 = tpu.iota {dimensions = array<i32: 1>} : vector<64x16xi32>
      %add3A_230 = arith.constant 48 : i32
      %add3A_231 = vector.broadcast %add3A_230 : i32 to vector<64x16xi32>
      %add3A_232 = arith.addi %iota3A_229, %add3A_231 : vector<64x16xi32>
      %eq3A_233 = arith.cmpi eq, %iota3A_228, %add3A_232 : vector<64x16xi32>
      %convert_element_type3A_234 = arith.extui %eq3A_233 : vector<64x16xi1> to vector<64x16xi32>
      %convert_element_type3A_235 = arith.sitofp %convert_element_type3A_234 : vector<64x16xi32> to vector<64x16xf32>
      %dot_general3A_236 = arith.constant dense<0.000000e+00> : vector<128x16xf32>
      %dot_general3A_237 = tpu.matmul %get3A_227, %convert_element_type3A_235, %dot_general3A_236 {dimension_numbers = #tpu.dot_dimension_numbers<[1], [0], [0], [1], [0, 0, 1, 1], [], []>, precision = #tpu.contract_precision<fp32>, transpose_lhs_hint = false} : vector<128x64xf32>, vector<64x16xf32>, vector<128x16xf32> -> vector<128x16xf32>
      %iota3A_238 = tpu.iota {dimensions = array<i32: 0>} : vector<128x128xi32>
      %iota3A_239 = tpu.iota {dimensions = array<i32: 1>} : vector<128x128xi32>
      %eq3A_240 = arith.cmpi eq, %iota3A_238, %iota3A_239 : vector<128x128xi32>
      %convert_element_type3A_241 = arith.extui %eq3A_240 : vector<128x128xi1> to vector<128x128xi32>
      %convert_element_type3A_242 = arith.sitofp %convert_element_type3A_241 : vector<128x128xi32> to vector<128x128xf32>
      %broadcast_in_dim3A_243 = vector.shape_cast %select_n3A_219 : vector<128xf32> to vector<1x128xf32>
      %mul3A_244 = vector.broadcast %broadcast_in_dim3A_243 : vector<1x128xf32> to vector<128x128xf32>
      %mul3A_245 = arith.mulf %convert_element_type3A_242, %mul3A_244 : vector<128x128xf32>
      %broadcast_in_dim3A_246 = arith.constant 1.000000e+00 : f32
      %broadcast_in_dim3A_247 = vector.broadcast %broadcast_in_dim3A_246 : f32 to vector<128x1xf32>
      %dot_general3A_248 = arith.constant dense<0.000000e+00> : vector<128x1xf32>
      %dot_general3A_249 = tpu.matmul %mul3A_245, %broadcast_in_dim3A_247, %dot_general3A_248 {dimension_numbers = #tpu.dot_dimension_numbers<[1], [0], [0], [1], [0, 0, 1, 1], [], []>, precision = #tpu.contract_precision<fp32>, transpose_lhs_hint = false} : vector<128x128xf32>, vector<128x1xf32>, vector<128x1xf32> -> vector<128x1xf32>
      %mul3A_250 = vector.broadcast %dot_general3A_249 : vector<128x1xf32> to vector<128x16xf32>
      %mul3A_251 = arith.mulf %dot_general3A_237, %mul3A_250 : vector<128x16xf32>
      %iota3A_252 = tpu.iota {dimensions = array<i32: 0>} : vector<16x64xi32>
      %iota3A_253 = tpu.iota {dimensions = array<i32: 1>} : vector<16x64xi32>
      %add3A_254 = arith.constant 48 : i32
      %add3A_255 = vector.broadcast %add3A_254 : i32 to vector<16x64xi32>
      %add3A_256 = arith.addi %iota3A_252, %add3A_255 : vector<16x64xi32>
      %eq3A_257 = arith.cmpi eq, %iota3A_253, %add3A_256 : vector<16x64xi32>
      %convert_element_type3A_258 = arith.extui %eq3A_257 : vector<16x64xi1> to vector<16x64xi32>
      %convert_element_type3A_259 = arith.sitofp %convert_element_type3A_258 : vector<16x64xi32> to vector<16x64xf32>
      %dot_general3A_260 = arith.constant dense<0.000000e+00> : vector<128x64xf32>
      %dot_general3A_261 = tpu.matmul %mul3A_251, %convert_element_type3A_259, %dot_general3A_260 {dimension_numbers = #tpu.dot_dimension_numbers<[1], [0], [0], [1], [0, 0, 1, 1], [], []>, precision = #tpu.contract_precision<fp32>, transpose_lhs_hint = false} : vector<128x16xf32>, vector<16x64xf32>, vector<128x64xf32> -> vector<128x64xf32>
      %add3A_262 = arith.addf %add3A_195, %dot_general3A_261 : vector<128x64xf32>
      %swap3A_263 = arith.index_cast %mul3A_5 : i32 to index
      %swap3A_264 = arith.constant 0 : index
      %swap3A_265 = vector.load %arg4[%swap3A_263, %swap3A_264] : memref<10240x64xf32, #tpu.memory_space<vmem>>, vector<128x64xf32>
      tpu.vector_store %arg4[%swap3A_263, %swap3A_264], %add3A_262 {strides = array<i32>} : memref<10240x64xf32, #tpu.memory_space<vmem>>, vector<128x64xf32>,
    }
    %scan3A_3 = arith.constant 80 : i32
    return
  }
}

module attributes {stable_mosaic.version = 14 : i64} {
  func.func @_tc5_body(%arg0: memref<2x10240x64xf32, #tpu.memory_space<vmem>>, %arg1: memref<10240x64xf32, #tpu.memory_space<vmem>>, %arg2: memref<4x10240xf32, #tpu.memory_space<vmem>>, %arg3: memref<4x10240xf32, #tpu.memory_space<vmem>>, %arg4: memref<64x512xf32, #tpu.memory_space<vmem>>, %arg5: memref<1x128xf32, #tpu.memory_space<vmem>>, %arg6: memref<10240x1xf32, #tpu.memory_space<vmem>>, %arg7: memref<128x512xf32, #tpu.memory_space<vmem>>, %arg8: memref<128x512xf32, #tpu.memory_space<vmem>>, %arg9: memref<1x512xf32, #tpu.memory_space<vmem>>, %arg10: memref<128x1xf32, #tpu.memory_space<vmem>>, %arg11: memref<1x1xf32, #tpu.memory_space<vmem>>, %arg12: memref<8x1xf32, #tpu.memory_space<vmem>>) attributes {dimension_semantics = [], scalar_prefetch = 0 : i64, scratch_operands = 0 : i64, tpu.core_type = #tpu.core_type<tc>} {
    %iota3A = tpu.iota {dimensions = array<i32: 1>} : vector<1x8xi32>
    %convert_element_type3A = arith.sitofp %iota3A : vector<1x8xi32> to vector<1x8xf32>
    %broadcast_in_dim3A = arith.constant 0.000000e+00 : f32
    %broadcast_in_dim3A_0 = vector.broadcast %broadcast_in_dim3A : f32 to vector<8x128xf32>
    %broadcast_in_dim3A_1 = arith.constant 0.000000e+00 : f32
    %broadcast_in_dim3A_2 = vector.broadcast %broadcast_in_dim3A_1 : f32 to vector<8x128xf32>
    %broadcast_in_dim3A_3 = arith.constant 0.000000e+00 : f32
    %broadcast_in_dim3A_4 = vector.broadcast %broadcast_in_dim3A_3 : f32 to vector<8x128xf32>
    %broadcast_in_dim3A_5 = arith.constant 0.000000e+00 : f32
    %broadcast_in_dim3A_6 = vector.broadcast %broadcast_in_dim3A_5 : f32 to vector<8x128xf32>
    %broadcast_in_dim3A_7 = arith.constant 0.000000e+00 : f32
    %broadcast_in_dim3A_8 = vector.broadcast %broadcast_in_dim3A_7 : f32 to vector<8x4xf32>
    %scan3A = arith.constant 0 : i32
    %scan3A_9 = arith.constant 80 : i32
    %scan3A_10 = arith.addi %scan3A, %scan3A_9 : i32
    %scan3A_11 = arith.constant 1 : i32
    %scan3A_12:5 = scf.for %scan3A_248 = %scan3A to %scan3A_10 step %scan3A_11 iter_args(%scan3A_249 = %broadcast_in_dim3A_0, %scan3A_250 = %broadcast_in_dim3A_2, %scan3A_251 = %broadcast_in_dim3A_4, %scan3A_252 = %broadcast_in_dim3A_6, %scan3A_253 = %broadcast_in_dim3A_8) -> (vector<8x128xf32>, vector<8x128xf32>, vector<8x128xf32>, vector<8x128xf32>, vector<8x4xf32>)  : i32 {
      %mul3A_254 = arith.constant 128 : i32
      %mul3A_255 = arith.muli %scan3A_248, %mul3A_254 : i32
      %get3A_256 = arith.constant 0 : index
      %get3A_257 = arith.index_cast %mul3A_255 : i32 to index
      %get3A_258 = arith.constant 0 : index
      %get3A_259 = vector.load %arg0[%get3A_256, %get3A_257, %get3A_258] : memref<2x10240x64xf32, #tpu.memory_space<vmem>>, vector<1x128x64xf32>
      %get3A_260 = vector.shape_cast %get3A_259 : vector<1x128x64xf32> to vector<128x64xf32>
      %get3A_261 = arith.constant 1 : index
      %get3A_262 = arith.index_cast %mul3A_255 : i32 to index
      %get3A_263 = arith.constant 0 : index
      %get3A_264 = vector.load %arg0[%get3A_261, %get3A_262, %get3A_263] : memref<2x10240x64xf32, #tpu.memory_space<vmem>>, vector<1x128x64xf32>
      %get3A_265 = vector.shape_cast %get3A_264 : vector<1x128x64xf32> to vector<128x64xf32>
      %add3A_266 = arith.addf %get3A_260, %get3A_265 : vector<128x64xf32>
      %get3A_267 = arith.constant 0 : index
      %get3A_268 = arith.index_cast %mul3A_255 : i32 to index
      %get3A_269 = vector.load %arg3[%get3A_267, %get3A_268] : memref<4x10240xf32, #tpu.memory_space<vmem>>, vector<1x128xf32>
      %get3A_270 = vector.shape_cast %get3A_269 : vector<1x128xf32> to vector<128xf32>
      %iota3A_271 = tpu.iota {dimensions = array<i32: 0>} : vector<128x128xi32>
      %iota3A_272 = tpu.iota {dimensions = array<i32: 1>} : vector<128x128xi32>
      %eq3A_273 = arith.cmpi eq, %iota3A_271, %iota3A_272 : vector<128x128xi32>
      %convert_element_type3A_274 = arith.extui %eq3A_273 : vector<128x128xi1> to vector<128x128xi32>
      %convert_element_type3A_275 = arith.sitofp %convert_element_type3A_274 : vector<128x128xi32> to vector<128x128xf32>
      %broadcast_in_dim3A_276 = vector.shape_cast %get3A_270 : vector<128xf32> to vector<1x128xf32>
      %mul3A_277 = vector.broadcast %broadcast_in_dim3A_276 : vector<1x128xf32> to vector<128x128xf32>
      %mul3A_278 = arith.mulf %convert_element_type3A_275, %mul3A_277 : vector<128x128xf32>
      %broadcast_in_dim3A_279 = arith.constant 1.000000e+00 : f32
      %broadcast_in_dim3A_280 = vector.broadcast %broadcast_in_dim3A_279 : f32 to vector<128x1xf32>
      %dot_general3A_281 = arith.constant dense<0.000000e+00> : vector<128x1xf32>
      %dot_general3A_282 = tpu.matmul %mul3A_278, %broadcast_in_dim3A_280, %dot_general3A_281 {dimension_numbers = #tpu.dot_dimension_numbers<[1], [0], [0], [1], [0, 0, 1, 1], [], []>, precision = #tpu.contract_precision<fp32>, transpose_lhs_hint = false} : vector<128x128xf32>, vector<128x1xf32>, vector<128x1xf32> -> vector<128x1xf32>
      %get3A_283 = arith.constant 1 : index
      %get3A_284 = arith.index_cast %mul3A_255 : i32 to index
      %get3A_285 = vector.load %arg3[%get3A_283, %get3A_284] : memref<4x10240xf32, #tpu.memory_space<vmem>>, vector<1x128xf32>
      %get3A_286 = vector.shape_cast %get3A_285 : vector<1x128xf32> to vector<128xf32>
      %iota3A_287 = tpu.iota {dimensions = array<i32: 0>} : vector<128x128xi32>
      %iota3A_288 = tpu.iota {dimensions = array<i32: 1>} : vector<128x128xi32>
      %eq3A_289 = arith.cmpi eq, %iota3A_287, %iota3A_288 : vector<128x128xi32>
      %convert_element_type3A_290 = arith.extui %eq3A_289 : vector<128x128xi1> to vector<128x128xi32>
      %convert_element_type3A_291 = arith.sitofp %convert_element_type3A_290 : vector<128x128xi32> to vector<128x128xf32>
      %broadcast_in_dim3A_292 = vector.shape_cast %get3A_286 : vector<128xf32> to vector<1x128xf32>
      %mul3A_293 = vector.broadcast %broadcast_in_dim3A_292 : vector<1x128xf32> to vector<128x128xf32>
      %mul3A_294 = arith.mulf %convert_element_type3A_291, %mul3A_293 : vector<128x128xf32>
      %broadcast_in_dim3A_295 = arith.constant 1.000000e+00 : f32
      %broadcast_in_dim3A_296 = vector.broadcast %broadcast_in_dim3A_295 : f32 to vector<128x1xf32>
      %dot_general3A_297 = arith.constant dense<0.000000e+00> : vector<128x1xf32>
      %dot_general3A_298 = tpu.matmul %mul3A_294, %broadcast_in_dim3A_296, %dot_general3A_297 {dimension_numbers = #tpu.dot_dimension_numbers<[1], [0], [0], [1], [0, 0, 1, 1], [], []>, precision = #tpu.contract_precision<fp32>, transpose_lhs_hint = false} : vector<128x128xf32>, vector<128x1xf32>, vector<128x1xf32> -> vector<128x1xf32>
      %get3A_299 = arith.constant 2 : index
      %get3A_300 = arith.index_cast %mul3A_255 : i32 to index
      %get3A_301 = vector.load %arg3[%get3A_299, %get3A_300] : memref<4x10240xf32, #tpu.memory_space<vmem>>, vector<1x128xf32>
      %get3A_302 = vector.shape_cast %get3A_301 : vector<1x128xf32> to vector<128xf32>
      %iota3A_303 = tpu.iota {dimensions = array<i32: 0>} : vector<128x128xi32>
      %iota3A_304 = tpu.iota {dimensions = array<i32: 1>} : vector<128x128xi32>
      %eq3A_305 = arith.cmpi eq, %iota3A_303, %iota3A_304 : vector<128x128xi32>
      %convert_element_type3A_306 = arith.extui %eq3A_305 : vector<128x128xi1> to vector<128x128xi32>
      %convert_element_type3A_307 = arith.sitofp %convert_element_type3A_306 : vector<128x128xi32> to vector<128x128xf32>
      %broadcast_in_dim3A_308 = vector.shape_cast %get3A_302 : vector<128xf32> to vector<1x128xf32>
      %mul3A_309 = vector.broadcast %broadcast_in_dim3A_308 : vector<1x128xf32> to vector<128x128xf32>
      %mul3A_310 = arith.mulf %convert_element_type3A_307, %mul3A_309 : vector<128x128xf32>
      %broadcast_in_dim3A_311 = arith.constant 1.000000e+00 : f32
      %broadcast_in_dim3A_312 = vector.broadcast %broadcast_in_dim3A_311 : f32 to vector<128x1xf32>
      %dot_general3A_313 = arith.constant dense<0.000000e+00> : vector<128x1xf32>
      %dot_general3A_314 = tpu.matmul %mul3A_310, %broadcast_in_dim3A_312, %dot_general3A_313 {dimension_numbers = #tpu.dot_dimension_numbers<[1], [0], [0], [1], [0, 0, 1, 1], [], []>, precision = #tpu.contract_precision<fp32>, transpose_lhs_hint = false} : vector<128x128xf32>, vector<128x1xf32>, vector<128x1xf32> -> vector<128x1xf32>
      %get3A_315 = arith.constant 3 : index
      %get3A_316 = arith.index_cast %mul3A_255 : i32 to index
      %get3A_317 = vector.load %arg3[%get3A_315, %get3A_316] : memref<4x10240xf32, #tpu.memory_space<vmem>>, vector<1x128xf32>
      %get3A_318 = vector.shape_cast %get3A_317 : vector<1x128xf32> to vector<128xf32>
      %iota3A_319 = tpu.iota {dimensions = array<i32: 0>} : vector<128x128xi32>
      %iota3A_320 = tpu.iota {dimensions = array<i32: 1>} : vector<128x128xi32>
      %eq3A_321 = arith.cmpi eq, %iota3A_319, %iota3A_320 : vector<128x128xi32>
      %convert_element_type3A_322 = arith.extui %eq3A_321 : vector<128x128xi1> to vector<128x128xi32>
      %convert_element_type3A_323 = arith.sitofp %convert_element_type3A_322 : vector<128x128xi32> to vector<128x128xf32>
      %broadcast_in_dim3A_324 = vector.shape_cast %get3A_318 : vector<128xf32> to vector<1x128xf32>
      %mul3A_325 = vector.broadcast %broadcast_in_dim3A_324 : vector<1x128xf32> to vector<128x128xf32>
      %mul3A_326 = arith.mulf %convert_element_type3A_323, %mul3A_325 : vector<128x128xf32>
      %broadcast_in_dim3A_327 = arith.constant 1.000000e+00 : f32
      %broadcast_in_dim3A_328 = vector.broadcast %broadcast_in_dim3A_327 : f32 to vector<128x1xf32>
      %dot_general3A_329 = arith.constant dense<0.000000e+00> : vector<128x1xf32>
      %dot_general3A_330 = tpu.matmul %mul3A_326, %broadcast_in_dim3A_328, %dot_general3A_329 {dimension_numbers = #tpu.dot_dimension_numbers<[1], [0], [0], [1], [0, 0, 1, 1], [], []>, precision = #tpu.contract_precision<fp32>, transpose_lhs_hint = false} : vector<128x128xf32>, vector<128x1xf32>, vector<128x1xf32> -> vector<128x1xf32>
      %get3A_331 = arith.constant 0 : index
      %get3A_332 = arith.index_cast %mul3A_255 : i32 to index
      %get3A_333 = vector.load %arg2[%get3A_331, %get3A_332] : memref<4x10240xf32, #tpu.memory_space<vmem>>, vector<1x128xf32>
      %get3A_334 = vector.shape_cast %get3A_333 : vector<1x128xf32> to vector<128xf32>
      %iota3A_335 = tpu.iota {dimensions = array<i32: 0>} : vector<128x128xi32>
      %iota3A_336 = tpu.iota {dimensions = array<i32: 1>} : vector<128x128xi32>
      %eq3A_337 = arith.cmpi eq, %iota3A_335, %iota3A_336 : vector<128x128xi32>
      %convert_element_type3A_338 = arith.extui %eq3A_337 : vector<128x128xi1> to vector<128x128xi32>
      %convert_element_type3A_339 = arith.sitofp %convert_element_type3A_338 : vector<128x128xi32> to vector<128x128xf32>
      %broadcast_in_dim3A_340 = vector.shape_cast %get3A_334 : vector<128xf32> to vector<1x128xf32>
      %mul3A_341 = vector.broadcast %broadcast_in_dim3A_340 : vector<1x128xf32> to vector<128x128xf32>
      %mul3A_342 = arith.mulf %convert_element_type3A_339, %mul3A_341 : vector<128x128xf32>
      %broadcast_in_dim3A_343 = arith.constant 1.000000e+00 : f32
      %broadcast_in_dim3A_344 = vector.broadcast %broadcast_in_dim3A_343 : f32 to vector<128x1xf32>
      %dot_general3A_345 = arith.constant dense<0.000000e+00> : vector<128x1xf32>
      %dot_general3A_346 = tpu.matmul %mul3A_342, %broadcast_in_dim3A_344, %dot_general3A_345 {dimension_numbers = #tpu.dot_dimension_numbers<[1], [0], [0], [1], [0, 0, 1, 1], [], []>, precision = #tpu.contract_precision<fp32>, transpose_lhs_hint = false} : vector<128x128xf32>, vector<128x1xf32>, vector<128x1xf32> -> vector<128x1xf32>
      %iota3A_347 = tpu.iota {dimensions = array<i32: 1>} : vector<1x4xi32>
      %eq3A_348 = arith.constant 0 : i32
      %eq3A_349 = vector.broadcast %eq3A_348 : i32 to vector<1x4xi32>
      %eq3A_350 = arith.cmpi eq, %iota3A_347, %eq3A_349 : vector<1x4xi32>
      %convert_element_type3A_351 = arith.extui %eq3A_350 : vector<1x4xi1> to vector<1x4xi32>
      %convert_element_type3A_352 = arith.sitofp %convert_element_type3A_351 : vector<1x4xi32> to vector<1x4xf32>
      %dot_general3A_353 = arith.constant dense<0.000000e+00> : vector<128x4xf32>
      %dot_general3A_354 = tpu.matmul %dot_general3A_346, %convert_element_type3A_352, %dot_general3A_353 {dimension_numbers = #tpu.dot_dimension_numbers<[1], [0], [0], [1], [0, 0, 1, 1], [], []>, precision = #tpu.contract_precision<fp32>, transpose_lhs_hint = false} : vector<128x1xf32>, vector<1x4xf32>, vector<128x4xf32> -> vector<128x4xf32>
      %add3A_355 = arith.constant 0.000000e+00 : f32
      %add3A_356 = vector.broadcast %add3A_355 : f32 to vector<128x4xf32>
      %add3A_357 = arith.addf %add3A_356, %dot_general3A_354 : vector<128x4xf32>
      %get3A_358 = arith.constant 1 : index
      %get3A_359 = arith.index_cast %mul3A_255 : i32 to index
      %get3A_360 = vector.load %arg2[%get3A_358, %get3A_359] : memref<4x10240xf32, #tpu.memory_space<vmem>>, vector<1x128xf32>
      %get3A_361 = vector.shape_cast %get3A_360 : vector<1x128xf32> to vector<128xf32>
      %iota3A_362 = tpu.iota {dimensions = array<i32: 0>} : vector<128x128xi32>
      %iota3A_363 = tpu.iota {dimensions = array<i32: 1>} : vector<128x128xi32>
      %eq3A_364 = arith.cmpi eq, %iota3A_362, %iota3A_363 : vector<128x128xi32>
      %convert_element_type3A_365 = arith.extui %eq3A_364 : vector<128x128xi1> to vector<128x128xi32>
      %convert_element_type3A_366 = arith.sitofp %convert_element_type3A_365 : vector<128x128xi32> to vector<128x128xf32>
      %broadcast_in_dim3A_367 = vector.shape_cast %get3A_361 : vector<128xf32> to vector<1x128xf32>
      %mul3A_368 = vector.broadcast %broadcast_in_dim3A_367 : vector<1x128xf32> to vector<128x128xf32>
      %mul3A_369 = arith.mulf %convert_element_type3A_366, %mul3A_368 : vector<128x128xf32>
      %broadcast_in_dim3A_370 = arith.constant 1.000000e+00 : f32
      %broadcast_in_dim3A_371 = vector.broadcast %broadcast_in_dim3A_370 : f32 to vector<128x1xf32>
      %dot_general3A_372 = arith.constant dense<0.000000e+00> : vector<128x1xf32>
      %dot_general3A_373 = tpu.matmul %mul3A_369, %broadcast_in_dim3A_371, %dot_general3A_372 {dimension_numbers = #tpu.dot_dimension_numbers<[1], [0], [0], [1], [0, 0, 1, 1], [], []>, precision = #tpu.contract_precision<fp32>, transpose_lhs_hint = false} : vector<128x128xf32>, vector<128x1xf32>, vector<128x1xf32> -> vector<128x1xf32>
      %iota3A_374 = tpu.iota {dimensions = array<i32: 1>} : vector<1x4xi32>
      %eq3A_375 = arith.constant 1 : i32
      %eq3A_376 = vector.broadcast %eq3A_375 : i32 to vector<1x4xi32>
      %eq3A_377 = arith.cmpi eq, %iota3A_374, %eq3A_376 : vector<1x4xi32>
      %convert_element_type3A_378 = arith.extui %eq3A_377 : vector<1x4xi1> to vector<1x4xi32>
      %convert_element_type3A_379 = arith.sitofp %convert_element_type3A_378 : vector<1x4xi32> to vector<1x4xf32>
      %dot_general3A_380 = arith.constant dense<0.000000e+00> : vector<128x4xf32>
      %dot_general3A_381 = tpu.matmul %dot_general3A_373, %convert_element_type3A_379, %dot_general3A_380 {dimension_numbers = #tpu.dot_dimension_numbers<[1], [0], [0], [1], [0, 0, 1, 1], [], []>, precision = #tpu.contract_precision<fp32>, transpose_lhs_hint = false} : vector<128x1xf32>, vector<1x4xf32>, vector<128x4xf32> -> vector<128x4xf32>
      %add3A_382 = arith.addf %add3A_357, %dot_general3A_381 : vector<128x4xf32>
      %get3A_383 = arith.constant 2 : index
      %get3A_384 = arith.index_cast %mul3A_255 : i32 to index
      %get3A_385 = vector.load %arg2[%get3A_383, %get3A_384] : memref<4x10240xf32, #tpu.memory_space<vmem>>, vector<1x128xf32>
      %get3A_386 = vector.shape_cast %get3A_385 : vector<1x128xf32> to vector<128xf32>
      %iota3A_387 = tpu.iota {dimensions = array<i32: 0>} : vector<128x128xi32>
      %iota3A_388 = tpu.iota {dimensions = array<i32: 1>} : vector<128x128xi32>
      %eq3A_389 = arith.cmpi eq, %iota3A_387, %iota3A_388 : vector<128x128xi32>
      %convert_element_type3A_390 = arith.extui %eq3A_389 : vector<128x128xi1> to vector<128x128xi32>
      %convert_element_type3A_391 = arith.sitofp %convert_element_type3A_390 : vector<128x128xi32> to vector<128x128xf32>
      %broadcast_in_dim3A_392 = vector.shape_cast %get3A_386 : vector<128xf32> to vector<1x128xf32>
      %mul3A_393 = vector.broadcast %broadcast_in_dim3A_392 : vector<1x128xf32> to vector<128x128xf32>
      %mul3A_394 = arith.mulf %convert_element_type3A_391, %mul3A_393 : vector<128x128xf32>
      %broadcast_in_dim3A_395 = arith.constant 1.000000e+00 : f32
      %broadcast_in_dim3A_396 = vector.broadcast %broadcast_in_dim3A_395 : f32 to vector<128x1xf32>
      %dot_general3A_397 = arith.constant dense<0.000000e+00> : vector<128x1xf32>
      %dot_general3A_398 = tpu.matmul %mul3A_394, %broadcast_in_dim3A_396, %dot_general3A_397 {dimension_numbers = #tpu.dot_dimension_numbers<[1], [0], [0], [1], [0, 0, 1, 1], [], []>, precision = #tpu.contract_precision<fp32>, transpose_lhs_hint = false} : vector<128x128xf32>, vector<128x1xf32>, vector<128x1xf32> -> vector<128x1xf32>
      %iota3A_399 = tpu.iota {dimensions = array<i32: 1>} : vector<1x4xi32>
      %eq3A_400 = arith.constant 2 : i32
      %eq3A_401 = vector.broadcast %eq3A_400 : i32 to vector<1x4xi32>
      %eq3A_402 = arith.cmpi eq, %iota3A_399, %eq3A_401 : vector<1x4xi32>
      %convert_element_type3A_403 = arith.extui %eq3A_402 : vector<1x4xi1> to vector<1x4xi32>
      %convert_element_type3A_404 = arith.sitofp %convert_element_type3A_403 : vector<1x4xi32> to vector<1x4xf32>
      %dot_general3A_405 = arith.constant dense<0.000000e+00> : vector<128x4xf32>
      %dot_general3A_406 = tpu.matmul %dot_general3A_398, %convert_element_type3A_404, %dot_general3A_405 {dimension_numbers = #tpu.dot_dimension_numbers<[1], [0], [0], [1], [0, 0, 1, 1], [], []>, precision = #tpu.contract_precision<fp32>, transpose_lhs_hint = false} : vector<128x1xf32>, vector<1x4xf32>, vector<128x4xf32> -> vector<128x4xf32>
      %add3A_407 = arith.addf %add3A_382, %dot_general3A_406 : vector<128x4xf32>
      %get3A_408 = arith.constant 3 : index
      %get3A_409 = arith.index_cast %mul3A_255 : i32 to index
      %get3A_410 = vector.load %arg2[%get3A_408, %get3A_409] : memref<4x10240xf32, #tpu.memory_space<vmem>>, vector<1x128xf32>
      %get3A_411 = vector.shape_cast %get3A_410 : vector<1x128xf32> to vector<128xf32>
      %iota3A_412 = tpu.iota {dimensions = array<i32: 0>} : vector<128x128xi32>
      %iota3A_413 = tpu.iota {dimensions = array<i32: 1>} : vector<128x128xi32>
      %eq3A_414 = arith.cmpi eq, %iota3A_412, %iota3A_413 : vector<128x128xi32>
      %convert_element_type3A_415 = arith.extui %eq3A_414 : vector<128x128xi1> to vector<128x128xi32>
      %convert_element_type3A_416 = arith.sitofp %convert_element_type3A_415 : vector<128x128xi32> to vector<128x128xf32>
      %broadcast_in_dim3A_417 = vector.shape_cast %get3A_411 : vector<128xf32> to vector<1x128xf32>
      %mul3A_418 = vector.broadcast %broadcast_in_dim3A_417 : vector<1x128xf32> to vector<128x128xf32>
      %mul3A_419 = arith.mulf %convert_element_type3A_416, %mul3A_418 : vector<128x128xf32>
      %broadcast_in_dim3A_420 = arith.constant 1.000000e+00 : f32
      %broadcast_in_dim3A_421 = vector.broadcast %broadcast_in_dim3A_420 : f32 to vector<128x1xf32>
      %dot_general3A_422 = arith.constant dense<0.000000e+00> : vector<128x1xf32>
      %dot_general3A_423 = tpu.matmul %mul3A_419, %broadcast_in_dim3A_421, %dot_general3A_422 {dimension_numbers = #tpu.dot_dimension_numbers<[1], [0], [0], [1], [0, 0, 1, 1], [], []>, precision = #tpu.contract_precision<fp32>, transpose_lhs_hint = false} : vector<128x128xf32>, vector<128x1xf32>, vector<128x1xf32> -> vector<128x1xf32>
      %iota3A_424 = tpu.iota {dimensions = array<i32: 1>} : vector<1x4xi32>
      %eq3A_425 = arith.constant 3 : i32
      %eq3A_426 = vector.broadcast %eq3A_425 : i32 to vector<1x4xi32>
      %eq3A_427 = arith.cmpi eq, %iota3A_424, %eq3A_426 : vector<1x4xi32>
      %convert_element_type3A_428 = arith.extui %eq3A_427 : vector<1x4xi1> to vector<1x4xi32>
      %convert_element_type3A_429 = arith.sitofp %convert_element_type3A_428 : vector<1x4xi32> to vector<1x4xf32>
      %dot_general3A_430 = arith.constant dense<0.000000e+00> : vector<128x4xf32>
      %dot_general3A_431 = tpu.matmul %dot_general3A_423, %convert_element_type3A_429, %dot_general3A_430 {dimension_numbers = #tpu.dot_dimension_numbers<[1], [0], [0], [1], [0, 0, 1, 1], [], []>, precision = #tpu.contract_precision<fp32>, transpose_lhs_hint = false} : vector<128x1xf32>, vector<1x4xf32>, vector<128x4xf32> -> vector<128x4xf32>
      %add3A_432 = arith.addf %add3A_407, %dot_general3A_431 : vector<128x4xf32>
      %iota3A_433 = tpu.iota {dimensions = array<i32: 0>} : vector<4x64xi32>
      %iota3A_434 = tpu.iota {dimensions = array<i32: 1>} : vector<4x64xi32>
      %jit3A = arith.constant 16 : i32
      %div3A_435 = vector.broadcast %jit3A : i32 to vector<4x64xi32>
      %div3A_436 = arith.divsi %iota3A_434, %div3A_435 : vector<4x64xi32>
      %sign3A = arith.constant 0 : i32
      %sign3A_437 = vector.broadcast %sign3A : i32 to vector<4x64xi32>
      %sign3A_438 = arith.cmpi sgt, %iota3A_434, %sign3A_437 : vector<4x64xi32>
      %sign3A_439 = arith.extui %sign3A_438 : vector<4x64xi1> to vector<4x64xi32>
      %sign3A_440 = arith.constant 0 : i32
      %sign3A_441 = vector.broadcast %sign3A_440 : i32 to vector<4x64xi32>
      %sign3A_442 = arith.cmpi slt, %iota3A_434, %sign3A_441 : vector<4x64xi32>
      %sign3A_443 = arith.extui %sign3A_442 : vector<4x64xi1> to vector<4x64xi32>
      %sign3A_444 = arith.subi %sign3A_439, %sign3A_443 : vector<4x64xi32>
      %sign3A_445 = arith.constant 0 : i32
      %sign3A_446 = arith.cmpi sgt, %jit3A, %sign3A_445 : i32
      %sign3A_447 = arith.extui %sign3A_446 : i1 to i32
      %sign3A_448 = arith.constant 0 : i32
      %sign3A_449 = arith.cmpi slt, %jit3A, %sign3A_448 : i32
      %sign3A_450 = arith.extui %sign3A_449 : i1 to i32
      %sign3A_451 = arith.subi %sign3A_447, %sign3A_450 : i32
      %ne3A = vector.broadcast %sign3A_451 : i32 to vector<4x64xi32>
      %ne3A_452 = arith.cmpi ne, %sign3A_444, %ne3A : vector<4x64xi32>
      %rem3A = vector.broadcast %jit3A : i32 to vector<4x64xi32>
      %rem3A_453 = arith.remsi %iota3A_434, %rem3A : vector<4x64xi32>
      %ne3A_454 = arith.constant 0 : i32
      %ne3A_455 = vector.broadcast %ne3A_454 : i32 to vector<4x64xi32>
      %ne3A_456 = arith.cmpi ne, %rem3A_453, %ne3A_455 : vector<4x64xi32>
      %and3A = arith.andi %ne3A_452, %ne3A_456 : vector<4x64xi1>
      %sub3A = arith.constant 1 : i32
      %sub3A_457 = vector.broadcast %sub3A : i32 to vector<4x64xi32>
      %sub3A_458 = arith.subi %div3A_436, %sub3A_457 : vector<4x64xi32>
      %select_n3A = arith.select %and3A, %sub3A_458, %div3A_436 : vector<4x64xi1>, vector<4x64xi32>
      %eq3A_459 = arith.cmpi eq, %select_n3A, %iota3A_433 : vector<4x64xi32>
      %convert_element_type3A_460 = arith.extui %eq3A_459 : vector<4x64xi1> to vector<4x64xi32>
      %convert_element_type3A_461 = arith.sitofp %convert_element_type3A_460 : vector<4x64xi32> to vector<4x64xf32>
      %dot_general3A_462 = arith.constant dense<0.000000e+00> : vector<128x64xf32>
      %dot_general3A_463 = tpu.matmul %add3A_432, %convert_element_type3A_461, %dot_general3A_462 {dimension_numbers = #tpu.dot_dimension_numbers<[1], [0], [0], [1], [0, 0, 1, 1], [], []>, precision = #tpu.contract_precision<fp32>, transpose_lhs_hint = false} : vector<128x4xf32>, vector<4x64xf32>, vector<128x64xf32> -> vector<128x64xf32>
      %mul3A_464 = arith.mulf %add3A_266, %dot_general3A_463 : vector<128x64xf32>
      %get3A_465 = arith.index_cast %mul3A_255 : i32 to index
      %get3A_466 = arith.constant 0 : index
      %get3A_467 = vector.load %arg1[%get3A_465, %get3A_466] : memref<10240x64xf32, #tpu.memory_space<vmem>>, vector<128x64xf32>
      %mul3A_468 = arith.mulf %get3A_467, %dot_general3A_463 : vector<128x64xf32>
      %add3A_469 = arith.addf %mul3A_464, %mul3A_468 : vector<128x64xf32>
      %get3A_470 = arith.constant 0 : index
      %get3A_471 = arith.constant 0 : index
      %get3A_472 = vector.load %arg4[%get3A_470, %get3A_471] : memref<64x512xf32, #tpu.memory_space<vmem>>, vector<64x512xf32>
      %dot_general3A_473 = arith.constant dense<0.000000e+00> : vector<128x512xf32>
      %dot_general3A_474 = tpu.matmul %add3A_469, %get3A_472, %dot_general3A_473 {dimension_numbers = #tpu.dot_dimension_numbers<[1], [0], [0], [1], [0, 0, 1, 1], [], []>, transpose_lhs_hint = false} : vector<128x64xf32>, vector<64x512xf32>, vector<128x512xf32> -> vector<128x512xf32>
      %get3A_475 = arith.index_cast %mul3A_255 : i32 to index
      %get3A_476 = arith.constant 0 : index
      %get3A_477 = vector.load %arg6[%get3A_475, %get3A_476] : memref<10240x1xf32, #tpu.memory_space<vmem>>, vector<128x1xf32>
      %eq3A_478 = vector.broadcast %get3A_477 : vector<128x1xf32> to vector<128x8xf32>
      %eq3A_479 = vector.broadcast %convert_element_type3A : vector<1x8xf32> to vector<128x8xf32>
      %eq3A_480 = arith.cmpf oeq, %eq3A_478, %eq3A_479 : vector<128x8xf32>
      %convert_element_type3A_481 = arith.extui %eq3A_480 : vector<128x8xi1> to vector<128x8xi32>
      %convert_element_type3A_482 = arith.sitofp %convert_element_type3A_481 : vector<128x8xi32> to vector<128x8xf32>
      %slice3A_483 = vector.extract_strided_slice %dot_general3A_474 {offsets = [0, 0], sizes = [128, 128], strides = [1, 1]} : vector<128x512xf32> to vector<128x128xf32>
      %get3A_484 = arith.constant 0 : index
      %get3A_485 = arith.constant 0 : index
      %get3A_486 = vector.load %arg5[%get3A_484, %get3A_485] : memref<1x128xf32, #tpu.memory_space<vmem>>, vector<1x128xf32>
      %add3A_487 = vector.broadcast %get3A_486 : vector<1x128xf32> to vector<128x128xf32>
      %add3A_488 = arith.addf %slice3A_483, %add3A_487 : vector<128x128xf32>
      %mul3A_489 = vector.broadcast %dot_general3A_282 : vector<128x1xf32> to vector<128x128xf32>
      %mul3A_490 = arith.mulf %mul3A_489, %add3A_488 : vector<128x128xf32>
      %max3A_491 = arith.constant 0.000000e+00 : f32
      %max3A_492 = vector.broadcast %max3A_491 : f32 to vector<128x128xf32>
      %max3A_493 = arith.maximumf %mul3A_490, %max3A_492 : vector<128x128xf32>
      %dot_general3A_494 = arith.constant dense<0.000000e+00> : vector<8x128xf32>
      %dot_general3A_495 = tpu.matmul %convert_element_type3A_482, %max3A_493, %dot_general3A_494 {dimension_numbers = #tpu.dot_dimension_numbers<[0], [0], [1], [1], [0, 1, 1, 1], [], []>, precision = #tpu.contract_precision<fp32>, transpose_lhs_hint = false} : vector<128x8xf32>, vector<128x128xf32>, vector<8x128xf32> -> vector<8x128xf32>
      %add3A_496 = arith.addf %scan3A_249, %dot_general3A_495 : vector<8x128xf32>
      %slice3A_497 = vector.extract_strided_slice %dot_general3A_474 {offsets = [0, 128], sizes = [128, 128], strides = [1, 1]} : vector<128x512xf32> to vector<128x128xf32>
      %get3A_498 = arith.constant 0 : index
      %get3A_499 = arith.constant 0 : index
      %get3A_500 = vector.load %arg5[%get3A_498, %get3A_499] : memref<1x128xf32, #tpu.memory_space<vmem>>, vector<1x128xf32>
      %add3A_501 = vector.broadcast %get3A_500 : vector<1x128xf32> to vector<128x128xf32>
      %add3A_502 = arith.addf %slice3A_497, %add3A_501 : vector<128x128xf32>
      %mul3A_503 = vector.broadcast %dot_general3A_298 : vector<128x1xf32> to vector<128x128xf32>
      %mul3A_504 = arith.mulf %mul3A_503, %add3A_502 : vector<128x128xf32>
      %max3A_505 = arith.constant 0.000000e+00 : f32
      %max3A_506 = vector.broadcast %max3A_505 : f32 to vector<128x128xf32>
      %max3A_507 = arith.maximumf %mul3A_504, %max3A_506 : vector<128x128xf32>
      %dot_general3A_508 = arith.constant dense<0.000000e+00> : vector<8x128xf32>
      %dot_general3A_509 = tpu.matmul %convert_element_type3A_482, %max3A_507, %dot_general3A_508 {dimension_numbers = #tpu.dot_dimension_numbers<[0], [0], [1], [1], [0, 1, 1, 1], [], []>, precision = #tpu.contract_precision<fp32>, transpose_lhs_hint = false} : vector<128x8xf32>, vector<128x128xf32>, vector<8x128xf32> -> vector<8x128xf32>
      %add3A_510 = arith.addf %scan3A_250, %dot_general3A_509 : vector<8x128xf32>
      %slice3A_511 = vector.extract_strided_slice %dot_general3A_474 {offsets = [0, 256], sizes = [128, 128], strides = [1, 1]} : vector<128x512xf32> to vector<128x128xf32>
      %get3A_512 = arith.constant 0 : index
      %get3A_513 = arith.constant 0 : index
      %get3A_514 = vector.load %arg5[%get3A_512, %get3A_513] : memref<1x128xf32, #tpu.memory_space<vmem>>, vector<1x128xf32>
      %add3A_515 = vector.broadcast %get3A_514 : vector<1x128xf32> to vector<128x128xf32>
      %add3A_516 = arith.addf %slice3A_511, %add3A_515 : vector<128x128xf32>
      %mul3A_517 = vector.broadcast %dot_general3A_314 : vector<128x1xf32> to vector<128x128xf32>
      %mul3A_518 = arith.mulf %mul3A_517, %add3A_516 : vector<128x128xf32>
      %max3A_519 = arith.constant 0.000000e+00 : f32
      %max3A_520 = vector.broadcast %max3A_519 : f32 to vector<128x128xf32>
      %max3A_521 = arith.maximumf %mul3A_518, %max3A_520 : vector<128x128xf32>
      %dot_general3A_522 = arith.constant dense<0.000000e+00> : vector<8x128xf32>
      %dot_general3A_523 = tpu.matmul %convert_element_type3A_482, %max3A_521, %dot_general3A_522 {dimension_numbers = #tpu.dot_dimension_numbers<[0], [0], [1], [1], [0, 1, 1, 1], [], []>, precision = #tpu.contract_precision<fp32>, transpose_lhs_hint = false} : vector<128x8xf32>, vector<128x128xf32>, vector<8x128xf32> -> vector<8x128xf32>
      %add3A_524 = arith.addf %scan3A_251, %dot_general3A_523 : vector<8x128xf32>
      %slice3A_525 = vector.extract_strided_slice %dot_general3A_474 {offsets = [0, 384], sizes = [128, 128], strides = [1, 1]} : vector<128x512xf32> to vector<128x128xf32>
      %get3A_526 = arith.constant 0 : index
      %get3A_527 = arith.constant 0 : index
      %get3A_528 = vector.load %arg5[%get3A_526, %get3A_527] : memref<1x128xf32, #tpu.memory_space<vmem>>, vector<1x128xf32>
      %add3A_529 = vector.broadcast %get3A_528 : vector<1x128xf32> to vector<128x128xf32>
      %add3A_530 = arith.addf %slice3A_525, %add3A_529 : vector<128x128xf32>
      %mul3A_531 = vector.broadcast %dot_general3A_330 : vector<128x1xf32> to vector<128x128xf32>
      %mul3A_532 = arith.mulf %mul3A_531, %add3A_530 : vector<128x128xf32>
      %max3A_533 = arith.constant 0.000000e+00 : f32
      %max3A_534 = vector.broadcast %max3A_533 : f32 to vector<128x128xf32>
      %max3A_535 = arith.maximumf %mul3A_532, %max3A_534 : vector<128x128xf32>
      %dot_general3A_536 = arith.constant dense<0.000000e+00> : vector<8x128xf32>
      %dot_general3A_537 = tpu.matmul %convert_element_type3A_482, %max3A_535, %dot_general3A_536 {dimension_numbers = #tpu.dot_dimension_numbers<[0], [0], [1], [1], [0, 1, 1, 1], [], []>, precision = #tpu.contract_precision<fp32>, transpose_lhs_hint = false} : vector<128x8xf32>, vector<128x128xf32>, vector<8x128xf32> -> vector<8x128xf32>
      %add3A_538 = arith.addf %scan3A_252, %dot_general3A_537 : vector<8x128xf32>
      %iota3A_539 = tpu.iota {dimensions = array<i32: 1>} : vector<1x4xi32>
      %eq3A_540 = arith.constant 0 : i32
      %eq3A_541 = vector.broadcast %eq3A_540 : i32 to vector<1x4xi32>
      %eq3A_542 = arith.cmpi eq, %iota3A_539, %eq3A_541 : vector<1x4xi32>
      %convert_element_type3A_543 = arith.extui %eq3A_542 : vector<1x4xi1> to vector<1x4xi32>
      %convert_element_type3A_544 = arith.sitofp %convert_element_type3A_543 : vector<1x4xi32> to vector<1x4xf32>
      %dot_general3A_545 = arith.constant dense<0.000000e+00> : vector<128x4xf32>
      %dot_general3A_546 = tpu.matmul %dot_general3A_282, %convert_element_type3A_544, %dot_general3A_545 {dimension_numbers = #tpu.dot_dimension_numbers<[1], [0], [0], [1], [0, 0, 1, 1], [], []>, precision = #tpu.contract_precision<fp32>, transpose_lhs_hint = false} : vector<128x1xf32>, vector<1x4xf32>, vector<128x4xf32> -> vector<128x4xf32>
      %add3A_547 = arith.constant 0.000000e+00 : f32
      %add3A_548 = vector.broadcast %add3A_547 : f32 to vector<128x4xf32>
      %add3A_549 = arith.addf %add3A_548, %dot_general3A_546 : vector<128x4xf32>
      %iota3A_550 = tpu.iota {dimensions = array<i32: 1>} : vector<1x4xi32>
      %eq3A_551 = arith.constant 1 : i32
      %eq3A_552 = vector.broadcast %eq3A_551 : i32 to vector<1x4xi32>
      %eq3A_553 = arith.cmpi eq, %iota3A_550, %eq3A_552 : vector<1x4xi32>
      %convert_element_type3A_554 = arith.extui %eq3A_553 : vector<1x4xi1> to vector<1x4xi32>
      %convert_element_type3A_555 = arith.sitofp %convert_element_type3A_554 : vector<1x4xi32> to vector<1x4xf32>
      %dot_general3A_556 = arith.constant dense<0.000000e+00> : vector<128x4xf32>
      %dot_general3A_557 = tpu.matmul %dot_general3A_298, %convert_element_type3A_555, %dot_general3A_556 {dimension_numbers = #tpu.dot_dimension_numbers<[1], [0], [0], [1], [0, 0, 1, 1], [], []>, precision = #tpu.contract_precision<fp32>, transpose_lhs_hint = false} : vector<128x1xf32>, vector<1x4xf32>, vector<128x4xf32> -> vector<128x4xf32>
      %add3A_558 = arith.addf %add3A_549, %dot_general3A_557 : vector<128x4xf32>
      %iota3A_559 = tpu.iota {dimensions = array<i32: 1>} : vector<1x4xi32>
      %eq3A_560 = arith.constant 2 : i32
      %eq3A_561 = vector.broadcast %eq3A_560 : i32 to vector<1x4xi32>
      %eq3A_562 = arith.cmpi eq, %iota3A_559, %eq3A_561 : vector<1x4xi32>
      %convert_element_type3A_563 = arith.extui %eq3A_562 : vector<1x4xi1> to vector<1x4xi32>
      %convert_element_type3A_564 = arith.sitofp %convert_element_type3A_563 : vector<1x4xi32> to vector<1x4xf32>
      %dot_general3A_565 = arith.constant dense<0.000000e+00> : vector<128x4xf32>
      %dot_general3A_566 = tpu.matmul %dot_general3A_314, %convert_element_type3A_564, %dot_general3A_565 {dimension_numbers = #tpu.dot_dimension_numbers<[1], [0], [0], [1], [0, 0, 1, 1], [], []>, precision = #tpu.contract_precision<fp32>, transpose_lhs_hint = false} : vector<128x1xf32>, vector<1x4xf32>, vector<128x4xf32> -> vector<128x4xf32>
      %add3A_567 = arith.addf %add3A_558, %dot_general3A_566 : vector<128x4xf32>
      %iota3A_568 = tpu.iota {dimensions = array<i32: 1>} : vector<1x4xi32>
      %eq3A_569 = arith.constant 3 : i32
      %eq3A_570 = vector.broadcast %eq3A_569 : i32 to vector<1x4xi32>
      %eq3A_571 = arith.cmpi eq, %iota3A_568, %eq3A_570 : vector<1x4xi32>
      %convert_element_type3A_572 = arith.extui %eq3A_571 : vector<1x4xi1> to vector<1x4xi32>
      %convert_element_type3A_573 = arith.sitofp %convert_element_type3A_572 : vector<1x4xi32> to vector<1x4xf32>
      %dot_general3A_574 = arith.constant dense<0.000000e+00> : vector<128x4xf32>
      %dot_general3A_575 = tpu.matmul %dot_general3A_330, %convert_element_type3A_573, %dot_general3A_574 {dimension_numbers = #tpu.dot_dimension_numbers<[1], [0], [0], [1], [0, 0, 1, 1], [], []>, precision = #tpu.contract_precision<fp32>, transpose_lhs_hint = false} : vector<128x1xf32>, vector<1x4xf32>, vector<128x4xf32> -> vector<128x4xf32>
      %add3A_576 = arith.addf %add3A_567, %dot_general3A_575 : vector<128x4xf32>
      %dot_general3A_577 = arith.constant dense<0.000000e+00> : vector<8x4xf32>
      %dot_general3A_578 = tpu.matmul %convert_element_type3A_482, %add3A_576, %dot_general3A_577 {dimension_numbers = #tpu.dot_dimension_numbers<[0], [0], [1], [1], [0, 1, 1, 1], [], []>, precision = #tpu.contract_precision<fp32>, transpose_lhs_hint = false} : vector<128x8xf32>, vector<128x4xf32>, vector<8x4xf32> -> vector<8x4xf32>
      %add3A_579 = arith.addf %scan3A_253, %dot_general3A_578 : vector<8x4xf32>
      scf.yield %add3A_496, %add3A_510, %add3A_524, %add3A_538, %add3A_579 : vector<8x128xf32>, vector<8x128xf32>, vector<8x128xf32>, vector<8x128xf32>, vector<8x4xf32>
    }
    %scan3A_13 = arith.constant 80 : i32
    %broadcast_in_dim3A_14 = arith.constant 0.000000e+00 : f32
    %broadcast_in_dim3A_15 = vector.broadcast %broadcast_in_dim3A_14 : f32 to vector<8x128xf32>
    %broadcast_in_dim3A_16 = arith.constant 0.000000e+00 : f32
    %broadcast_in_dim3A_17 = vector.broadcast %broadcast_in_dim3A_16 : f32 to vector<8x128xf32>
    %iota3A_18 = tpu.iota {dimensions = array<i32: 0>} : vector<4x1xi32>
    %eq3A = arith.constant 0 : i32
    %eq3A_19 = vector.broadcast %eq3A : i32 to vector<4x1xi32>
    %eq3A_20 = arith.cmpi eq, %iota3A_18, %eq3A_19 : vector<4x1xi32>
    %convert_element_type3A_21 = arith.extui %eq3A_20 : vector<4x1xi1> to vector<4x1xi32>
    %convert_element_type3A_22 = arith.sitofp %convert_element_type3A_21 : vector<4x1xi32> to vector<4x1xf32>
    %dot_general3A = arith.constant dense<0.000000e+00> : vector<8x1xf32>
    %dot_general3A_23 = tpu.matmul %scan3A_12#4, %convert_element_type3A_22, %dot_general3A {dimension_numbers = #tpu.dot_dimension_numbers<[1], [0], [0], [1], [0, 0, 1, 1], [], []>, precision = #tpu.contract_precision<fp32>, transpose_lhs_hint = false} : vector<8x4xf32>, vector<4x1xf32>, vector<8x1xf32> -> vector<8x1xf32>
    %max3A = arith.constant 1.000000e+00 : f32
    %max3A_24 = vector.broadcast %max3A : f32 to vector<8x1xf32>
    %max3A_25 = arith.maximumf %dot_general3A_23, %max3A_24 : vector<8x1xf32>
    %div3A = vector.broadcast %max3A_25 : vector<8x1xf32> to vector<8x128xf32>
    %div3A_26 = arith.divf %scan3A_12#0, %div3A : vector<8x128xf32>
    %get3A = arith.constant 0 : index
    %get3A_27 = arith.constant 0 : index
    %get3A_28 = vector.load %arg7[%get3A, %get3A_27] : memref<128x512xf32, #tpu.memory_space<vmem>>, vector<128x512xf32>
    %dot_general3A_29 = arith.constant dense<0.000000e+00> : vector<8x512xf32>
    %dot_general3A_30 = tpu.matmul %div3A_26, %get3A_28, %dot_general3A_29 {dimension_numbers = #tpu.dot_dimension_numbers<[1], [0], [0], [1], [0, 0, 1, 1], [], []>, transpose_lhs_hint = false} : vector<8x128xf32>, vector<128x512xf32>, vector<8x512xf32> -> vector<8x512xf32>
    %get3A_31 = arith.constant 0 : index
    %get3A_32 = arith.constant 0 : index
    %get3A_33 = vector.load %arg8[%get3A_31, %get3A_32] : memref<128x512xf32, #tpu.memory_space<vmem>>, vector<128x512xf32>
    %dot_general3A_34 = arith.constant dense<0.000000e+00> : vector<8x512xf32>
    %dot_general3A_35 = tpu.matmul %broadcast_in_dim3A_15, %get3A_33, %dot_general3A_34 {dimension_numbers = #tpu.dot_dimension_numbers<[1], [0], [0], [1], [0, 0, 1, 1], [], []>, transpose_lhs_hint = false} : vector<8x128xf32>, vector<128x512xf32>, vector<8x512xf32> -> vector<8x512xf32>
    %add3A = arith.addf %dot_general3A_30, %dot_general3A_35 : vector<8x512xf32>
    %get3A_36 = arith.constant 0 : index
    %get3A_37 = arith.constant 0 : index
    %get3A_38 = vector.load %arg9[%get3A_36, %get3A_37] : memref<1x512xf32, #tpu.memory_space<vmem>>, vector<1x512xf32>
    %add3A_39 = vector.broadcast %get3A_38 : vector<1x512xf32> to vector<8x512xf32>
    %add3A_40 = arith.addf %add3A, %add3A_39 : vector<8x512xf32>
    %slice3A = vector.extract_strided_slice %add3A_40 {offsets = [0, 0], sizes = [8, 128], strides = [1, 1]} : vector<8x512xf32> to vector<8x128xf32>
    %logistic3A = arith.negf %slice3A : vector<8x128xf32>
    %logistic3A_41 = math.exp %logistic3A : vector<8x128xf32>
    %logistic3A_42 = arith.constant 1.000000e+00 : f32
    %logistic3A_43 = vector.broadcast %logistic3A_42 : f32 to vector<8x128xf32>
    %logistic3A_44 = arith.addf %logistic3A_43, %logistic3A_41 : vector<8x128xf32>
    %logistic3A_45 = arith.divf %logistic3A_43, %logistic3A_44 : vector<8x128xf32>
    %slice3A_46 = vector.extract_strided_slice %add3A_40 {offsets = [0, 128], sizes = [8, 128], strides = [1, 1]} : vector<8x512xf32> to vector<8x128xf32>
    %logistic3A_47 = arith.negf %slice3A_46 : vector<8x128xf32>
    %logistic3A_48 = math.exp %logistic3A_47 : vector<8x128xf32>
    %logistic3A_49 = arith.constant 1.000000e+00 : f32
    %logistic3A_50 = vector.broadcast %logistic3A_49 : f32 to vector<8x128xf32>
    %logistic3A_51 = arith.addf %logistic3A_50, %logistic3A_48 : vector<8x128xf32>
    %logistic3A_52 = arith.divf %logistic3A_50, %logistic3A_51 : vector<8x128xf32>
    %slice3A_53 = vector.extract_strided_slice %add3A_40 {offsets = [0, 256], sizes = [8, 128], strides = [1, 1]} : vector<8x512xf32> to vector<8x128xf32>
    %tanh3A = math.tanh %slice3A_53 : vector<8x128xf32>
    %slice3A_54 = vector.extract_strided_slice %add3A_40 {offsets = [0, 384], sizes = [8, 128], strides = [1, 1]} : vector<8x512xf32> to vector<8x128xf32>
    %logistic3A_55 = arith.negf %slice3A_54 : vector<8x128xf32>
    %logistic3A_56 = math.exp %logistic3A_55 : vector<8x128xf32>
    %logistic3A_57 = arith.constant 1.000000e+00 : f32
    %logistic3A_58 = vector.broadcast %logistic3A_57 : f32 to vector<8x128xf32>
    %logistic3A_59 = arith.addf %logistic3A_58, %logistic3A_56 : vector<8x128xf32>
    %logistic3A_60 = arith.divf %logistic3A_58, %logistic3A_59 : vector<8x128xf32>
    %mul3A = arith.mulf %logistic3A_52, %broadcast_in_dim3A_17 : vector<8x128xf32>
    %mul3A_61 = arith.mulf %logistic3A_45, %tanh3A : vector<8x128xf32>
    %add3A_62 = arith.addf %mul3A, %mul3A_61 : vector<8x128xf32>
    %tanh3A_63 = math.tanh %add3A_62 : vector<8x128xf32>
    %mul3A_64 = arith.mulf %logistic3A_60, %tanh3A_63 : vector<8x128xf32>
    %iota3A_65 = tpu.iota {dimensions = array<i32: 0>} : vector<4x1xi32>
    %eq3A_66 = arith.constant 1 : i32
    %eq3A_67 = vector.broadcast %eq3A_66 : i32 to vector<4x1xi32>
    %eq3A_68 = arith.cmpi eq, %iota3A_65, %eq3A_67 : vector<4x1xi32>
    %convert_element_type3A_69 = arith.extui %eq3A_68 : vector<4x1xi1> to vector<4x1xi32>
    %convert_element_type3A_70 = arith.sitofp %convert_element_type3A_69 : vector<4x1xi32> to vector<4x1xf32>
    %dot_general3A_71 = arith.constant dense<0.000000e+00> : vector<8x1xf32>
    %dot_general3A_72 = tpu.matmul %scan3A_12#4, %convert_element_type3A_70, %dot_general3A_71 {dimension_numbers = #tpu.dot_dimension_numbers<[1], [0], [0], [1], [0, 0, 1, 1], [], []>, precision = #tpu.contract_precision<fp32>, transpose_lhs_hint = false} : vector<8x4xf32>, vector<4x1xf32>, vector<8x1xf32> -> vector<8x1xf32>
    %max3A_73 = arith.constant 1.000000e+00 : f32
    %max3A_74 = vector.broadcast %max3A_73 : f32 to vector<8x1xf32>
    %max3A_75 = arith.maximumf %dot_general3A_72, %max3A_74 : vector<8x1xf32>
    %div3A_76 = vector.broadcast %max3A_75 : vector<8x1xf32> to vector<8x128xf32>
    %div3A_77 = arith.divf %scan3A_12#1, %div3A_76 : vector<8x128xf32>
    %get3A_78 = arith.constant 0 : index
    %get3A_79 = arith.constant 0 : index
    %get3A_80 = vector.load %arg7[%get3A_78, %get3A_79] : memref<128x512xf32, #tpu.memory_space<vmem>>, vector<128x512xf32>
    %dot_general3A_81 = arith.constant dense<0.000000e+00> : vector<8x512xf32>
    %dot_general3A_82 = tpu.matmul %div3A_77, %get3A_80, %dot_general3A_81 {dimension_numbers = #tpu.dot_dimension_numbers<[1], [0], [0], [1], [0, 0, 1, 1], [], []>, transpose_lhs_hint = false} : vector<8x128xf32>, vector<128x512xf32>, vector<8x512xf32> -> vector<8x512xf32>
    %get3A_83 = arith.constant 0 : index
    %get3A_84 = arith.constant 0 : index
    %get3A_85 = vector.load %arg8[%get3A_83, %get3A_84] : memref<128x512xf32, #tpu.memory_space<vmem>>, vector<128x512xf32>
    %dot_general3A_86 = arith.constant dense<0.000000e+00> : vector<8x512xf32>
    %dot_general3A_87 = tpu.matmul %mul3A_64, %get3A_85, %dot_general3A_86 {dimension_numbers = #tpu.dot_dimension_numbers<[1], [0], [0], [1], [0, 0, 1, 1], [], []>, transpose_lhs_hint = false} : vector<8x128xf32>, vector<128x512xf32>, vector<8x512xf32> -> vector<8x512xf32>
    %add3A_88 = arith.addf %dot_general3A_82, %dot_general3A_87 : vector<8x512xf32>
    %get3A_89 = arith.constant 0 : index
    %get3A_90 = arith.constant 0 : index
    %get3A_91 = vector.load %arg9[%get3A_89, %get3A_90] : memref<1x512xf32, #tpu.memory_space<vmem>>, vector<1x512xf32>
    %add3A_92 = vector.broadcast %get3A_91 : vector<1x512xf32> to vector<8x512xf32>
    %add3A_93 = arith.addf %add3A_88, %add3A_92 : vector<8x512xf32>
    %slice3A_94 = vector.extract_strided_slice %add3A_93 {offsets = [0, 0], sizes = [8, 128], strides = [1, 1]} : vector<8x512xf32> to vector<8x128xf32>
    %logistic3A_95 = arith.negf %slice3A_94 : vector<8x128xf32>
    %logistic3A_96 = math.exp %logistic3A_95 : vector<8x128xf32>
    %logistic3A_97 = arith.constant 1.000000e+00 : f32
    %logistic3A_98 = vector.broadcast %logistic3A_97 : f32 to vector<8x128xf32>
    %logistic3A_99 = arith.addf %logistic3A_98, %logistic3A_96 : vector<8x128xf32>
    %logistic3A_100 = arith.divf %logistic3A_98, %logistic3A_99 : vector<8x128xf32>
    %slice3A_101 = vector.extract_strided_slice %add3A_93 {offsets = [0, 128], sizes = [8, 128], strides = [1, 1]} : vector<8x512xf32> to vector<8x128xf32>
    %logistic3A_102 = arith.negf %slice3A_101 : vector<8x128xf32>
    %logistic3A_103 = math.exp %logistic3A_102 : vector<8x128xf32>
    %logistic3A_104 = arith.constant 1.000000e+00 : f32
    %logistic3A_105 = vector.broadcast %logistic3A_104 : f32 to vector<8x128xf32>
    %logistic3A_106 = arith.addf %logistic3A_105, %logistic3A_103 : vector<8x128xf32>
    %logistic3A_107 = arith.divf %logistic3A_105, %logistic3A_106 : vector<8x128xf32>
    %slice3A_108 = vector.extract_strided_slice %add3A_93 {offsets = [0, 256], sizes = [8, 128], strides = [1, 1]} : vector<8x512xf32> to vector<8x128xf32>
    %tanh3A_109 = math.tanh %slice3A_108 : vector<8x128xf32>
    %slice3A_110 = vector.extract_strided_slice %add3A_93 {offsets = [0, 384], sizes = [8, 128], strides = [1, 1]} : vector<8x512xf32> to vector<8x128xf32>
    %logistic3A_111 = arith.negf %slice3A_110 : vector<8x128xf32>
    %logistic3A_112 = math.exp %logistic3A_111 : vector<8x128xf32>
    %logistic3A_113 = arith.constant 1.000000e+00 : f32
    %logistic3A_114 = vector.broadcast %logistic3A_113 : f32 to vector<8x128xf32>
    %logistic3A_115 = arith.addf %logistic3A_114, %logistic3A_112 : vector<8x128xf32>
    %logistic3A_116 = arith.divf %logistic3A_114, %logistic3A_115 : vector<8x128xf32>
    %mul3A_117 = arith.mulf %logistic3A_107, %add3A_62 : vector<8x128xf32>
    %mul3A_118 = arith.mulf %logistic3A_100, %tanh3A_109 : vector<8x128xf32>
    %add3A_119 = arith.addf %mul3A_117, %mul3A_118 : vector<8x128xf32>
    %tanh3A_120 = math.tanh %add3A_119 : vector<8x128xf32>
    %mul3A_121 = arith.mulf %logistic3A_116, %tanh3A_120 : vector<8x128xf32>
    %iota3A_122 = tpu.iota {dimensions = array<i32: 0>} : vector<4x1xi32>
    %eq3A_123 = arith.constant 2 : i32
    %eq3A_124 = vector.broadcast %eq3A_123 : i32 to vector<4x1xi32>
    %eq3A_125 = arith.cmpi eq, %iota3A_122, %eq3A_124 : vector<4x1xi32>
    %convert_element_type3A_126 = arith.extui %eq3A_125 : vector<4x1xi1> to vector<4x1xi32>
    %convert_element_type3A_127 = arith.sitofp %convert_element_type3A_126 : vector<4x1xi32> to vector<4x1xf32>
    %dot_general3A_128 = arith.constant dense<0.000000e+00> : vector<8x1xf32>
    %dot_general3A_129 = tpu.matmul %scan3A_12#4, %convert_element_type3A_127, %dot_general3A_128 {dimension_numbers = #tpu.dot_dimension_numbers<[1], [0], [0], [1], [0, 0, 1, 1], [], []>, precision = #tpu.contract_precision<fp32>, transpose_lhs_hint = false} : vector<8x4xf32>, vector<4x1xf32>, vector<8x1xf32> -> vector<8x1xf32>
    %max3A_130 = arith.constant 1.000000e+00 : f32
    %max3A_131 = vector.broadcast %max3A_130 : f32 to vector<8x1xf32>
    %max3A_132 = arith.maximumf %dot_general3A_129, %max3A_131 : vector<8x1xf32>
    %div3A_133 = vector.broadcast %max3A_132 : vector<8x1xf32> to vector<8x128xf32>
    %div3A_134 = arith.divf %scan3A_12#2, %div3A_133 : vector<8x128xf32>
    %get3A_135 = arith.constant 0 : index
    %get3A_136 = arith.constant 0 : index
    %get3A_137 = vector.load %arg7[%get3A_135, %get3A_136] : memref<128x512xf32, #tpu.memory_space<vmem>>, vector<128x512xf32>
    %dot_general3A_138 = arith.constant dense<0.000000e+00> : vector<8x512xf32>
    %dot_general3A_139 = tpu.matmul %div3A_134, %get3A_137, %dot_general3A_138 {dimension_numbers = #tpu.dot_dimension_numbers<[1], [0], [0], [1], [0, 0, 1, 1], [], []>, transpose_lhs_hint = false} : vector<8x128xf32>, vector<128x512xf32>, vector<8x512xf32> -> vector<8x512xf32>
    %get3A_140 = arith.constant 0 : index
    %get3A_141 = arith.constant 0 : index
    %get3A_142 = vector.load %arg8[%get3A_140, %get3A_141] : memref<128x512xf32, #tpu.memory_space<vmem>>, vector<128x512xf32>
    %dot_general3A_143 = arith.constant dense<0.000000e+00> : vector<8x512xf32>
    %dot_general3A_144 = tpu.matmul %mul3A_121, %get3A_142, %dot_general3A_143 {dimension_numbers = #tpu.dot_dimension_numbers<[1], [0], [0], [1], [0, 0, 1, 1], [], []>, transpose_lhs_hint = false} : vector<8x128xf32>, vector<128x512xf32>, vector<8x512xf32> -> vector<8x512xf32>
    %add3A_145 = arith.addf %dot_general3A_139, %dot_general3A_144 : vector<8x512xf32>
    %get3A_146 = arith.constant 0 : index
    %get3A_147 = arith.constant 0 : index
    %get3A_148 = vector.load %arg9[%get3A_146, %get3A_147] : memref<1x512xf32, #tpu.memory_space<vmem>>, vector<1x512xf32>
    %add3A_149 = vector.broadcast %get3A_148 : vector<1x512xf32> to vector<8x512xf32>
    %add3A_150 = arith.addf %add3A_145, %add3A_149 : vector<8x512xf32>
    %slice3A_151 = vector.extract_strided_slice %add3A_150 {offsets = [0, 0], sizes = [8, 128], strides = [1, 1]} : vector<8x512xf32> to vector<8x128xf32>
    %logistic3A_152 = arith.negf %slice3A_151 : vector<8x128xf32>
    %logistic3A_153 = math.exp %logistic3A_152 : vector<8x128xf32>
    %logistic3A_154 = arith.constant 1.000000e+00 : f32
    %logistic3A_155 = vector.broadcast %logistic3A_154 : f32 to vector<8x128xf32>
    %logistic3A_156 = arith.addf %logistic3A_155, %logistic3A_153 : vector<8x128xf32>
    %logistic3A_157 = arith.divf %logistic3A_155, %logistic3A_156 : vector<8x128xf32>
    %slice3A_158 = vector.extract_strided_slice %add3A_150 {offsets = [0, 128], sizes = [8, 128], strides = [1, 1]} : vector<8x512xf32> to vector<8x128xf32>
    %logistic3A_159 = arith.negf %slice3A_158 : vector<8x128xf32>
    %logistic3A_160 = math.exp %logistic3A_159 : vector<8x128xf32>
    %logistic3A_161 = arith.constant 1.000000e+00 : f32
    %logistic3A_162 = vector.broadcast %logistic3A_161 : f32 to vector<8x128xf32>
    %logistic3A_163 = arith.addf %logistic3A_162, %logistic3A_160 : vector<8x128xf32>
    %logistic3A_164 = arith.divf %logistic3A_162, %logistic3A_163 : vector<8x128xf32>
    %slice3A_165 = vector.extract_strided_slice %add3A_150 {offsets = [0, 256], sizes = [8, 128], strides = [1, 1]} : vector<8x512xf32> to vector<8x128xf32>
    %tanh3A_166 = math.tanh %slice3A_165 : vector<8x128xf32>
    %slice3A_167 = vector.extract_strided_slice %add3A_150 {offsets = [0, 384], sizes = [8, 128], strides = [1, 1]} : vector<8x512xf32> to vector<8x128xf32>
    %logistic3A_168 = arith.negf %slice3A_167 : vector<8x128xf32>
    %logistic3A_169 = math.exp %logistic3A_168 : vector<8x128xf32>
    %logistic3A_170 = arith.constant 1.000000e+00 : f32
    %logistic3A_171 = vector.broadcast %logistic3A_170 : f32 to vector<8x128xf32>
    %logistic3A_172 = arith.addf %logistic3A_171, %logistic3A_169 : vector<8x128xf32>
    %logistic3A_173 = arith.divf %logistic3A_171, %logistic3A_172 : vector<8x128xf32>
    %mul3A_174 = arith.mulf %logistic3A_164, %add3A_119 : vector<8x128xf32>
    %mul3A_175 = arith.mulf %logistic3A_157, %tanh3A_166 : vector<8x128xf32>
    %add3A_176 = arith.addf %mul3A_174, %mul3A_175 : vector<8x128xf32>
    %tanh3A_177 = math.tanh %add3A_176 : vector<8x128xf32>
    %mul3A_178 = arith.mulf %logistic3A_173, %tanh3A_177 : vector<8x128xf32>
    %iota3A_179 = tpu.iota {dimensions = array<i32: 0>} : vector<4x1xi32>
    %eq3A_180 = arith.constant 3 : i32
    %eq3A_181 = vector.broadcast %eq3A_180 : i32 to vector<4x1xi32>
    %eq3A_182 = arith.cmpi eq, %iota3A_179, %eq3A_181 : vector<4x1xi32>
    %convert_element_type3A_183 = arith.extui %eq3A_182 : vector<4x1xi1> to vector<4x1xi32>
    %convert_element_type3A_184 = arith.sitofp %convert_element_type3A_183 : vector<4x1xi32> to vector<4x1xf32>
    %dot_general3A_185 = arith.constant dense<0.000000e+00> : vector<8x1xf32>
    %dot_general3A_186 = tpu.matmul %scan3A_12#4, %convert_element_type3A_184, %dot_general3A_185 {dimension_numbers = #tpu.dot_dimension_numbers<[1], [0], [0], [1], [0, 0, 1, 1], [], []>, precision = #tpu.contract_precision<fp32>, transpose_lhs_hint = false} : vector<8x4xf32>, vector<4x1xf32>, vector<8x1xf32> -> vector<8x1xf32>
    %max3A_187 = arith.constant 1.000000e+00 : f32
    %max3A_188 = vector.broadcast %max3A_187 : f32 to vector<8x1xf32>
    %max3A_189 = arith.maximumf %dot_general3A_186, %max3A_188 : vector<8x1xf32>
    %div3A_190 = vector.broadcast %max3A_189 : vector<8x1xf32> to vector<8x128xf32>
    %div3A_191 = arith.divf %scan3A_12#3, %div3A_190 : vector<8x128xf32>
    %get3A_192 = arith.constant 0 : index
    %get3A_193 = arith.constant 0 : index
    %get3A_194 = vector.load %arg7[%get3A_192, %get3A_193] : memref<128x512xf32, #tpu.memory_space<vmem>>, vector<128x512xf32>
    %dot_general3A_195 = arith.constant dense<0.000000e+00> : vector<8x512xf32>
    %dot_general3A_196 = tpu.matmul %div3A_191, %get3A_194, %dot_general3A_195 {dimension_numbers = #tpu.dot_dimension_numbers<[1], [0], [0], [1], [0, 0, 1, 1], [], []>, transpose_lhs_hint = false} : vector<8x128xf32>, vector<128x512xf32>, vector<8x512xf32> -> vector<8x512xf32>
    %get3A_197 = arith.constant 0 : index
    %get3A_198 = arith.constant 0 : index
    %get3A_199 = vector.load %arg8[%get3A_197, %get3A_198] : memref<128x512xf32, #tpu.memory_space<vmem>>, vector<128x512xf32>
    %dot_general3A_200 = arith.constant dense<0.000000e+00> : vector<8x512xf32>
    %dot_general3A_201 = tpu.matmul %mul3A_178, %get3A_199, %dot_general3A_200 {dimension_numbers = #tpu.dot_dimension_numbers<[1], [0], [0], [1], [0, 0, 1, 1], [], []>, transpose_lhs_hint = false} : vector<8x128xf32>, vector<128x512xf32>, vector<8x512xf32> -> vector<8x512xf32>
    %add3A_202 = arith.addf %dot_general3A_196, %dot_general3A_201 : vector<8x512xf32>
    %get3A_203 = arith.constant 0 : index
    %get3A_204 = arith.constant 0 : index
    %get3A_205 = vector.load %arg9[%get3A_203, %get3A_204] : memref<1x512xf32, #tpu.memory_space<vmem>>, vector<1x512xf32>
    %add3A_206 = vector.broadcast %get3A_205 : vector<1x512xf32> to vector<8x512xf32>
    %add3A_207 = arith.addf %add3A_202, %add3A_206 : vector<8x512xf32>
    %slice3A_208 = vector.extract_strided_slice %add3A_207 {offsets = [0, 0], sizes = [8, 128], strides = [1, 1]} : vector<8x512xf32> to vector<8x128xf32>
    %logistic3A_209 = arith.negf %slice3A_208 : vector<8x128xf32>
    %logistic3A_210 = math.exp %logistic3A_209 : vector<8x128xf32>
    %logistic3A_211 = arith.constant 1.000000e+00 : f32
    %logistic3A_212 = vector.broadcast %logistic3A_211 : f32 to vector<8x128xf32>
    %logistic3A_213 = arith.addf %logistic3A_212, %logistic3A_210 : vector<8x128xf32>
    %logistic3A_214 = arith.divf %logistic3A_212, %logistic3A_213 : vector<8x128xf32>
    %slice3A_215 = vector.extract_strided_slice %add3A_207 {offsets = [0, 128], sizes = [8, 128], strides = [1, 1]} : vector<8x512xf32> to vector<8x128xf32>
    %logistic3A_216 = arith.negf %slice3A_215 : vector<8x128xf32>
    %logistic3A_217 = math.exp %logistic3A_216 : vector<8x128xf32>
    %logistic3A_218 = arith.constant 1.000000e+00 : f32
    %logistic3A_219 = vector.broadcast %logistic3A_218 : f32 to vector<8x128xf32>
    %logistic3A_220 = arith.addf %logistic3A_219, %logistic3A_217 : vector<8x128xf32>
    %logistic3A_221 = arith.divf %logistic3A_219, %logistic3A_220 : vector<8x128xf32>
    %slice3A_222 = vector.extract_strided_slice %add3A_207 {offsets = [0, 256], sizes = [8, 128], strides = [1, 1]} : vector<8x512xf32> to vector<8x128xf32>
    %tanh3A_223 = math.tanh %slice3A_222 : vector<8x128xf32>
    %slice3A_224 = vector.extract_strided_slice %add3A_207 {offsets = [0, 384], sizes = [8, 128], strides = [1, 1]} : vector<8x512xf32> to vector<8x128xf32>
    %logistic3A_225 = arith.negf %slice3A_224 : vector<8x128xf32>
    %logistic3A_226 = math.exp %logistic3A_225 : vector<8x128xf32>
    %logistic3A_227 = arith.constant 1.000000e+00 : f32
    %logistic3A_228 = vector.broadcast %logistic3A_227 : f32 to vector<8x128xf32>
    %logistic3A_229 = arith.addf %logistic3A_228, %logistic3A_226 : vector<8x128xf32>
    %logistic3A_230 = arith.divf %logistic3A_228, %logistic3A_229 : vector<8x128xf32>
    %mul3A_231 = arith.mulf %logistic3A_221, %add3A_176 : vector<8x128xf32>
    %mul3A_232 = arith.mulf %logistic3A_214, %tanh3A_223 : vector<8x128xf32>
    %add3A_233 = arith.addf %mul3A_231, %mul3A_232 : vector<8x128xf32>
    %tanh3A_234 = math.tanh %add3A_233 : vector<8x128xf32>
    %mul3A_235 = arith.mulf %logistic3A_230, %tanh3A_234 : vector<8x128xf32>
    %get3A_236 = arith.constant 0 : index
    %get3A_237 = arith.constant 0 : index
    %get3A_238 = vector.load %arg10[%get3A_236, %get3A_237] : memref<128x1xf32, #tpu.memory_space<vmem>>, vector<128x1xf32>
    %dot_general3A_239 = arith.constant dense<0.000000e+00> : vector<8x1xf32>
    %dot_general3A_240 = tpu.matmul %mul3A_235, %get3A_238, %dot_general3A_239 {dimension_numbers = #tpu.dot_dimension_numbers<[1], [0], [0], [1], [0, 0, 1, 1], [], []>, transpose_lhs_hint = false} : vector<8x128xf32>, vector<128x1xf32>, vector<8x1xf32> -> vector<8x1xf32>
    %get3A_241 = arith.constant 0 : index
    %get3A_242 = arith.constant 0 : index
    %get3A_243 = vector.load %arg11[%get3A_241, %get3A_242] : memref<1x1xf32, #tpu.memory_space<vmem>>, vector<1x1xf32>
    %add3A_244 = vector.broadcast %get3A_243 : vector<1x1xf32> to vector<8x1xf32>
    %add3A_245 = arith.addf %dot_general3A_240, %add3A_244 : vector<8x1xf32>
    %swap3A = arith.constant 0 : index
    %swap3A_246 = arith.constant 0 : index
    %swap3A_247 = vector.load %arg12[%swap3A, %swap3A_246] : memref<8x1xf32, #tpu.memory_space<vmem>>, vector<8x1xf32>
    tpu.vector_store %arg12[%swap3A, %swap3A_246], %add3A_245 {strides = array<i32>} : memref<8x1xf32, #tpu.memory_space<vmem>>, vector<8x1xf32>,
    return
  }
}

</mosaic_0001>

<sc_bundles>
// kernel: kernel.13.cloned.1.call-start
scs
__scs_entry_jumppad:
0x0: {  	(pc) =	sbr.rel $0x88, $3  }
0x1: {  	(tag) =	ssettag $0x0;
	lr =	simm.s32 $0x1  }
0x2: {  	[smem:$0x3F92] =	sst lr;
	_ =	strace $0xD0000000  }
0x3: {  	_ = 	snop  }
0x4: {  	_ = 	snop  }
0x5: {  	_ = 	snop  }
0x6: {  	_ = 	snop  }
0x7: {  	_ = 	snop  }
__scs_overlays_trampoline_lowered:
0x8: {  	[smem:$0x3FA1] =	sst s0  }
0x9: {  	[smem:$0x3FA2] =	sst s1  }
0xa: {  	[smem:$0x3FA3] =	sst s2  }
0xb: {  	[smem:$0x3FA4] =	sst s3  }
0xc: {  	[smem:$0x3FA5] =	sst s4  }
0xd: {  	[smem:$0x3FA6] =	sst s5  }
0xe: {  	[smem:$0x3FA7] =	sst s6  }
0xf: {  	[smem:$0x3FA8] =	sst s7  }
0x10: {  	[smem:$0x3FA9] =	sst s8  }
0x11: {  	[smem:$0x3FAA] =	sst s9;
	s0 =	simm.s32 @!p0 $0x0  }
0x12: {  	s1 =	sld [smem:$0x3F90];
	s0 =	simm.s32 @p0 $0x1  }
0x13: {  	[smem:$0x3FAB] =	sst s0;
	s0 =	simm.s32 @!p1 $0x0  }
0x14: {  	s2 =	sld [smem:$0x3F8F];
	s0 =	simm.s32 @p1 $0x1  }
0x15: {  	[smem:$0x3FAC] =	sst s0;
	s0 =	simm.s32 @!p2 $0x0  }
0x16: {  	s3 =	sld [smem:$0x3FDB];
	s0 =	simm.s32 @p2 $0x1  }
0x17: {  	s4 =	simm.s32 $0x1BF5;
	[smem:$0x3FAE] =	sst s0  }
0x18: {  	s0 =	sld [smem:$0x3F91];
	_ =	swait.ge [sflag:s4], $0x0  }
0x19: {  	s7 =	sld [smem:$0x3F92]  }
0x1a: {  	s8 =	sadd.s32 $0xFFFFE003, lr  }
0x1b: {  	s9 =	sadd.s32 $0xFFFFFEF7, lr;
	s5 =	simm.s32 $0xFFFFFFFF;
	p2 =	slt.u32 s8, $0xFFFFF086  }
0x1c: {  	p1 =	slt.u32 s9, $0xF7A;
	s5 =	simm.s32 @!p2 $0x0  }
0x1d: {  	s5 =	simm.s32 @p1 $0x1;
	p0 =	seq.s32 s7, s2  }
0x1e: {  	s7 =	smul.u32 @!p0 $0xF7A, s2;
	p2 =	seq.s32 @!p0 s5, $0x0  }
0x1f: {  	s9 =	smul.u32 $0xF7A, s1;
	s8 =	simm.s32 @!p0 $0x1BF5;
	p2 =	por !p2, p0  }
0x20: {  	[sflag:s8] =	ssyncset.s32 @!p0 $0xFFFFF086;
	s6 =	sadd.s32 @!p0 s3, s7;
	s7 =	simm.s32 @!p0 $0x108  }
0x21: {  	s3 =	sadd.s32 s3, s9;
	s6 =	sadd.s32 @!p0 $0x88, s6;
	s7 =	simm.s32 @p2 $0x1082  }
0x22: {  	[simem:s7], [sflag:s8] =	dma.local @!p0 [hbm:s6], $0xF7A  }
0x23: {  	s9 =	sor.u32 $0xD0000000, s2;
	s6 =	simm.s32 $0x108;
	_ =	swait.ge @!p0 [sflag:s8], $0x0  }
0x24: {  	s3 =	sadd.s32 $0x88, s3;
	s6 =	simm.s32 @!p1 $0x1082;
	[sflag:s4] =	ssyncset.s32 $0xFFFFF086  }
0x25: {  	[simem:s6], [sflag:s4] =	dma.local [hbm:s3], $0xF7A  }
0x26: {  	[smem:$0x3F92] =	sst s1;
	(tag) =	ssettag s2;
	_ =	strace s9  }
0x27: {  	s1 =	sld [smem:$0x3FA2]  }
0x28: {  	s2 =	sld [smem:$0x3FA3]  }
0x29: {  	s4 =	sld [smem:$0x3FA5]  }
0x2a: {  	p0 =	seq.s32 s5, $0x0;
	s5 =	sld [smem:$0x3FA6]  }
0x2b: {  	s6 =	sld [smem:$0x3FA7]  }
0x2c: {  	s7 =	sld [smem:$0x3FA8]  }
0x2d: {  	s3 =	simm.s32 $0x108;
	s8 =	sld [smem:$0x3FA9]  }
0x2e: {  	s3 =	simm.s32 @!p0 $0x1082;
	s9 =	sld [smem:$0x3FAA]  }
0x2f: {  	lr =	sadd.s32 s0, s3;
	s0 =	sld [smem:$0x3FA1]  }
0x30: {  	s3 =	sld [smem:$0x3FA4]  }
0x31: {  	[smem:$0x3FAD] =	sst s10  }
0x32: {  	s10 =	sld [smem:$0x3FAB];
	_ =	sdelay $0x3  }
0x33: {  	p0 =	seq.s32 s10, $0x1;
	s10 =	sld [smem:$0x3FAD];
	_ =	sdelay $0x3  }
0x34: {  	[smem:$0x3FAD] =	sst s10  }
0x35: {  	s10 =	sld [smem:$0x3FAC];
	_ =	sdelay $0x3  }
0x36: {  	p1 =	seq.s32 s10, $0x1;
	s10 =	sld [smem:$0x3FAD];
	_ =	sdelay $0x3  }
0x37: {  	[smem:$0x3FAD] =	sst s10  }
0x38: {  	s10 =	sld [smem:$0x3FAE]  }
0x39: {  	_ = 	snop;
	(pc) =	sbr.ind lr, $3  }
0x3a: {  	_ = 	snop  }
0x3b: {  	_ = 	snop  }
0x3c: {  	p2 =	seq.s32 s10, $0x1;
	s10 =	sld [smem:$0x3FAD]  }
0x3d: {  	_ =	shalt  }
0x3e: {  	_ =	shalt  }
0x3f: {  	_ =	shalt  }
0x40: {  	_ =	shalt  }
0x41: {  	_ =	shalt  }
0x42: {  	_ =	shalt  }
0x43: {  	_ =	shalt  }
0x44: {  	_ =	shalt  }
0x45: {  	_ =	shalt  }
0x46: {  	_ =	shalt  }
0x47: {  	_ =	shalt  }
0x48: {  	_ =	shalt  }
0x49: {  	_ =	shalt  }
0x4a: {  	_ =	shalt  }
0x4b: {  	_ =	shalt  }
0x4c: {  	_ =	shalt  }
0x4d: {  	_ =	shalt  }
0x4e: {  	_ =	shalt  }
0x4f: {  	_ =	shalt  }
0x50: {  	_ =	shalt  }
0x51: {  	_ =	shalt  }
0x52: {  	_ =	shalt  }
0x53: {  	_ =	shalt  }
0x54: {  	_ =	shalt  }
0x55: {  	_ =	shalt  }
0x56: {  	_ =	shalt  }
0x57: {  	_ =	shalt  }
0x58: {  	_ =	shalt  }
0x59: {  	_ =	shalt  }
0x5a: {  	_ =	shalt  }
0x5b: {  	_ =	shalt  }
0x5c: {  	_ =	shalt  }
0x5d: {  	_ =	shalt  }
0x5e: {  	_ =	shalt  }
0x5f: {  	_ =	shalt  }
0x60: {  	_ =	shalt  }
0x61: {  	_ =	shalt  }
0x62: {  	_ =	shalt  }
0x63: {  	_ =	shalt  }
0x64: {  	_ =	shalt  }
0x65: {  	_ =	shalt  }
0x66: {  	_ =	shalt  }
0x67: {  	_ =	shalt  }
0x68: {  	_ =	shalt  }
0x69: {  	_ =	shalt  }
0x6a: {  	_ =	shalt  }
0x6b: {  	_ =	shalt  }
0x6c: {  	_ =	shalt  }
0x6d: {  	_ =	shalt  }
0x6e: {  	_ =	shalt  }
0x6f: {  	_ =	shalt  }
0x70: {  	_ =	shalt  }
0x71: {  	_ =	shalt  }
0x72: {  	_ =	shalt  }
0x73: {  	_ =	shalt  }
0x74: {  	_ =	shalt  }
0x75: {  	_ =	shalt  }
0x76: {  	_ =	shalt  }
0x77: {  	_ =	shalt  }
0x78: {  	_ =	shalt  }
0x79: {  	_ =	shalt  }
0x7a: {  	_ =	shalt  }
0x7b: {  	_ =	shalt  }
0x7c: {  	_ =	shalt  }
0x7d: {  	_ =	shalt  }
0x7e: {  	_ =	shalt  }
0x7f: {  	_ =	shalt  }
0x80: {  	_ =	shalt  }
0x81: {  	_ =	shalt  }
0x82: {  	_ =	shalt  }
0x83: {  	_ =	shalt  }
0x84: {  	_ =	shalt  }
0x85: {  	_ =	shalt  }
0x86: {  	_ =	shalt  }
0x87: {  	_ =	shalt  }
.Lfunc_end0:
.L_simem_size_0:
called_computation_lowered:
.L_overlay_start_0:
0x88: {  	s2 =	sld [smem:$0x3FD9]  }
0x89: {  	s3 =	sld [smem:$0x3FFE];
	_ =	sdelay $0x1  }
0x8a: {  	s1 =	srdreg.scid  }
0x8b: {  	s0 =	sand.u32 $0x1, s1  }
0x8c: {  	s16 =	sshll.u32 s0, $0xA;
	s2 =	sadd.s32 s3, s2  }
0x8d: {  	s2 =	sadd.s32 s2, s16  }
0x8e: {  	[smem:$0x3FB9] =	sst s2  }
0x8f: {  	_ = 	snop  }
0x90: {  	(tm) =	ssettm $0x1  }
0x91: {  	s17 =	sld [smem:$0x3FFB];
	_ =	sdelay $0x3  }
0x92: {  	_ =	strace s17  }
0x93: {  	s2 =	sld [smem:$0x3FFC];
	_ =	sdelay $0x3  }
0x94: {  	_ =	strace s2  }
0x95: {  	s2 =	sld [smem:$0x3FFD];
	_ =	sdelay $0x3  }
0x96: {  	_ =	strace s2  }
0x97: {  	_ =	strace $0x8FFFFFFF  }
0x98: {  	s18 =	sld [smem:$0x3FDB];
	_ =	sdelay $0x1  }
0x99: {  	s19 =	simm.s32 $_scs_section_size  }
0x9a: {  	s4 =	simm.s32 $_size__tile_overlayer_lowered;
	s5 =	simm.s32 $_tile_overlayer_lowered  }
0x9b: {  	s22 =	simm.s32 $0x1BFF;
	s21 =	sshll.u32 s5, $0x1;
	s2 =	sadd.s32 s19, s18  }
0x9c: {  	s6 =	simm.s32 $0x0;
	s20 =	sshll.u32 s4, $0x1;
	s4 =	sadd.s32 s21, s2  }
0x9d: {  	[timem:s6], [sflag:s22] =	dma.local [hbm:s4], s20  }
0x9e: {  	_ =	swait.ge [sflag:s22], s20  }
0x9f: {  	s3 =	ssub.s32 $0x0, s20;
	[sflag:s22] =	ssyncset.done $0x0  }
0xa0: {  	[sflag:s22] =	ssyncadd.s32 s3;
	_ =	sdelay $0x1  }
0xa1: {  	s23 =	simm.s32 $0x1B8B  }
0xa2: {  	_ =	swait.ge [sflag:s23], $0x1  }
0xa3: {  	[sflag:s23] =	ssyncset.done $0x0  }
0xa4: {  	s25 =	simm.s32 $0x1B8E;
	s24 =	sld [smem:$0x3FFE];
	[sflag:s23] =	ssyncadd.s32 $0xFFFFFFFF  }
0xa5: {  	s26 =	simm.s32 $execute0_lowered;
	[smem:$0x3FD2] =	sst s25  }
0xa6: {  	s4 =	sshll.u32 s26, $0x1;
	_ =	strace $0x80000046;
	[dreg:$0x1] =	wrdreg $0xFFFFFFFF  }
0xa7: {  	s28 =	simm.s32 $_size_execute0_lowered;
	s2 =	sadd.s32 s2, s4;
	[dreg:$0x0] =	wrdreg $0x0  }
0xa8: {  	s4 =	sshll.u32 s28, $0x1;
	[dreg:$0x2] =	wrdreg s2  }
0xa9: {  	[dreg:$0x3] =	wrdreg s4  }
0xaa: {  	[dreg:$0x4] =	wrdreg $0xC0  }
0xab: {  	_ =	task [dreg:s6], $0x5FFFF  }
0xac: {  	[dreg:$0x1] =	wrdreg $0xFFFFFFFF  }
0xad: {  	[dreg:$0x0] =	wrdreg $0x60  }
0xae: {  	[dreg:$0x2] =	wrdreg s24  }
0xaf: {  	[dreg:$0x3] =	wrdreg $0x9  }
0xb0: {  	_ =	task.clear_ibuf [dreg:s6], $0x4FFFF;
	_ =	strace $0x90000046  }
0xb1: {  	s29 =	simm.s32 $0x9;
	_ =	strace $0x80000048  }
0xb2: {  	_ =	swait.ge [sflag:s29], $0x1  }
0xb3: {  	[sflag:s29] =	ssyncadd.s32 $0xFFFFFFFF  }
0xb4: {  	_ =	strace $0x90000048  }
0xb5: {  	_ =	sfence  }
0xb6: {  	s30 =	sld [smem:$0x0];
	_ =	sdelay $0x2  }
0xb7: {  	s31 =	sshll.u32 s1, $0xD;
	s1 =	sshrl.u32 s1, $0x2  }
0xb8: {  	s3 =	sand.u32 $0x4000, s31;
	s1 =	sadd.s32 s1, s30  }
0xb9: {  	s0 =	sor.u32 s3, s0;
	s1 =	sshll.u32 s1, $0x11  }
0xba: {  	s0 =	sor.u32 s1, s0  }
0xbb: {  	s0 =	sadd.s32 $0x8F2B, s0  }
0xbc: {  	[sflag:s0] =	ssyncadd.remote.s32 $0x1  }
0xbd: {  	_ =	sfence.sel $0xFFFF  }
0xbe: {  	[dreg:$0x0] =	wrdreg $0xFFFFFFFF;
	(pc) =	sbr.abs _section_cstart, $3  }
0xbf: {  	[dreg:$0x1] =	wrdreg $0xFFFFFFFF  }
0xc0: {  	_ =	task.clear_ibuf [dreg:s6], $0x2FFFF;
	_ =	strace $0x9FFFFFFF  }
0xc1: {  	(tm) =	ssettm $0x7FFFFFFF  }
tec
execute0_lowered:
.L_overlay_start_1:
0x0: {  	(tag) =	ssettag $0x1  }
0x1: {  	s1 =	srdreg.scid  }
0x2: {  	s0 =	stileid.u32;
	s4 =	rddreg [dreg:$0x0];
	s2 =	simm.s32 $0x0  }
0x3: {  	s8 =	simm.s32 $0x2800;
	s3 =	sand.u32 $0x1, s1;
	s5 =	sshll.u32 s0, $0x1  }
0x4: {  	s9 =	simm.s32 $0x0;
	s1 =	rddreg [dreg:$0x1];
	s5 =	sor.u32 s3, s5  }
0x5: {  	[smem:$0x7FF] =	sst s2;
	s6 =	ssub.s32 $0x2, s3;
	s5 =	smul.u32 $0x500, s5  }
0x6: {  	_ =	strace $0x80000047;
	s3 =	sadd.s32 $0xD400, s4;
	s7 =	sshrl.u32 s6, $0x1  }
0x7: {  	s6 =	ssub.s32 s6, s7;
	s7 =	simm.s32 $0x1;
	s5 =	sadd.s32 s5, s4  }
0x8: {  	v0 =	vimm.f32 $1.000000000e+00;
	s6 =	smax.u32 s6, $0x1;
	s4 =	sadd.s32 $0x3400, s5;
	s5 =	sadd.s32 $0xDA00, s5  }
.LBB2_1:
0x9: {  	[tilespmem:s2], [sflag:$0x1] =	stream.linear.gather [hbm4b:s3+s2], $0x2800, $0x38;
	[tilespmem:$0x5000] =	vst v63  }
0xa: {  	_ =	swait.ge [sflag:s7], $0x2800  }
0xb: {  	[sflag:s7] =	ssyncset.done $0x0  }
0xc: {  	[sflag:s7] =	ssyncadd.s32 $0xFFFFD800  }
0xd: {  	[tilespmem:s8], [sflag:$0x1] =	stream.linear.gather [hbm4b:s4+s2], $0x2800, $0x38;
	[tilespmem:$0x5000] =	vst v63  }
0xe: {  	_ =	swait.ge [sflag:s7], $0x2800  }
0xf: {  	[sflag:s7] =	ssyncset.done $0x0  }
0x10: {  	s11 =	simm.s32 $0x0;
	s10 =	simm.s32 $0x40;
	[sflag:s7] =	ssyncadd.s32 $0xFFFFD800  }
.LBB2_2:
0x11: {  	p0 =	sne.s32 s10, $0x9FC0;
	v1 =	vld [tilespmem:s11+$0x2800];
	_ =	sdelay $0x3  }
.Ltmp0:
0x12: {  	(pc) =	sbr.rel @p0 .LBB2_2-.Ltmp0, $2  }
0x13: {  	_ =	sdelay $0x2  }
0x14: {  	s11 =	sshra.s32 s10, $0x2;
	s10 =	sadd.s32 $0x40, s10;
	[tilespmem:v1+s2+$0x0] =	vst.idx.add.f32.msk $0xffff, v0  }
0x15: {  	v1 =	vld [tilespmem:s11+$0x2800];
	_ =	sdelay $0x5  }
0x16: {  	s9 =	sadd.s32 $0x1, s9  }
0x17: {  	p0 =	sne.s32 s9, s6  }
.Ltmp1:
0x18: {  	[tilespmem:v1+s2+$0x0] =	vst.idx.add.f32.msk $0xffff, v0;
	(pc) =	sbr.rel @p0 .LBB2_1-.Ltmp1, $4  }
0x19: {  	[hbm4b:s5+s2] =	stream.linear.scatter [tilespmem:s2], [sflag:$0x1], $0x2800, $0x38;
	[tilespmem:$0x5000] =	vst v63  }
0x1a: {  	_ =	swait.ge [sflag:s7], $0x2800  }
0x1b: {  	[sflag:s7] =	ssyncset.done $0x0  }
0x1c: {  	[sflag:s7] =	ssyncadd.s32 $0xFFFFD800  }
0x1d: {  	_ =	sfence.sel $0x180000  }
0x1e: {  	[bflag:$0x0] =	sbarrier.arrive $0xFFFF  }
0x1f: {  	p0 =	sne.s32 s0, $0x0;
	_ =	strace $0x90000047  }
0x20: {  	s0 =	sadd.s32 @!p0 $0x100000, s1;
	[bflag:$0x2] =	sbarrier.arrive $0xFFFF  }
0x21: {  	[sflag:s0] =	ssyncadd.tile.s32 @!p0 $0x1;
	_ =	shalt  }
.Lfunc_end2:
_tile_overlayer_lowered:
.L_overlay_start_2:
0x22: {  	(tag) =	ssettag $0x2  }
0x23: {  	s0 =	rddreg [dreg:$0x0];
	s2 =	stileid.u32  }
0x24: {  	s1 =	rddreg [dreg:$0x1];
	p0 =	sne.s32 s2, $0x0  }
0x25: {  	s3 =	rddreg [dreg:$0x2];
	[bflag:$0x3] =	sbarrier.arrive $0xFFFF;
	s2 =	simm.s32 @!p0 $0x1C01  }
0x26: {  	[timem:s3], [sflag:s2] =	dma.local @!p0 [hbm:s0], s1  }
0x27: {  	s0 =	simm.s32 @!p0 $0x1  }
0x28: {  	_ =	swait.ge @!p0 [sflag:s0], s1  }
0x29: {  	s1 =	ssub.s32 @!p0 $0x0, s1;
	[sflag:s0] =	ssyncset.done @!p0 $0x0  }
0x2a: {  	[sflag:s0] =	ssyncadd.s32 @!p0 s1  }
0x2b: {  	[bflag:$0x3] =	sbarrier.arrive $0xFFFF  }
0x2c: {  	_ =	shalt  }

// kernel: kernel.16.cloned.1.call-start
scs
__scs_entry_jumppad:
0x0: {  	(pc) =	sbr.rel $0x88, $3  }
0x1: {  	(tag) =	ssettag $0x0;
	lr =	simm.s32 $0x1  }
0x2: {  	[smem:$0x3F92] =	sst lr;
	_ =	strace $0xD0000000  }
0x3: {  	_ = 	snop  }
0x4: {  	_ = 	snop  }
0x5: {  	_ = 	snop  }
0x6: {  	_ = 	snop  }
0x7: {  	_ = 	snop  }
__scs_overlays_trampoline_lowered:
0x8: {  	[smem:$0x3FA1] =	sst s0  }
0x9: {  	[smem:$0x3FA2] =	sst s1  }
0xa: {  	[smem:$0x3FA3] =	sst s2  }
0xb: {  	[smem:$0x3FA4] =	sst s3  }
0xc: {  	[smem:$0x3FA5] =	sst s4  }
0xd: {  	[smem:$0x3FA6] =	sst s5  }
0xe: {  	[smem:$0x3FA7] =	sst s6  }
0xf: {  	[smem:$0x3FA8] =	sst s7  }
0x10: {  	[smem:$0x3FA9] =	sst s8  }
0x11: {  	[smem:$0x3FAA] =	sst s9;
	s0 =	simm.s32 @!p0 $0x0  }
0x12: {  	s1 =	sld [smem:$0x3F90];
	s0 =	simm.s32 @p0 $0x1  }
0x13: {  	[smem:$0x3FAB] =	sst s0;
	s0 =	simm.s32 @!p1 $0x0  }
0x14: {  	s2 =	sld [smem:$0x3F8F];
	s0 =	simm.s32 @p1 $0x1  }
0x15: {  	[smem:$0x3FAC] =	sst s0;
	s0 =	simm.s32 @!p2 $0x0  }
0x16: {  	s3 =	sld [smem:$0x3FDB];
	s0 =	simm.s32 @p2 $0x1  }
0x17: {  	s4 =	simm.s32 $0x1BF5;
	[smem:$0x3FAE] =	sst s0  }
0x18: {  	s0 =	sld [smem:$0x3F91];
	_ =	swait.ge [sflag:s4], $0x0  }
0x19: {  	s7 =	sld [smem:$0x3F92]  }
0x1a: {  	s8 =	sadd.s32 $0xFFFFE003, lr  }
0x1b: {  	s9 =	sadd.s32 $0xFFFFFEF7, lr;
	s5 =	simm.s32 $0xFFFFFFFF;
	p2 =	slt.u32 s8, $0xFFFFF086  }
0x1c: {  	p1 =	slt.u32 s9, $0xF7A;
	s5 =	simm.s32 @!p2 $0x0  }
0x1d: {  	s5 =	simm.s32 @p1 $0x1;
	p0 =	seq.s32 s7, s2  }
0x1e: {  	s7 =	smul.u32 @!p0 $0xF7A, s2;
	p2 =	seq.s32 @!p0 s5, $0x0  }
0x1f: {  	s9 =	smul.u32 $0xF7A, s1;
	s8 =	simm.s32 @!p0 $0x1BF5;
	p2 =	por !p2, p0  }
0x20: {  	[sflag:s8] =	ssyncset.s32 @!p0 $0xFFFFF086;
	s6 =	sadd.s32 @!p0 s3, s7;
	s7 =	simm.s32 @!p0 $0x108  }
0x21: {  	s3 =	sadd.s32 s3, s9;
	s6 =	sadd.s32 @!p0 $0x88, s6;
	s7 =	simm.s32 @p2 $0x1082  }
0x22: {  	[simem:s7], [sflag:s8] =	dma.local @!p0 [hbm:s6], $0xF7A  }
0x23: {  	s9 =	sor.u32 $0xD0000000, s2;
	s6 =	simm.s32 $0x108;
	_ =	swait.ge @!p0 [sflag:s8], $0x0  }
0x24: {  	s3 =	sadd.s32 $0x88, s3;
	s6 =	simm.s32 @!p1 $0x1082;
	[sflag:s4] =	ssyncset.s32 $0xFFFFF086  }
0x25: {  	[simem:s6], [sflag:s4] =	dma.local [hbm:s3], $0xF7A  }
0x26: {  	[smem:$0x3F92] =	sst s1;
	(tag) =	ssettag s2;
	_ =	strace s9  }
0x27: {  	s1 =	sld [smem:$0x3FA2]  }
0x28: {  	s2 =	sld [smem:$0x3FA3]  }
0x29: {  	s4 =	sld [smem:$0x3FA5]  }
0x2a: {  	p0 =	seq.s32 s5, $0x0;
	s5 =	sld [smem:$0x3FA6]  }
0x2b: {  	s6 =	sld [smem:$0x3FA7]  }
0x2c: {  	s7 =	sld [smem:$0x3FA8]  }
0x2d: {  	s3 =	simm.s32 $0x108;
	s8 =	sld [smem:$0x3FA9]  }
0x2e: {  	s3 =	simm.s32 @!p0 $0x1082;
	s9 =	sld [smem:$0x3FAA]  }
0x2f: {  	lr =	sadd.s32 s0, s3;
	s0 =	sld [smem:$0x3FA1]  }
0x30: {  	s3 =	sld [smem:$0x3FA4]  }
0x31: {  	[smem:$0x3FAD] =	sst s10  }
0x32: {  	s10 =	sld [smem:$0x3FAB];
	_ =	sdelay $0x3  }
0x33: {  	p0 =	seq.s32 s10, $0x1;
	s10 =	sld [smem:$0x3FAD];
	_ =	sdelay $0x3  }
0x34: {  	[smem:$0x3FAD] =	sst s10  }
0x35: {  	s10 =	sld [smem:$0x3FAC];
	_ =	sdelay $0x3  }
0x36: {  	p1 =	seq.s32 s10, $0x1;
	s10 =	sld [smem:$0x3FAD];
	_ =	sdelay $0x3  }
0x37: {  	[smem:$0x3FAD] =	sst s10  }
0x38: {  	s10 =	sld [smem:$0x3FAE]  }
0x39: {  	_ = 	snop;
	(pc) =	sbr.ind lr, $3  }
0x3a: {  	_ = 	snop  }
0x3b: {  	_ = 	snop  }
0x3c: {  	p2 =	seq.s32 s10, $0x1;
	s10 =	sld [smem:$0x3FAD]  }
0x3d: {  	_ =	shalt  }
0x3e: {  	_ =	shalt  }
0x3f: {  	_ =	shalt  }
0x40: {  	_ =	shalt  }
0x41: {  	_ =	shalt  }
0x42: {  	_ =	shalt  }
0x43: {  	_ =	shalt  }
0x44: {  	_ =	shalt  }
0x45: {  	_ =	shalt  }
0x46: {  	_ =	shalt  }
0x47: {  	_ =	shalt  }
0x48: {  	_ =	shalt  }
0x49: {  	_ =	shalt  }
0x4a: {  	_ =	shalt  }
0x4b: {  	_ =	shalt  }
0x4c: {  	_ =	shalt  }
0x4d: {  	_ =	shalt  }
0x4e: {  	_ =	shalt  }
0x4f: {  	_ =	shalt  }
0x50: {  	_ =	shalt  }
0x51: {  	_ =	shalt  }
0x52: {  	_ =	shalt  }
0x53: {  	_ =	shalt  }
0x54: {  	_ =	shalt  }
0x55: {  	_ =	shalt  }
0x56: {  	_ =	shalt  }
0x57: {  	_ =	shalt  }
0x58: {  	_ =	shalt  }
0x59: {  	_ =	shalt  }
0x5a: {  	_ =	shalt  }
0x5b: {  	_ =	shalt  }
0x5c: {  	_ =	shalt  }
0x5d: {  	_ =	shalt  }
0x5e: {  	_ =	shalt  }
0x5f: {  	_ =	shalt  }
0x60: {  	_ =	shalt  }
0x61: {  	_ =	shalt  }
0x62: {  	_ =	shalt  }
0x63: {  	_ =	shalt  }
0x64: {  	_ =	shalt  }
0x65: {  	_ =	shalt  }
0x66: {  	_ =	shalt  }
0x67: {  	_ =	shalt  }
0x68: {  	_ =	shalt  }
0x69: {  	_ =	shalt  }
0x6a: {  	_ =	shalt  }
0x6b: {  	_ =	shalt  }
0x6c: {  	_ =	shalt  }
0x6d: {  	_ =	shalt  }
0x6e: {  	_ =	shalt  }
0x6f: {  	_ =	shalt  }
0x70: {  	_ =	shalt  }
0x71: {  	_ =	shalt  }
0x72: {  	_ =	shalt  }
0x73: {  	_ =	shalt  }
0x74: {  	_ =	shalt  }
0x75: {  	_ =	shalt  }
0x76: {  	_ =	shalt  }
0x77: {  	_ =	shalt  }
0x78: {  	_ =	shalt  }
0x79: {  	_ =	shalt  }
0x7a: {  	_ =	shalt  }
0x7b: {  	_ =	shalt  }
0x7c: {  	_ =	shalt  }
0x7d: {  	_ =	shalt  }
0x7e: {  	_ =	shalt  }
0x7f: {  	_ =	shalt  }
0x80: {  	_ =	shalt  }
0x81: {  	_ =	shalt  }
0x82: {  	_ =	shalt  }
0x83: {  	_ =	shalt  }
0x84: {  	_ =	shalt  }
0x85: {  	_ =	shalt  }
0x86: {  	_ =	shalt  }
0x87: {  	_ =	shalt  }
.Lfunc_end0:
.L_simem_size_0:
called_computation.1_lowered:
.L_overlay_start_0:
0x88: {  	s2 =	sld [smem:$0x3FD9]  }
0x89: {  	s3 =	sld [smem:$0x3FFE];
	_ =	sdelay $0x1  }
0x8a: {  	s1 =	srdreg.scid  }
0x8b: {  	s0 =	sand.u32 $0x1, s1  }
0x8c: {  	s16 =	sshll.u32 s0, $0xA;
	s2 =	sadd.s32 s3, s2  }
0x8d: {  	s2 =	sadd.s32 s2, s16  }
0x8e: {  	[smem:$0x3FB9] =	sst s2  }
0x8f: {  	_ = 	snop  }
0x90: {  	(tm) =	ssettm $0x1  }
0x91: {  	s17 =	sld [smem:$0x3FFB];
	_ =	sdelay $0x3  }
0x92: {  	_ =	strace s17  }
0x93: {  	s2 =	sld [smem:$0x3FFC];
	_ =	sdelay $0x3  }
0x94: {  	_ =	strace s2  }
0x95: {  	s2 =	sld [smem:$0x3FFD];
	_ =	sdelay $0x3  }
0x96: {  	_ =	strace s2  }
0x97: {  	_ =	strace $0x8FFFFFFF  }
0x98: {  	s18 =	sld [smem:$0x3FDB];
	_ =	sdelay $0x1  }
0x99: {  	s19 =	simm.s32 $_scs_section_size  }
0x9a: {  	s4 =	simm.s32 $_size__tile_overlayer_lowered;
	s5 =	simm.s32 $_tile_overlayer_lowered  }
0x9b: {  	s22 =	simm.s32 $0x1BFF;
	s21 =	sshll.u32 s5, $0x1;
	s2 =	sadd.s32 s19, s18  }
0x9c: {  	s6 =	simm.s32 $0x0;
	s20 =	sshll.u32 s4, $0x1;
	s4 =	sadd.s32 s21, s2  }
0x9d: {  	[timem:s6], [sflag:s22] =	dma.local [hbm:s4], s20  }
0x9e: {  	_ =	swait.ge [sflag:s22], s20  }
0x9f: {  	s3 =	ssub.s32 $0x0, s20;
	[sflag:s22] =	ssyncset.done $0x0  }
0xa0: {  	[sflag:s22] =	ssyncadd.s32 s3;
	_ =	sdelay $0x1  }
0xa1: {  	s23 =	simm.s32 $0x1B8B  }
0xa2: {  	_ =	swait.ge [sflag:s23], $0x1  }
0xa3: {  	[sflag:s23] =	ssyncset.done $0x0  }
0xa4: {  	s25 =	simm.s32 $0x1B8E;
	s24 =	sld [smem:$0x3FFE];
	[sflag:s23] =	ssyncadd.s32 $0xFFFFFFFF  }
0xa5: {  	s26 =	simm.s32 $execute0_lowered;
	[smem:$0x3FD2] =	sst s25  }
0xa6: {  	s4 =	sshll.u32 s26, $0x1;
	_ =	strace $0x80000049;
	[dreg:$0x1] =	wrdreg $0xFFFFFFFF  }
0xa7: {  	s28 =	simm.s32 $_size_execute0_lowered;
	s2 =	sadd.s32 s2, s4;
	[dreg:$0x0] =	wrdreg $0x0  }
0xa8: {  	s4 =	sshll.u32 s28, $0x1;
	[dreg:$0x2] =	wrdreg s2  }
0xa9: {  	[dreg:$0x3] =	wrdreg s4  }
0xaa: {  	[dreg:$0x4] =	wrdreg $0xC0  }
0xab: {  	_ =	task [dreg:s6], $0x5FFFF  }
0xac: {  	[dreg:$0x1] =	wrdreg $0xFFFFFFFF  }
0xad: {  	[dreg:$0x0] =	wrdreg $0x60  }
0xae: {  	[dreg:$0x2] =	wrdreg s24  }
0xaf: {  	[dreg:$0x3] =	wrdreg $0x150000  }
0xb0: {  	[dreg:$0x4] =	wrdreg $0x9  }
0xb1: {  	_ =	task.clear_ibuf [dreg:s6], $0x5FFFF;
	_ =	strace $0x90000049  }
0xb2: {  	s29 =	simm.s32 $0x9;
	_ =	strace $0x8000004B  }
0xb3: {  	_ =	swait.ge [sflag:s29], $0x1  }
0xb4: {  	[sflag:s29] =	ssyncadd.s32 $0xFFFFFFFF  }
0xb5: {  	_ =	strace $0x9000004B  }
0xb6: {  	_ =	sfence  }
0xb7: {  	s30 =	sld [smem:$0x0];
	_ =	sdelay $0x2  }
0xb8: {  	s31 =	sshll.u32 s1, $0xD;
	s1 =	sshrl.u32 s1, $0x2  }
0xb9: {  	s3 =	sand.u32 $0x4000, s31;
	s1 =	sadd.s32 s1, s30  }
0xba: {  	s0 =	sor.u32 s3, s0;
	s1 =	sshll.u32 s1, $0x11  }
0xbb: {  	s0 =	sor.u32 s1, s0  }
0xbc: {  	s0 =	sadd.s32 $0x8F2B, s0  }
0xbd: {  	[sflag:s0] =	ssyncadd.remote.s32 $0x1  }
0xbe: {  	_ =	sfence.sel $0xFFFF  }
0xbf: {  	[dreg:$0x0] =	wrdreg $0xFFFFFFFF;
	(pc) =	sbr.abs _section_cstart, $3  }
0xc0: {  	[dreg:$0x1] =	wrdreg $0xFFFFFFFF  }
0xc1: {  	_ =	task.clear_ibuf [dreg:s6], $0x2FFFF;
	_ =	strace $0x9FFFFFFF  }
0xc2: {  	(tm) =	ssettm $0x7FFFFFFF  }
0xc3: {  	_ =	shalt  }
tec
execute0_lowered:
.L_overlay_start_1:
0x0: {  	(tag) =	ssettag $0x1  }
0x1: {  	s0 =	srdreg.scid  }
0x2: {  	s9 =	stileid.u32;
	s1 =	rddreg [dreg:$0x0]  }
0x3: {  	s2 =	rddreg [dreg:$0x1];
	s4 =	simm.s32 $0x0;
	s13 =	simm.s32 $0x80  }
0x4: {  	s14 =	simm.s32 $0x5000;
	s15 =	simm.s32 $0x7000;
	s16 =	simm.s32 $0x9000  }
0x5: {  	s17 =	simm.s32 $0xB000;
	s18 =	simm.s32 $0xD000;
	s19 =	simm.s32 $0xF000  }
0x6: {  	s20 =	simm.s32 $0x11000;
	s21 =	simm.s32 $0x13000;
	s22 =	simm.s32 $0x1  }
0x7: {  	s28 =	simm.s32 $0x5;
	s29 =	simm.s32 $0x6;
	s30 =	simm.s32 $0x7  }
0x8: {  	s31 =	simm.s32 $0x8;
	s12 =	simm.s32 $0xB;
	s0 =	sand.u32 $0x1, s0  }
0x9: {  	s3 =	sshll.u32 s9, $0x1;
	[smem:$0x7FF] =	sst s4;
	s5 =	smul.u32 $0xA000, s9  }
0xa: {  	s4 =	sadd.s32 $0xD400, s1;
	s24 =	sshll.u32 s9, $0x6;
	s9 =	simm.s32 $0x10  }
0xb: {  	s3 =	sor.u32 s0, s3;
	_ =	strace $0x8000004A;
	s6 =	smul.u32 $0x14000, s0  }
0xc: {  	s0 =	ssub.s32 $0x2, s0;
	s10 =	sor.u32 $0x1C11, s24;
	s24 =	simm.s32 $0x11  }
0xd: {  	s3 =	smul.u32 $0x500, s3;
	s7 =	sshrl.u32 s5, $0x3;
	s23 =	sshrl.u32 s0, $0x1  }
0xe: {  	s5 =	sadd.s32 s5, s2;
	[dreg:$0x4] =	wrdreg s10;
	s8 =	sadd.s32 s7, s1  }
0xf: {  	s0 =	ssub.s32 s0, s23;
	s11 =	sshrl.u32 s5, $0x3;
	s23 =	simm.s32 $0x2  }
0x10: {  	s5 =	simm.s32 $0xD;
	s8 =	sadd.s32 $0x21400, s8;
	[dreg:$0x8] =	wrdreg s11  }
0x11: {  	s3 =	sadd.s32 s3, s1;
	s0 =	smax.u32 s0, $0x1;
	[dreg:$0x3] =	wrdreg s8  }
0x12: {  	s1 =	sadd.s32 s6, s1;
	s6 =	simm.s32 $0x0;
	[dreg:$0x7] =	wrdreg s0  }
0x13: {  	s25 =	sadd.s32 $0xB7A00, s3;
	s3 =	sadd.s32 $0x3400, s3;
	[dreg:$0xa] =	wrdreg s6  }
0x14: {  	s1 =	sadd.s32 $0x35400, s1;
	s0 =	simm.s32 $0xA;
	[dreg:$0x5] =	wrdreg s25  }
0x15: {  	s8 =	simm.s32 $0xF;
	[dreg:$0x6] =	wrdreg s3;
	s26 =	sadd.s32 s7, s1  }
0x16: {  	s25 =	simm.s32 $0x3;
	s1 =	simm.s32 $0x9;
	s3 =	simm.s32 $0xC  }
0x17: {  	s7 =	simm.s32 $0xE;
	[dreg:$0x9] =	wrdreg s26;
	s26 =	simm.s32 $0x4  }
.LBB2_1:
0x18: {  	s6 =	rddreg [dreg:$0x3]  }
0x19: {  	[spmem:s11], [sflag:s10] =	dma.local [hbm:s6], $0x1400  }
0x1a: {  	_ =	swait.ge [sflag:s24], $0x1400  }
0x1b: {  	[sflag:s24] =	ssyncset.done $0x0  }
0x1c: {  	s6 =	simm.s32 $0x0;
	s11 =	rddreg [dreg:$0x5];
	[sflag:s24] =	ssyncadd.s32 $0xFFFFEC00  }
0x1d: {  	[tilespmem:s6], [sflag:$0x11] =	stream.linear.gather [hbm4b:s11+s6], $0x2800, $0x38;
	[tilespmem:$0x1F000] =	vst v63  }
0x1e: {  	_ =	swait.ge [sflag:s24], $0x2800  }
0x1f: {  	[sflag:s24] =	ssyncset.done $0x0  }
0x20: {  	s11 =	simm.s32 $0x2800;
	s10 =	rddreg [dreg:$0x6];
	[sflag:s24] =	ssyncadd.s32 $0xFFFFD800  }
0x21: {  	[tilespmem:s11], [sflag:$0x11] =	stream.linear.gather [hbm4b:s10+s6], $0x2800, $0x38;
	[tilespmem:$0x1F000] =	vst v63  }
0x22: {  	_ =	swait.ge [sflag:s24], $0x2800  }
0x23: {  	[sflag:s24] =	ssyncset.done $0x0  }
0x24: {  	[sflag:s24] =	ssyncadd.s32 $0xFFFFD800  }
0x25: {  	s24 =	simm.s32 $0x0;
	[bflag:$0x0] =	sbarrier.arrive $0xFFFF  }
0x26: {  	[tilespmem:s14], [sflag:$0x1] =	stream.indirect.gather [hbm4b:s4+s13], $0x40, s24, s13, $0xb8;
	[tilespmem:$0x1F000] =	vst v63  }
0x27: {  	s10 =	simm.s32 $0x80  }
0x28: {  	[tilespmem:s15], [sflag:$0x2] =	stream.indirect.gather [hbm4b:s4+s13], $0x40, s10, s13, $0xb8;
	[tilespmem:$0x1F000] =	vst v63  }
0x29: {  	s11 =	simm.s32 $0x100  }
0x2a: {  	[tilespmem:s16], [sflag:$0x3] =	stream.indirect.gather [hbm4b:s4+s13], $0x40, s11, s13, $0xb8;
	[tilespmem:$0x1F000] =	vst v63  }
0x2b: {  	s24 =	simm.s32 $0x180  }
0x2c: {  	[tilespmem:s17], [sflag:$0x4] =	stream.indirect.gather [hbm4b:s4+s13], $0x40, s24, s13, $0xb8;
	[tilespmem:$0x1F000] =	vst v63  }
0x2d: {  	s10 =	simm.s32 $0x200  }
0x2e: {  	[tilespmem:s18], [sflag:$0x5] =	stream.indirect.gather [hbm4b:s4+s13], $0x40, s10, s13, $0xb8;
	[tilespmem:$0x1F000] =	vst v63  }
0x2f: {  	s11 =	simm.s32 $0x280  }
0x30: {  	[tilespmem:s19], [sflag:$0x6] =	stream.indirect.gather [hbm4b:s4+s13], $0x40, s11, s13, $0xb8;
	[tilespmem:$0x1F000] =	vst v63  }
0x31: {  	s24 =	simm.s32 $0x300  }
0x32: {  	[tilespmem:s20], [sflag:$0x7] =	stream.indirect.gather [hbm4b:s4+s13], $0x40, s24, s13, $0xb8;
	[tilespmem:$0x1F000] =	vst v63  }
0x33: {  	s10 =	simm.s32 $0x380  }
0x34: {  	[tilespmem:s21], [sflag:$0x8] =	stream.indirect.gather [hbm4b:s4+s13], $0x40, s10, s13, $0xb8;
	[tilespmem:$0x1F000] =	vst v63  }
0x35: {  	_ =	swait.ge [sflag:s22], $0x2000  }
0x36: {  	[sflag:s22] =	ssyncset.done $0x0  }
0x37: {  	s11 =	simm.s32 $0x2800;
	[sflag:s22] =	ssyncadd.s32 $0xFFFFE000  }
0x38: {  	[spmem:s2] =	stream.indirect.scatter.add.f32 [tilespmem:s14], [sflag:$0x9], $0x40, s11, s13, $0xb8;
	[tilespmem:$0x1F000] =	vst v63  }
0x39: {  	_ =	swait.ge [sflag:s23], $0x2000  }
0x3a: {  	[sflag:s23] =	ssyncset.done $0x0  }
0x3b: {  	s24 =	simm.s32 $0x2880;
	[sflag:s23] =	ssyncadd.s32 $0xFFFFE000  }
0x3c: {  	[spmem:s2] =	stream.indirect.scatter.add.f32 [tilespmem:s15], [sflag:$0xA], $0x40, s24, s13, $0xb8;
	[tilespmem:$0x1F000] =	vst v63  }
0x3d: {  	_ =	swait.ge [sflag:s25], $0x2000  }
0x3e: {  	[sflag:s25] =	ssyncset.done $0x0  }
0x3f: {  	s10 =	simm.s32 $0x2900;
	[sflag:s25] =	ssyncadd.s32 $0xFFFFE000  }
0x40: {  	[spmem:s2] =	stream.indirect.scatter.add.f32 [tilespmem:s16], [sflag:$0xB], $0x40, s10, s13, $0xb8;
	[tilespmem:$0x1F000] =	vst v63  }
0x41: {  	_ =	swait.ge [sflag:s26], $0x2000  }
0x42: {  	[sflag:s26] =	ssyncset.done $0x0  }
0x43: {  	s11 =	simm.s32 $0x2980;
	[sflag:s26] =	ssyncadd.s32 $0xFFFFE000  }
0x44: {  	[spmem:s2] =	stream.indirect.scatter.add.f32 [tilespmem:s17], [sflag:$0xC], $0x40, s11, s13, $0xb8;
	[tilespmem:$0x1F000] =	vst v63  }
0x45: {  	_ =	swait.ge [sflag:s28], $0x2000  }
0x46: {  	[sflag:s28] =	ssyncset.done $0x0  }
0x47: {  	s24 =	simm.s32 $0x2A00;
	[sflag:s28] =	ssyncadd.s32 $0xFFFFE000  }
0x48: {  	[spmem:s2] =	stream.indirect.scatter.add.f32 [tilespmem:s18], [sflag:$0xD], $0x40, s24, s13, $0xb8;
	[tilespmem:$0x1F000] =	vst v63  }
0x49: {  	_ =	swait.ge [sflag:s29], $0x2000  }
0x4a: {  	[sflag:s29] =	ssyncset.done $0x0  }
0x4b: {  	s10 =	simm.s32 $0x2A80;
	[sflag:s29] =	ssyncadd.s32 $0xFFFFE000  }
0x4c: {  	[spmem:s2] =	stream.indirect.scatter.add.f32 [tilespmem:s19], [sflag:$0xE], $0x40, s10, s13, $0xb8;
	[tilespmem:$0x1F000] =	vst v63  }
0x4d: {  	_ =	swait.ge [sflag:s30], $0x2000  }
0x4e: {  	[sflag:s30] =	ssyncset.done $0x0  }
0x4f: {  	s11 =	simm.s32 $0x2B00;
	[sflag:s30] =	ssyncadd.s32 $0xFFFFE000  }
0x50: {  	[spmem:s2] =	stream.indirect.scatter.add.f32 [tilespmem:s20], [sflag:$0xF], $0x40, s11, s13, $0xb8;
	[tilespmem:$0x1F000] =	vst v63  }
0x51: {  	_ =	swait.ge [sflag:s31], $0x2000  }
0x52: {  	[sflag:s31] =	ssyncset.done $0x0  }
0x53: {  	s24 =	simm.s32 $0x2B80;
	[sflag:s31] =	ssyncadd.s32 $0xFFFFE000  }
0x54: {  	[spmem:s2] =	stream.indirect.scatter.add.f32 [tilespmem:s21], [sflag:$0x10], $0x40, s24, s13, $0xb8;
	[tilespmem:$0x1F000] =	vst v63  }
0x55: {  	_ =	swait.ge [sflag:s1], $0x2000  }
0x56: {  	[sflag:s1] =	ssyncset.done $0x0  }
0x57: {  	[sflag:s1] =	ssyncadd.s32 $0xFFFFE000  }
0x58: {  	_ =	swait.ge [sflag:s0], $0x2000  }
0x59: {  	[sflag:s0] =	ssyncset.done $0x0  }
0x5a: {  	[sflag:s0] =	ssyncadd.s32 $0xFFFFE000  }
0x5b: {  	_ =	swait.ge [sflag:s12], $0x2000  }
0x5c: {  	[sflag:s12] =	ssyncset.done $0x0  }
0x5d: {  	[sflag:s12] =	ssyncadd.s32 $0xFFFFE000  }
0x5e: {  	_ =	swait.ge [sflag:s3], $0x2000  }
0x5f: {  	[sflag:s3] =	ssyncset.done $0x0  }
0x60: {  	[sflag:s3] =	ssyncadd.s32 $0xFFFFE000  }
0x61: {  	_ =	swait.ge [sflag:s5], $0x2000  }
0x62: {  	[sflag:s5] =	ssyncset.done $0x0  }
0x63: {  	[sflag:s5] =	ssyncadd.s32 $0xFFFFE000  }
0x64: {  	_ =	swait.ge [sflag:s7], $0x2000  }
0x65: {  	[sflag:s7] =	ssyncset.done $0x0  }
0x66: {  	[sflag:s7] =	ssyncadd.s32 $0xFFFFE000  }
0x67: {  	_ =	swait.ge [sflag:s8], $0x2000  }
0x68: {  	[sflag:s8] =	ssyncset.done $0x0  }
0x69: {  	[sflag:s8] =	ssyncadd.s32 $0xFFFFE000  }
0x6a: {  	_ =	swait.ge [sflag:s9], $0x2000  }
0x6b: {  	s6 =	simm.s32 $0x1000;
	s10 =	simm.s32 $0x2000;
	[sflag:s9] =	ssyncset.done $0x0  }
.LBB2_2:
0x6c: {  	s11 =	sshra.s32 s6, $0x2  }
0x6d: {  	[sflag:s9] =	ssyncadd.s32 $0xFFFFE000;
	s6 =	smov.u32 s10;
	s24 =	sadd.s32 $0x1000, s10  }
0x6e: {  	[tilespmem:s14], [sflag:$0x1] =	stream.indirect.gather [hbm4b:s4+s13], $0x40, s11, s13, $0xb8;
	[tilespmem:$0x1F000] =	vst v63  }
0x6f: {  	p0 =	sne.s32 s10, $0x9000;
	s10 =	sadd.s32 $0x80, s11  }
0x70: {  	[tilespmem:s15], [sflag:$0x2] =	stream.indirect.gather [hbm4b:s4+s13], $0x40, s10, s13, $0xb8;
	[tilespmem:$0x1F000] =	vst v63  }
0x71: {  	s10 =	sadd.s32 $0x100, s11  }
0x72: {  	[tilespmem:s16], [sflag:$0x3] =	stream.indirect.gather [hbm4b:s4+s13], $0x40, s10, s13, $0xb8;
	[tilespmem:$0x1F000] =	vst v63  }
0x73: {  	s10 =	sadd.s32 $0x180, s11  }
0x74: {  	[tilespmem:s17], [sflag:$0x4] =	stream.indirect.gather [hbm4b:s4+s13], $0x40, s10, s13, $0xb8;
	[tilespmem:$0x1F000] =	vst v63  }
0x75: {  	s10 =	sadd.s32 $0x200, s11  }
0x76: {  	[tilespmem:s18], [sflag:$0x5] =	stream.indirect.gather [hbm4b:s4+s13], $0x40, s10, s13, $0xb8;
	[tilespmem:$0x1F000] =	vst v63  }
0x77: {  	s10 =	sadd.s32 $0x280, s11  }
0x78: {  	[tilespmem:s19], [sflag:$0x6] =	stream.indirect.gather [hbm4b:s4+s13], $0x40, s10, s13, $0xb8;
	[tilespmem:$0x1F000] =	vst v63  }
0x79: {  	s10 =	sadd.s32 $0x300, s11  }
0x7a: {  	[tilespmem:s20], [sflag:$0x7] =	stream.indirect.gather [hbm4b:s4+s13], $0x40, s10, s13, $0xb8;
	[tilespmem:$0x1F000] =	vst v63  }
0x7b: {  	s10 =	sadd.s32 $0x380, s11  }
0x7c: {  	[tilespmem:s21], [sflag:$0x8] =	stream.indirect.gather [hbm4b:s4+s13], $0x40, s10, s13, $0xb8;
	[tilespmem:$0x1F000] =	vst v63  }
0x7d: {  	_ =	swait.ge [sflag:s22], $0x2000  }
0x7e: {  	[sflag:s22] =	ssyncset.done $0x0  }
0x7f: {  	s10 =	sadd.s32 $0x2800, s11;
	[sflag:s22] =	ssyncadd.s32 $0xFFFFE000  }
0x80: {  	[spmem:s2] =	stream.indirect.scatter.add.f32 [tilespmem:s14], [sflag:$0x9], $0x40, s10, s13, $0xb8;
	[tilespmem:$0x1F000] =	vst v63  }
0x81: {  	_ =	swait.ge [sflag:s23], $0x2000  }
0x82: {  	[sflag:s23] =	ssyncset.done $0x0  }
0x83: {  	s10 =	sadd.s32 $0x2880, s11;
	[sflag:s23] =	ssyncadd.s32 $0xFFFFE000  }
0x84: {  	[spmem:s2] =	stream.indirect.scatter.add.f32 [tilespmem:s15], [sflag:$0xA], $0x40, s10, s13, $0xb8;
	[tilespmem:$0x1F000] =	vst v63  }
0x85: {  	_ =	swait.ge [sflag:s25], $0x2000  }
0x86: {  	[sflag:s25] =	ssyncset.done $0x0  }
0x87: {  	s10 =	sadd.s32 $0x2900, s11;
	[sflag:s25] =	ssyncadd.s32 $0xFFFFE000  }
0x88: {  	[spmem:s2] =	stream.indirect.scatter.add.f32 [tilespmem:s16], [sflag:$0xB], $0x40, s10, s13, $0xb8;
	[tilespmem:$0x1F000] =	vst v63  }
0x89: {  	_ =	swait.ge [sflag:s26], $0x2000  }
0x8a: {  	[sflag:s26] =	ssyncset.done $0x0  }
0x8b: {  	s10 =	sadd.s32 $0x2980, s11;
	[sflag:s26] =	ssyncadd.s32 $0xFFFFE000  }
0x8c: {  	[spmem:s2] =	stream.indirect.scatter.add.f32 [tilespmem:s17], [sflag:$0xC], $0x40, s10, s13, $0xb8;
	[tilespmem:$0x1F000] =	vst v63  }
0x8d: {  	_ =	swait.ge [sflag:s28], $0x2000  }
0x8e: {  	[sflag:s28] =	ssyncset.done $0x0  }
0x8f: {  	s10 =	sadd.s32 $0x2A00, s11;
	[sflag:s28] =	ssyncadd.s32 $0xFFFFE000  }
0x90: {  	[spmem:s2] =	stream.indirect.scatter.add.f32 [tilespmem:s18], [sflag:$0xD], $0x40, s10, s13, $0xb8;
	[tilespmem:$0x1F000] =	vst v63  }
0x91: {  	_ =	swait.ge [sflag:s29], $0x2000  }
0x92: {  	[sflag:s29] =	ssyncset.done $0x0  }
0x93: {  	s10 =	sadd.s32 $0x2A80, s11;
	[sflag:s29] =	ssyncadd.s32 $0xFFFFE000  }
0x94: {  	[spmem:s2] =	stream.indirect.scatter.add.f32 [tilespmem:s19], [sflag:$0xE], $0x40, s10, s13, $0xb8;
	[tilespmem:$0x1F000] =	vst v63  }
0x95: {  	_ =	swait.ge [sflag:s30], $0x2000  }
0x96: {  	[sflag:s30] =	ssyncset.done $0x0  }
0x97: {  	s10 =	sadd.s32 $0x2B00, s11;
	[sflag:s30] =	ssyncadd.s32 $0xFFFFE000  }
0x98: {  	[spmem:s2] =	stream.indirect.scatter.add.f32 [tilespmem:s20], [sflag:$0xF], $0x40, s10, s13, $0xb8;
	[tilespmem:$0x1F000] =	vst v63  }
0x99: {  	_ =	swait.ge [sflag:s31], $0x2000  }
0x9a: {  	[sflag:s31] =	ssyncset.done $0x0  }
0x9b: {  	s10 =	sadd.s32 $0x2B80, s11;
	[sflag:s31] =	ssyncadd.s32 $0xFFFFE000  }
0x9c: {  	[spmem:s2] =	stream.indirect.scatter.add.f32 [tilespmem:s21], [sflag:$0x10], $0x40, s10, s13, $0xb8;
	[tilespmem:$0x1F000] =	vst v63  }
0x9d: {  	_ =	swait.ge [sflag:s1], $0x2000  }
0x9e: {  	[sflag:s1] =	ssyncset.done $0x0  }
0x9f: {  	[sflag:s1] =	ssyncadd.s32 $0xFFFFE000  }
0xa0: {  	_ =	swait.ge [sflag:s0], $0x2000  }
0xa1: {  	[sflag:s0] =	ssyncset.done $0x0  }
0xa2: {  	[sflag:s0] =	ssyncadd.s32 $0xFFFFE000  }
0xa3: {  	_ =	swait.ge [sflag:s12], $0x2000  }
0xa4: {  	[sflag:s12] =	ssyncset.done $0x0  }
0xa5: {  	[sflag:s12] =	ssyncadd.s32 $0xFFFFE000  }
0xa6: {  	_ =	swait.ge [sflag:s3], $0x2000  }
0xa7: {  	[sflag:s3] =	ssyncset.done $0x0  }
0xa8: {  	[sflag:s3] =	ssyncadd.s32 $0xFFFFE000  }
0xa9: {  	_ =	swait.ge [sflag:s5], $0x2000  }
0xaa: {  	[sflag:s5] =	ssyncset.done $0x0  }
0xab: {  	[sflag:s5] =	ssyncadd.s32 $0xFFFFE000  }
0xac: {  	_ =	swait.ge [sflag:s7], $0x2000  }
0xad: {  	[sflag:s7] =	ssyncset.done $0x0  }
0xae: {  	[sflag:s7] =	ssyncadd.s32 $0xFFFFE000  }
.Ltmp0:
0xaf: {  	_ =	swait.ge [sflag:s8], $0x2000;
	(pc) =	sbr.rel @p0 .LBB2_2-.Ltmp0, $4  }
0xb0: {  	[sflag:s8] =	ssyncset.done $0x0  }
0xb1: {  	[sflag:s8] =	ssyncadd.s32 $0xFFFFE000  }
0xb2: {  	_ =	swait.ge [sflag:s9], $0x2000  }
0xb3: {  	s10 =	smov.u32 s24;
	[sflag:s9] =	ssyncset.done $0x0  }
0xb4: {  	s6 =	sshra.s32 s6, $0x2;
	[sflag:s9] =	ssyncadd.s32 $0xFFFFE000  }
0xb5: {  	[tilespmem:s14], [sflag:$0x1] =	stream.indirect.gather [hbm4b:s4+s13], $0x40, s6, s13, $0xb8;
	[tilespmem:$0x1F000] =	vst v63  }
0xb6: {  	s10 =	sadd.s32 $0x80, s6  }
0xb7: {  	[tilespmem:s15], [sflag:$0x2] =	stream.indirect.gather [hbm4b:s4+s13], $0x40, s10, s13, $0xb8;
	[tilespmem:$0x1F000] =	vst v63  }
0xb8: {  	s24 =	sadd.s32 $0x100, s6  }
0xb9: {  	[tilespmem:s16], [sflag:$0x3] =	stream.indirect.gather [hbm4b:s4+s13], $0x40, s24, s13, $0xb8;
	[tilespmem:$0x1F000] =	vst v63  }
0xba: {  	s11 =	sadd.s32 $0x180, s6  }
0xbb: {  	[tilespmem:s17], [sflag:$0x4] =	stream.indirect.gather [hbm4b:s4+s13], $0x40, s11, s13, $0xb8;
	[tilespmem:$0x1F000] =	vst v63  }
0xbc: {  	s24 =	sadd.s32 $0x200, s6  }
0xbd: {  	[tilespmem:s18], [sflag:$0x5] =	stream.indirect.gather [hbm4b:s4+s13], $0x40, s24, s13, $0xb8;
	[tilespmem:$0x1F000] =	vst v63  }
0xbe: {  	s11 =	sadd.s32 $0x280, s6  }
0xbf: {  	[tilespmem:s19], [sflag:$0x6] =	stream.indirect.gather [hbm4b:s4+s13], $0x40, s11, s13, $0xb8;
	[tilespmem:$0x1F000] =	vst v63  }
0xc0: {  	s24 =	sadd.s32 $0x300, s6  }
0xc1: {  	[tilespmem:s20], [sflag:$0x7] =	stream.indirect.gather [hbm4b:s4+s13], $0x40, s24, s13, $0xb8;
	[tilespmem:$0x1F000] =	vst v63  }
0xc2: {  	s11 =	sadd.s32 $0x380, s6  }
0xc3: {  	[tilespmem:s21], [sflag:$0x8] =	stream.indirect.gather [hbm4b:s4+s13], $0x40, s11, s13, $0xb8;
	[tilespmem:$0x1F000] =	vst v63  }
0xc4: {  	_ =	swait.ge [sflag:s22], $0x2000  }
0xc5: {  	[sflag:s22] =	ssyncset.done $0x0  }
0xc6: {  	s24 =	sadd.s32 $0x2800, s6;
	[sflag:s22] =	ssyncadd.s32 $0xFFFFE000  }
0xc7: {  	[spmem:s2] =	stream.indirect.scatter.add.f32 [tilespmem:s14], [sflag:$0x9], $0x40, s24, s13, $0xb8;
	[tilespmem:$0x1F000] =	vst v63  }
0xc8: {  	_ =	swait.ge [sflag:s23], $0x2000  }
0xc9: {  	[sflag:s23] =	ssyncset.done $0x0  }
0xca: {  	s11 =	sadd.s32 $0x2880, s6;
	[sflag:s23] =	ssyncadd.s32 $0xFFFFE000  }
0xcb: {  	[spmem:s2] =	stream.indirect.scatter.add.f32 [tilespmem:s15], [sflag:$0xA], $0x40, s11, s13, $0xb8;
	[tilespmem:$0x1F000] =	vst v63  }
0xcc: {  	_ =	swait.ge [sflag:s25], $0x2000  }
0xcd: {  	[sflag:s25] =	ssyncset.done $0x0  }
0xce: {  	s24 =	sadd.s32 $0x2900, s6;
	[sflag:s25] =	ssyncadd.s32 $0xFFFFE000  }
0xcf: {  	[spmem:s2] =	stream.indirect.scatter.add.f32 [tilespmem:s16], [sflag:$0xB], $0x40, s24, s13, $0xb8;
	[tilespmem:$0x1F000] =	vst v63  }
0xd0: {  	_ =	swait.ge [sflag:s26], $0x2000  }
0xd1: {  	[sflag:s26] =	ssyncset.done $0x0  }
0xd2: {  	s11 =	sadd.s32 $0x2980, s6;
	[sflag:s26] =	ssyncadd.s32 $0xFFFFE000  }
0xd3: {  	[spmem:s2] =	stream.indirect.scatter.add.f32 [tilespmem:s17], [sflag:$0xC], $0x40, s11, s13, $0xb8;
	[tilespmem:$0x1F000] =	vst v63  }
0xd4: {  	_ =	swait.ge [sflag:s28], $0x2000  }
0xd5: {  	[sflag:s28] =	ssyncset.done $0x0  }
0xd6: {  	s24 =	sadd.s32 $0x2A00, s6;
	[sflag:s28] =	ssyncadd.s32 $0xFFFFE000  }
0xd7: {  	[spmem:s2] =	stream.indirect.scatter.add.f32 [tilespmem:s18], [sflag:$0xD], $0x40, s24, s13, $0xb8;
	[tilespmem:$0x1F000] =	vst v63  }
0xd8: {  	_ =	swait.ge [sflag:s29], $0x2000  }
0xd9: {  	[sflag:s29] =	ssyncset.done $0x0  }
0xda: {  	s11 =	sadd.s32 $0x2A80, s6;
	[sflag:s29] =	ssyncadd.s32 $0xFFFFE000  }
0xdb: {  	[spmem:s2] =	stream.indirect.scatter.add.f32 [tilespmem:s19], [sflag:$0xE], $0x40, s11, s13, $0xb8;
	[tilespmem:$0x1F000] =	vst v63  }
0xdc: {  	_ =	swait.ge [sflag:s30], $0x2000  }
0xdd: {  	[sflag:s30] =	ssyncset.done $0x0  }
0xde: {  	s24 =	sadd.s32 $0x2B00, s6;
	[sflag:s30] =	ssyncadd.s32 $0xFFFFE000  }
0xdf: {  	[spmem:s2] =	stream.indirect.scatter.add.f32 [tilespmem:s20], [sflag:$0xF], $0x40, s24, s13, $0xb8;
	[tilespmem:$0x1F000] =	vst v63  }
0xe0: {  	_ =	swait.ge [sflag:s31], $0x2000  }
0xe1: {  	[sflag:s31] =	ssyncset.done $0x0  }
0xe2: {  	s6 =	sadd.s32 $0x2B80, s6;
	[sflag:s31] =	ssyncadd.s32 $0xFFFFE000  }
0xe3: {  	[spmem:s2] =	stream.indirect.scatter.add.f32 [tilespmem:s21], [sflag:$0x10], $0x40, s6, s13, $0xb8;
	[tilespmem:$0x1F000] =	vst v63  }
0xe4: {  	_ =	swait.ge [sflag:s1], $0x2000  }
0xe5: {  	[sflag:s1] =	ssyncset.done $0x0  }
0xe6: {  	[sflag:s1] =	ssyncadd.s32 $0xFFFFE000  }
0xe7: {  	_ =	swait.ge [sflag:s0], $0x2000  }
0xe8: {  	[sflag:s0] =	ssyncset.done $0x0  }
0xe9: {  	[sflag:s0] =	ssyncadd.s32 $0xFFFFE000  }
0xea: {  	_ =	swait.ge [sflag:s12], $0x2000  }
0xeb: {  	[sflag:s12] =	ssyncset.done $0x0  }
0xec: {  	[sflag:s12] =	ssyncadd.s32 $0xFFFFE000  }
0xed: {  	_ =	swait.ge [sflag:s3], $0x2000  }
0xee: {  	[sflag:s3] =	ssyncset.done $0x0  }
0xef: {  	[sflag:s3] =	ssyncadd.s32 $0xFFFFE000  }
0xf0: {  	_ =	swait.ge [sflag:s5], $0x2000  }
0xf1: {  	[sflag:s5] =	ssyncset.done $0x0  }
0xf2: {  	[sflag:s5] =	ssyncadd.s32 $0xFFFFE000  }
0xf3: {  	_ =	swait.ge [sflag:s7], $0x2000  }
0xf4: {  	[sflag:s7] =	ssyncset.done $0x0  }
0xf5: {  	[sflag:s7] =	ssyncadd.s32 $0xFFFFE000  }
0xf6: {  	_ =	swait.ge [sflag:s8], $0x2000  }
0xf7: {  	[sflag:s8] =	ssyncset.done $0x0  }
0xf8: {  	[sflag:s8] =	ssyncadd.s32 $0xFFFFE000  }
0xf9: {  	_ =	swait.ge [sflag:s9], $0x2000  }
0xfa: {  	[sflag:s9] =	ssyncset.done $0x0  }
0xfb: {  	[sflag:s9] =	ssyncadd.s32 $0xFFFFE000  }
0xfc: {  	[bflag:$0x0] =	sbarrier.arrive $0xFFFF  }
0xfd: {  	s11 =	rddreg [dreg:$0x4]  }
0xfe: {  	s6 =	rddreg [dreg:$0x8]  }
0xff: {  	s24 =	rddreg [dreg:$0x9]  }
0x100: {  	[hbm:s24], [sflag:s11] =	dma.local [spmem:s6], $0x1400  }
0x101: {  	s24 =	simm.s32 $0x11  }
0x102: {  	_ =	swait.ge [sflag:s24], $0x1400  }
0x103: {  	s6 =	rddreg [dreg:$0xa]  }
0x104: {  	s10 =	sadd.s32 $0x1, s6;
	s6 =	rddreg [dreg:$0x7]  }
0x105: {  	p0 =	sne.s32 s10, s6  }
.Ltmp1:
0x106: {  	_ = 	snop;
	(pc) =	sbr.rel @p0 .LBB2_1-.Ltmp1, $3  }
0x107: {  	_ =	sdelay $0x1  }
0x108: {  	[sflag:s24] =	ssyncset.done $0x0;
	[dreg:$0xa] =	wrdreg s10  }
0x109: {  	[sflag:s24] =	ssyncadd.s32 $0xFFFFEC00;
	s10 =	smov.u32 s11;
	s11 =	rddreg [dreg:$0x8]  }
0x10a: {  	_ =	sfence.sel $0x180000  }
0x10b: {  	[bflag:$0x0] =	sbarrier.arrive $0xFFFF  }
0x10c: {  	_ =	strace $0x9000004A  }
0x10d: {  	s0 =	stileid.u32;
	[bflag:$0x2] =	sbarrier.arrive $0xFFFF  }
0x10e: {  	p0 =	sne.s32 s0, $0x0;
	s0 =	rddreg [dreg:$0x2]  }
0x10f: {  	s0 =	sadd.s32 @!p0 $0x100000, s0  }
0x110: {  	[sflag:s0] =	ssyncadd.tile.s32 @!p0 $0x1;
	_ =	shalt  }
.Lfunc_end2:
_tile_overlayer_lowered:
.L_overlay_start_2:
0x111: {  	(tag) =	ssettag $0x2  }
0x112: {  	s0 =	rddreg [dreg:$0x0];
	s2 =	stileid.u32  }
0x113: {  	s1 =	rddreg [dreg:$0x1];
	p0 =	sne.s32 s2, $0x0  }
0x114: {  	s3 =	rddreg [dreg:$0x2];
	[bflag:$0x3] =	sbarrier.arrive $0xFFFF;
	s2 =	simm.s32 @!p0 $0x1C11  }
0x115: {  	[timem:s3], [sflag:s2] =	dma.local @!p0 [hbm:s0], s1  }
0x116: {  	s0 =	simm.s32 @!p0 $0x11  }
0x117: {  	_ =	swait.ge @!p0 [sflag:s0], s1  }
0x118: {  	s1 =	ssub.s32 @!p0 $0x0, s1;
	[sflag:s0] =	ssyncset.done @!p0 $0x0  }
0x119: {  	[sflag:s0] =	ssyncadd.s32 @!p0 s1  }
0x11a: {  	[bflag:$0x3] =	sbarrier.arrive $0xFFFF  }
0x11b: {  	_ =	shalt  }

// kernel: kernel.19.cloned.1.call-start
scs
__scs_entry_jumppad:
0x0: {  	(pc) =	sbr.rel $0x88, $3  }
0x1: {  	(tag) =	ssettag $0x0;
	lr =	simm.s32 $0x1  }
0x2: {  	[smem:$0x3F92] =	sst lr;
	_ =	strace $0xD0000000  }
0x3: {  	_ = 	snop  }
0x4: {  	_ = 	snop  }
0x5: {  	_ = 	snop  }
0x6: {  	_ = 	snop  }
0x7: {  	_ = 	snop  }
__scs_overlays_trampoline_lowered:
0x8: {  	[smem:$0x3FA1] =	sst s0  }
0x9: {  	[smem:$0x3FA2] =	sst s1  }
0xa: {  	[smem:$0x3FA3] =	sst s2  }
0xb: {  	[smem:$0x3FA4] =	sst s3  }
0xc: {  	[smem:$0x3FA5] =	sst s4  }
0xd: {  	[smem:$0x3FA6] =	sst s5  }
0xe: {  	[smem:$0x3FA7] =	sst s6  }
0xf: {  	[smem:$0x3FA8] =	sst s7  }
0x10: {  	[smem:$0x3FA9] =	sst s8  }
0x11: {  	[smem:$0x3FAA] =	sst s9;
	s0 =	simm.s32 @!p0 $0x0  }
0x12: {  	s1 =	sld [smem:$0x3F90];
	s0 =	simm.s32 @p0 $0x1  }
0x13: {  	[smem:$0x3FAB] =	sst s0;
	s0 =	simm.s32 @!p1 $0x0  }
0x14: {  	s2 =	sld [smem:$0x3F8F];
	s0 =	simm.s32 @p1 $0x1  }
0x15: {  	[smem:$0x3FAC] =	sst s0;
	s0 =	simm.s32 @!p2 $0x0  }
0x16: {  	s3 =	sld [smem:$0x3FDB];
	s0 =	simm.s32 @p2 $0x1  }
0x17: {  	s4 =	simm.s32 $0x1BF5;
	[smem:$0x3FAE] =	sst s0  }
0x18: {  	s0 =	sld [smem:$0x3F91];
	_ =	swait.ge [sflag:s4], $0x0  }
0x19: {  	s7 =	sld [smem:$0x3F92]  }
0x1a: {  	s8 =	sadd.s32 $0xFFFFE003, lr  }
0x1b: {  	s9 =	sadd.s32 $0xFFFFFEF7, lr;
	s5 =	simm.s32 $0xFFFFFFFF;
	p2 =	slt.u32 s8, $0xFFFFF086  }
0x1c: {  	p1 =	slt.u32 s9, $0xF7A;
	s5 =	simm.s32 @!p2 $0x0  }
0x1d: {  	s5 =	simm.s32 @p1 $0x1;
	p0 =	seq.s32 s7, s2  }
0x1e: {  	s7 =	smul.u32 @!p0 $0xF7A, s2;
	p2 =	seq.s32 @!p0 s5, $0x0  }
0x1f: {  	s9 =	smul.u32 $0xF7A, s1;
	s8 =	simm.s32 @!p0 $0x1BF5;
	p2 =	por !p2, p0  }
0x20: {  	[sflag:s8] =	ssyncset.s32 @!p0 $0xFFFFF086;
	s6 =	sadd.s32 @!p0 s3, s7;
	s7 =	simm.s32 @!p0 $0x108  }
0x21: {  	s3 =	sadd.s32 s3, s9;
	s6 =	sadd.s32 @!p0 $0x88, s6;
	s7 =	simm.s32 @p2 $0x1082  }
0x22: {  	[simem:s7], [sflag:s8] =	dma.local @!p0 [hbm:s6], $0xF7A  }
0x23: {  	s9 =	sor.u32 $0xD0000000, s2;
	s6 =	simm.s32 $0x108;
	_ =	swait.ge @!p0 [sflag:s8], $0x0  }
0x24: {  	s3 =	sadd.s32 $0x88, s3;
	s6 =	simm.s32 @!p1 $0x1082;
	[sflag:s4] =	ssyncset.s32 $0xFFFFF086  }
0x25: {  	[simem:s6], [sflag:s4] =	dma.local [hbm:s3], $0xF7A  }
0x26: {  	[smem:$0x3F92] =	sst s1;
	(tag) =	ssettag s2;
	_ =	strace s9  }
0x27: {  	s1 =	sld [smem:$0x3FA2]  }
0x28: {  	s2 =	sld [smem:$0x3FA3]  }
0x29: {  	s4 =	sld [smem:$0x3FA5]  }
0x2a: {  	p0 =	seq.s32 s5, $0x0;
	s5 =	sld [smem:$0x3FA6]  }
0x2b: {  	s6 =	sld [smem:$0x3FA7]  }
0x2c: {  	s7 =	sld [smem:$0x3FA8]  }
0x2d: {  	s3 =	simm.s32 $0x108;
	s8 =	sld [smem:$0x3FA9]  }
0x2e: {  	s3 =	simm.s32 @!p0 $0x1082;
	s9 =	sld [smem:$0x3FAA]  }
0x2f: {  	lr =	sadd.s32 s0, s3;
	s0 =	sld [smem:$0x3FA1]  }
0x30: {  	s3 =	sld [smem:$0x3FA4]  }
0x31: {  	[smem:$0x3FAD] =	sst s10  }
0x32: {  	s10 =	sld [smem:$0x3FAB];
	_ =	sdelay $0x3  }
0x33: {  	p0 =	seq.s32 s10, $0x1;
	s10 =	sld [smem:$0x3FAD];
	_ =	sdelay $0x3  }
0x34: {  	[smem:$0x3FAD] =	sst s10  }
0x35: {  	s10 =	sld [smem:$0x3FAC];
	_ =	sdelay $0x3  }
0x36: {  	p1 =	seq.s32 s10, $0x1;
	s10 =	sld [smem:$0x3FAD];
	_ =	sdelay $0x3  }
0x37: {  	[smem:$0x3FAD] =	sst s10  }
0x38: {  	s10 =	sld [smem:$0x3FAE]  }
0x39: {  	_ = 	snop;
	(pc) =	sbr.ind lr, $3  }
0x3a: {  	_ = 	snop  }
0x3b: {  	_ = 	snop  }
0x3c: {  	p2 =	seq.s32 s10, $0x1;
	s10 =	sld [smem:$0x3FAD]  }
0x3d: {  	_ =	shalt  }
0x3e: {  	_ =	shalt  }
0x3f: {  	_ =	shalt  }
0x40: {  	_ =	shalt  }
0x41: {  	_ =	shalt  }
0x42: {  	_ =	shalt  }
0x43: {  	_ =	shalt  }
0x44: {  	_ =	shalt  }
0x45: {  	_ =	shalt  }
0x46: {  	_ =	shalt  }
0x47: {  	_ =	shalt  }
0x48: {  	_ =	shalt  }
0x49: {  	_ =	shalt  }
0x4a: {  	_ =	shalt  }
0x4b: {  	_ =	shalt  }
0x4c: {  	_ =	shalt  }
0x4d: {  	_ =	shalt  }
0x4e: {  	_ =	shalt  }
0x4f: {  	_ =	shalt  }
0x50: {  	_ =	shalt  }
0x51: {  	_ =	shalt  }
0x52: {  	_ =	shalt  }
0x53: {  	_ =	shalt  }
0x54: {  	_ =	shalt  }
0x55: {  	_ =	shalt  }
0x56: {  	_ =	shalt  }
0x57: {  	_ =	shalt  }
0x58: {  	_ =	shalt  }
0x59: {  	_ =	shalt  }
0x5a: {  	_ =	shalt  }
0x5b: {  	_ =	shalt  }
0x5c: {  	_ =	shalt  }
0x5d: {  	_ =	shalt  }
0x5e: {  	_ =	shalt  }
0x5f: {  	_ =	shalt  }
0x60: {  	_ =	shalt  }
0x61: {  	_ =	shalt  }
0x62: {  	_ =	shalt  }
0x63: {  	_ =	shalt  }
0x64: {  	_ =	shalt  }
0x65: {  	_ =	shalt  }
0x66: {  	_ =	shalt  }
0x67: {  	_ =	shalt  }
0x68: {  	_ =	shalt  }
0x69: {  	_ =	shalt  }
0x6a: {  	_ =	shalt  }
0x6b: {  	_ =	shalt  }
0x6c: {  	_ =	shalt  }
0x6d: {  	_ =	shalt  }
0x6e: {  	_ =	shalt  }
0x6f: {  	_ =	shalt  }
0x70: {  	_ =	shalt  }
0x71: {  	_ =	shalt  }
0x72: {  	_ =	shalt  }
0x73: {  	_ =	shalt  }
0x74: {  	_ =	shalt  }
0x75: {  	_ =	shalt  }
0x76: {  	_ =	shalt  }
0x77: {  	_ =	shalt  }
0x78: {  	_ =	shalt  }
0x79: {  	_ =	shalt  }
0x7a: {  	_ =	shalt  }
0x7b: {  	_ =	shalt  }
0x7c: {  	_ =	shalt  }
0x7d: {  	_ =	shalt  }
0x7e: {  	_ =	shalt  }
0x7f: {  	_ =	shalt  }
0x80: {  	_ =	shalt  }
0x81: {  	_ =	shalt  }
0x82: {  	_ =	shalt  }
0x83: {  	_ =	shalt  }
0x84: {  	_ =	shalt  }
0x85: {  	_ =	shalt  }
0x86: {  	_ =	shalt  }
0x87: {  	_ =	shalt  }
.Lfunc_end0:
.L_simem_size_0:
called_computation.2_lowered:
.L_overlay_start_0:
0x88: {  	s2 =	sld [smem:$0x3FD9]  }
0x89: {  	s3 =	sld [smem:$0x3FFE];
	_ =	sdelay $0x1  }
0x8a: {  	s1 =	srdreg.scid  }
0x8b: {  	s0 =	sand.u32 $0x1, s1  }
0x8c: {  	s16 =	sshll.u32 s0, $0xA;
	s2 =	sadd.s32 s3, s2  }
0x8d: {  	s2 =	sadd.s32 s2, s16  }
0x8e: {  	[smem:$0x3FB9] =	sst s2  }
0x8f: {  	_ = 	snop  }
0x90: {  	(tm) =	ssettm $0x1  }
0x91: {  	s17 =	sld [smem:$0x3FFB];
	_ =	sdelay $0x3  }
0x92: {  	_ =	strace s17  }
0x93: {  	s2 =	sld [smem:$0x3FFC];
	_ =	sdelay $0x3  }
0x94: {  	_ =	strace s2  }
0x95: {  	s2 =	sld [smem:$0x3FFD];
	_ =	sdelay $0x3  }
0x96: {  	_ =	strace s2  }
0x97: {  	_ =	strace $0x8FFFFFFF  }
0x98: {  	s18 =	sld [smem:$0x3FDB];
	_ =	sdelay $0x1  }
0x99: {  	s19 =	simm.s32 $_scs_section_size  }
0x9a: {  	s4 =	simm.s32 $_size__tile_overlayer_lowered;
	s5 =	simm.s32 $_tile_overlayer_lowered  }
0x9b: {  	s22 =	simm.s32 $0x1BFF;
	s21 =	sshll.u32 s5, $0x1;
	s2 =	sadd.s32 s19, s18  }
0x9c: {  	s6 =	simm.s32 $0x0;
	s20 =	sshll.u32 s4, $0x1;
	s4 =	sadd.s32 s21, s2  }
0x9d: {  	[timem:s6], [sflag:s22] =	dma.local [hbm:s4], s20  }
0x9e: {  	_ =	swait.ge [sflag:s22], s20  }
0x9f: {  	s3 =	ssub.s32 $0x0, s20;
	[sflag:s22] =	ssyncset.done $0x0  }
0xa0: {  	[sflag:s22] =	ssyncadd.s32 s3;
	_ =	sdelay $0x1  }
0xa1: {  	s23 =	simm.s32 $0x1B8B  }
0xa2: {  	_ =	swait.ge [sflag:s23], $0x1  }
0xa3: {  	[sflag:s23] =	ssyncset.done $0x0  }
0xa4: {  	s25 =	simm.s32 $0x1B8E;
	s24 =	sld [smem:$0x3FFE];
	[sflag:s23] =	ssyncadd.s32 $0xFFFFFFFF  }
0xa5: {  	s26 =	simm.s32 $execute0_lowered;
	[smem:$0x3FD2] =	sst s25  }
0xa6: {  	s4 =	sshll.u32 s26, $0x1;
	_ =	strace $0x8000004C;
	[dreg:$0x1] =	wrdreg $0xFFFFFFFF  }
0xa7: {  	s28 =	simm.s32 $_size_execute0_lowered;
	s2 =	sadd.s32 s2, s4;
	[dreg:$0x0] =	wrdreg $0x0  }
0xa8: {  	s4 =	sshll.u32 s28, $0x1;
	[dreg:$0x2] =	wrdreg s2  }
0xa9: {  	[dreg:$0x3] =	wrdreg s4  }
0xaa: {  	[dreg:$0x4] =	wrdreg $0xC0  }
0xab: {  	_ =	task [dreg:s6], $0x5FFFF  }
0xac: {  	[dreg:$0x1] =	wrdreg $0xFFFFFFFF  }
0xad: {  	[dreg:$0x0] =	wrdreg $0x60  }
0xae: {  	[dreg:$0x2] =	wrdreg s24  }
0xaf: {  	[dreg:$0x3] =	wrdreg $0x9  }
0xb0: {  	_ =	task.clear_ibuf [dreg:s6], $0x4FFFF;
	_ =	strace $0x9000004C  }
0xb1: {  	s29 =	simm.s32 $0x9;
	_ =	strace $0x8000004E  }
0xb2: {  	_ =	swait.ge [sflag:s29], $0x1  }
0xb3: {  	[sflag:s29] =	ssyncadd.s32 $0xFFFFFFFF  }
0xb4: {  	_ =	strace $0x9000004E  }
0xb5: {  	_ =	sfence  }
0xb6: {  	s30 =	sld [smem:$0x0];
	_ =	sdelay $0x2  }
0xb7: {  	s31 =	sshll.u32 s1, $0xD;
	s1 =	sshrl.u32 s1, $0x2  }
0xb8: {  	s3 =	sand.u32 $0x4000, s31;
	s1 =	sadd.s32 s1, s30  }
0xb9: {  	s0 =	sor.u32 s3, s0;
	s1 =	sshll.u32 s1, $0x11  }
0xba: {  	s0 =	sor.u32 s1, s0  }
0xbb: {  	s0 =	sadd.s32 $0x8F2B, s0  }
0xbc: {  	[sflag:s0] =	ssyncadd.remote.s32 $0x1  }
0xbd: {  	_ =	sfence.sel $0xFFFF  }
0xbe: {  	[dreg:$0x0] =	wrdreg $0xFFFFFFFF;
	(pc) =	sbr.abs _section_cstart, $3  }
0xbf: {  	[dreg:$0x1] =	wrdreg $0xFFFFFFFF  }
0xc0: {  	_ =	task.clear_ibuf [dreg:s6], $0x2FFFF;
	_ =	strace $0x9FFFFFFF  }
0xc1: {  	(tm) =	ssettm $0x7FFFFFFF  }
tec
execute0_lowered:
.L_overlay_start_1:
0x0: {  	(tag) =	ssettag $0x1  }
0x1: {  	s1 =	srdreg.scid  }
0x2: {  	s0 =	stileid.u32;
	s5 =	rddreg [dreg:$0x0];
	s2 =	simm.s32 $0x0  }
0x3: {  	s10 =	simm.s32 $0xA000;
	s11 =	simm.s32 $0x14000;
	s12 =	simm.s32 $0x16800  }
0x4: {  	s3 =	sand.u32 $0x1, s1;
	s4 =	sshll.u32 s0, $0x1;
	s1 =	rddreg [dreg:$0x1]  }
0x5: {  	s13 =	simm.s32 $0x0;
	[smem:$0x7FF] =	sst s2;
	s4 =	sor.u32 s3, s4  }
0x6: {  	_ =	strace $0x8000004D;
	s8 =	ssub.s32 $0x2, s3;
	s6 =	smul.u32 $0x500, s4  }
0x7: {  	s3 =	sadd.s32 $0xD400, s5;
	s7 =	smul.u32 $0x1400, s4;
	s9 =	sshrl.u32 s8, $0x1  }
0x8: {  	s4 =	sadd.s32 $0xE800, s5;
	s8 =	ssub.s32 s8, s9;
	s9 =	simm.s32 $0x1  }
0x9: {  	s6 =	sadd.s32 s6, s5;
	s7 =	sadd.s32 s7, s5;
	s8 =	smax.u32 s8, $0x1  }
0xa: {  	s5 =	sadd.s32 $0xB7A00, s6;
	s6 =	sadd.s32 $0x3400, s6;
	s7 =	sadd.s32 $0x35400, s7  }
.LBB2_1:
0xb: {  	[tilespmem:s2], [sflag:$0x1] =	stream.linear.gather [hbm4b:s3+s2], $0xA000, $0x38;
	[tilespmem:$0x19000] =	vst v63  }
0xc: {  	_ =	swait.ge [sflag:s9], $0xA000  }
0xd: {  	[sflag:s9] =	ssyncset.done $0x0  }
0xe: {  	[sflag:s9] =	ssyncadd.s32 $0xFFFF6000  }
0xf: {  	[tilespmem:s10], [sflag:$0x1] =	stream.linear.gather [hbm4b:s4+s2], $0xA000, $0x38;
	[tilespmem:$0x19000] =	vst v63  }
0x10: {  	_ =	swait.ge [sflag:s9], $0xA000  }
0x11: {  	[sflag:s9] =	ssyncset.done $0x0  }
0x12: {  	[sflag:s9] =	ssyncadd.s32 $0xFFFF6000  }
0x13: {  	[tilespmem:s11], [sflag:$0x1] =	stream.linear.gather [hbm4b:s5+s2], $0x2800, $0x38;
	[tilespmem:$0x19000] =	vst v63  }
0x14: {  	_ =	swait.ge [sflag:s9], $0x2800  }
0x15: {  	[sflag:s9] =	ssyncset.done $0x0  }
0x16: {  	[sflag:s9] =	ssyncadd.s32 $0xFFFFD800  }
0x17: {  	[tilespmem:s12], [sflag:$0x1] =	stream.linear.gather [hbm4b:s6+s2], $0x2800, $0x38;
	[tilespmem:$0x19000] =	vst v63  }
0x18: {  	_ =	swait.ge [sflag:s9], $0x2800  }
0x19: {  	[sflag:s9] =	ssyncset.done $0x0  }
0x1a: {  	s14 =	simm.s32 $0x0;
	[sflag:s9] =	ssyncadd.s32 $0xFFFFD800  }
0x1b: {  	v0 =	vld [tilespmem:s14+$0x14000];
	_ =	sdelay $0x4  }
0x1c: {  	v1 =	vld [tilespmem:s14+$0x16800];
	_ =	sdelay $0x2  }
0x1d: {  	v2 =	vld.idx.msk [tilespmem:v0+s2+$0x0], $0xffff  }
0x1e: {  	v3 =	vadd.s32 $0x2800, v0;
	_ =	sdelay $0x3  }
0x1f: {  	[tilespmem:v1+s10+$0x0] =	vst.idx.add.f32.msk $0xffff, v2  }
0x20: {  	v2 =	vld.idx.msk [tilespmem:v3+s2+$0x0], $0xffff;
	v3 =	vadd.s32 $0x2800, v1  }
0x21: {  	v4 =	vadd.s32 $0x5000, v0;
	_ =	sdelay $0x3  }
0x22: {  	[tilespmem:v3+s10+$0x0] =	vst.idx.add.f32.msk $0xffff, v2  }
0x23: {  	v3 =	vadd.s32 $0x5000, v1;
	v2 =	vld.idx.msk [tilespmem:v4+s2+$0x0], $0xffff  }
0x24: {  	v0 =	vadd.s32 $0x7800, v0;
	_ =	sdelay $0x3  }
0x25: {  	[tilespmem:v3+s10+$0x0] =	vst.idx.add.f32.msk $0xffff, v2  }
0x26: {  	s15 =	simm.s32 $0x80;
	s14 =	simm.s32 $0x40;
	v1 =	vadd.s32 $0x7800, v1;
	v0 =	vld.idx.msk [tilespmem:v0+s2+$0x0], $0xffff  }
.LBB2_2:
0x27: {  	_ =	sdelay $0x2  }
0x28: {  	p0 =	sne.s32 s15, $0x9FC0  }
0x29: {  	s16 =	sshra.s32 s14, $0x2;
	s14 =	smov.u32 s15;
	s15 =	sadd.s32 $0x40, s15;
	[tilespmem:v1+s10+$0x0] =	vst.idx.add.f32.msk $0xffff, v0  }
0x2a: {  	v0 =	vld [tilespmem:s16+$0x14000];
	_ =	sdelay $0x5  }
0x2b: {  	v1 =	vld [tilespmem:s16+$0x16800];
	_ =	sdelay $0x1  }
0x2c: {  	v2 =	vld.idx.msk [tilespmem:v0+s2+$0x0], $0xffff;
	_ =	sdelay $0x1  }
0x2d: {  	v3 =	vadd.s32 $0x2800, v0;
	_ =	sdelay $0x3  }
0x2e: {  	[tilespmem:v1+s10+$0x0] =	vst.idx.add.f32.msk $0xffff, v2  }
0x2f: {  	v2 =	vld.idx.msk [tilespmem:v3+s2+$0x0], $0xffff  }
0x30: {  	v3 =	vadd.s32 $0x2800, v1  }
0x31: {  	v4 =	vadd.s32 $0x5000, v0;
	_ =	sdelay $0x3  }
0x32: {  	[tilespmem:v3+s10+$0x0] =	vst.idx.add.f32.msk $0xffff, v2  }
0x33: {  	v2 =	vld.idx.msk [tilespmem:v4+s2+$0x0], $0xffff  }
0x34: {  	v3 =	vadd.s32 $0x5000, v1  }
0x35: {  	v0 =	vadd.s32 $0x7800, v0;
	_ =	sdelay $0x1  }
.Ltmp0:
0x36: {  	(pc) =	sbr.rel @p0 .LBB2_2-.Ltmp0, $4  }
0x37: {  	_ = 	snop  }
0x38: {  	[tilespmem:v3+s10+$0x0] =	vst.idx.add.f32.msk $0xffff, v2  }
0x39: {  	v0 =	vld.idx.msk [tilespmem:v0+s2+$0x0], $0xffff  }
0x3a: {  	v1 =	vadd.s32 $0x7800, v1  }
0x3b: {  	_ =	sdelay $0x3  }
0x3c: {  	s14 =	sshra.s32 s14, $0x2;
	[tilespmem:v1+s10+$0x0] =	vst.idx.add.f32.msk $0xffff, v0  }
0x3d: {  	v0 =	vld [tilespmem:s14+$0x14000];
	_ =	sdelay $0x4  }
0x3e: {  	v1 =	vld [tilespmem:s14+$0x16800];
	_ =	sdelay $0x2  }
0x3f: {  	v2 =	vld.idx.msk [tilespmem:v0+s2+$0x0], $0xffff  }
0x40: {  	v3 =	vadd.s32 $0x2800, v0;
	_ =	sdelay $0x3  }
0x41: {  	[tilespmem:v1+s10+$0x0] =	vst.idx.add.f32.msk $0xffff, v2  }
0x42: {  	v62 =	vadd.s32 $0x2800, v1;
	v2 =	vld.idx.msk [tilespmem:v3+s2+$0x0], $0xffff  }
0x43: {  	v4 =	vadd.s32 $0x5000, v0;
	_ =	sdelay $0x3  }
0x44: {  	[tilespmem:v62+s10+$0x0] =	vst.idx.add.f32.msk $0xffff, v2  }
0x45: {  	v63 =	vadd.s32 $0x5000, v1;
	v2 =	vld.idx.msk [tilespmem:v4+s2+$0x0], $0xffff  }
0x46: {  	v0 =	vadd.s32 $0x7800, v0;
	_ =	sdelay $0x3  }
0x47: {  	[tilespmem:v63+s10+$0x0] =	vst.idx.add.f32.msk $0xffff, v2  }
0x48: {  	v1 =	vadd.s32 $0x7800, v1;
	v0 =	vld.idx.msk [tilespmem:v0+s2+$0x0], $0xffff;
	_ =	sdelay $0x2  }
0x49: {  	s13 =	sadd.s32 $0x1, s13  }
0x4a: {  	p0 =	sne.s32 s13, s8  }
.Ltmp1:
0x4b: {  	[tilespmem:v1+s10+$0x0] =	vst.idx.add.f32.msk $0xffff, v0;
	(pc) =	sbr.rel @p0 .LBB2_1-.Ltmp1, $4  }
0x4c: {  	[hbm4b:s7+s2] =	stream.linear.scatter [tilespmem:s10], [sflag:$0x1], $0xA000, $0x38;
	[tilespmem:$0x19000] =	vst v63  }
0x4d: {  	_ =	swait.ge [sflag:s9], $0xA000  }
0x4e: {  	[sflag:s9] =	ssyncset.done $0x0  }
0x4f: {  	[sflag:s9] =	ssyncadd.s32 $0xFFFF6000  }
0x50: {  	_ =	sfence.sel $0x180000  }
0x51: {  	[bflag:$0x0] =	sbarrier.arrive $0xFFFF  }
0x52: {  	p0 =	sne.s32 s0, $0x0;
	_ =	strace $0x9000004D  }
0x53: {  	s0 =	sadd.s32 @!p0 $0x100000, s1;
	[bflag:$0x2] =	sbarrier.arrive $0xFFFF  }
0x54: {  	[sflag:s0] =	ssyncadd.tile.s32 @!p0 $0x1;
	_ =	shalt  }
.Lfunc_end2:
_tile_overlayer_lowered:
.L_overlay_start_2:
0x55: {  	(tag) =	ssettag $0x2  }
0x56: {  	s0 =	rddreg [dreg:$0x0];
	s2 =	stileid.u32  }
0x57: {  	s1 =	rddreg [dreg:$0x1];
	p0 =	sne.s32 s2, $0x0  }
0x58: {  	s3 =	rddreg [dreg:$0x2];
	[bflag:$0x3] =	sbarrier.arrive $0xFFFF;
	s2 =	simm.s32 @!p0 $0x1C01  }
0x59: {  	[timem:s3], [sflag:s2] =	dma.local @!p0 [hbm:s0], s1  }
0x5a: {  	s0 =	simm.s32 @!p0 $0x1  }
0x5b: {  	_ =	swait.ge @!p0 [sflag:s0], s1  }
0x5c: {  	s1 =	ssub.s32 @!p0 $0x0, s1;
	[sflag:s0] =	ssyncset.done @!p0 $0x0  }
0x5d: {  	[sflag:s0] =	ssyncadd.s32 @!p0 s1  }
0x5e: {  	[bflag:$0x3] =	sbarrier.arrive $0xFFFF  }
0x5f: {  	_ =	shalt  }

// kernel: kernel.22.cloned.1.call-start
scs
__scs_entry_jumppad:
0x0: {  	(pc) =	sbr.rel $0x88, $3  }
0x1: {  	(tag) =	ssettag $0x0;
	lr =	simm.s32 $0x1  }
0x2: {  	[smem:$0x3F92] =	sst lr;
	_ =	strace $0xD0000000  }
0x3: {  	_ = 	snop  }
0x4: {  	_ = 	snop  }
0x5: {  	_ = 	snop  }
0x6: {  	_ = 	snop  }
0x7: {  	_ = 	snop  }
__scs_overlays_trampoline_lowered:
0x8: {  	[smem:$0x3FA1] =	sst s0  }
0x9: {  	[smem:$0x3FA2] =	sst s1  }
0xa: {  	[smem:$0x3FA3] =	sst s2  }
0xb: {  	[smem:$0x3FA4] =	sst s3  }
0xc: {  	[smem:$0x3FA5] =	sst s4  }
0xd: {  	[smem:$0x3FA6] =	sst s5  }
0xe: {  	[smem:$0x3FA7] =	sst s6  }
0xf: {  	[smem:$0x3FA8] =	sst s7  }
0x10: {  	[smem:$0x3FA9] =	sst s8  }
0x11: {  	[smem:$0x3FAA] =	sst s9;
	s0 =	simm.s32 @!p0 $0x0  }
0x12: {  	s1 =	sld [smem:$0x3F90];
	s0 =	simm.s32 @p0 $0x1  }
0x13: {  	[smem:$0x3FAB] =	sst s0;
	s0 =	simm.s32 @!p1 $0x0  }
0x14: {  	s2 =	sld [smem:$0x3F8F];
	s0 =	simm.s32 @p1 $0x1  }
0x15: {  	[smem:$0x3FAC] =	sst s0;
	s0 =	simm.s32 @!p2 $0x0  }
0x16: {  	s3 =	sld [smem:$0x3FDB];
	s0 =	simm.s32 @p2 $0x1  }
0x17: {  	s4 =	simm.s32 $0x1BF5;
	[smem:$0x3FAE] =	sst s0  }
0x18: {  	s0 =	sld [smem:$0x3F91];
	_ =	swait.ge [sflag:s4], $0x0  }
0x19: {  	s7 =	sld [smem:$0x3F92]  }
0x1a: {  	s8 =	sadd.s32 $0xFFFFE003, lr  }
0x1b: {  	s9 =	sadd.s32 $0xFFFFFEF7, lr;
	s5 =	simm.s32 $0xFFFFFFFF;
	p2 =	slt.u32 s8, $0xFFFFF086  }
0x1c: {  	p1 =	slt.u32 s9, $0xF7A;
	s5 =	simm.s32 @!p2 $0x0  }
0x1d: {  	s5 =	simm.s32 @p1 $0x1;
	p0 =	seq.s32 s7, s2  }
0x1e: {  	s7 =	smul.u32 @!p0 $0xF7A, s2;
	p2 =	seq.s32 @!p0 s5, $0x0  }
0x1f: {  	s9 =	smul.u32 $0xF7A, s1;
	s8 =	simm.s32 @!p0 $0x1BF5;
	p2 =	por !p2, p0  }
0x20: {  	[sflag:s8] =	ssyncset.s32 @!p0 $0xFFFFF086;
	s6 =	sadd.s32 @!p0 s3, s7;
	s7 =	simm.s32 @!p0 $0x108  }
0x21: {  	s3 =	sadd.s32 s3, s9;
	s6 =	sadd.s32 @!p0 $0x88, s6;
	s7 =	simm.s32 @p2 $0x1082  }
0x22: {  	[simem:s7], [sflag:s8] =	dma.local @!p0 [hbm:s6], $0xF7A  }
0x23: {  	s9 =	sor.u32 $0xD0000000, s2;
	s6 =	simm.s32 $0x108;
	_ =	swait.ge @!p0 [sflag:s8], $0x0  }
0x24: {  	s3 =	sadd.s32 $0x88, s3;
	s6 =	simm.s32 @!p1 $0x1082;
	[sflag:s4] =	ssyncset.s32 $0xFFFFF086  }
0x25: {  	[simem:s6], [sflag:s4] =	dma.local [hbm:s3], $0xF7A  }
0x26: {  	[smem:$0x3F92] =	sst s1;
	(tag) =	ssettag s2;
	_ =	strace s9  }
0x27: {  	s1 =	sld [smem:$0x3FA2]  }
0x28: {  	s2 =	sld [smem:$0x3FA3]  }
0x29: {  	s4 =	sld [smem:$0x3FA5]  }
0x2a: {  	p0 =	seq.s32 s5, $0x0;
	s5 =	sld [smem:$0x3FA6]  }
0x2b: {  	s6 =	sld [smem:$0x3FA7]  }
0x2c: {  	s7 =	sld [smem:$0x3FA8]  }
0x2d: {  	s3 =	simm.s32 $0x108;
	s8 =	sld [smem:$0x3FA9]  }
0x2e: {  	s3 =	simm.s32 @!p0 $0x1082;
	s9 =	sld [smem:$0x3FAA]  }
0x2f: {  	lr =	sadd.s32 s0, s3;
	s0 =	sld [smem:$0x3FA1]  }
0x30: {  	s3 =	sld [smem:$0x3FA4]  }
0x31: {  	[smem:$0x3FAD] =	sst s10  }
0x32: {  	s10 =	sld [smem:$0x3FAB];
	_ =	sdelay $0x3  }
0x33: {  	p0 =	seq.s32 s10, $0x1;
	s10 =	sld [smem:$0x3FAD];
	_ =	sdelay $0x3  }
0x34: {  	[smem:$0x3FAD] =	sst s10  }
0x35: {  	s10 =	sld [smem:$0x3FAC];
	_ =	sdelay $0x3  }
0x36: {  	p1 =	seq.s32 s10, $0x1;
	s10 =	sld [smem:$0x3FAD];
	_ =	sdelay $0x3  }
0x37: {  	[smem:$0x3FAD] =	sst s10  }
0x38: {  	s10 =	sld [smem:$0x3FAE]  }
0x39: {  	_ = 	snop;
	(pc) =	sbr.ind lr, $3  }
0x3a: {  	_ = 	snop  }
0x3b: {  	_ = 	snop  }
0x3c: {  	p2 =	seq.s32 s10, $0x1;
	s10 =	sld [smem:$0x3FAD]  }
0x3d: {  	_ =	shalt  }
0x3e: {  	_ =	shalt  }
0x3f: {  	_ =	shalt  }
0x40: {  	_ =	shalt  }
0x41: {  	_ =	shalt  }
0x42: {  	_ =	shalt  }
0x43: {  	_ =	shalt  }
0x44: {  	_ =	shalt  }
0x45: {  	_ =	shalt  }
0x46: {  	_ =	shalt  }
0x47: {  	_ =	shalt  }
0x48: {  	_ =	shalt  }
0x49: {  	_ =	shalt  }
0x4a: {  	_ =	shalt  }
0x4b: {  	_ =	shalt  }
0x4c: {  	_ =	shalt  }
0x4d: {  	_ =	shalt  }
0x4e: {  	_ =	shalt  }
0x4f: {  	_ =	shalt  }
0x50: {  	_ =	shalt  }
0x51: {  	_ =	shalt  }
0x52: {  	_ =	shalt  }
0x53: {  	_ =	shalt  }
0x54: {  	_ =	shalt  }
0x55: {  	_ =	shalt  }
0x56: {  	_ =	shalt  }
0x57: {  	_ =	shalt  }
0x58: {  	_ =	shalt  }
0x59: {  	_ =	shalt  }
0x5a: {  	_ =	shalt  }
0x5b: {  	_ =	shalt  }
0x5c: {  	_ =	shalt  }
0x5d: {  	_ =	shalt  }
0x5e: {  	_ =	shalt  }
0x5f: {  	_ =	shalt  }
0x60: {  	_ =	shalt  }
0x61: {  	_ =	shalt  }
0x62: {  	_ =	shalt  }
0x63: {  	_ =	shalt  }
0x64: {  	_ =	shalt  }
0x65: {  	_ =	shalt  }
0x66: {  	_ =	shalt  }
0x67: {  	_ =	shalt  }
0x68: {  	_ =	shalt  }
0x69: {  	_ =	shalt  }
0x6a: {  	_ =	shalt  }
0x6b: {  	_ =	shalt  }
0x6c: {  	_ =	shalt  }
0x6d: {  	_ =	shalt  }
0x6e: {  	_ =	shalt  }
0x6f: {  	_ =	shalt  }
0x70: {  	_ =	shalt  }
0x71: {  	_ =	shalt  }
0x72: {  	_ =	shalt  }
0x73: {  	_ =	shalt  }
0x74: {  	_ =	shalt  }
0x75: {  	_ =	shalt  }
0x76: {  	_ =	shalt  }
0x77: {  	_ =	shalt  }
0x78: {  	_ =	shalt  }
0x79: {  	_ =	shalt  }
0x7a: {  	_ =	shalt  }
0x7b: {  	_ =	shalt  }
0x7c: {  	_ =	shalt  }
0x7d: {  	_ =	shalt  }
0x7e: {  	_ =	shalt  }
0x7f: {  	_ =	shalt  }
0x80: {  	_ =	shalt  }
0x81: {  	_ =	shalt  }
0x82: {  	_ =	shalt  }
0x83: {  	_ =	shalt  }
0x84: {  	_ =	shalt  }
0x85: {  	_ =	shalt  }
0x86: {  	_ =	shalt  }
0x87: {  	_ =	shalt  }
.Lfunc_end0:
.L_simem_size_0:
called_computation.3_lowered:
.L_overlay_start_0:
0x88: {  	s2 =	sld [smem:$0x3FD9]  }
0x89: {  	s3 =	sld [smem:$0x3FFE];
	_ =	sdelay $0x1  }
0x8a: {  	s1 =	srdreg.scid  }
0x8b: {  	s0 =	sand.u32 $0x1, s1  }
0x8c: {  	s16 =	sshll.u32 s0, $0xA;
	s2 =	sadd.s32 s3, s2  }
0x8d: {  	s2 =	sadd.s32 s2, s16  }
0x8e: {  	[smem:$0x3FB9] =	sst s2  }
0x8f: {  	_ = 	snop  }
0x90: {  	(tm) =	ssettm $0x1  }
0x91: {  	s17 =	sld [smem:$0x3FFB];
	_ =	sdelay $0x3  }
0x92: {  	_ =	strace s17  }
0x93: {  	s2 =	sld [smem:$0x3FFC];
	_ =	sdelay $0x3  }
0x94: {  	_ =	strace s2  }
0x95: {  	s2 =	sld [smem:$0x3FFD];
	_ =	sdelay $0x3  }
0x96: {  	_ =	strace s2  }
0x97: {  	_ =	strace $0x8FFFFFFF  }
0x98: {  	s18 =	sld [smem:$0x3FDB];
	_ =	sdelay $0x1  }
0x99: {  	s19 =	simm.s32 $_scs_section_size  }
0x9a: {  	s4 =	simm.s32 $_size__tile_overlayer_lowered;
	s5 =	simm.s32 $_tile_overlayer_lowered  }
0x9b: {  	s22 =	simm.s32 $0x1BFF;
	s21 =	sshll.u32 s5, $0x1;
	s2 =	sadd.s32 s19, s18  }
0x9c: {  	s6 =	simm.s32 $0x0;
	s20 =	sshll.u32 s4, $0x1;
	s4 =	sadd.s32 s21, s2  }
0x9d: {  	[timem:s6], [sflag:s22] =	dma.local [hbm:s4], s20  }
0x9e: {  	_ =	swait.ge [sflag:s22], s20  }
0x9f: {  	s3 =	ssub.s32 $0x0, s20;
	[sflag:s22] =	ssyncset.done $0x0  }
0xa0: {  	[sflag:s22] =	ssyncadd.s32 s3;
	_ =	sdelay $0x1  }
0xa1: {  	s23 =	simm.s32 $0x1B8B  }
0xa2: {  	_ =	swait.ge [sflag:s23], $0x1  }
0xa3: {  	[sflag:s23] =	ssyncset.done $0x0  }
0xa4: {  	s25 =	simm.s32 $0x1B8E;
	s24 =	sld [smem:$0x3FFE];
	[sflag:s23] =	ssyncadd.s32 $0xFFFFFFFF  }
0xa5: {  	s26 =	simm.s32 $execute0_lowered;
	[smem:$0x3FD2] =	sst s25  }
0xa6: {  	s4 =	sshll.u32 s26, $0x1;
	_ =	strace $0x8000004F;
	[dreg:$0x1] =	wrdreg $0xFFFFFFFF  }
0xa7: {  	s28 =	simm.s32 $_size_execute0_lowered;
	s2 =	sadd.s32 s2, s4;
	[dreg:$0x0] =	wrdreg $0x0  }
0xa8: {  	s4 =	sshll.u32 s28, $0x1;
	[dreg:$0x2] =	wrdreg s2  }
0xa9: {  	[dreg:$0x3] =	wrdreg s4  }
0xaa: {  	[dreg:$0x4] =	wrdreg $0xC0  }
0xab: {  	_ =	task [dreg:s6], $0x5FFFF  }
0xac: {  	[dreg:$0x1] =	wrdreg $0xFFFFFFFF  }
0xad: {  	[dreg:$0x0] =	wrdreg $0x60  }
0xae: {  	[dreg:$0x2] =	wrdreg s24  }
0xaf: {  	[dreg:$0x3] =	wrdreg $0x9  }
0xb0: {  	_ =	task.clear_ibuf [dreg:s6], $0x4FFFF;
	_ =	strace $0x9000004F  }
0xb1: {  	s29 =	simm.s32 $0x9;
	_ =	strace $0x80000051  }
0xb2: {  	_ =	swait.ge [sflag:s29], $0x1  }
0xb3: {  	[sflag:s29] =	ssyncadd.s32 $0xFFFFFFFF  }
0xb4: {  	_ =	strace $0x90000051  }
0xb5: {  	_ =	sfence  }
0xb6: {  	s30 =	sld [smem:$0x0];
	_ =	sdelay $0x2  }
0xb7: {  	s31 =	sshll.u32 s1, $0xD;
	s1 =	sshrl.u32 s1, $0x2  }
0xb8: {  	s3 =	sand.u32 $0x4000, s31;
	s1 =	sadd.s32 s1, s30  }
0xb9: {  	s0 =	sor.u32 s3, s0;
	s1 =	sshll.u32 s1, $0x11  }
0xba: {  	s0 =	sor.u32 s1, s0  }
0xbb: {  	s0 =	sadd.s32 $0x8F2B, s0  }
0xbc: {  	[sflag:s0] =	ssyncadd.remote.s32 $0x1  }
0xbd: {  	_ =	sfence.sel $0xFFFF  }
0xbe: {  	[dreg:$0x0] =	wrdreg $0xFFFFFFFF;
	(pc) =	sbr.abs _section_cstart, $3  }
0xbf: {  	[dreg:$0x1] =	wrdreg $0xFFFFFFFF  }
0xc0: {  	_ =	task.clear_ibuf [dreg:s6], $0x2FFFF;
	_ =	strace $0x9FFFFFFF  }
0xc1: {  	(tm) =	ssettm $0x7FFFFFFF  }
tec
execute0_lowered:
.L_overlay_start_1:
0x0: {  	(tag) =	ssettag $0x1  }
0x1: {  	s1 =	srdreg.scid  }
0x2: {  	s0 =	stileid.u32;
	s5 =	rddreg [dreg:$0x0];
	s2 =	simm.s32 $0x0  }
0x3: {  	s10 =	simm.s32 $0xA000;
	s11 =	simm.s32 $0x14000;
	s12 =	simm.s32 $0x16800  }
0x4: {  	s3 =	sand.u32 $0x1, s1;
	s4 =	sshll.u32 s0, $0x1;
	s1 =	rddreg [dreg:$0x1]  }
0x5: {  	s13 =	simm.s32 $0x0;
	[smem:$0x7FF] =	sst s2;
	s4 =	sor.u32 s3, s4  }
0x6: {  	_ =	strace $0x80000050;
	s8 =	ssub.s32 $0x2, s3;
	s6 =	smul.u32 $0x500, s4  }
0x7: {  	s3 =	sadd.s32 $0xD400, s5;
	s7 =	smul.u32 $0x1400, s4;
	s9 =	sshrl.u32 s8, $0x1  }
0x8: {  	s4 =	sadd.s32 $0xE800, s5;
	s8 =	ssub.s32 s8, s9;
	s9 =	simm.s32 $0x1  }
0x9: {  	s6 =	sadd.s32 s6, s5;
	s7 =	sadd.s32 s7, s5;
	s8 =	smax.u32 s8, $0x1  }
0xa: {  	s5 =	sadd.s32 $0xB7A00, s6;
	s6 =	sadd.s32 $0x3400, s6;
	s7 =	sadd.s32 $0x35400, s7  }
.LBB2_1:
0xb: {  	[tilespmem:s2], [sflag:$0x1] =	stream.linear.gather [hbm4b:s3+s2], $0xA000, $0x38;
	[tilespmem:$0x19000] =	vst v63  }
0xc: {  	_ =	swait.ge [sflag:s9], $0xA000  }
0xd: {  	[sflag:s9] =	ssyncset.done $0x0  }
0xe: {  	[sflag:s9] =	ssyncadd.s32 $0xFFFF6000  }
0xf: {  	[tilespmem:s10], [sflag:$0x1] =	stream.linear.gather [hbm4b:s4+s2], $0xA000, $0x38;
	[tilespmem:$0x19000] =	vst v63  }
0x10: {  	_ =	swait.ge [sflag:s9], $0xA000  }
0x11: {  	[sflag:s9] =	ssyncset.done $0x0  }
0x12: {  	[sflag:s9] =	ssyncadd.s32 $0xFFFF6000  }
0x13: {  	[tilespmem:s11], [sflag:$0x1] =	stream.linear.gather [hbm4b:s5+s2], $0x2800, $0x38;
	[tilespmem:$0x19000] =	vst v63  }
0x14: {  	_ =	swait.ge [sflag:s9], $0x2800  }
0x15: {  	[sflag:s9] =	ssyncset.done $0x0  }
0x16: {  	[sflag:s9] =	ssyncadd.s32 $0xFFFFD800  }
0x17: {  	[tilespmem:s12], [sflag:$0x1] =	stream.linear.gather [hbm4b:s6+s2], $0x2800, $0x38;
	[tilespmem:$0x19000] =	vst v63  }
0x18: {  	_ =	swait.ge [sflag:s9], $0x2800  }
0x19: {  	[sflag:s9] =	ssyncset.done $0x0  }
0x1a: {  	s14 =	simm.s32 $0x0;
	[sflag:s9] =	ssyncadd.s32 $0xFFFFD800  }
0x1b: {  	v0 =	vld [tilespmem:s14+$0x14000];
	_ =	sdelay $0x4  }
0x1c: {  	v1 =	vld [tilespmem:s14+$0x16800];
	_ =	sdelay $0x2  }
0x1d: {  	v2 =	vld.idx.msk [tilespmem:v0+s2+$0x0], $0xffff  }
0x1e: {  	v3 =	vadd.s32 $0x2800, v0;
	_ =	sdelay $0x3  }
0x1f: {  	[tilespmem:v1+s10+$0x0] =	vst.idx.add.f32.msk $0xffff, v2  }
0x20: {  	v2 =	vld.idx.msk [tilespmem:v3+s2+$0x0], $0xffff;
	v3 =	vadd.s32 $0x2800, v1  }
0x21: {  	v4 =	vadd.s32 $0x5000, v0;
	_ =	sdelay $0x3  }
0x22: {  	[tilespmem:v3+s10+$0x0] =	vst.idx.add.f32.msk $0xffff, v2  }
0x23: {  	v3 =	vadd.s32 $0x5000, v1;
	v2 =	vld.idx.msk [tilespmem:v4+s2+$0x0], $0xffff  }
0x24: {  	v0 =	vadd.s32 $0x7800, v0;
	_ =	sdelay $0x3  }
0x25: {  	[tilespmem:v3+s10+$0x0] =	vst.idx.add.f32.msk $0xffff, v2  }
0x26: {  	s15 =	simm.s32 $0x80;
	s14 =	simm.s32 $0x40;
	v1 =	vadd.s32 $0x7800, v1;
	v0 =	vld.idx.msk [tilespmem:v0+s2+$0x0], $0xffff  }
.LBB2_2:
0x27: {  	_ =	sdelay $0x2  }
0x28: {  	p0 =	sne.s32 s15, $0x9FC0  }
0x29: {  	s16 =	sshra.s32 s14, $0x2;
	s14 =	smov.u32 s15;
	s15 =	sadd.s32 $0x40, s15;
	[tilespmem:v1+s10+$0x0] =	vst.idx.add.f32.msk $0xffff, v0  }
0x2a: {  	v0 =	vld [tilespmem:s16+$0x14000];
	_ =	sdelay $0x5  }
0x2b: {  	v1 =	vld [tilespmem:s16+$0x16800];
	_ =	sdelay $0x1  }
0x2c: {  	v2 =	vld.idx.msk [tilespmem:v0+s2+$0x0], $0xffff;
	_ =	sdelay $0x1  }
0x2d: {  	v3 =	vadd.s32 $0x2800, v0;
	_ =	sdelay $0x3  }
0x2e: {  	[tilespmem:v1+s10+$0x0] =	vst.idx.add.f32.msk $0xffff, v2  }
0x2f: {  	v2 =	vld.idx.msk [tilespmem:v3+s2+$0x0], $0xffff  }
0x30: {  	v3 =	vadd.s32 $0x2800, v1  }
0x31: {  	v4 =	vadd.s32 $0x5000, v0;
	_ =	sdelay $0x3  }
0x32: {  	[tilespmem:v3+s10+$0x0] =	vst.idx.add.f32.msk $0xffff, v2  }
0x33: {  	v2 =	vld.idx.msk [tilespmem:v4+s2+$0x0], $0xffff  }
0x34: {  	v3 =	vadd.s32 $0x5000, v1  }
0x35: {  	v0 =	vadd.s32 $0x7800, v0;
	_ =	sdelay $0x1  }
.Ltmp0:
0x36: {  	(pc) =	sbr.rel @p0 .LBB2_2-.Ltmp0, $4  }
0x37: {  	_ = 	snop  }
0x38: {  	[tilespmem:v3+s10+$0x0] =	vst.idx.add.f32.msk $0xffff, v2  }
0x39: {  	v0 =	vld.idx.msk [tilespmem:v0+s2+$0x0], $0xffff  }
0x3a: {  	v1 =	vadd.s32 $0x7800, v1  }
0x3b: {  	_ =	sdelay $0x3  }
0x3c: {  	s14 =	sshra.s32 s14, $0x2;
	[tilespmem:v1+s10+$0x0] =	vst.idx.add.f32.msk $0xffff, v0  }
0x3d: {  	v0 =	vld [tilespmem:s14+$0x14000];
	_ =	sdelay $0x4  }
0x3e: {  	v1 =	vld [tilespmem:s14+$0x16800];
	_ =	sdelay $0x2  }
0x3f: {  	v2 =	vld.idx.msk [tilespmem:v0+s2+$0x0], $0xffff  }
0x40: {  	v3 =	vadd.s32 $0x2800, v0;
	_ =	sdelay $0x3  }
0x41: {  	[tilespmem:v1+s10+$0x0] =	vst.idx.add.f32.msk $0xffff, v2  }
0x42: {  	v62 =	vadd.s32 $0x2800, v1;
	v2 =	vld.idx.msk [tilespmem:v3+s2+$0x0], $0xffff  }
0x43: {  	v4 =	vadd.s32 $0x5000, v0;
	_ =	sdelay $0x3  }
0x44: {  	[tilespmem:v62+s10+$0x0] =	vst.idx.add.f32.msk $0xffff, v2  }
0x45: {  	v63 =	vadd.s32 $0x5000, v1;
	v2 =	vld.idx.msk [tilespmem:v4+s2+$0x0], $0xffff  }
0x46: {  	v0 =	vadd.s32 $0x7800, v0;
	_ =	sdelay $0x3  }
0x47: {  	[tilespmem:v63+s10+$0x0] =	vst.idx.add.f32.msk $0xffff, v2  }
0x48: {  	v1 =	vadd.s32 $0x7800, v1;
	v0 =	vld.idx.msk [tilespmem:v0+s2+$0x0], $0xffff;
	_ =	sdelay $0x2  }
0x49: {  	s13 =	sadd.s32 $0x1, s13  }
0x4a: {  	p0 =	sne.s32 s13, s8  }
.Ltmp1:
0x4b: {  	[tilespmem:v1+s10+$0x0] =	vst.idx.add.f32.msk $0xffff, v0;
	(pc) =	sbr.rel @p0 .LBB2_1-.Ltmp1, $4  }
0x4c: {  	[hbm4b:s7+s2] =	stream.linear.scatter [tilespmem:s10], [sflag:$0x1], $0xA000, $0x38;
	[tilespmem:$0x19000] =	vst v63  }
0x4d: {  	_ =	swait.ge [sflag:s9], $0xA000  }
0x4e: {  	[sflag:s9] =	ssyncset.done $0x0  }
0x4f: {  	[sflag:s9] =	ssyncadd.s32 $0xFFFF6000  }
0x50: {  	_ =	sfence.sel $0x180000  }
0x51: {  	[bflag:$0x0] =	sbarrier.arrive $0xFFFF  }
0x52: {  	p0 =	sne.s32 s0, $0x0;
	_ =	strace $0x90000050  }
0x53: {  	s0 =	sadd.s32 @!p0 $0x100000, s1;
	[bflag:$0x2] =	sbarrier.arrive $0xFFFF  }
0x54: {  	[sflag:s0] =	ssyncadd.tile.s32 @!p0 $0x1;
	_ =	shalt  }
.Lfunc_end2:
_tile_overlayer_lowered:
.L_overlay_start_2:
0x55: {  	(tag) =	ssettag $0x2  }
0x56: {  	s0 =	rddreg [dreg:$0x0];
	s2 =	stileid.u32  }
0x57: {  	s1 =	rddreg [dreg:$0x1];
	p0 =	sne.s32 s2, $0x0  }
0x58: {  	s3 =	rddreg [dreg:$0x2];
	[bflag:$0x3] =	sbarrier.arrive $0xFFFF;
	s2 =	simm.s32 @!p0 $0x1C01  }
0x59: {  	[timem:s3], [sflag:s2] =	dma.local @!p0 [hbm:s0], s1  }
0x5a: {  	s0 =	simm.s32 @!p0 $0x1  }
0x5b: {  	_ =	swait.ge @!p0 [sflag:s0], s1  }
0x5c: {  	s1 =	ssub.s32 @!p0 $0x0, s1;
	[sflag:s0] =	ssyncset.done @!p0 $0x0  }
0x5d: {  	[sflag:s0] =	ssyncadd.s32 @!p0 s1  }
0x5e: {  	[bflag:$0x3] =	sbarrier.arrive $0xFFFF  }
0x5f: {  	_ =	shalt  }

// kernel: kernel.25.cloned.1.call-start
scs
__scs_entry_jumppad:
0x0: {  	(pc) =	sbr.rel $0x88, $3  }
0x1: {  	(tag) =	ssettag $0x0;
	lr =	simm.s32 $0x1  }
0x2: {  	[smem:$0x3F92] =	sst lr;
	_ =	strace $0xD0000000  }
0x3: {  	_ = 	snop  }
0x4: {  	_ = 	snop  }
0x5: {  	_ = 	snop  }
0x6: {  	_ = 	snop  }
0x7: {  	_ = 	snop  }
__scs_overlays_trampoline_lowered:
0x8: {  	[smem:$0x3FA1] =	sst s0  }
0x9: {  	[smem:$0x3FA2] =	sst s1  }
0xa: {  	[smem:$0x3FA3] =	sst s2  }
0xb: {  	[smem:$0x3FA4] =	sst s3  }
0xc: {  	[smem:$0x3FA5] =	sst s4  }
0xd: {  	[smem:$0x3FA6] =	sst s5  }
0xe: {  	[smem:$0x3FA7] =	sst s6  }
0xf: {  	[smem:$0x3FA8] =	sst s7  }
0x10: {  	[smem:$0x3FA9] =	sst s8  }
0x11: {  	[smem:$0x3FAA] =	sst s9;
	s0 =	simm.s32 @!p0 $0x0  }
0x12: {  	s1 =	sld [smem:$0x3F90];
	s0 =	simm.s32 @p0 $0x1  }
0x13: {  	[smem:$0x3FAB] =	sst s0;
	s0 =	simm.s32 @!p1 $0x0  }
0x14: {  	s2 =	sld [smem:$0x3F8F];
	s0 =	simm.s32 @p1 $0x1  }
0x15: {  	[smem:$0x3FAC] =	sst s0;
	s0 =	simm.s32 @!p2 $0x0  }
0x16: {  	s3 =	sld [smem:$0x3FDB];
	s0 =	simm.s32 @p2 $0x1  }
0x17: {  	s4 =	simm.s32 $0x1BF5;
	[smem:$0x3FAE] =	sst s0  }
0x18: {  	s0 =	sld [smem:$0x3F91];
	_ =	swait.ge [sflag:s4], $0x0  }
0x19: {  	s7 =	sld [smem:$0x3F92]  }
0x1a: {  	s8 =	sadd.s32 $0xFFFFE003, lr  }
0x1b: {  	s9 =	sadd.s32 $0xFFFFFEF7, lr;
	s5 =	simm.s32 $0xFFFFFFFF;
	p2 =	slt.u32 s8, $0xFFFFF086  }
0x1c: {  	p1 =	slt.u32 s9, $0xF7A;
	s5 =	simm.s32 @!p2 $0x0  }
0x1d: {  	s5 =	simm.s32 @p1 $0x1;
	p0 =	seq.s32 s7, s2  }
0x1e: {  	s7 =	smul.u32 @!p0 $0xF7A, s2;
	p2 =	seq.s32 @!p0 s5, $0x0  }
0x1f: {  	s9 =	smul.u32 $0xF7A, s1;
	s8 =	simm.s32 @!p0 $0x1BF5;
	p2 =	por !p2, p0  }
0x20: {  	[sflag:s8] =	ssyncset.s32 @!p0 $0xFFFFF086;
	s6 =	sadd.s32 @!p0 s3, s7;
	s7 =	simm.s32 @!p0 $0x108  }
0x21: {  	s3 =	sadd.s32 s3, s9;
	s6 =	sadd.s32 @!p0 $0x88, s6;
	s7 =	simm.s32 @p2 $0x1082  }
0x22: {  	[simem:s7], [sflag:s8] =	dma.local @!p0 [hbm:s6], $0xF7A  }
0x23: {  	s9 =	sor.u32 $0xD0000000, s2;
	s6 =	simm.s32 $0x108;
	_ =	swait.ge @!p0 [sflag:s8], $0x0  }
0x24: {  	s3 =	sadd.s32 $0x88, s3;
	s6 =	simm.s32 @!p1 $0x1082;
	[sflag:s4] =	ssyncset.s32 $0xFFFFF086  }
0x25: {  	[simem:s6], [sflag:s4] =	dma.local [hbm:s3], $0xF7A  }
0x26: {  	[smem:$0x3F92] =	sst s1;
	(tag) =	ssettag s2;
	_ =	strace s9  }
0x27: {  	s1 =	sld [smem:$0x3FA2]  }
0x28: {  	s2 =	sld [smem:$0x3FA3]  }
0x29: {  	s4 =	sld [smem:$0x3FA5]  }
0x2a: {  	p0 =	seq.s32 s5, $0x0;
	s5 =	sld [smem:$0x3FA6]  }
0x2b: {  	s6 =	sld [smem:$0x3FA7]  }
0x2c: {  	s7 =	sld [smem:$0x3FA8]  }
0x2d: {  	s3 =	simm.s32 $0x108;
	s8 =	sld [smem:$0x3FA9]  }
0x2e: {  	s3 =	simm.s32 @!p0 $0x1082;
	s9 =	sld [smem:$0x3FAA]  }
0x2f: {  	lr =	sadd.s32 s0, s3;
	s0 =	sld [smem:$0x3FA1]  }
0x30: {  	s3 =	sld [smem:$0x3FA4]  }
0x31: {  	[smem:$0x3FAD] =	sst s10  }
0x32: {  	s10 =	sld [smem:$0x3FAB];
	_ =	sdelay $0x3  }
0x33: {  	p0 =	seq.s32 s10, $0x1;
	s10 =	sld [smem:$0x3FAD];
	_ =	sdelay $0x3  }
0x34: {  	[smem:$0x3FAD] =	sst s10  }
0x35: {  	s10 =	sld [smem:$0x3FAC];
	_ =	sdelay $0x3  }
0x36: {  	p1 =	seq.s32 s10, $0x1;
	s10 =	sld [smem:$0x3FAD];
	_ =	sdelay $0x3  }
0x37: {  	[smem:$0x3FAD] =	sst s10  }
0x38: {  	s10 =	sld [smem:$0x3FAE]  }
0x39: {  	_ = 	snop;
	(pc) =	sbr.ind lr, $3  }
0x3a: {  	_ = 	snop  }
0x3b: {  	_ = 	snop  }
0x3c: {  	p2 =	seq.s32 s10, $0x1;
	s10 =	sld [smem:$0x3FAD]  }
0x3d: {  	_ =	shalt  }
0x3e: {  	_ =	shalt  }
0x3f: {  	_ =	shalt  }
0x40: {  	_ =	shalt  }
0x41: {  	_ =	shalt  }
0x42: {  	_ =	shalt  }
0x43: {  	_ =	shalt  }
0x44: {  	_ =	shalt  }
0x45: {  	_ =	shalt  }
0x46: {  	_ =	shalt  }
0x47: {  	_ =	shalt  }
0x48: {  	_ =	shalt  }
0x49: {  	_ =	shalt  }
0x4a: {  	_ =	shalt  }
0x4b: {  	_ =	shalt  }
0x4c: {  	_ =	shalt  }
0x4d: {  	_ =	shalt  }
0x4e: {  	_ =	shalt  }
0x4f: {  	_ =	shalt  }
0x50: {  	_ =	shalt  }
0x51: {  	_ =	shalt  }
0x52: {  	_ =	shalt  }
0x53: {  	_ =	shalt  }
0x54: {  	_ =	shalt  }
0x55: {  	_ =	shalt  }
0x56: {  	_ =	shalt  }
0x57: {  	_ =	shalt  }
0x58: {  	_ =	shalt  }
0x59: {  	_ =	shalt  }
0x5a: {  	_ =	shalt  }
0x5b: {  	_ =	shalt  }
0x5c: {  	_ =	shalt  }
0x5d: {  	_ =	shalt  }
0x5e: {  	_ =	shalt  }
0x5f: {  	_ =	shalt  }
0x60: {  	_ =	shalt  }
0x61: {  	_ =	shalt  }
0x62: {  	_ =	shalt  }
0x63: {  	_ =	shalt  }
0x64: {  	_ =	shalt  }
0x65: {  	_ =	shalt  }
0x66: {  	_ =	shalt  }
0x67: {  	_ =	shalt  }
0x68: {  	_ =	shalt  }
0x69: {  	_ =	shalt  }
0x6a: {  	_ =	shalt  }
0x6b: {  	_ =	shalt  }
0x6c: {  	_ =	shalt  }
0x6d: {  	_ =	shalt  }
0x6e: {  	_ =	shalt  }
0x6f: {  	_ =	shalt  }
0x70: {  	_ =	shalt  }
0x71: {  	_ =	shalt  }
0x72: {  	_ =	shalt  }
0x73: {  	_ =	shalt  }
0x74: {  	_ =	shalt  }
0x75: {  	_ =	shalt  }
0x76: {  	_ =	shalt  }
0x77: {  	_ =	shalt  }
0x78: {  	_ =	shalt  }
0x79: {  	_ =	shalt  }
0x7a: {  	_ =	shalt  }
0x7b: {  	_ =	shalt  }
0x7c: {  	_ =	shalt  }
0x7d: {  	_ =	shalt  }
0x7e: {  	_ =	shalt  }
0x7f: {  	_ =	shalt  }
0x80: {  	_ =	shalt  }
0x81: {  	_ =	shalt  }
0x82: {  	_ =	shalt  }
0x83: {  	_ =	shalt  }
0x84: {  	_ =	shalt  }
0x85: {  	_ =	shalt  }
0x86: {  	_ =	shalt  }
0x87: {  	_ =	shalt  }
.Lfunc_end0:
.L_simem_size_0:
called_computation.4_lowered:
.L_overlay_start_0:
0x88: {  	s2 =	sld [smem:$0x3FD9]  }
0x89: {  	s3 =	sld [smem:$0x3FFE];
	_ =	sdelay $0x1  }
0x8a: {  	s1 =	srdreg.scid  }
0x8b: {  	s0 =	sand.u32 $0x1, s1  }
0x8c: {  	s16 =	sshll.u32 s0, $0xA;
	s2 =	sadd.s32 s3, s2  }
0x8d: {  	s2 =	sadd.s32 s2, s16  }
0x8e: {  	[smem:$0x3FB9] =	sst s2  }
0x8f: {  	_ = 	snop  }
0x90: {  	(tm) =	ssettm $0x1  }
0x91: {  	s17 =	sld [smem:$0x3FFB];
	_ =	sdelay $0x3  }
0x92: {  	_ =	strace s17  }
0x93: {  	s2 =	sld [smem:$0x3FFC];
	_ =	sdelay $0x3  }
0x94: {  	_ =	strace s2  }
0x95: {  	s2 =	sld [smem:$0x3FFD];
	_ =	sdelay $0x3  }
0x96: {  	_ =	strace s2  }
0x97: {  	_ =	strace $0x8FFFFFFF  }
0x98: {  	s18 =	sld [smem:$0x3FDB];
	_ =	sdelay $0x1  }
0x99: {  	s19 =	simm.s32 $_scs_section_size  }
0x9a: {  	s4 =	simm.s32 $_size__tile_overlayer_lowered;
	s5 =	simm.s32 $_tile_overlayer_lowered  }
0x9b: {  	s22 =	simm.s32 $0x1BFF;
	s21 =	sshll.u32 s5, $0x1;
	s2 =	sadd.s32 s19, s18  }
0x9c: {  	s6 =	simm.s32 $0x0;
	s20 =	sshll.u32 s4, $0x1;
	s4 =	sadd.s32 s21, s2  }
0x9d: {  	[timem:s6], [sflag:s22] =	dma.local [hbm:s4], s20  }
0x9e: {  	_ =	swait.ge [sflag:s22], s20  }
0x9f: {  	s3 =	ssub.s32 $0x0, s20;
	[sflag:s22] =	ssyncset.done $0x0  }
0xa0: {  	[sflag:s22] =	ssyncadd.s32 s3;
	_ =	sdelay $0x1  }
0xa1: {  	s23 =	simm.s32 $0x1B8B  }
0xa2: {  	_ =	swait.ge [sflag:s23], $0x1  }
0xa3: {  	[sflag:s23] =	ssyncset.done $0x0  }
0xa4: {  	s25 =	simm.s32 $0x1B8E;
	s24 =	sld [smem:$0x3FFE];
	[sflag:s23] =	ssyncadd.s32 $0xFFFFFFFF  }
0xa5: {  	s26 =	simm.s32 $execute0_lowered;
	[smem:$0x3FD2] =	sst s25  }
0xa6: {  	s4 =	sshll.u32 s26, $0x1;
	_ =	strace $0x80000052;
	[dreg:$0x1] =	wrdreg $0xFFFFFFFF  }
0xa7: {  	s28 =	simm.s32 $_size_execute0_lowered;
	s2 =	sadd.s32 s2, s4;
	[dreg:$0x0] =	wrdreg $0x0  }
0xa8: {  	s4 =	sshll.u32 s28, $0x1;
	[dreg:$0x2] =	wrdreg s2  }
0xa9: {  	[dreg:$0x3] =	wrdreg s4  }
0xaa: {  	[dreg:$0x4] =	wrdreg $0xC0  }
0xab: {  	_ =	task [dreg:s6], $0x5FFFF  }
0xac: {  	[dreg:$0x1] =	wrdreg $0xFFFFFFFF  }
0xad: {  	[dreg:$0x0] =	wrdreg $0x60  }
0xae: {  	[dreg:$0x2] =	wrdreg s24  }
0xaf: {  	[dreg:$0x3] =	wrdreg $0x150000  }
0xb0: {  	[dreg:$0x4] =	wrdreg $0x9  }
0xb1: {  	_ =	task.clear_ibuf [dreg:s6], $0x5FFFF;
	_ =	strace $0x90000052  }
0xb2: {  	s29 =	simm.s32 $0x9;
	_ =	strace $0x80000054  }
0xb3: {  	_ =	swait.ge [sflag:s29], $0x1  }
0xb4: {  	[sflag:s29] =	ssyncadd.s32 $0xFFFFFFFF  }
0xb5: {  	_ =	strace $0x90000054  }
0xb6: {  	_ =	sfence  }
0xb7: {  	s30 =	sld [smem:$0x0];
	_ =	sdelay $0x2  }
0xb8: {  	s31 =	sshll.u32 s1, $0xD;
	s1 =	sshrl.u32 s1, $0x2  }
0xb9: {  	s3 =	sand.u32 $0x4000, s31;
	s1 =	sadd.s32 s1, s30  }
0xba: {  	s0 =	sor.u32 s3, s0;
	s1 =	sshll.u32 s1, $0x11  }
0xbb: {  	s0 =	sor.u32 s1, s0  }
0xbc: {  	s0 =	sadd.s32 $0x8F2B, s0  }
0xbd: {  	[sflag:s0] =	ssyncadd.remote.s32 $0x1  }
0xbe: {  	_ =	sfence.sel $0xFFFF  }
0xbf: {  	[dreg:$0x0] =	wrdreg $0xFFFFFFFF;
	(pc) =	sbr.abs _section_cstart, $3  }
0xc0: {  	[dreg:$0x1] =	wrdreg $0xFFFFFFFF  }
0xc1: {  	_ =	task.clear_ibuf [dreg:s6], $0x2FFFF;
	_ =	strace $0x9FFFFFFF  }
0xc2: {  	(tm) =	ssettm $0x7FFFFFFF  }
0xc3: {  	_ =	shalt  }
tec
execute0_lowered:
.L_overlay_start_1:
0x0: {  	(tag) =	ssettag $0x1  }
0x1: {  	s0 =	srdreg.scid  }
0x2: {  	s9 =	stileid.u32;
	s1 =	rddreg [dreg:$0x0]  }
0x3: {  	s2 =	rddreg [dreg:$0x1];
	s4 =	simm.s32 $0x0;
	s13 =	simm.s32 $0x80  }
0x4: {  	s14 =	simm.s32 $0x5000;
	s15 =	simm.s32 $0x7000;
	s16 =	simm.s32 $0x9000  }
0x5: {  	s17 =	simm.s32 $0xB000;
	s18 =	simm.s32 $0xD000;
	s19 =	simm.s32 $0xF000  }
0x6: {  	s20 =	simm.s32 $0x11000;
	s21 =	simm.s32 $0x13000;
	s22 =	simm.s32 $0x1  }
0x7: {  	s28 =	simm.s32 $0x5;
	s29 =	simm.s32 $0x6;
	s30 =	simm.s32 $0x7  }
0x8: {  	s31 =	simm.s32 $0x8;
	s12 =	simm.s32 $0xB;
	s0 =	sand.u32 $0x1, s0  }
0x9: {  	s3 =	sshll.u32 s9, $0x1;
	[smem:$0x7FF] =	sst s4;
	s5 =	smul.u32 $0xA000, s9  }
0xa: {  	s4 =	sadd.s32 $0xD400, s1;
	s24 =	sshll.u32 s9, $0x6;
	s9 =	simm.s32 $0x10  }
0xb: {  	s3 =	sor.u32 s0, s3;
	_ =	strace $0x80000053;
	s6 =	smul.u32 $0x14000, s0  }
0xc: {  	s0 =	ssub.s32 $0x2, s0;
	s10 =	sor.u32 $0x1C11, s24;
	s24 =	simm.s32 $0x11  }
0xd: {  	s3 =	smul.u32 $0x500, s3;
	s7 =	sshrl.u32 s5, $0x3;
	s23 =	sshrl.u32 s0, $0x1  }
0xe: {  	s5 =	sadd.s32 s5, s2;
	[dreg:$0x4] =	wrdreg s10;
	s8 =	sadd.s32 s7, s1  }
0xf: {  	s0 =	ssub.s32 s0, s23;
	s11 =	sshrl.u32 s5, $0x3;
	s23 =	simm.s32 $0x2  }
0x10: {  	s5 =	simm.s32 $0xD;
	s8 =	sadd.s32 $0x21400, s8;
	[dreg:$0x8] =	wrdreg s11  }
0x11: {  	s3 =	sadd.s32 s3, s1;
	s0 =	smax.u32 s0, $0x1;
	[dreg:$0x3] =	wrdreg s8  }
0x12: {  	s1 =	sadd.s32 s6, s1;
	s6 =	simm.s32 $0x0;
	[dreg:$0x7] =	wrdreg s0  }
0x13: {  	s25 =	sadd.s32 $0xB7A00, s3;
	s3 =	sadd.s32 $0x3400, s3;
	[dreg:$0xa] =	wrdreg s6  }
0x14: {  	s1 =	sadd.s32 $0x35400, s1;
	s0 =	simm.s32 $0xA;
	[dreg:$0x5] =	wrdreg s25  }
0x15: {  	s8 =	simm.s32 $0xF;
	[dreg:$0x6] =	wrdreg s3;
	s26 =	sadd.s32 s7, s1  }
0x16: {  	s25 =	simm.s32 $0x3;
	s1 =	simm.s32 $0x9;
	s3 =	simm.s32 $0xC  }
0x17: {  	s7 =	simm.s32 $0xE;
	[dreg:$0x9] =	wrdreg s26;
	s26 =	simm.s32 $0x4  }
.LBB2_1:
0x18: {  	s6 =	rddreg [dreg:$0x3]  }
0x19: {  	[spmem:s11], [sflag:s10] =	dma.local [hbm:s6], $0x1400  }
0x1a: {  	_ =	swait.ge [sflag:s24], $0x1400  }
0x1b: {  	[sflag:s24] =	ssyncset.done $0x0  }
0x1c: {  	s6 =	simm.s32 $0x0;
	s11 =	rddreg [dreg:$0x5];
	[sflag:s24] =	ssyncadd.s32 $0xFFFFEC00  }
0x1d: {  	[tilespmem:s6], [sflag:$0x11] =	stream.linear.gather [hbm4b:s11+s6], $0x2800, $0x38;
	[tilespmem:$0x1F000] =	vst v63  }
0x1e: {  	_ =	swait.ge [sflag:s24], $0x2800  }
0x1f: {  	[sflag:s24] =	ssyncset.done $0x0  }
0x20: {  	s11 =	simm.s32 $0x2800;
	s10 =	rddreg [dreg:$0x6];
	[sflag:s24] =	ssyncadd.s32 $0xFFFFD800  }
0x21: {  	[tilespmem:s11], [sflag:$0x11] =	stream.linear.gather [hbm4b:s10+s6], $0x2800, $0x38;
	[tilespmem:$0x1F000] =	vst v63  }
0x22: {  	_ =	swait.ge [sflag:s24], $0x2800  }
0x23: {  	[sflag:s24] =	ssyncset.done $0x0  }
0x24: {  	[sflag:s24] =	ssyncadd.s32 $0xFFFFD800  }
0x25: {  	s24 =	simm.s32 $0x0;
	[bflag:$0x0] =	sbarrier.arrive $0xFFFF  }
0x26: {  	[tilespmem:s14], [sflag:$0x1] =	stream.indirect.gather [hbm4b:s4+s13], $0x40, s24, s13, $0xb8;
	[tilespmem:$0x1F000] =	vst v63  }
0x27: {  	s10 =	simm.s32 $0x80  }
0x28: {  	[tilespmem:s15], [sflag:$0x2] =	stream.indirect.gather [hbm4b:s4+s13], $0x40, s10, s13, $0xb8;
	[tilespmem:$0x1F000] =	vst v63  }
0x29: {  	s11 =	simm.s32 $0x100  }
0x2a: {  	[tilespmem:s16], [sflag:$0x3] =	stream.indirect.gather [hbm4b:s4+s13], $0x40, s11, s13, $0xb8;
	[tilespmem:$0x1F000] =	vst v63  }
0x2b: {  	s24 =	simm.s32 $0x180  }
0x2c: {  	[tilespmem:s17], [sflag:$0x4] =	stream.indirect.gather [hbm4b:s4+s13], $0x40, s24, s13, $0xb8;
	[tilespmem:$0x1F000] =	vst v63  }
0x2d: {  	s10 =	simm.s32 $0x200  }
0x2e: {  	[tilespmem:s18], [sflag:$0x5] =	stream.indirect.gather [hbm4b:s4+s13], $0x40, s10, s13, $0xb8;
	[tilespmem:$0x1F000] =	vst v63  }
0x2f: {  	s11 =	simm.s32 $0x280  }
0x30: {  	[tilespmem:s19], [sflag:$0x6] =	stream.indirect.gather [hbm4b:s4+s13], $0x40, s11, s13, $0xb8;
	[tilespmem:$0x1F000] =	vst v63  }
0x31: {  	s24 =	simm.s32 $0x300  }
0x32: {  	[tilespmem:s20], [sflag:$0x7] =	stream.indirect.gather [hbm4b:s4+s13], $0x40, s24, s13, $0xb8;
	[tilespmem:$0x1F000] =	vst v63  }
0x33: {  	s10 =	simm.s32 $0x380  }
0x34: {  	[tilespmem:s21], [sflag:$0x8] =	stream.indirect.gather [hbm4b:s4+s13], $0x40, s10, s13, $0xb8;
	[tilespmem:$0x1F000] =	vst v63  }
0x35: {  	_ =	swait.ge [sflag:s22], $0x2000  }
0x36: {  	[sflag:s22] =	ssyncset.done $0x0  }
0x37: {  	s11 =	simm.s32 $0x2800;
	[sflag:s22] =	ssyncadd.s32 $0xFFFFE000  }
0x38: {  	[spmem:s2] =	stream.indirect.scatter.add.f32 [tilespmem:s14], [sflag:$0x9], $0x40, s11, s13, $0xb8;
	[tilespmem:$0x1F000] =	vst v63  }
0x39: {  	_ =	swait.ge [sflag:s23], $0x2000  }
0x3a: {  	[sflag:s23] =	ssyncset.done $0x0  }
0x3b: {  	s24 =	simm.s32 $0x2880;
	[sflag:s23] =	ssyncadd.s32 $0xFFFFE000  }
0x3c: {  	[spmem:s2] =	stream.indirect.scatter.add.f32 [tilespmem:s15], [sflag:$0xA], $0x40, s24, s13, $0xb8;
	[tilespmem:$0x1F000] =	vst v63  }
0x3d: {  	_ =	swait.ge [sflag:s25], $0x2000  }
0x3e: {  	[sflag:s25] =	ssyncset.done $0x0  }
0x3f: {  	s10 =	simm.s32 $0x2900;
	[sflag:s25] =	ssyncadd.s32 $0xFFFFE000  }
0x40: {  	[spmem:s2] =	stream.indirect.scatter.add.f32 [tilespmem:s16], [sflag:$0xB], $0x40, s10, s13, $0xb8;
	[tilespmem:$0x1F000] =	vst v63  }
0x41: {  	_ =	swait.ge [sflag:s26], $0x2000  }
0x42: {  	[sflag:s26] =	ssyncset.done $0x0  }
0x43: {  	s11 =	simm.s32 $0x2980;
	[sflag:s26] =	ssyncadd.s32 $0xFFFFE000  }
0x44: {  	[spmem:s2] =	stream.indirect.scatter.add.f32 [tilespmem:s17], [sflag:$0xC], $0x40, s11, s13, $0xb8;
	[tilespmem:$0x1F000] =	vst v63  }
0x45: {  	_ =	swait.ge [sflag:s28], $0x2000  }
0x46: {  	[sflag:s28] =	ssyncset.done $0x0  }
0x47: {  	s24 =	simm.s32 $0x2A00;
	[sflag:s28] =	ssyncadd.s32 $0xFFFFE000  }
0x48: {  	[spmem:s2] =	stream.indirect.scatter.add.f32 [tilespmem:s18], [sflag:$0xD], $0x40, s24, s13, $0xb8;
	[tilespmem:$0x1F000] =	vst v63  }
0x49: {  	_ =	swait.ge [sflag:s29], $0x2000  }
0x4a: {  	[sflag:s29] =	ssyncset.done $0x0  }
0x4b: {  	s10 =	simm.s32 $0x2A80;
	[sflag:s29] =	ssyncadd.s32 $0xFFFFE000  }
0x4c: {  	[spmem:s2] =	stream.indirect.scatter.add.f32 [tilespmem:s19], [sflag:$0xE], $0x40, s10, s13, $0xb8;
	[tilespmem:$0x1F000] =	vst v63  }
0x4d: {  	_ =	swait.ge [sflag:s30], $0x2000  }
0x4e: {  	[sflag:s30] =	ssyncset.done $0x0  }
0x4f: {  	s11 =	simm.s32 $0x2B00;
	[sflag:s30] =	ssyncadd.s32 $0xFFFFE000  }
0x50: {  	[spmem:s2] =	stream.indirect.scatter.add.f32 [tilespmem:s20], [sflag:$0xF], $0x40, s11, s13, $0xb8;
	[tilespmem:$0x1F000] =	vst v63  }
0x51: {  	_ =	swait.ge [sflag:s31], $0x2000  }
0x52: {  	[sflag:s31] =	ssyncset.done $0x0  }
0x53: {  	s24 =	simm.s32 $0x2B80;
	[sflag:s31] =	ssyncadd.s32 $0xFFFFE000  }
0x54: {  	[spmem:s2] =	stream.indirect.scatter.add.f32 [tilespmem:s21], [sflag:$0x10], $0x40, s24, s13, $0xb8;
	[tilespmem:$0x1F000] =	vst v63  }
0x55: {  	_ =	swait.ge [sflag:s1], $0x2000  }
0x56: {  	[sflag:s1] =	ssyncset.done $0x0  }
0x57: {  	[sflag:s1] =	ssyncadd.s32 $0xFFFFE000  }
0x58: {  	_ =	swait.ge [sflag:s0], $0x2000  }
0x59: {  	[sflag:s0] =	ssyncset.done $0x0  }
0x5a: {  	[sflag:s0] =	ssyncadd.s32 $0xFFFFE000  }
0x5b: {  	_ =	swait.ge [sflag:s12], $0x2000  }
0x5c: {  	[sflag:s12] =	ssyncset.done $0x0  }
0x5d: {  	[sflag:s12] =	ssyncadd.s32 $0xFFFFE000  }
0x5e: {  	_ =	swait.ge [sflag:s3], $0x2000  }
0x5f: {  	[sflag:s3] =	ssyncset.done $0x0  }
0x60: {  	[sflag:s3] =	ssyncadd.s32 $0xFFFFE000  }
0x61: {  	_ =	swait.ge [sflag:s5], $0x2000  }
0x62: {  	[sflag:s5] =	ssyncset.done $0x0  }
0x63: {  	[sflag:s5] =	ssyncadd.s32 $0xFFFFE000  }
0x64: {  	_ =	swait.ge [sflag:s7], $0x2000  }
0x65: {  	[sflag:s7] =	ssyncset.done $0x0  }
0x66: {  	[sflag:s7] =	ssyncadd.s32 $0xFFFFE000  }
0x67: {  	_ =	swait.ge [sflag:s8], $0x2000  }
0x68: {  	[sflag:s8] =	ssyncset.done $0x0  }
0x69: {  	[sflag:s8] =	ssyncadd.s32 $0xFFFFE000  }
0x6a: {  	_ =	swait.ge [sflag:s9], $0x2000  }
0x6b: {  	s6 =	simm.s32 $0x1000;
	s10 =	simm.s32 $0x2000;
	[sflag:s9] =	ssyncset.done $0x0  }
.LBB2_2:
0x6c: {  	s11 =	sshra.s32 s6, $0x2  }
0x6d: {  	[sflag:s9] =	ssyncadd.s32 $0xFFFFE000;
	s6 =	smov.u32 s10;
	s24 =	sadd.s32 $0x1000, s10  }
0x6e: {  	[tilespmem:s14], [sflag:$0x1] =	stream.indirect.gather [hbm4b:s4+s13], $0x40, s11, s13, $0xb8;
	[tilespmem:$0x1F000] =	vst v63  }
0x6f: {  	p0 =	sne.s32 s10, $0x9000;
	s10 =	sadd.s32 $0x80, s11  }
0x70: {  	[tilespmem:s15], [sflag:$0x2] =	stream.indirect.gather [hbm4b:s4+s13], $0x40, s10, s13, $0xb8;
	[tilespmem:$0x1F000] =	vst v63  }
0x71: {  	s10 =	sadd.s32 $0x100, s11  }
0x72: {  	[tilespmem:s16], [sflag:$0x3] =	stream.indirect.gather [hbm4b:s4+s13], $0x40, s10, s13, $0xb8;
	[tilespmem:$0x1F000] =	vst v63  }
0x73: {  	s10 =	sadd.s32 $0x180, s11  }
0x74: {  	[tilespmem:s17], [sflag:$0x4] =	stream.indirect.gather [hbm4b:s4+s13], $0x40, s10, s13, $0xb8;
	[tilespmem:$0x1F000] =	vst v63  }
0x75: {  	s10 =	sadd.s32 $0x200, s11  }
0x76: {  	[tilespmem:s18], [sflag:$0x5] =	stream.indirect.gather [hbm4b:s4+s13], $0x40, s10, s13, $0xb8;
	[tilespmem:$0x1F000] =	vst v63  }
0x77: {  	s10 =	sadd.s32 $0x280, s11  }
0x78: {  	[tilespmem:s19], [sflag:$0x6] =	stream.indirect.gather [hbm4b:s4+s13], $0x40, s10, s13, $0xb8;
	[tilespmem:$0x1F000] =	vst v63  }
0x79: {  	s10 =	sadd.s32 $0x300, s11  }
0x7a: {  	[tilespmem:s20], [sflag:$0x7] =	stream.indirect.gather [hbm4b:s4+s13], $0x40, s10, s13, $0xb8;
	[tilespmem:$0x1F000] =	vst v63  }
0x7b: {  	s10 =	sadd.s32 $0x380, s11  }
0x7c: {  	[tilespmem:s21], [sflag:$0x8] =	stream.indirect.gather [hbm4b:s4+s13], $0x40, s10, s13, $0xb8;
	[tilespmem:$0x1F000] =	vst v63  }
0x7d: {  	_ =	swait.ge [sflag:s22], $0x2000  }
0x7e: {  	[sflag:s22] =	ssyncset.done $0x0  }
0x7f: {  	s10 =	sadd.s32 $0x2800, s11;
	[sflag:s22] =	ssyncadd.s32 $0xFFFFE000  }
0x80: {  	[spmem:s2] =	stream.indirect.scatter.add.f32 [tilespmem:s14], [sflag:$0x9], $0x40, s10, s13, $0xb8;
	[tilespmem:$0x1F000] =	vst v63  }
0x81: {  	_ =	swait.ge [sflag:s23], $0x2000  }
0x82: {  	[sflag:s23] =	ssyncset.done $0x0  }
0x83: {  	s10 =	sadd.s32 $0x2880, s11;
	[sflag:s23] =	ssyncadd.s32 $0xFFFFE000  }
0x84: {  	[spmem:s2] =	stream.indirect.scatter.add.f32 [tilespmem:s15], [sflag:$0xA], $0x40, s10, s13, $0xb8;
	[tilespmem:$0x1F000] =	vst v63  }
0x85: {  	_ =	swait.ge [sflag:s25], $0x2000  }
0x86: {  	[sflag:s25] =	ssyncset.done $0x0  }
0x87: {  	s10 =	sadd.s32 $0x2900, s11;
	[sflag:s25] =	ssyncadd.s32 $0xFFFFE000  }
0x88: {  	[spmem:s2] =	stream.indirect.scatter.add.f32 [tilespmem:s16], [sflag:$0xB], $0x40, s10, s13, $0xb8;
	[tilespmem:$0x1F000] =	vst v63  }
0x89: {  	_ =	swait.ge [sflag:s26], $0x2000  }
0x8a: {  	[sflag:s26] =	ssyncset.done $0x0  }
0x8b: {  	s10 =	sadd.s32 $0x2980, s11;
	[sflag:s26] =	ssyncadd.s32 $0xFFFFE000  }
0x8c: {  	[spmem:s2] =	stream.indirect.scatter.add.f32 [tilespmem:s17], [sflag:$0xC], $0x40, s10, s13, $0xb8;
	[tilespmem:$0x1F000] =	vst v63  }
0x8d: {  	_ =	swait.ge [sflag:s28], $0x2000  }
0x8e: {  	[sflag:s28] =	ssyncset.done $0x0  }
0x8f: {  	s10 =	sadd.s32 $0x2A00, s11;
	[sflag:s28] =	ssyncadd.s32 $0xFFFFE000  }
0x90: {  	[spmem:s2] =	stream.indirect.scatter.add.f32 [tilespmem:s18], [sflag:$0xD], $0x40, s10, s13, $0xb8;
	[tilespmem:$0x1F000] =	vst v63  }
0x91: {  	_ =	swait.ge [sflag:s29], $0x2000  }
0x92: {  	[sflag:s29] =	ssyncset.done $0x0  }
0x93: {  	s10 =	sadd.s32 $0x2A80, s11;
	[sflag:s29] =	ssyncadd.s32 $0xFFFFE000  }
0x94: {  	[spmem:s2] =	stream.indirect.scatter.add.f32 [tilespmem:s19], [sflag:$0xE], $0x40, s10, s13, $0xb8;
	[tilespmem:$0x1F000] =	vst v63  }
0x95: {  	_ =	swait.ge [sflag:s30], $0x2000  }
0x96: {  	[sflag:s30] =	ssyncset.done $0x0  }
0x97: {  	s10 =	sadd.s32 $0x2B00, s11;
	[sflag:s30] =	ssyncadd.s32 $0xFFFFE000  }
0x98: {  	[spmem:s2] =	stream.indirect.scatter.add.f32 [tilespmem:s20], [sflag:$0xF], $0x40, s10, s13, $0xb8;
	[tilespmem:$0x1F000] =	vst v63  }
0x99: {  	_ =	swait.ge [sflag:s31], $0x2000  }
0x9a: {  	[sflag:s31] =	ssyncset.done $0x0  }
0x9b: {  	s10 =	sadd.s32 $0x2B80, s11;
	[sflag:s31] =	ssyncadd.s32 $0xFFFFE000  }
0x9c: {  	[spmem:s2] =	stream.indirect.scatter.add.f32 [tilespmem:s21], [sflag:$0x10], $0x40, s10, s13, $0xb8;
	[tilespmem:$0x1F000] =	vst v63  }
0x9d: {  	_ =	swait.ge [sflag:s1], $0x2000  }
0x9e: {  	[sflag:s1] =	ssyncset.done $0x0  }
0x9f: {  	[sflag:s1] =	ssyncadd.s32 $0xFFFFE000  }
0xa0: {  	_ =	swait.ge [sflag:s0], $0x2000  }
0xa1: {  	[sflag:s0] =	ssyncset.done $0x0  }
0xa2: {  	[sflag:s0] =	ssyncadd.s32 $0xFFFFE000  }
0xa3: {  	_ =	swait.ge [sflag:s12], $0x2000  }
0xa4: {  	[sflag:s12] =	ssyncset.done $0x0  }
0xa5: {  	[sflag:s12] =	ssyncadd.s32 $0xFFFFE000  }
0xa6: {  	_ =	swait.ge [sflag:s3], $0x2000  }
0xa7: {  	[sflag:s3] =	ssyncset.done $0x0  }
0xa8: {  	[sflag:s3] =	ssyncadd.s32 $0xFFFFE000  }
0xa9: {  	_ =	swait.ge [sflag:s5], $0x2000  }
0xaa: {  	[sflag:s5] =	ssyncset.done $0x0  }
0xab: {  	[sflag:s5] =	ssyncadd.s32 $0xFFFFE000  }
0xac: {  	_ =	swait.ge [sflag:s7], $0x2000  }
0xad: {  	[sflag:s7] =	ssyncset.done $0x0  }
0xae: {  	[sflag:s7] =	ssyncadd.s32 $0xFFFFE000  }
.Ltmp0:
0xaf: {  	_ =	swait.ge [sflag:s8], $0x2000;
	(pc) =	sbr.rel @p0 .LBB2_2-.Ltmp0, $4  }
0xb0: {  	[sflag:s8] =	ssyncset.done $0x0  }
0xb1: {  	[sflag:s8] =	ssyncadd.s32 $0xFFFFE000  }
0xb2: {  	_ =	swait.ge [sflag:s9], $0x2000  }
0xb3: {  	s10 =	smov.u32 s24;
	[sflag:s9] =	ssyncset.done $0x0  }
0xb4: {  	s6 =	sshra.s32 s6, $0x2;
	[sflag:s9] =	ssyncadd.s32 $0xFFFFE000  }
0xb5: {  	[tilespmem:s14], [sflag:$0x1] =	stream.indirect.gather [hbm4b:s4+s13], $0x40, s6, s13, $0xb8;
	[tilespmem:$0x1F000] =	vst v63  }
0xb6: {  	s10 =	sadd.s32 $0x80, s6  }
0xb7: {  	[tilespmem:s15], [sflag:$0x2] =	stream.indirect.gather [hbm4b:s4+s13], $0x40, s10, s13, $0xb8;
	[tilespmem:$0x1F000] =	vst v63  }
0xb8: {  	s24 =	sadd.s32 $0x100, s6  }
0xb9: {  	[tilespmem:s16], [sflag:$0x3] =	stream.indirect.gather [hbm4b:s4+s13], $0x40, s24, s13, $0xb8;
	[tilespmem:$0x1F000] =	vst v63  }
0xba: {  	s11 =	sadd.s32 $0x180, s6  }
0xbb: {  	[tilespmem:s17], [sflag:$0x4] =	stream.indirect.gather [hbm4b:s4+s13], $0x40, s11, s13, $0xb8;
	[tilespmem:$0x1F000] =	vst v63  }
0xbc: {  	s24 =	sadd.s32 $0x200, s6  }
0xbd: {  	[tilespmem:s18], [sflag:$0x5] =	stream.indirect.gather [hbm4b:s4+s13], $0x40, s24, s13, $0xb8;
	[tilespmem:$0x1F000] =	vst v63  }
0xbe: {  	s11 =	sadd.s32 $0x280, s6  }
0xbf: {  	[tilespmem:s19], [sflag:$0x6] =	stream.indirect.gather [hbm4b:s4+s13], $0x40, s11, s13, $0xb8;
	[tilespmem:$0x1F000] =	vst v63  }
0xc0: {  	s24 =	sadd.s32 $0x300, s6  }
0xc1: {  	[tilespmem:s20], [sflag:$0x7] =	stream.indirect.gather [hbm4b:s4+s13], $0x40, s24, s13, $0xb8;
	[tilespmem:$0x1F000] =	vst v63  }
0xc2: {  	s11 =	sadd.s32 $0x380, s6  }
0xc3: {  	[tilespmem:s21], [sflag:$0x8] =	stream.indirect.gather [hbm4b:s4+s13], $0x40, s11, s13, $0xb8;
	[tilespmem:$0x1F000] =	vst v63  }
0xc4: {  	_ =	swait.ge [sflag:s22], $0x2000  }
0xc5: {  	[sflag:s22] =	ssyncset.done $0x0  }
0xc6: {  	s24 =	sadd.s32 $0x2800, s6;
	[sflag:s22] =	ssyncadd.s32 $0xFFFFE000  }
0xc7: {  	[spmem:s2] =	stream.indirect.scatter.add.f32 [tilespmem:s14], [sflag:$0x9], $0x40, s24, s13, $0xb8;
	[tilespmem:$0x1F000] =	vst v63  }
0xc8: {  	_ =	swait.ge [sflag:s23], $0x2000  }
0xc9: {  	[sflag:s23] =	ssyncset.done $0x0  }
0xca: {  	s11 =	sadd.s32 $0x2880, s6;
	[sflag:s23] =	ssyncadd.s32 $0xFFFFE000  }
0xcb: {  	[spmem:s2] =	stream.indirect.scatter.add.f32 [tilespmem:s15], [sflag:$0xA], $0x40, s11, s13, $0xb8;
	[tilespmem:$0x1F000] =	vst v63  }
0xcc: {  	_ =	swait.ge [sflag:s25], $0x2000  }
0xcd: {  	[sflag:s25] =	ssyncset.done $0x0  }
0xce: {  	s24 =	sadd.s32 $0x2900, s6;
	[sflag:s25] =	ssyncadd.s32 $0xFFFFE000  }
0xcf: {  	[spmem:s2] =	stream.indirect.scatter.add.f32 [tilespmem:s16], [sflag:$0xB], $0x40, s24, s13, $0xb8;
	[tilespmem:$0x1F000] =	vst v63  }
0xd0: {  	_ =	swait.ge [sflag:s26], $0x2000  }
0xd1: {  	[sflag:s26] =	ssyncset.done $0x0  }
0xd2: {  	s11 =	sadd.s32 $0x2980, s6;
	[sflag:s26] =	ssyncadd.s32 $0xFFFFE000  }
0xd3: {  	[spmem:s2] =	stream.indirect.scatter.add.f32 [tilespmem:s17], [sflag:$0xC], $0x40, s11, s13, $0xb8;
	[tilespmem:$0x1F000] =	vst v63  }
0xd4: {  	_ =	swait.ge [sflag:s28], $0x2000  }
0xd5: {  	[sflag:s28] =	ssyncset.done $0x0  }
0xd6: {  	s24 =	sadd.s32 $0x2A00, s6;
	[sflag:s28] =	ssyncadd.s32 $0xFFFFE000  }
0xd7: {  	[spmem:s2] =	stream.indirect.scatter.add.f32 [tilespmem:s18], [sflag:$0xD], $0x40, s24, s13, $0xb8;
	[tilespmem:$0x1F000] =	vst v63  }
0xd8: {  	_ =	swait.ge [sflag:s29], $0x2000  }
0xd9: {  	[sflag:s29] =	ssyncset.done $0x0  }
0xda: {  	s11 =	sadd.s32 $0x2A80, s6;
	[sflag:s29] =	ssyncadd.s32 $0xFFFFE000  }
0xdb: {  	[spmem:s2] =	stream.indirect.scatter.add.f32 [tilespmem:s19], [sflag:$0xE], $0x40, s11, s13, $0xb8;
	[tilespmem:$0x1F000] =	vst v63  }
0xdc: {  	_ =	swait.ge [sflag:s30], $0x2000  }
0xdd: {  	[sflag:s30] =	ssyncset.done $0x0  }
0xde: {  	s24 =	sadd.s32 $0x2B00, s6;
	[sflag:s30] =	ssyncadd.s32 $0xFFFFE000  }
0xdf: {  	[spmem:s2] =	stream.indirect.scatter.add.f32 [tilespmem:s20], [sflag:$0xF], $0x40, s24, s13, $0xb8;
	[tilespmem:$0x1F000] =	vst v63  }
0xe0: {  	_ =	swait.ge [sflag:s31], $0x2000  }
0xe1: {  	[sflag:s31] =	ssyncset.done $0x0  }
0xe2: {  	s6 =	sadd.s32 $0x2B80, s6;
	[sflag:s31] =	ssyncadd.s32 $0xFFFFE000  }
0xe3: {  	[spmem:s2] =	stream.indirect.scatter.add.f32 [tilespmem:s21], [sflag:$0x10], $0x40, s6, s13, $0xb8;
	[tilespmem:$0x1F000] =	vst v63  }
0xe4: {  	_ =	swait.ge [sflag:s1], $0x2000  }
0xe5: {  	[sflag:s1] =	ssyncset.done $0x0  }
0xe6: {  	[sflag:s1] =	ssyncadd.s32 $0xFFFFE000  }
0xe7: {  	_ =	swait.ge [sflag:s0], $0x2000  }
0xe8: {  	[sflag:s0] =	ssyncset.done $0x0  }
0xe9: {  	[sflag:s0] =	ssyncadd.s32 $0xFFFFE000  }
0xea: {  	_ =	swait.ge [sflag:s12], $0x2000  }
0xeb: {  	[sflag:s12] =	ssyncset.done $0x0  }
0xec: {  	[sflag:s12] =	ssyncadd.s32 $0xFFFFE000  }
0xed: {  	_ =	swait.ge [sflag:s3], $0x2000  }
0xee: {  	[sflag:s3] =	ssyncset.done $0x0  }
0xef: {  	[sflag:s3] =	ssyncadd.s32 $0xFFFFE000  }
0xf0: {  	_ =	swait.ge [sflag:s5], $0x2000  }
0xf1: {  	[sflag:s5] =	ssyncset.done $0x0  }
0xf2: {  	[sflag:s5] =	ssyncadd.s32 $0xFFFFE000  }
0xf3: {  	_ =	swait.ge [sflag:s7], $0x2000  }
0xf4: {  	[sflag:s7] =	ssyncset.done $0x0  }
0xf5: {  	[sflag:s7] =	ssyncadd.s32 $0xFFFFE000  }
0xf6: {  	_ =	swait.ge [sflag:s8], $0x2000  }
0xf7: {  	[sflag:s8] =	ssyncset.done $0x0  }
0xf8: {  	[sflag:s8] =	ssyncadd.s32 $0xFFFFE000  }
0xf9: {  	_ =	swait.ge [sflag:s9], $0x2000  }
0xfa: {  	[sflag:s9] =	ssyncset.done $0x0  }
0xfb: {  	[sflag:s9] =	ssyncadd.s32 $0xFFFFE000  }
0xfc: {  	[bflag:$0x0] =	sbarrier.arrive $0xFFFF  }
0xfd: {  	s11 =	rddreg [dreg:$0x4]  }
0xfe: {  	s6 =	rddreg [dreg:$0x8]  }
0xff: {  	s24 =	rddreg [dreg:$0x9]  }
0x100: {  	[hbm:s24], [sflag:s11] =	dma.local [spmem:s6], $0x1400  }
0x101: {  	s24 =	simm.s32 $0x11  }
0x102: {  	_ =	swait.ge [sflag:s24], $0x1400  }
0x103: {  	s6 =	rddreg [dreg:$0xa]  }
0x104: {  	s10 =	sadd.s32 $0x1, s6;
	s6 =	rddreg [dreg:$0x7]  }
0x105: {  	p0 =	sne.s32 s10, s6  }
.Ltmp1:
0x106: {  	_ = 	snop;
	(pc) =	sbr.rel @p0 .LBB2_1-.Ltmp1, $3  }
0x107: {  	_ =	sdelay $0x1  }
0x108: {  	[sflag:s24] =	ssyncset.done $0x0;
	[dreg:$0xa] =	wrdreg s10  }
0x109: {  	[sflag:s24] =	ssyncadd.s32 $0xFFFFEC00;
	s10 =	smov.u32 s11;
	s11 =	rddreg [dreg:$0x8]  }
0x10a: {  	_ =	sfence.sel $0x180000  }
0x10b: {  	[bflag:$0x0] =	sbarrier.arrive $0xFFFF  }
0x10c: {  	_ =	strace $0x90000053  }
0x10d: {  	s0 =	stileid.u32;
	[bflag:$0x2] =	sbarrier.arrive $0xFFFF  }
0x10e: {  	p0 =	sne.s32 s0, $0x0;
	s0 =	rddreg [dreg:$0x2]  }
0x10f: {  	s0 =	sadd.s32 @!p0 $0x100000, s0  }
0x110: {  	[sflag:s0] =	ssyncadd.tile.s32 @!p0 $0x1;
	_ =	shalt  }
.Lfunc_end2:
_tile_overlayer_lowered:
.L_overlay_start_2:
0x111: {  	(tag) =	ssettag $0x2  }
0x112: {  	s0 =	rddreg [dreg:$0x0];
	s2 =	stileid.u32  }
0x113: {  	s1 =	rddreg [dreg:$0x1];
	p0 =	sne.s32 s2, $0x0  }
0x114: {  	s3 =	rddreg [dreg:$0x2];
	[bflag:$0x3] =	sbarrier.arrive $0xFFFF;
	s2 =	simm.s32 @!p0 $0x1C11  }
0x115: {  	[timem:s3], [sflag:s2] =	dma.local @!p0 [hbm:s0], s1  }
0x116: {  	s0 =	simm.s32 @!p0 $0x11  }
0x117: {  	_ =	swait.ge @!p0 [sflag:s0], s1  }
0x118: {  	s1 =	ssub.s32 @!p0 $0x0, s1;
	[sflag:s0] =	ssyncset.done @!p0 $0x0  }
0x119: {  	[sflag:s0] =	ssyncadd.s32 @!p0 s1  }
0x11a: {  	[bflag:$0x3] =	sbarrier.arrive $0xFFFF  }
0x11b: {  	_ =	shalt  }

</sc_bundles>
